<compile_context>
chip_gen: v7x
topology: tpu7x:2x2x1
jax: 0.10.2.dev20260603
libtpu: 0.0.44.dev20260713+nightly
codegen_flags: <defaults>
</compile_context>

<pallas_src>
import jax
from jax import lax
import jax.numpy as jnp
from jax.experimental import pallas as pl
from jax.experimental.pallas import tpu as pltpu
from jax.experimental.pallas import tpu_sc as plsc

N = 8192
M = 2048
D = 128
R = 512
NB = N // R

NC = 2
NS = 16
NW = NC * NS
CHUNK = N // NW
ZR = M // NS

_NEG = float("-inf")


def _pass1(qt_ref, keys_ref,
           ssm_ref, cm_ref, qn_ref, t1v_ref, t1i_ref,
           qsq_ref, sq_ref, colmax_ref, colsum_ref, k2_ref, sk_ref,
           cmax_s, csum_s):
    i = pl.program_id(0)

    @pl.when(i == 0)
    def _init():
        cmax_s[...] = jnp.full((1, M), _NEG, jnp.float32)
        csum_s[...] = jnp.zeros((1, M), jnp.float32)

    qt = qt_ref[...]
    nrm = jnp.sqrt(jnp.sum(qt * qt, axis=1, keepdims=True))
    qn = qt * (1.0 / jnp.maximum(nrm, 1e-12))
    qn_ref[...] = qn

    keys = keys_ref[...]
    score = jax.lax.dot_general(qn, keys, (((1,), (1,)), ((), ())))

    rowmax = jnp.max(score, axis=1, keepdims=True)
    p = jnp.exp(score - rowmax)
    rowsum = jnp.sum(p, axis=1, keepdims=True)
    ssm = p * (1.0 / rowsum)
    ssm_ref[...] = ssm
    cm_ref[...] = jax.lax.dot_general(ssm, keys, (((1,), (0,)), ((), ())))

    idx1 = jnp.argmax(score, axis=1).astype(jnp.int32)
    t1v_ref[0, 0, :] = rowmax[:, 0]
    t1i_ref[0, 0, :] = idx1

    qsq_ref[0, 0, :] = jnp.sum(qn * qn, axis=1)
    sq_ref[0, 0, :] = jnp.sum(qn, axis=1)

    @pl.when(i == 0)
    def _keystats():
        k2_ref[...] = jnp.sum(keys * keys, axis=1)[None, :]
        sk_ref[...] = jnp.sum(keys, axis=1)[None, :]

    cmax_s[...] = jnp.maximum(cmax_s[...],
                              jnp.max(score, axis=0, keepdims=True))
    er = jnp.exp(rowmax)
    csum_s[...] += jnp.sum(p * er, axis=0, keepdims=True)

    @pl.when(i == NB - 1)
    def _fin():
        colmax_ref[...] = cmax_s[...]
        colsum_ref[...] = csum_s[...] * jnp.exp(-cmax_s[...])


def _pass2(qn_ref, keys_ref, colmax_ref, colsum_ref, t1i_ref,
           qsq_ref, sq_ref, k2_ref, sk_ref,
           ssq_ref, dn2_ref):
    qn = qn_ref[...]
    keys = keys_ref[...]
    score = jax.lax.dot_general(qn, keys, (((1,), (1,)), ((), ())))
    e = jnp.exp(score - colmax_ref[...])
    ssq_ref[...] = e * (1.0 / colsum_ref[...])

    idx1 = t1i_ref[0, 0, :]
    iota = jax.lax.broadcasted_iota(jnp.int32, (R, M), 1)
    masked = jnp.where(iota == idx1[:, None], _NEG, score)
    t2v = jnp.max(masked, axis=1, keepdims=True)
    mask2 = masked == t2v
    k2n = jnp.sum(jnp.where(mask2, k2_ref[...], 0.0), axis=1)
    skn = jnp.sum(jnp.where(mask2, sk_ref[...], 0.0), axis=1)
    nsec = jnp.sum(jnp.where(mask2, 1.0, 0.0), axis=1)
    k2n = k2n / nsec
    skn = skn / nsec

    eps = 1e-6
    qsq = qsq_ref[0, 0, :]
    sq = sq_ref[0, 0, :]
    dn2_ref[0, 0, :] = (qsq + k2n - 2.0 * t2v[:, 0]
                        + (2.0 * eps) * (sq - skn) + float(D) * eps * eps)


def _sc_scatter(qn_hbm, g_hbm, t1v_hbm, cmax_hbm,
                qsq_hbm, sq_hbm, k2_hbm, sk_hbm,
                out_hbm, dp2_hbm, cv_hbm,
                qn_v, g_v, t1v_v, cm_v, w_v, s_v, shared, sem,
                qsq_v, sq_v, k2g_v, skg_v, dp2_v, cv_v):
    c = lax.axis_index("c")
    s = lax.axis_index("s")
    wid = s * NC + c
    base = wid * CHUNK

    pltpu.sync_copy(qn_hbm.at[pl.ds(base, CHUNK)], qn_v)
    pltpu.sync_copy(g_hbm.at[pl.ds(wid * 2, 2)], g_v)
    pltpu.sync_copy(t1v_hbm.at[pl.ds(base, CHUNK)], t1v_v)
    pltpu.sync_copy(qsq_hbm.at[pl.ds(base, CHUNK)], qsq_v)
    pltpu.sync_copy(sq_hbm.at[pl.ds(base, CHUNK)], sq_v)
    for j in range(2):
        pltpu.async_copy(cmax_hbm.at[g_v.at[j]], cm_v.at[j], sem).wait()
        pltpu.async_copy(k2_hbm.at[g_v.at[j]], k2g_v.at[j], sem).wait()
        pltpu.async_copy(sk_hbm.at[g_v.at[j]], skg_v.at[j], sem).wait()

    eps = 1e-6
    deps = float(D) * eps * eps
    for t in range(CHUNK // 16):
        j, off = divmod(t * 16, 128)
        ds16 = pl.ds(t * 16, 16)
        bv = qsq_v[ds16] + k2g_v[j, pl.ds(off, 16)] - 2.0 * t1v_v[ds16]
        cv_v[ds16] = bv
        dp2_v[ds16] = (bv + (2.0 * eps) * (sq_v[ds16] - skg_v[j, pl.ds(off, 16)])
                       + deps)
    pltpu.sync_copy(cv_v, cv_hbm.at[pl.ds(base, CHUNK)])
    pltpu.sync_copy(dp2_v, dp2_hbm.at[pl.ds(base, CHUNK)])

    def _zbody(j, carry):
        for t in range(D // 16):
            s_v[j, pl.ds(t * 16, 16)] = jnp.zeros((16,), jnp.float32)
        return carry

    lax.fori_loop(0, ZR, _zbody, 0)
    pltpu.sync_copy(s_v.at[pl.ds(0, ZR)], shared.at[pl.ds(s * ZR, ZR)])

    for t in range(CHUNK // 16):
        j, off = divmod(t * 16, 128)
        w_v[j, pl.ds(off, 16)] = jnp.exp(t1v_v[pl.ds(t * 16, 16)]
                                         - cm_v[j, pl.ds(off, 16)])

    def _sbody(rg, carry):
        w16 = w_v[rg >> 3, pl.ds((rg & 7) * 16, 16)]
        for rr in range(16):
            r = rg * 16 + rr
            wsp = jnp.zeros((16,), jnp.float32) + w16[rr]
            for t in range(D // 16):
                s_v[r, pl.ds(t * 16, 16)] = qn_v[r, pl.ds(t * 16, 16)] * wsp
        return carry

    lax.fori_loop(0, CHUNK // 16, _sbody, 0)

    plsc.subcore_barrier()
    for j in range(2):
        pltpu.sync_copy(s_v.at[pl.ds(j * 128, 128)],
                        shared.at[g_v.at[j]], add=True)
    plsc.subcore_barrier()
    pltpu.sync_copy(shared.at[pl.ds(s * ZR, ZR)],
                    out_hbm.at[c, pl.ds(s * ZR, ZR)])


def _pass3(parts_ref, keys_ref, dp2_ref, dn2_ref, cv_ref, um_ref, sc_ref):
    upd = parts_ref[0] + parts_ref[1] + keys_ref[...]
    nrm = jnp.sqrt(jnp.sum(upd * upd, axis=1, keepdims=True))
    um_ref[...] = upd / jnp.maximum(nrm, 1e-12)

    dp = jnp.sqrt(jnp.maximum(dp2_ref[...], 0.0))
    dn = jnp.sqrt(jnp.maximum(dn2_ref[...], 0.0))
    sep = jnp.sum(jnp.maximum(dp - dn + 1.0, 0.0)) / N
    comp = jnp.sum(cv_ref[...]) / (N * D)
    lane = jax.lax.broadcasted_iota(jnp.int32, (1, 128), 1)
    sc_ref[...] = (jnp.where(lane == 0, sep, 0.0)
                   + jnp.where(lane == 1, comp, 0.0))


@jax.jit
def kernel(query, keys):
    bs, d, h, w = query.shape
    qt = jnp.transpose(query, (0, 2, 3, 1)).reshape(N, D)

    f32 = jnp.float32
    (ssm, cm, qn, t1v, t1i, qsq, sq,
     colmax, colsum, k2, sk) = pl.pallas_call(
        _pass1,
        grid=(NB,),
        in_specs=[
            pl.BlockSpec((R, D), lambda i: (i, 0)),
            pl.BlockSpec((M, D), lambda i: (0, 0)),
        ],
        out_specs=[
            pl.BlockSpec((R, M), lambda i: (i, 0)),
            pl.BlockSpec((R, D), lambda i: (i, 0)),
            pl.BlockSpec((R, D), lambda i: (i, 0)),
            pl.BlockSpec((1, 1, R), lambda i: (i, 0, 0)),
            pl.BlockSpec((1, 1, R), lambda i: (i, 0, 0)),
            pl.BlockSpec((1, 1, R), lambda i: (i, 0, 0)),
            pl.BlockSpec((1, 1, R), lambda i: (i, 0, 0)),
            pl.BlockSpec((1, M), lambda i: (0, 0)),
            pl.BlockSpec((1, M), lambda i: (0, 0)),
            pl.BlockSpec((1, M), lambda i: (0, 0)),
            pl.BlockSpec((1, M), lambda i: (0, 0)),
        ],
        out_shape=[
            jax.ShapeDtypeStruct((N, M), f32),
            jax.ShapeDtypeStruct((N, D), f32),
            jax.ShapeDtypeStruct((N, D), f32),
            jax.ShapeDtypeStruct((NB, 1, R), f32),
            jax.ShapeDtypeStruct((NB, 1, R), jnp.int32),
            jax.ShapeDtypeStruct((NB, 1, R), f32),
            jax.ShapeDtypeStruct((NB, 1, R), f32),
            jax.ShapeDtypeStruct((1, M), f32),
            jax.ShapeDtypeStruct((1, M), f32),
            jax.ShapeDtypeStruct((1, M), f32),
            jax.ShapeDtypeStruct((1, M), f32),
        ],
        scratch_shapes=[
            pltpu.VMEM((1, M), f32),
            pltpu.VMEM((1, M), f32),
        ],
    )(qt, keys)

    ssq, dn2 = pl.pallas_call(
        _pass2,
        grid=(NB,),
        in_specs=[
            pl.BlockSpec((R, D), lambda i: (i, 0)),
            pl.BlockSpec((M, D), lambda i: (0, 0)),
            pl.BlockSpec((1, M), lambda i: (0, 0)),
            pl.BlockSpec((1, M), lambda i: (0, 0)),
            pl.BlockSpec((1, 1, R), lambda i: (i, 0, 0)),
            pl.BlockSpec((1, 1, R), lambda i: (i, 0, 0)),
            pl.BlockSpec((1, 1, R), lambda i: (i, 0, 0)),
            pl.BlockSpec((1, M), lambda i: (0, 0)),
            pl.BlockSpec((1, M), lambda i: (0, 0)),
        ],
        out_specs=[
            pl.BlockSpec((R, M), lambda i: (i, 0)),
            pl.BlockSpec((1, 1, R), lambda i: (i, 0, 0)),
        ],
        out_shape=[
            jax.ShapeDtypeStruct((N, M), f32),
            jax.ShapeDtypeStruct((NB, 1, R), f32),
        ],
    )(qn, keys, colmax, colsum, t1i, qsq, sq, k2, sk)

    sc_call = pl.kernel(
        _sc_scatter,
        mesh=plsc.VectorSubcoreMesh(core_axis_name="c", subcore_axis_name="s"),
        out_type=[
            jax.ShapeDtypeStruct((NC, M, D), f32),
            jax.ShapeDtypeStruct((N,), f32),
            jax.ShapeDtypeStruct((N,), f32),
        ],
        scratch_types=[
            pltpu.VMEM((CHUNK, D), f32),
            pltpu.VMEM((2, 128), jnp.int32),
            pltpu.VMEM((CHUNK,), f32),
            pltpu.VMEM((2, 128), f32),
            pltpu.VMEM((2, 128), f32),
            pltpu.VMEM((CHUNK, D), f32),
            pltpu.VMEM_SHARED((M, D), f32),
            pltpu.SemaphoreType.DMA,
            pltpu.VMEM((CHUNK,), f32),
            pltpu.VMEM((CHUNK,), f32),
            pltpu.VMEM((2, 128), f32),
            pltpu.VMEM((2, 128), f32),
            pltpu.VMEM((CHUNK,), f32),
            pltpu.VMEM((CHUNK,), f32),
        ],
    )
    parts, dp2, cv = sc_call(
        qn, t1i.reshape(N // 128, 128), t1v.reshape(N), colmax.reshape(M),
        qsq.reshape(N), sq.reshape(N), k2.reshape(M), sk.reshape(M))

    um, sc = pl.pallas_call(
        _pass3,
        out_shape=[
            jax.ShapeDtypeStruct((M, D), f32),
            jax.ShapeDtypeStruct((1, 128), f32),
        ],
    )(parts, keys, dp2.reshape(N // 128, 128), dn2.reshape(N // 128, 128),
      cv.reshape(N // 128, 128))

    qn4 = qn.reshape(bs, h, w, D)
    cm4 = cm.reshape(bs, h, w, D)
    uq = jnp.transpose(jnp.concatenate([qn4, cm4], axis=3), (0, 3, 1, 2))

    return uq, um, ssq, ssm, sc[0, 0], sc[0, 1]

# --- scband reference (transcript-rebuilt; emitter-appended) ---
"""Pipeline reference for scband-memory-34248069218743 (READ-ONLY COPY).

The authoritative reference and input builder live on the scoring server;
editing this copy changes nothing except your own understanding.
"""

import jax, jax.numpy as jnp
import numpy as np


def _l2norm(x, axis):
    n = jnp.sqrt(jnp.sum(x * x, axis=axis, keepdims=True))
    return x / jnp.maximum(n, 1e-12)


def setup_inputs(seed: int = 0) -> dict:
    key = jax.random.key(seed)
    k1, k2 = jax.random.split(key)
    query = jax.random.normal(k1, (8, 128, 32, 32), dtype=jnp.float32)
    keys = jax.random.normal(k2, (2048, 128), dtype=jnp.float32)
    return {"query": query, "keys": keys}


def _get_scores(mem, q4d):
    bs, h, w, d = q4d.shape
    m = mem.shape[0]
    score = jnp.matmul(q4d, mem.T).reshape(bs * h * w, m)
    score_query = jax.nn.softmax(score, axis=0)
    score_memory = jax.nn.softmax(score, axis=1)
    return score_query, score_memory


def reference(query, keys):
    # forward(query, keys, train=True)
    q = _l2norm(query, 1)
    q = jnp.transpose(q, (0, 2, 3, 1))  # (bs, h, w, d)
    bs, h, w, d = q.shape
    m = keys.shape[0]
    n = bs * h * w

    # read
    ssq, ssm = _get_scores(keys, q)
    qr = q.reshape(n, d)
    concat_memory = jnp.matmul(jax.lax.stop_gradient(ssm), keys)
    updated_query = jnp.concatenate([qr, concat_memory], axis=1).reshape(bs, h, w, 2 * d)
    updated_query = jnp.transpose(updated_query, (0, 3, 1, 2))

    # losses
    _, topk_idx = jax.lax.top_k(ssm, 2)
    pos = jax.lax.stop_gradient(jnp.take(keys, topk_idx[:, 0], axis=0))
    neg = jax.lax.stop_gradient(jnp.take(keys, topk_idx[:, 1], axis=0))
    compactness = jnp.mean((qr - pos) ** 2)
    dp = jnp.linalg.norm(qr - pos + 1e-6, axis=1)
    dn = jnp.linalg.norm(qr - neg + 1e-6, axis=1)
    separateness = jnp.mean(jnp.maximum(dp - dn + 1.0, 0.0))

    # update (train=True branch)
    g = jnp.argmax(ssm, axis=1)              # gathering_indices (nearest slot per query)
    col_max = jnp.max(ssq, axis=0)           # max over queries per memory slot
    wgt = ssq[jnp.arange(n), g] / col_max[g]
    query_update = jnp.zeros((m, d), dtype=qr.dtype).at[g].add(wgt[:, None] * qr)
    updated_memory = jax.lax.stop_gradient(_l2norm(query_update + keys, 1))

    return updated_query, updated_memory, ssq, ssm, separateness, compactness

if __name__ == "__main__":
    import jax
    _d = setup_inputs()
    print(jax.jit(kernel)(*tuple(_d.values())))

</pallas_src>

<mosaic_0001>
#map = affine_map<(d0, d1) -> (0, 0)>
#map1 = affine_map<(d0, d1) -> (0)>
#map2 = affine_map<(d0, d1) -> (0, 0, 0)>
module attributes {stable_mosaic.version = 14 : i64} {
  func.func @_sc_scatter(%arg0: i32, %arg1: i32, %arg2: memref<8192x128xf32, #tpu.memory_space<hbm>>, %arg3: memref<64x128xi32, #tpu.memory_space<hbm>>, %arg4: memref<8192xf32, #tpu.memory_space<hbm>>, %arg5: memref<2048xf32, #tpu.memory_space<hbm>>, %arg6: memref<8192xf32, #tpu.memory_space<hbm>>, %arg7: memref<8192xf32, #tpu.memory_space<hbm>>, %arg8: memref<2048xf32, #tpu.memory_space<hbm>>, %arg9: memref<2048xf32, #tpu.memory_space<hbm>>, %arg10: memref<2x2048x128xf32, #tpu.memory_space<hbm>>, %arg11: memref<8192xf32, #tpu.memory_space<hbm>>, %arg12: memref<8192xf32, #tpu.memory_space<hbm>>, %arg13: memref<256x128xf32, #tpu.memory_space<vmem>>, %arg14: memref<2x128xi32, #tpu.memory_space<vmem>>, %arg15: memref<256xf32, #tpu.memory_space<vmem>>, %arg16: memref<2x128xf32, #tpu.memory_space<vmem>>, %arg17: memref<2x128xf32, #tpu.memory_space<vmem>>, %arg18: memref<256x128xf32, #tpu.memory_space<vmem>>, %arg19: memref<2048x128xf32, #tpu.memory_space<vmem_shared>>, %arg20: memref<!tpu.dma_semaphore, #tpu.memory_space<semaphore_mem>>, %arg21: memref<256xf32, #tpu.memory_space<vmem>>, %arg22: memref<256xf32, #tpu.memory_space<vmem>>, %arg23: memref<2x128xf32, #tpu.memory_space<vmem>>, %arg24: memref<2x128xf32, #tpu.memory_space<vmem>>, %arg25: memref<256xf32, #tpu.memory_space<vmem>>, %arg26: memref<256xf32, #tpu.memory_space<vmem>>) attributes {dimension_semantics = [#tpu.dimension_semantics<core_parallel>, #tpu.dimension_semantics<subcore_parallel>], iteration_bounds = array<i64: 2, 16>, scalar_prefetch = 0 : i64, scratch_operands = 14 : i64, tpu.core_type = #tpu.core_type<sc_vector_subcore>, window_params = [{transform_indices = #map}, {transform_indices = #map}, {transform_indices = #map1}, {transform_indices = #map1}, {transform_indices = #map1}, {transform_indices = #map1}, {transform_indices = #map1}, {transform_indices = #map1}, {transform_indices = #map2}, {transform_indices = #map1}, {transform_indices = #map1}]} {
    %mul3A = arith.constant 2 : i32
    %mul3A_0 = arith.muli %arg1, %mul3A : i32
    %add3A = arith.addi %mul3A_0, %arg0 : i32
    %mul3A_1 = arith.constant 256 : i32
    %mul3A_2 = arith.muli %add3A, %mul3A_1 : i32
    "tpu.region"() ({
      %run_scoped3A_1034 = tpu.sem_alloc : memref<!tpu.dma_semaphore, #tpu.memory_space<semaphore_mem>>
      %dma_start3A_1035 = arith.constant 0 : i32
      %dma_start3A_1036 = tpu.memref_slice %arg2[%mul3A_2, %dma_start3A_1035] : memref<8192x128xf32, #tpu.memory_space<hbm>> -> memref<256x128xf32, #tpu.memory_space<hbm>>
      %dma_start3A_1037 = arith.constant 0 : i32
      %dma_start3A_1038 = tpu.memref_slice %arg2[%mul3A_2, %dma_start3A_1037] : memref<8192x128xf32, #tpu.memory_space<hbm>> -> memref<256x128xf32, #tpu.memory_space<hbm>>
      tpu.enqueue_dma source(%dma_start3A_1038 : memref<256x128xf32, #tpu.memory_space<hbm>>) target(%arg13 : memref<256x128xf32, #tpu.memory_space<vmem>>) target_semaphore(%run_scoped3A_1034 : memref<!tpu.dma_semaphore, #tpu.memory_space<semaphore_mem>>)
      %dma_wait3A_1039 = arith.constant 0 : i32
      %dma_wait3A_1040 = tpu.memref_slice %arg2[%mul3A_2, %dma_wait3A_1039] : memref<8192x128xf32, #tpu.memory_space<hbm>> -> memref<256x128xf32, #tpu.memory_space<hbm>>
      %dma_wait3A_1041 = arith.constant 0 : i32
      %dma_wait3A_1042 = tpu.memref_slice %arg2[%mul3A_2, %dma_wait3A_1041] : memref<8192x128xf32, #tpu.memory_space<hbm>> -> memref<256x128xf32, #tpu.memory_space<hbm>>
      tpu.wait_dma2 semaphore(%run_scoped3A_1034 : memref<!tpu.dma_semaphore, #tpu.memory_space<semaphore_mem>>) src(%dma_wait3A_1042 : memref<256x128xf32, #tpu.memory_space<hbm>>) dst(%arg13 : memref<256x128xf32, #tpu.memory_space<vmem>>)
      tpu.yield
    }) : () -> ()
    %mul3A_3 = arith.constant 2 : i32
    %mul3A_4 = arith.muli %add3A, %mul3A_3 : i32
    "tpu.region"() ({
      %run_scoped3A_1034 = tpu.sem_alloc : memref<!tpu.dma_semaphore, #tpu.memory_space<semaphore_mem>>
      %dma_start3A_1035 = arith.constant 0 : i32
      %dma_start3A_1036 = tpu.memref_slice %arg3[%mul3A_4, %dma_start3A_1035] : memref<64x128xi32, #tpu.memory_space<hbm>> -> memref<2x128xi32, #tpu.memory_space<hbm>>
      %dma_start3A_1037 = arith.constant 0 : i32
      %dma_start3A_1038 = tpu.memref_slice %arg3[%mul3A_4, %dma_start3A_1037] : memref<64x128xi32, #tpu.memory_space<hbm>> -> memref<2x128xi32, #tpu.memory_space<hbm>>
      tpu.enqueue_dma source(%dma_start3A_1038 : memref<2x128xi32, #tpu.memory_space<hbm>>) target(%arg14 : memref<2x128xi32, #tpu.memory_space<vmem>>) target_semaphore(%run_scoped3A_1034 : memref<!tpu.dma_semaphore, #tpu.memory_space<semaphore_mem>>)
      %dma_wait3A_1039 = arith.constant 0 : i32
      %dma_wait3A_1040 = tpu.memref_slice %arg3[%mul3A_4, %dma_wait3A_1039] : memref<64x128xi32, #tpu.memory_space<hbm>> -> memref<2x128xi32, #tpu.memory_space<hbm>>
      %dma_wait3A_1041 = arith.constant 0 : i32
      %dma_wait3A_1042 = tpu.memref_slice %arg3[%mul3A_4, %dma_wait3A_1041] : memref<64x128xi32, #tpu.memory_space<hbm>> -> memref<2x128xi32, #tpu.memory_space<hbm>>
      tpu.wait_dma2 semaphore(%run_scoped3A_1034 : memref<!tpu.dma_semaphore, #tpu.memory_space<semaphore_mem>>) src(%dma_wait3A_1042 : memref<2x128xi32, #tpu.memory_space<hbm>>) dst(%arg14 : memref<2x128xi32, #tpu.memory_space<vmem>>)
      tpu.yield
    }) : () -> ()
    "tpu.region"() ({
      %run_scoped3A_1034 = tpu.sem_alloc : memref<!tpu.dma_semaphore, #tpu.memory_space<semaphore_mem>>
      %dma_start3A_1035 = tpu.memref_slice %arg4[%mul3A_2] : memref<8192xf32, #tpu.memory_space<hbm>> -> memref<256xf32, #tpu.memory_space<hbm>>
      %dma_start3A_1036 = tpu.memref_slice %arg4[%mul3A_2] : memref<8192xf32, #tpu.memory_space<hbm>> -> memref<256xf32, #tpu.memory_space<hbm>>
      tpu.enqueue_dma source(%dma_start3A_1036 : memref<256xf32, #tpu.memory_space<hbm>>) target(%arg15 : memref<256xf32, #tpu.memory_space<vmem>>) target_semaphore(%run_scoped3A_1034 : memref<!tpu.dma_semaphore, #tpu.memory_space<semaphore_mem>>)
      %dma_wait3A_1037 = tpu.memref_slice %arg4[%mul3A_2] : memref<8192xf32, #tpu.memory_space<hbm>> -> memref<256xf32, #tpu.memory_space<hbm>>
      %dma_wait3A_1038 = tpu.memref_slice %arg4[%mul3A_2] : memref<8192xf32, #tpu.memory_space<hbm>> -> memref<256xf32, #tpu.memory_space<hbm>>
      tpu.wait_dma2 semaphore(%run_scoped3A_1034 : memref<!tpu.dma_semaphore, #tpu.memory_space<semaphore_mem>>) src(%dma_wait3A_1038 : memref<256xf32, #tpu.memory_space<hbm>>) dst(%arg15 : memref<256xf32, #tpu.memory_space<vmem>>)
      tpu.yield
    }) : () -> ()
    "tpu.region"() ({
      %run_scoped3A_1034 = tpu.sem_alloc : memref<!tpu.dma_semaphore, #tpu.memory_space<semaphore_mem>>
      %dma_start3A_1035 = tpu.memref_slice %arg6[%mul3A_2] : memref<8192xf32, #tpu.memory_space<hbm>> -> memref<256xf32, #tpu.memory_space<hbm>>
      %dma_start3A_1036 = tpu.memref_slice %arg6[%mul3A_2] : memref<8192xf32, #tpu.memory_space<hbm>> -> memref<256xf32, #tpu.memory_space<hbm>>
      tpu.enqueue_dma source(%dma_start3A_1036 : memref<256xf32, #tpu.memory_space<hbm>>) target(%arg21 : memref<256xf32, #tpu.memory_space<vmem>>) target_semaphore(%run_scoped3A_1034 : memref<!tpu.dma_semaphore, #tpu.memory_space<semaphore_mem>>)
      %dma_wait3A_1037 = tpu.memref_slice %arg6[%mul3A_2] : memref<8192xf32, #tpu.memory_space<hbm>> -> memref<256xf32, #tpu.memory_space<hbm>>
      %dma_wait3A_1038 = tpu.memref_slice %arg6[%mul3A_2] : memref<8192xf32, #tpu.memory_space<hbm>> -> memref<256xf32, #tpu.memory_space<hbm>>
      tpu.wait_dma2 semaphore(%run_scoped3A_1034 : memref<!tpu.dma_semaphore, #tpu.memory_space<semaphore_mem>>) src(%dma_wait3A_1038 : memref<256xf32, #tpu.memory_space<hbm>>) dst(%arg21 : memref<256xf32, #tpu.memory_space<vmem>>)
      tpu.yield
    }) : () -> ()
    "tpu.region"() ({
      %run_scoped3A_1034 = tpu.sem_alloc : memref<!tpu.dma_semaphore, #tpu.memory_space<semaphore_mem>>
      %dma_start3A_1035 = tpu.memref_slice %arg7[%mul3A_2] : memref<8192xf32, #tpu.memory_space<hbm>> -> memref<256xf32, #tpu.memory_space<hbm>>
      %dma_start3A_1036 = tpu.memref_slice %arg7[%mul3A_2] : memref<8192xf32, #tpu.memory_space<hbm>> -> memref<256xf32, #tpu.memory_space<hbm>>
      tpu.enqueue_dma source(%dma_start3A_1036 : memref<256xf32, #tpu.memory_space<hbm>>) target(%arg22 : memref<256xf32, #tpu.memory_space<vmem>>) target_semaphore(%run_scoped3A_1034 : memref<!tpu.dma_semaphore, #tpu.memory_space<semaphore_mem>>)
      %dma_wait3A_1037 = tpu.memref_slice %arg7[%mul3A_2] : memref<8192xf32, #tpu.memory_space<hbm>> -> memref<256xf32, #tpu.memory_space<hbm>>
      %dma_wait3A_1038 = tpu.memref_slice %arg7[%mul3A_2] : memref<8192xf32, #tpu.memory_space<hbm>> -> memref<256xf32, #tpu.memory_space<hbm>>
      tpu.wait_dma2 semaphore(%run_scoped3A_1034 : memref<!tpu.dma_semaphore, #tpu.memory_space<semaphore_mem>>) src(%dma_wait3A_1038 : memref<256xf32, #tpu.memory_space<hbm>>) dst(%arg22 : memref<256xf32, #tpu.memory_space<vmem>>)
      tpu.yield
    }) : () -> ()
    %dma_start3A = arith.constant 0 : i32
    %dma_start3A_5 = arith.constant 0 : i32
    %dma_start3A_6 = arith.constant 0 : i32
    %dma_start3A_7 = tpu.memref_slice %arg16[%dma_start3A_5, %dma_start3A_6] : memref<2x128xf32, #tpu.memory_space<vmem>> -> memref<1x128xf32, #tpu.memory_space<vmem>>
    %dma_start3A_8 = tpu.memref_squeeze %dma_start3A_7 : memref<1x128xf32, #tpu.memory_space<vmem>> -> memref<128xf32, #tpu.memory_space<vmem>>
    %dma_start3A_9 = arith.constant 0 : i32
    %dma_start3A_10 = tpu.memref_slice %arg14[%dma_start3A, %dma_start3A_9] : memref<2x128xi32, #tpu.memory_space<vmem>> -> memref<1x128xi32, #tpu.memory_space<vmem>>
    %dma_start3A_11 = tpu.memref_squeeze %dma_start3A_10 : memref<1x128xi32, #tpu.memory_space<vmem>> -> memref<128xi32, #tpu.memory_space<vmem>>
    %dma_start3A_12 = arith.constant 0 : i32
    %dma_start3A_13 = tpu.memref_slice %arg5[%dma_start3A_12] : memref<2048xf32, #tpu.memory_space<hbm>> -> memref<2048xf32, #tpu.memory_space<hbm>>
    tpu.enqueue_indirect_dma source(%dma_start3A_13 : memref<2048xf32, #tpu.memory_space<hbm>>) target(%dma_start3A_8 : memref<128xf32, #tpu.memory_space<vmem>>) offsets(%dma_start3A_11 : memref<128xi32, #tpu.memory_space<vmem>>) semaphore(%arg20 : memref<!tpu.dma_semaphore, #tpu.memory_space<semaphore_mem>>)
    %dma_wait3A = arith.constant 0 : i32
    %dma_wait3A_14 = arith.constant 0 : i32
    %dma_wait3A_15 = arith.constant 0 : i32
    %dma_wait3A_16 = tpu.memref_slice %arg16[%dma_wait3A_14, %dma_wait3A_15] : memref<2x128xf32, #tpu.memory_space<vmem>> -> memref<1x128xf32, #tpu.memory_space<vmem>>
    %dma_wait3A_17 = tpu.memref_squeeze %dma_wait3A_16 : memref<1x128xf32, #tpu.memory_space<vmem>> -> memref<128xf32, #tpu.memory_space<vmem>>
    %dma_wait3A_18 = arith.constant 0 : i32
    %dma_wait3A_19 = tpu.memref_slice %arg14[%dma_wait3A, %dma_wait3A_18] : memref<2x128xi32, #tpu.memory_space<vmem>> -> memref<1x128xi32, #tpu.memory_space<vmem>>
    %dma_wait3A_20 = tpu.memref_squeeze %dma_wait3A_19 : memref<1x128xi32, #tpu.memory_space<vmem>> -> memref<128xi32, #tpu.memory_space<vmem>>
    %dma_wait3A_21 = arith.constant 0 : i32
    %dma_wait3A_22 = tpu.memref_slice %arg5[%dma_wait3A_21] : memref<2048xf32, #tpu.memory_space<hbm>> -> memref<2048xf32, #tpu.memory_space<hbm>>
    tpu.wait_indirect_dma semaphore(%arg20 : memref<!tpu.dma_semaphore, #tpu.memory_space<semaphore_mem>>) src(%dma_wait3A_22 : memref<2048xf32, #tpu.memory_space<hbm>>) dst(%dma_wait3A_17 : memref<128xf32, #tpu.memory_space<vmem>>)
    %dma_start3A_23 = arith.constant 0 : i32
    %dma_start3A_24 = arith.constant 0 : i32
    %dma_start3A_25 = arith.constant 0 : i32
    %dma_start3A_26 = tpu.memref_slice %arg23[%dma_start3A_24, %dma_start3A_25] : memref<2x128xf32, #tpu.memory_space<vmem>> -> memref<1x128xf32, #tpu.memory_space<vmem>>
    %dma_start3A_27 = tpu.memref_squeeze %dma_start3A_26 : memref<1x128xf32, #tpu.memory_space<vmem>> -> memref<128xf32, #tpu.memory_space<vmem>>
    %dma_start3A_28 = arith.constant 0 : i32
    %dma_start3A_29 = tpu.memref_slice %arg14[%dma_start3A_23, %dma_start3A_28] : memref<2x128xi32, #tpu.memory_space<vmem>> -> memref<1x128xi32, #tpu.memory_space<vmem>>
    %dma_start3A_30 = tpu.memref_squeeze %dma_start3A_29 : memref<1x128xi32, #tpu.memory_space<vmem>> -> memref<128xi32, #tpu.memory_space<vmem>>
    %dma_start3A_31 = arith.constant 0 : i32
    %dma_start3A_32 = tpu.memref_slice %arg8[%dma_start3A_31] : memref<2048xf32, #tpu.memory_space<hbm>> -> memref<2048xf32, #tpu.memory_space<hbm>>
    tpu.enqueue_indirect_dma source(%dma_start3A_32 : memref<2048xf32, #tpu.memory_space<hbm>>) target(%dma_start3A_27 : memref<128xf32, #tpu.memory_space<vmem>>) offsets(%dma_start3A_30 : memref<128xi32, #tpu.memory_space<vmem>>) semaphore(%arg20 : memref<!tpu.dma_semaphore, #tpu.memory_space<semaphore_mem>>)
    %dma_wait3A_33 = arith.constant 0 : i32
    %dma_wait3A_34 = arith.constant 0 : i32
    %dma_wait3A_35 = arith.constant 0 : i32
    %dma_wait3A_36 = tpu.memref_slice %arg23[%dma_wait3A_34, %dma_wait3A_35] : memref<2x128xf32, #tpu.memory_space<vmem>> -> memref<1x128xf32, #tpu.memory_space<vmem>>
    %dma_wait3A_37 = tpu.memref_squeeze %dma_wait3A_36 : memref<1x128xf32, #tpu.memory_space<vmem>> -> memref<128xf32, #tpu.memory_space<vmem>>
    %dma_wait3A_38 = arith.constant 0 : i32
    %dma_wait3A_39 = tpu.memref_slice %arg14[%dma_wait3A_33, %dma_wait3A_38] : memref<2x128xi32, #tpu.memory_space<vmem>> -> memref<1x128xi32, #tpu.memory_space<vmem>>
    %dma_wait3A_40 = tpu.memref_squeeze %dma_wait3A_39 : memref<1x128xi32, #tpu.memory_space<vmem>> -> memref<128xi32, #tpu.memory_space<vmem>>
    %dma_wait3A_41 = arith.constant 0 : i32
    %dma_wait3A_42 = tpu.memref_slice %arg8[%dma_wait3A_41] : memref<2048xf32, #tpu.memory_space<hbm>> -> memref<2048xf32, #tpu.memory_space<hbm>>
    tpu.wait_indirect_dma semaphore(%arg20 : memref<!tpu.dma_semaphore, #tpu.memory_space<semaphore_mem>>) src(%dma_wait3A_42 : memref<2048xf32, #tpu.memory_space<hbm>>) dst(%dma_wait3A_37 : memref<128xf32, #tpu.memory_space<vmem>>)
    %dma_start3A_43 = arith.constant 0 : i32
    %dma_start3A_44 = arith.constant 0 : i32
    %dma_start3A_45 = arith.constant 0 : i32
    %dma_start3A_46 = tpu.memref_slice %arg24[%dma_start3A_44, %dma_start3A_45] : memref<2x128xf32, #tpu.memory_space<vmem>> -> memref<1x128xf32, #tpu.memory_space<vmem>>
    %dma_start3A_47 = tpu.memref_squeeze %dma_start3A_46 : memref<1x128xf32, #tpu.memory_space<vmem>> -> memref<128xf32, #tpu.memory_space<vmem>>
    %dma_start3A_48 = arith.constant 0 : i32
    %dma_start3A_49 = tpu.memref_slice %arg14[%dma_start3A_43, %dma_start3A_48] : memref<2x128xi32, #tpu.memory_space<vmem>> -> memref<1x128xi32, #tpu.memory_space<vmem>>
    %dma_start3A_50 = tpu.memref_squeeze %dma_start3A_49 : memref<1x128xi32, #tpu.memory_space<vmem>> -> memref<128xi32, #tpu.memory_space<vmem>>
    %dma_start3A_51 = arith.constant 0 : i32
    %dma_start3A_52 = tpu.memref_slice %arg9[%dma_start3A_51] : memref<2048xf32, #tpu.memory_space<hbm>> -> memref<2048xf32, #tpu.memory_space<hbm>>
    tpu.enqueue_indirect_dma source(%dma_start3A_52 : memref<2048xf32, #tpu.memory_space<hbm>>) target(%dma_start3A_47 : memref<128xf32, #tpu.memory_space<vmem>>) offsets(%dma_start3A_50 : memref<128xi32, #tpu.memory_space<vmem>>) semaphore(%arg20 : memref<!tpu.dma_semaphore, #tpu.memory_space<semaphore_mem>>)
    %dma_wait3A_53 = arith.constant 0 : i32
    %dma_wait3A_54 = arith.constant 0 : i32
    %dma_wait3A_55 = arith.constant 0 : i32
    %dma_wait3A_56 = tpu.memref_slice %arg24[%dma_wait3A_54, %dma_wait3A_55] : memref<2x128xf32, #tpu.memory_space<vmem>> -> memref<1x128xf32, #tpu.memory_space<vmem>>
    %dma_wait3A_57 = tpu.memref_squeeze %dma_wait3A_56 : memref<1x128xf32, #tpu.memory_space<vmem>> -> memref<128xf32, #tpu.memory_space<vmem>>
    %dma_wait3A_58 = arith.constant 0 : i32
    %dma_wait3A_59 = tpu.memref_slice %arg14[%dma_wait3A_53, %dma_wait3A_58] : memref<2x128xi32, #tpu.memory_space<vmem>> -> memref<1x128xi32, #tpu.memory_space<vmem>>
    %dma_wait3A_60 = tpu.memref_squeeze %dma_wait3A_59 : memref<1x128xi32, #tpu.memory_space<vmem>> -> memref<128xi32, #tpu.memory_space<vmem>>
    %dma_wait3A_61 = arith.constant 0 : i32
    %dma_wait3A_62 = tpu.memref_slice %arg9[%dma_wait3A_61] : memref<2048xf32, #tpu.memory_space<hbm>> -> memref<2048xf32, #tpu.memory_space<hbm>>
    tpu.wait_indirect_dma semaphore(%arg20 : memref<!tpu.dma_semaphore, #tpu.memory_space<semaphore_mem>>) src(%dma_wait3A_62 : memref<2048xf32, #tpu.memory_space<hbm>>) dst(%dma_wait3A_57 : memref<128xf32, #tpu.memory_space<vmem>>)
    %dma_start3A_63 = arith.constant 1 : i32
    %dma_start3A_64 = arith.constant 1 : i32
    %dma_start3A_65 = arith.constant 0 : i32
    %dma_start3A_66 = tpu.memref_slice %arg16[%dma_start3A_64, %dma_start3A_65] : memref<2x128xf32, #tpu.memory_space<vmem>> -> memref<1x128xf32, #tpu.memory_space<vmem>>
    %dma_start3A_67 = tpu.memref_squeeze %dma_start3A_66 : memref<1x128xf32, #tpu.memory_space<vmem>> -> memref<128xf32, #tpu.memory_space<vmem>>
    %dma_start3A_68 = arith.constant 0 : i32
    %dma_start3A_69 = tpu.memref_slice %arg14[%dma_start3A_63, %dma_start3A_68] : memref<2x128xi32, #tpu.memory_space<vmem>> -> memref<1x128xi32, #tpu.memory_space<vmem>>
    %dma_start3A_70 = tpu.memref_squeeze %dma_start3A_69 : memref<1x128xi32, #tpu.memory_space<vmem>> -> memref<128xi32, #tpu.memory_space<vmem>>
    %dma_start3A_71 = arith.constant 0 : i32
    %dma_start3A_72 = tpu.memref_slice %arg5[%dma_start3A_71] : memref<2048xf32, #tpu.memory_space<hbm>> -> memref<2048xf32, #tpu.memory_space<hbm>>
    tpu.enqueue_indirect_dma source(%dma_start3A_72 : memref<2048xf32, #tpu.memory_space<hbm>>) target(%dma_start3A_67 : memref<128xf32, #tpu.memory_space<vmem>>) offsets(%dma_start3A_70 : memref<128xi32, #tpu.memory_space<vmem>>) semaphore(%arg20 : memref<!tpu.dma_semaphore, #tpu.memory_space<semaphore_mem>>)
    %dma_wait3A_73 = arith.constant 1 : i32
    %dma_wait3A_74 = arith.constant 1 : i32
    %dma_wait3A_75 = arith.constant 0 : i32
    %dma_wait3A_76 = tpu.memref_slice %arg16[%dma_wait3A_74, %dma_wait3A_75] : memref<2x128xf32, #tpu.memory_space<vmem>> -> memref<1x128xf32, #tpu.memory_space<vmem>>
    %dma_wait3A_77 = tpu.memref_squeeze %dma_wait3A_76 : memref<1x128xf32, #tpu.memory_space<vmem>> -> memref<128xf32, #tpu.memory_space<vmem>>
    %dma_wait3A_78 = arith.constant 0 : i32
    %dma_wait3A_79 = tpu.memref_slice %arg14[%dma_wait3A_73, %dma_wait3A_78] : memref<2x128xi32, #tpu.memory_space<vmem>> -> memref<1x128xi32, #tpu.memory_space<vmem>>
    %dma_wait3A_80 = tpu.memref_squeeze %dma_wait3A_79 : memref<1x128xi32, #tpu.memory_space<vmem>> -> memref<128xi32, #tpu.memory_space<vmem>>
    %dma_wait3A_81 = arith.constant 0 : i32
    %dma_wait3A_82 = tpu.memref_slice %arg5[%dma_wait3A_81] : memref<2048xf32, #tpu.memory_space<hbm>> -> memref<2048xf32, #tpu.memory_space<hbm>>
    tpu.wait_indirect_dma semaphore(%arg20 : memref<!tpu.dma_semaphore, #tpu.memory_space<semaphore_mem>>) src(%dma_wait3A_82 : memref<2048xf32, #tpu.memory_space<hbm>>) dst(%dma_wait3A_77 : memref<128xf32, #tpu.memory_space<vmem>>)
    %dma_start3A_83 = arith.constant 1 : i32
    %dma_start3A_84 = arith.constant 1 : i32
    %dma_start3A_85 = arith.constant 0 : i32
    %dma_start3A_86 = tpu.memref_slice %arg23[%dma_start3A_84, %dma_start3A_85] : memref<2x128xf32, #tpu.memory_space<vmem>> -> memref<1x128xf32, #tpu.memory_space<vmem>>
    %dma_start3A_87 = tpu.memref_squeeze %dma_start3A_86 : memref<1x128xf32, #tpu.memory_space<vmem>> -> memref<128xf32, #tpu.memory_space<vmem>>
    %dma_start3A_88 = arith.constant 0 : i32
    %dma_start3A_89 = tpu.memref_slice %arg14[%dma_start3A_83, %dma_start3A_88] : memref<2x128xi32, #tpu.memory_space<vmem>> -> memref<1x128xi32, #tpu.memory_space<vmem>>
    %dma_start3A_90 = tpu.memref_squeeze %dma_start3A_89 : memref<1x128xi32, #tpu.memory_space<vmem>> -> memref<128xi32, #tpu.memory_space<vmem>>
    %dma_start3A_91 = arith.constant 0 : i32
    %dma_start3A_92 = tpu.memref_slice %arg8[%dma_start3A_91] : memref<2048xf32, #tpu.memory_space<hbm>> -> memref<2048xf32, #tpu.memory_space<hbm>>
    tpu.enqueue_indirect_dma source(%dma_start3A_92 : memref<2048xf32, #tpu.memory_space<hbm>>) target(%dma_start3A_87 : memref<128xf32, #tpu.memory_space<vmem>>) offsets(%dma_start3A_90 : memref<128xi32, #tpu.memory_space<vmem>>) semaphore(%arg20 : memref<!tpu.dma_semaphore, #tpu.memory_space<semaphore_mem>>)
    %dma_wait3A_93 = arith.constant 1 : i32
    %dma_wait3A_94 = arith.constant 1 : i32
    %dma_wait3A_95 = arith.constant 0 : i32
    %dma_wait3A_96 = tpu.memref_slice %arg23[%dma_wait3A_94, %dma_wait3A_95] : memref<2x128xf32, #tpu.memory_space<vmem>> -> memref<1x128xf32, #tpu.memory_space<vmem>>
    %dma_wait3A_97 = tpu.memref_squeeze %dma_wait3A_96 : memref<1x128xf32, #tpu.memory_space<vmem>> -> memref<128xf32, #tpu.memory_space<vmem>>
    %dma_wait3A_98 = arith.constant 0 : i32
    %dma_wait3A_99 = tpu.memref_slice %arg14[%dma_wait3A_93, %dma_wait3A_98] : memref<2x128xi32, #tpu.memory_space<vmem>> -> memref<1x128xi32, #tpu.memory_space<vmem>>
    %dma_wait3A_100 = tpu.memref_squeeze %dma_wait3A_99 : memref<1x128xi32, #tpu.memory_space<vmem>> -> memref<128xi32, #tpu.memory_space<vmem>>
    %dma_wait3A_101 = arith.constant 0 : i32
    %dma_wait3A_102 = tpu.memref_slice %arg8[%dma_wait3A_101] : memref<2048xf32, #tpu.memory_space<hbm>> -> memref<2048xf32, #tpu.memory_space<hbm>>
    tpu.wait_indirect_dma semaphore(%arg20 : memref<!tpu.dma_semaphore, #tpu.memory_space<semaphore_mem>>) src(%dma_wait3A_102 : memref<2048xf32, #tpu.memory_space<hbm>>) dst(%dma_wait3A_97 : memref<128xf32, #tpu.memory_space<vmem>>)
    %dma_start3A_103 = arith.constant 1 : i32
    %dma_start3A_104 = arith.constant 1 : i32
    %dma_start3A_105 = arith.constant 0 : i32
    %dma_start3A_106 = tpu.memref_slice %arg24[%dma_start3A_104, %dma_start3A_105] : memref<2x128xf32, #tpu.memory_space<vmem>> -> memref<1x128xf32, #tpu.memory_space<vmem>>
    %dma_start3A_107 = tpu.memref_squeeze %dma_start3A_106 : memref<1x128xf32, #tpu.memory_space<vmem>> -> memref<128xf32, #tpu.memory_space<vmem>>
    %dma_start3A_108 = arith.constant 0 : i32
    %dma_start3A_109 = tpu.memref_slice %arg14[%dma_start3A_103, %dma_start3A_108] : memref<2x128xi32, #tpu.memory_space<vmem>> -> memref<1x128xi32, #tpu.memory_space<vmem>>
    %dma_start3A_110 = tpu.memref_squeeze %dma_start3A_109 : memref<1x128xi32, #tpu.memory_space<vmem>> -> memref<128xi32, #tpu.memory_space<vmem>>
    %dma_start3A_111 = arith.constant 0 : i32
    %dma_start3A_112 = tpu.memref_slice %arg9[%dma_start3A_111] : memref<2048xf32, #tpu.memory_space<hbm>> -> memref<2048xf32, #tpu.memory_space<hbm>>
    tpu.enqueue_indirect_dma source(%dma_start3A_112 : memref<2048xf32, #tpu.memory_space<hbm>>) target(%dma_start3A_107 : memref<128xf32, #tpu.memory_space<vmem>>) offsets(%dma_start3A_110 : memref<128xi32, #tpu.memory_space<vmem>>) semaphore(%arg20 : memref<!tpu.dma_semaphore, #tpu.memory_space<semaphore_mem>>)
    %dma_wait3A_113 = arith.constant 1 : i32
    %dma_wait3A_114 = arith.constant 1 : i32
    %dma_wait3A_115 = arith.constant 0 : i32
    %dma_wait3A_116 = tpu.memref_slice %arg24[%dma_wait3A_114, %dma_wait3A_115] : memref<2x128xf32, #tpu.memory_space<vmem>> -> memref<1x128xf32, #tpu.memory_space<vmem>>
    %dma_wait3A_117 = tpu.memref_squeeze %dma_wait3A_116 : memref<1x128xf32, #tpu.memory_space<vmem>> -> memref<128xf32, #tpu.memory_space<vmem>>
    %dma_wait3A_118 = arith.constant 0 : i32
    %dma_wait3A_119 = tpu.memref_slice %arg14[%dma_wait3A_113, %dma_wait3A_118] : memref<2x128xi32, #tpu.memory_space<vmem>> -> memref<1x128xi32, #tpu.memory_space<vmem>>
    %dma_wait3A_120 = tpu.memref_squeeze %dma_wait3A_119 : memref<1x128xi32, #tpu.memory_space<vmem>> -> memref<128xi32, #tpu.memory_space<vmem>>
    %dma_wait3A_121 = arith.constant 0 : i32
    %dma_wait3A_122 = tpu.memref_slice %arg9[%dma_wait3A_121] : memref<2048xf32, #tpu.memory_space<hbm>> -> memref<2048xf32, #tpu.memory_space<hbm>>
    tpu.wait_indirect_dma semaphore(%arg20 : memref<!tpu.dma_semaphore, #tpu.memory_space<semaphore_mem>>) src(%dma_wait3A_122 : memref<2048xf32, #tpu.memory_space<hbm>>) dst(%dma_wait3A_117 : memref<128xf32, #tpu.memory_space<vmem>>)
    %get3A = arith.constant 0 : index
    %get3A_123 = tpu.vector_load %arg21[%get3A] {strides = array<i32>} : memref<256xf32, #tpu.memory_space<vmem>>, vector<16xf32>,
    %get3A_124 = vector.shape_cast %get3A_123 : vector<16xf32> to vector<16xf32>
    %get3A_125 = arith.constant 0 : i32
    %get3A_126 = arith.index_cast %get3A_125 : i32 to index
    %get3A_127 = arith.constant 0 : index
    %get3A_128 = tpu.vector_load %arg23[%get3A_126, %get3A_127] {strides = array<i32>} : memref<2x128xf32, #tpu.memory_space<vmem>>, vector<1x16xf32>,
    %get3A_129 = vector.shape_cast %get3A_128 : vector<1x16xf32> to vector<16xf32>
    %add3A_130 = arith.addf %get3A_124, %get3A_129 : vector<16xf32>
    %get3A_131 = arith.constant 0 : index
    %get3A_132 = tpu.vector_load %arg15[%get3A_131] {strides = array<i32>} : memref<256xf32, #tpu.memory_space<vmem>>, vector<16xf32>,
    %get3A_133 = vector.shape_cast %get3A_132 : vector<16xf32> to vector<16xf32>
    %mul3A_134 = arith.constant 2.000000e+00 : f32
    %mul3A_135 = vector.broadcast %mul3A_134 : f32 to vector<16xf32>
    %mul3A_136 = arith.mulf %mul3A_135, %get3A_133 : vector<16xf32>
    %sub3A = arith.subf %add3A_130, %mul3A_136 : vector<16xf32>
    %swap3A = arith.constant 0 : index
    %swap3A_137 = tpu.vector_load %arg26[%swap3A] {strides = array<i32>} : memref<256xf32, #tpu.memory_space<vmem>>, vector<16xf32>,
    %swap3A_138 = vector.shape_cast %swap3A_137 : vector<16xf32> to vector<16xf32>
    %swap3A_139 = vector.shape_cast %sub3A : vector<16xf32> to vector<16xf32>
    tpu.vector_store %arg26[%swap3A], %swap3A_139 {strides = array<i32>} : memref<256xf32, #tpu.memory_space<vmem>>, vector<16xf32>,
    %get3A_140 = arith.constant 0 : index
    %get3A_141 = tpu.vector_load %arg22[%get3A_140] {strides = array<i32>} : memref<256xf32, #tpu.memory_space<vmem>>, vector<16xf32>,
    %get3A_142 = vector.shape_cast %get3A_141 : vector<16xf32> to vector<16xf32>
    %get3A_143 = arith.constant 0 : i32
    %get3A_144 = arith.index_cast %get3A_143 : i32 to index
    %get3A_145 = arith.constant 0 : index
    %get3A_146 = tpu.vector_load %arg24[%get3A_144, %get3A_145] {strides = array<i32>} : memref<2x128xf32, #tpu.memory_space<vmem>>, vector<1x16xf32>,
    %get3A_147 = vector.shape_cast %get3A_146 : vector<1x16xf32> to vector<16xf32>
    %sub3A_148 = arith.subf %get3A_142, %get3A_147 : vector<16xf32>
    %mul3A_149 = arith.constant 2.000000e-06 : f32
    %mul3A_150 = vector.broadcast %mul3A_149 : f32 to vector<16xf32>
    %mul3A_151 = arith.mulf %mul3A_150, %sub3A_148 : vector<16xf32>
    %add3A_152 = arith.addf %sub3A, %mul3A_151 : vector<16xf32>
    %add3A_153 = arith.constant 1.280000e-10 : f32
    %add3A_154 = vector.broadcast %add3A_153 : f32 to vector<16xf32>
    %add3A_155 = arith.addf %add3A_152, %add3A_154 : vector<16xf32>
    %swap3A_156 = arith.constant 0 : index
    %swap3A_157 = tpu.vector_load %arg25[%swap3A_156] {strides = array<i32>} : memref<256xf32, #tpu.memory_space<vmem>>, vector<16xf32>,
    %swap3A_158 = vector.shape_cast %swap3A_157 : vector<16xf32> to vector<16xf32>
    %swap3A_159 = vector.shape_cast %add3A_155 : vector<16xf32> to vector<16xf32>
    tpu.vector_store %arg25[%swap3A_156], %swap3A_159 {strides = array<i32>} : memref<256xf32, #tpu.memory_space<vmem>>, vector<16xf32>,
    %get3A_160 = arith.constant 16 : index
    %get3A_161 = tpu.vector_load %arg21[%get3A_160] {strides = array<i32>} : memref<256xf32, #tpu.memory_space<vmem>>, vector<16xf32>,
    %get3A_162 = vector.shape_cast %get3A_161 : vector<16xf32> to vector<16xf32>
    %get3A_163 = arith.constant 0 : i32
    %get3A_164 = arith.index_cast %get3A_163 : i32 to index
    %get3A_165 = arith.constant 16 : index
    %get3A_166 = tpu.vector_load %arg23[%get3A_164, %get3A_165] {strides = array<i32>} : memref<2x128xf32, #tpu.memory_space<vmem>>, vector<1x16xf32>,
    %get3A_167 = vector.shape_cast %get3A_166 : vector<1x16xf32> to vector<16xf32>
    %add3A_168 = arith.addf %get3A_162, %get3A_167 : vector<16xf32>
    %get3A_169 = arith.constant 16 : index
    %get3A_170 = tpu.vector_load %arg15[%get3A_169] {strides = array<i32>} : memref<256xf32, #tpu.memory_space<vmem>>, vector<16xf32>,
    %get3A_171 = vector.shape_cast %get3A_170 : vector<16xf32> to vector<16xf32>
    %mul3A_172 = arith.constant 2.000000e+00 : f32
    %mul3A_173 = vector.broadcast %mul3A_172 : f32 to vector<16xf32>
    %mul3A_174 = arith.mulf %mul3A_173, %get3A_171 : vector<16xf32>
    %sub3A_175 = arith.subf %add3A_168, %mul3A_174 : vector<16xf32>
    %swap3A_176 = arith.constant 16 : index
    %swap3A_177 = tpu.vector_load %arg26[%swap3A_176] {strides = array<i32>} : memref<256xf32, #tpu.memory_space<vmem>>, vector<16xf32>,
    %swap3A_178 = vector.shape_cast %swap3A_177 : vector<16xf32> to vector<16xf32>
    %swap3A_179 = vector.shape_cast %sub3A_175 : vector<16xf32> to vector<16xf32>
    tpu.vector_store %arg26[%swap3A_176], %swap3A_179 {strides = array<i32>} : memref<256xf32, #tpu.memory_space<vmem>>, vector<16xf32>,
    %get3A_180 = arith.constant 16 : index
    %get3A_181 = tpu.vector_load %arg22[%get3A_180] {strides = array<i32>} : memref<256xf32, #tpu.memory_space<vmem>>, vector<16xf32>,
    %get3A_182 = vector.shape_cast %get3A_181 : vector<16xf32> to vector<16xf32>
    %get3A_183 = arith.constant 0 : i32
    %get3A_184 = arith.index_cast %get3A_183 : i32 to index
    %get3A_185 = arith.constant 16 : index
    %get3A_186 = tpu.vector_load %arg24[%get3A_184, %get3A_185] {strides = array<i32>} : memref<2x128xf32, #tpu.memory_space<vmem>>, vector<1x16xf32>,
    %get3A_187 = vector.shape_cast %get3A_186 : vector<1x16xf32> to vector<16xf32>
    %sub3A_188 = arith.subf %get3A_182, %get3A_187 : vector<16xf32>
    %mul3A_189 = arith.constant 2.000000e-06 : f32
    %mul3A_190 = vector.broadcast %mul3A_189 : f32 to vector<16xf32>
    %mul3A_191 = arith.mulf %mul3A_190, %sub3A_188 : vector<16xf32>
    %add3A_192 = arith.addf %sub3A_175, %mul3A_191 : vector<16xf32>
    %add3A_193 = arith.constant 1.280000e-10 : f32
    %add3A_194 = vector.broadcast %add3A_193 : f32 to vector<16xf32>
    %add3A_195 = arith.addf %add3A_192, %add3A_194 : vector<16xf32>
    %swap3A_196 = arith.constant 16 : index
    %swap3A_197 = tpu.vector_load %arg25[%swap3A_196] {strides = array<i32>} : memref<256xf32, #tpu.memory_space<vmem>>, vector<16xf32>,
    %swap3A_198 = vector.shape_cast %swap3A_197 : vector<16xf32> to vector<16xf32>
    %swap3A_199 = vector.shape_cast %add3A_195 : vector<16xf32> to vector<16xf32>
    tpu.vector_store %arg25[%swap3A_196], %swap3A_199 {strides = array<i32>} : memref<256xf32, #tpu.memory_space<vmem>>, vector<16xf32>,
    %get3A_200 = arith.constant 32 : index
    %get3A_201 = tpu.vector_load %arg21[%get3A_200] {strides = array<i32>} : memref<256xf32, #tpu.memory_space<vmem>>, vector<16xf32>,
    %get3A_202 = vector.shape_cast %get3A_201 : vector<16xf32> to vector<16xf32>
    %get3A_203 = arith.constant 0 : i32
    %get3A_204 = arith.index_cast %get3A_203 : i32 to index
    %get3A_205 = arith.constant 32 : index
    %get3A_206 = tpu.vector_load %arg23[%get3A_204, %get3A_205] {strides = array<i32>} : memref<2x128xf32, #tpu.memory_space<vmem>>, vector<1x16xf32>,
    %get3A_207 = vector.shape_cast %get3A_206 : vector<1x16xf32> to vector<16xf32>
    %add3A_208 = arith.addf %get3A_202, %get3A_207 : vector<16xf32>
    %get3A_209 = arith.constant 32 : index
    %get3A_210 = tpu.vector_load %arg15[%get3A_209] {strides = array<i32>} : memref<256xf32, #tpu.memory_space<vmem>>, vector<16xf32>,
    %get3A_211 = vector.shape_cast %get3A_210 : vector<16xf32> to vector<16xf32>
    %mul3A_212 = arith.constant 2.000000e+00 : f32
    %mul3A_213 = vector.broadcast %mul3A_212 : f32 to vector<16xf32>
    %mul3A_214 = arith.mulf %mul3A_213, %get3A_211 : vector<16xf32>
    %sub3A_215 = arith.subf %add3A_208, %mul3A_214 : vector<16xf32>
    %swap3A_216 = arith.constant 32 : index
    %swap3A_217 = tpu.vector_load %arg26[%swap3A_216] {strides = array<i32>} : memref<256xf32, #tpu.memory_space<vmem>>, vector<16xf32>,
    %swap3A_218 = vector.shape_cast %swap3A_217 : vector<16xf32> to vector<16xf32>
    %swap3A_219 = vector.shape_cast %sub3A_215 : vector<16xf32> to vector<16xf32>
    tpu.vector_store %arg26[%swap3A_216], %swap3A_219 {strides = array<i32>} : memref<256xf32, #tpu.memory_space<vmem>>, vector<16xf32>,
    %get3A_220 = arith.constant 32 : index
    %get3A_221 = tpu.vector_load %arg22[%get3A_220] {strides = array<i32>} : memref<256xf32, #tpu.memory_space<vmem>>, vector<16xf32>,
    %get3A_222 = vector.shape_cast %get3A_221 : vector<16xf32> to vector<16xf32>
    %get3A_223 = arith.constant 0 : i32
    %get3A_224 = arith.index_cast %get3A_223 : i32 to index
    %get3A_225 = arith.constant 32 : index
    %get3A_226 = tpu.vector_load %arg24[%get3A_224, %get3A_225] {strides = array<i32>} : memref<2x128xf32, #tpu.memory_space<vmem>>, vector<1x16xf32>,
    %get3A_227 = vector.shape_cast %get3A_226 : vector<1x16xf32> to vector<16xf32>
    %sub3A_228 = arith.subf %get3A_222, %get3A_227 : vector<16xf32>
    %mul3A_229 = arith.constant 2.000000e-06 : f32
    %mul3A_230 = vector.broadcast %mul3A_229 : f32 to vector<16xf32>
    %mul3A_231 = arith.mulf %mul3A_230, %sub3A_228 : vector<16xf32>
    %add3A_232 = arith.addf %sub3A_215, %mul3A_231 : vector<16xf32>
    %add3A_233 = arith.constant 1.280000e-10 : f32
    %add3A_234 = vector.broadcast %add3A_233 : f32 to vector<16xf32>
    %add3A_235 = arith.addf %add3A_232, %add3A_234 : vector<16xf32>
    %swap3A_236 = arith.constant 32 : index
    %swap3A_237 = tpu.vector_load %arg25[%swap3A_236] {strides = array<i32>} : memref<256xf32, #tpu.memory_space<vmem>>, vector<16xf32>,
    %swap3A_238 = vector.shape_cast %swap3A_237 : vector<16xf32> to vector<16xf32>
    %swap3A_239 = vector.shape_cast %add3A_235 : vector<16xf32> to vector<16xf32>
    tpu.vector_store %arg25[%swap3A_236], %swap3A_239 {strides = array<i32>} : memref<256xf32, #tpu.memory_space<vmem>>, vector<16xf32>,
    %get3A_240 = arith.constant 48 : index
    %get3A_241 = tpu.vector_load %arg21[%get3A_240] {strides = array<i32>} : memref<256xf32, #tpu.memory_space<vmem>>, vector<16xf32>,
    %get3A_242 = vector.shape_cast %get3A_241 : vector<16xf32> to vector<16xf32>
    %get3A_243 = arith.constant 0 : i32
    %get3A_244 = arith.index_cast %get3A_243 : i32 to index
    %get3A_245 = arith.constant 48 : index
    %get3A_246 = tpu.vector_load %arg23[%get3A_244, %get3A_245] {strides = array<i32>} : memref<2x128xf32, #tpu.memory_space<vmem>>, vector<1x16xf32>,
    %get3A_247 = vector.shape_cast %get3A_246 : vector<1x16xf32> to vector<16xf32>
    %add3A_248 = arith.addf %get3A_242, %get3A_247 : vector<16xf32>
    %get3A_249 = arith.constant 48 : index
    %get3A_250 = tpu.vector_load %arg15[%get3A_249] {strides = array<i32>} : memref<256xf32, #tpu.memory_space<vmem>>, vector<16xf32>,
    %get3A_251 = vector.shape_cast %get3A_250 : vector<16xf32> to vector<16xf32>
    %mul3A_252 = arith.constant 2.000000e+00 : f32
    %mul3A_253 = vector.broadcast %mul3A_252 : f32 to vector<16xf32>
    %mul3A_254 = arith.mulf %mul3A_253, %get3A_251 : vector<16xf32>
    %sub3A_255 = arith.subf %add3A_248, %mul3A_254 : vector<16xf32>
    %swap3A_256 = arith.constant 48 : index
    %swap3A_257 = tpu.vector_load %arg26[%swap3A_256] {strides = array<i32>} : memref<256xf32, #tpu.memory_space<vmem>>, vector<16xf32>,
    %swap3A_258 = vector.shape_cast %swap3A_257 : vector<16xf32> to vector<16xf32>
    %swap3A_259 = vector.shape_cast %sub3A_255 : vector<16xf32> to vector<16xf32>
    tpu.vector_store %arg26[%swap3A_256], %swap3A_259 {strides = array<i32>} : memref<256xf32, #tpu.memory_space<vmem>>, vector<16xf32>,
    %get3A_260 = arith.constant 48 : index
    %get3A_261 = tpu.vector_load %arg22[%get3A_260] {strides = array<i32>} : memref<256xf32, #tpu.memory_space<vmem>>, vector<16xf32>,
    %get3A_262 = vector.shape_cast %get3A_261 : vector<16xf32> to vector<16xf32>
    %get3A_263 = arith.constant 0 : i32
    %get3A_264 = arith.index_cast %get3A_263 : i32 to index
    %get3A_265 = arith.constant 48 : index
    %get3A_266 = tpu.vector_load %arg24[%get3A_264, %get3A_265] {strides = array<i32>} : memref<2x128xf32, #tpu.memory_space<vmem>>, vector<1x16xf32>,
    %get3A_267 = vector.shape_cast %get3A_266 : vector<1x16xf32> to vector<16xf32>
    %sub3A_268 = arith.subf %get3A_262, %get3A_267 : vector<16xf32>
    %mul3A_269 = arith.constant 2.000000e-06 : f32
    %mul3A_270 = vector.broadcast %mul3A_269 : f32 to vector<16xf32>
    %mul3A_271 = arith.mulf %mul3A_270, %sub3A_268 : vector<16xf32>
    %add3A_272 = arith.addf %sub3A_255, %mul3A_271 : vector<16xf32>
    %add3A_273 = arith.constant 1.280000e-10 : f32
    %add3A_274 = vector.broadcast %add3A_273 : f32 to vector<16xf32>
    %add3A_275 = arith.addf %add3A_272, %add3A_274 : vector<16xf32>
    %swap3A_276 = arith.constant 48 : index
    %swap3A_277 = tpu.vector_load %arg25[%swap3A_276] {strides = array<i32>} : memref<256xf32, #tpu.memory_space<vmem>>, vector<16xf32>,
    %swap3A_278 = vector.shape_cast %swap3A_277 : vector<16xf32> to vector<16xf32>
    %swap3A_279 = vector.shape_cast %add3A_275 : vector<16xf32> to vector<16xf32>
    tpu.vector_store %arg25[%swap3A_276], %swap3A_279 {strides = array<i32>} : memref<256xf32, #tpu.memory_space<vmem>>, vector<16xf32>,
    %get3A_280 = arith.constant 64 : index
    %get3A_281 = tpu.vector_load %arg21[%get3A_280] {strides = array<i32>} : memref<256xf32, #tpu.memory_space<vmem>>, vector<16xf32>,
    %get3A_282 = vector.shape_cast %get3A_281 : vector<16xf32> to vector<16xf32>
    %get3A_283 = arith.constant 0 : i32
    %get3A_284 = arith.index_cast %get3A_283 : i32 to index
    %get3A_285 = arith.constant 64 : index
    %get3A_286 = tpu.vector_load %arg23[%get3A_284, %get3A_285] {strides = array<i32>} : memref<2x128xf32, #tpu.memory_space<vmem>>, vector<1x16xf32>,
    %get3A_287 = vector.shape_cast %get3A_286 : vector<1x16xf32> to vector<16xf32>
    %add3A_288 = arith.addf %get3A_282, %get3A_287 : vector<16xf32>
    %get3A_289 = arith.constant 64 : index
    %get3A_290 = tpu.vector_load %arg15[%get3A_289] {strides = array<i32>} : memref<256xf32, #tpu.memory_space<vmem>>, vector<16xf32>,
    %get3A_291 = vector.shape_cast %get3A_290 : vector<16xf32> to vector<16xf32>
    %mul3A_292 = arith.constant 2.000000e+00 : f32
    %mul3A_293 = vector.broadcast %mul3A_292 : f32 to vector<16xf32>
    %mul3A_294 = arith.mulf %mul3A_293, %get3A_291 : vector<16xf32>
    %sub3A_295 = arith.subf %add3A_288, %mul3A_294 : vector<16xf32>
    %swap3A_296 = arith.constant 64 : index
    %swap3A_297 = tpu.vector_load %arg26[%swap3A_296] {strides = array<i32>} : memref<256xf32, #tpu.memory_space<vmem>>, vector<16xf32>,
    %swap3A_298 = vector.shape_cast %swap3A_297 : vector<16xf32> to vector<16xf32>
    %swap3A_299 = vector.shape_cast %sub3A_295 : vector<16xf32> to vector<16xf32>
    tpu.vector_store %arg26[%swap3A_296], %swap3A_299 {strides = array<i32>} : memref<256xf32, #tpu.memory_space<vmem>>, vector<16xf32>,
    %get3A_300 = arith.constant 64 : index
    %get3A_301 = tpu.vector_load %arg22[%get3A_300] {strides = array<i32>} : memref<256xf32, #tpu.memory_space<vmem>>, vector<16xf32>,
    %get3A_302 = vector.shape_cast %get3A_301 : vector<16xf32> to vector<16xf32>
    %get3A_303 = arith.constant 0 : i32
    %get3A_304 = arith.index_cast %get3A_303 : i32 to index
    %get3A_305 = arith.constant 64 : index
    %get3A_306 = tpu.vector_load %arg24[%get3A_304, %get3A_305] {strides = array<i32>} : memref<2x128xf32, #tpu.memory_space<vmem>>, vector<1x16xf32>,
    %get3A_307 = vector.shape_cast %get3A_306 : vector<1x16xf32> to vector<16xf32>
    %sub3A_308 = arith.subf %get3A_302, %get3A_307 : vector<16xf32>
    %mul3A_309 = arith.constant 2.000000e-06 : f32
    %mul3A_310 = vector.broadcast %mul3A_309 : f32 to vector<16xf32>
    %mul3A_311 = arith.mulf %mul3A_310, %sub3A_308 : vector<16xf32>
    %add3A_312 = arith.addf %sub3A_295, %mul3A_311 : vector<16xf32>
    %add3A_313 = arith.constant 1.280000e-10 : f32
    %add3A_314 = vector.broadcast %add3A_313 : f32 to vector<16xf32>
    %add3A_315 = arith.addf %add3A_312, %add3A_314 : vector<16xf32>
    %swap3A_316 = arith.constant 64 : index
    %swap3A_317 = tpu.vector_load %arg25[%swap3A_316] {strides = array<i32>} : memref<256xf32, #tpu.memory_space<vmem>>, vector<16xf32>,
    %swap3A_318 = vector.shape_cast %swap3A_317 : vector<16xf32> to vector<16xf32>
    %swap3A_319 = vector.shape_cast %add3A_315 : vector<16xf32> to vector<16xf32>
    tpu.vector_store %arg25[%swap3A_316], %swap3A_319 {strides = array<i32>} : memref<256xf32, #tpu.memory_space<vmem>>, vector<16xf32>,
    %get3A_320 = arith.constant 80 : index
    %get3A_321 = tpu.vector_load %arg21[%get3A_320] {strides = array<i32>} : memref<256xf32, #tpu.memory_space<vmem>>, vector<16xf32>,
    %get3A_322 = vector.shape_cast %get3A_321 : vector<16xf32> to vector<16xf32>
    %get3A_323 = arith.constant 0 : i32
    %get3A_324 = arith.index_cast %get3A_323 : i32 to index
    %get3A_325 = arith.constant 80 : index
    %get3A_326 = tpu.vector_load %arg23[%get3A_324, %get3A_325] {strides = array<i32>} : memref<2x128xf32, #tpu.memory_space<vmem>>, vector<1x16xf32>,
    %get3A_327 = vector.shape_cast %get3A_326 : vector<1x16xf32> to vector<16xf32>
    %add3A_328 = arith.addf %get3A_322, %get3A_327 : vector<16xf32>
    %get3A_329 = arith.constant 80 : index
    %get3A_330 = tpu.vector_load %arg15[%get3A_329] {strides = array<i32>} : memref<256xf32, #tpu.memory_space<vmem>>, vector<16xf32>,
    %get3A_331 = vector.shape_cast %get3A_330 : vector<16xf32> to vector<16xf32>
    %mul3A_332 = arith.constant 2.000000e+00 : f32
    %mul3A_333 = vector.broadcast %mul3A_332 : f32 to vector<16xf32>
    %mul3A_334 = arith.mulf %mul3A_333, %get3A_331 : vector<16xf32>
    %sub3A_335 = arith.subf %add3A_328, %mul3A_334 : vector<16xf32>
    %swap3A_336 = arith.constant 80 : index
    %swap3A_337 = tpu.vector_load %arg26[%swap3A_336] {strides = array<i32>} : memref<256xf32, #tpu.memory_space<vmem>>, vector<16xf32>,
    %swap3A_338 = vector.shape_cast %swap3A_337 : vector<16xf32> to vector<16xf32>
    %swap3A_339 = vector.shape_cast %sub3A_335 : vector<16xf32> to vector<16xf32>
    tpu.vector_store %arg26[%swap3A_336], %swap3A_339 {strides = array<i32>} : memref<256xf32, #tpu.memory_space<vmem>>, vector<16xf32>,
    %get3A_340 = arith.constant 80 : index
    %get3A_341 = tpu.vector_load %arg22[%get3A_340] {strides = array<i32>} : memref<256xf32, #tpu.memory_space<vmem>>, vector<16xf32>,
    %get3A_342 = vector.shape_cast %get3A_341 : vector<16xf32> to vector<16xf32>
    %get3A_343 = arith.constant 0 : i32
    %get3A_344 = arith.index_cast %get3A_343 : i32 to index
    %get3A_345 = arith.constant 80 : index
    %get3A_346 = tpu.vector_load %arg24[%get3A_344, %get3A_345] {strides = array<i32>} : memref<2x128xf32, #tpu.memory_space<vmem>>, vector<1x16xf32>,
    %get3A_347 = vector.shape_cast %get3A_346 : vector<1x16xf32> to vector<16xf32>
    %sub3A_348 = arith.subf %get3A_342, %get3A_347 : vector<16xf32>
    %mul3A_349 = arith.constant 2.000000e-06 : f32
    %mul3A_350 = vector.broadcast %mul3A_349 : f32 to vector<16xf32>
    %mul3A_351 = arith.mulf %mul3A_350, %sub3A_348 : vector<16xf32>
    %add3A_352 = arith.addf %sub3A_335, %mul3A_351 : vector<16xf32>
    %add3A_353 = arith.constant 1.280000e-10 : f32
    %add3A_354 = vector.broadcast %add3A_353 : f32 to vector<16xf32>
    %add3A_355 = arith.addf %add3A_352, %add3A_354 : vector<16xf32>
    %swap3A_356 = arith.constant 80 : index
    %swap3A_357 = tpu.vector_load %arg25[%swap3A_356] {strides = array<i32>} : memref<256xf32, #tpu.memory_space<vmem>>, vector<16xf32>,
    %swap3A_358 = vector.shape_cast %swap3A_357 : vector<16xf32> to vector<16xf32>
    %swap3A_359 = vector.shape_cast %add3A_355 : vector<16xf32> to vector<16xf32>
    tpu.vector_store %arg25[%swap3A_356], %swap3A_359 {strides = array<i32>} : memref<256xf32, #tpu.memory_space<vmem>>, vector<16xf32>,
    %get3A_360 = arith.constant 96 : index
    %get3A_361 = tpu.vector_load %arg21[%get3A_360] {strides = array<i32>} : memref<256xf32, #tpu.memory_space<vmem>>, vector<16xf32>,
    %get3A_362 = vector.shape_cast %get3A_361 : vector<16xf32> to vector<16xf32>
    %get3A_363 = arith.constant 0 : i32
    %get3A_364 = arith.index_cast %get3A_363 : i32 to index
    %get3A_365 = arith.constant 96 : index
    %get3A_366 = tpu.vector_load %arg23[%get3A_364, %get3A_365] {strides = array<i32>} : memref<2x128xf32, #tpu.memory_space<vmem>>, vector<1x16xf32>,
    %get3A_367 = vector.shape_cast %get3A_366 : vector<1x16xf32> to vector<16xf32>
    %add3A_368 = arith.addf %get3A_362, %get3A_367 : vector<16xf32>
    %get3A_369 = arith.constant 96 : index
    %get3A_370 = tpu.vector_load %arg15[%get3A_369] {strides = array<i32>} : memref<256xf32, #tpu.memory_space<vmem>>, vector<16xf32>,
    %get3A_371 = vector.shape_cast %get3A_370 : vector<16xf32> to vector<16xf32>
    %mul3A_372 = arith.constant 2.000000e+00 : f32
    %mul3A_373 = vector.broadcast %mul3A_372 : f32 to vector<16xf32>
    %mul3A_374 = arith.mulf %mul3A_373, %get3A_371 : vector<16xf32>
    %sub3A_375 = arith.subf %add3A_368, %mul3A_374 : vector<16xf32>
    %swap3A_376 = arith.constant 96 : index
    %swap3A_377 = tpu.vector_load %arg26[%swap3A_376] {strides = array<i32>} : memref<256xf32, #tpu.memory_space<vmem>>, vector<16xf32>,
    %swap3A_378 = vector.shape_cast %swap3A_377 : vector<16xf32> to vector<16xf32>
    %swap3A_379 = vector.shape_cast %sub3A_375 : vector<16xf32> to vector<16xf32>
    tpu.vector_store %arg26[%swap3A_376], %swap3A_379 {strides = array<i32>} : memref<256xf32, #tpu.memory_space<vmem>>, vector<16xf32>,
    %get3A_380 = arith.constant 96 : index
    %get3A_381 = tpu.vector_load %arg22[%get3A_380] {strides = array<i32>} : memref<256xf32, #tpu.memory_space<vmem>>, vector<16xf32>,
    %get3A_382 = vector.shape_cast %get3A_381 : vector<16xf32> to vector<16xf32>
    %get3A_383 = arith.constant 0 : i32
    %get3A_384 = arith.index_cast %get3A_383 : i32 to index
    %get3A_385 = arith.constant 96 : index
    %get3A_386 = tpu.vector_load %arg24[%get3A_384, %get3A_385] {strides = array<i32>} : memref<2x128xf32, #tpu.memory_space<vmem>>, vector<1x16xf32>,
    %get3A_387 = vector.shape_cast %get3A_386 : vector<1x16xf32> to vector<16xf32>
    %sub3A_388 = arith.subf %get3A_382, %get3A_387 : vector<16xf32>
    %mul3A_389 = arith.constant 2.000000e-06 : f32
    %mul3A_390 = vector.broadcast %mul3A_389 : f32 to vector<16xf32>
    %mul3A_391 = arith.mulf %mul3A_390, %sub3A_388 : vector<16xf32>
    %add3A_392 = arith.addf %sub3A_375, %mul3A_391 : vector<16xf32>
    %add3A_393 = arith.constant 1.280000e-10 : f32
    %add3A_394 = vector.broadcast %add3A_393 : f32 to vector<16xf32>
    %add3A_395 = arith.addf %add3A_392, %add3A_394 : vector<16xf32>
    %swap3A_396 = arith.constant 96 : index
    %swap3A_397 = tpu.vector_load %arg25[%swap3A_396] {strides = array<i32>} : memref<256xf32, #tpu.memory_space<vmem>>, vector<16xf32>,
    %swap3A_398 = vector.shape_cast %swap3A_397 : vector<16xf32> to vector<16xf32>
    %swap3A_399 = vector.shape_cast %add3A_395 : vector<16xf32> to vector<16xf32>
    tpu.vector_store %arg25[%swap3A_396], %swap3A_399 {strides = array<i32>} : memref<256xf32, #tpu.memory_space<vmem>>, vector<16xf32>,
    %get3A_400 = arith.constant 112 : index
    %get3A_401 = tpu.vector_load %arg21[%get3A_400] {strides = array<i32>} : memref<256xf32, #tpu.memory_space<vmem>>, vector<16xf32>,
    %get3A_402 = vector.shape_cast %get3A_401 : vector<16xf32> to vector<16xf32>
    %get3A_403 = arith.constant 0 : i32
    %get3A_404 = arith.index_cast %get3A_403 : i32 to index
    %get3A_405 = arith.constant 112 : index
    %get3A_406 = tpu.vector_load %arg23[%get3A_404, %get3A_405] {strides = array<i32>} : memref<2x128xf32, #tpu.memory_space<vmem>>, vector<1x16xf32>,
    %get3A_407 = vector.shape_cast %get3A_406 : vector<1x16xf32> to vector<16xf32>
    %add3A_408 = arith.addf %get3A_402, %get3A_407 : vector<16xf32>
    %get3A_409 = arith.constant 112 : index
    %get3A_410 = tpu.vector_load %arg15[%get3A_409] {strides = array<i32>} : memref<256xf32, #tpu.memory_space<vmem>>, vector<16xf32>,
    %get3A_411 = vector.shape_cast %get3A_410 : vector<16xf32> to vector<16xf32>
    %mul3A_412 = arith.constant 2.000000e+00 : f32
    %mul3A_413 = vector.broadcast %mul3A_412 : f32 to vector<16xf32>
    %mul3A_414 = arith.mulf %mul3A_413, %get3A_411 : vector<16xf32>
    %sub3A_415 = arith.subf %add3A_408, %mul3A_414 : vector<16xf32>
    %swap3A_416 = arith.constant 112 : index
    %swap3A_417 = tpu.vector_load %arg26[%swap3A_416] {strides = array<i32>} : memref<256xf32, #tpu.memory_space<vmem>>, vector<16xf32>,
    %swap3A_418 = vector.shape_cast %swap3A_417 : vector<16xf32> to vector<16xf32>
    %swap3A_419 = vector.shape_cast %sub3A_415 : vector<16xf32> to vector<16xf32>
    tpu.vector_store %arg26[%swap3A_416], %swap3A_419 {strides = array<i32>} : memref<256xf32, #tpu.memory_space<vmem>>, vector<16xf32>,
    %get3A_420 = arith.constant 112 : index
    %get3A_421 = tpu.vector_load %arg22[%get3A_420] {strides = array<i32>} : memref<256xf32, #tpu.memory_space<vmem>>, vector<16xf32>,
    %get3A_422 = vector.shape_cast %get3A_421 : vector<16xf32> to vector<16xf32>
    %get3A_423 = arith.constant 0 : i32
    %get3A_424 = arith.index_cast %get3A_423 : i32 to index
    %get3A_425 = arith.constant 112 : index
    %get3A_426 = tpu.vector_load %arg24[%get3A_424, %get3A_425] {strides = array<i32>} : memref<2x128xf32, #tpu.memory_space<vmem>>, vector<1x16xf32>,
    %get3A_427 = vector.shape_cast %get3A_426 : vector<1x16xf32> to vector<16xf32>
    %sub3A_428 = arith.subf %get3A_422, %get3A_427 : vector<16xf32>
    %mul3A_429 = arith.constant 2.000000e-06 : f32
    %mul3A_430 = vector.broadcast %mul3A_429 : f32 to vector<16xf32>
    %mul3A_431 = arith.mulf %mul3A_430, %sub3A_428 : vector<16xf32>
    %add3A_432 = arith.addf %sub3A_415, %mul3A_431 : vector<16xf32>
    %add3A_433 = arith.constant 1.280000e-10 : f32
    %add3A_434 = vector.broadcast %add3A_433 : f32 to vector<16xf32>
    %add3A_435 = arith.addf %add3A_432, %add3A_434 : vector<16xf32>
    %swap3A_436 = arith.constant 112 : index
    %swap3A_437 = tpu.vector_load %arg25[%swap3A_436] {strides = array<i32>} : memref<256xf32, #tpu.memory_space<vmem>>, vector<16xf32>,
    %swap3A_438 = vector.shape_cast %swap3A_437 : vector<16xf32> to vector<16xf32>
    %swap3A_439 = vector.shape_cast %add3A_435 : vector<16xf32> to vector<16xf32>
    tpu.vector_store %arg25[%swap3A_436], %swap3A_439 {strides = array<i32>} : memref<256xf32, #tpu.memory_space<vmem>>, vector<16xf32>,
    %get3A_440 = arith.constant 128 : index
    %get3A_441 = tpu.vector_load %arg21[%get3A_440] {strides = array<i32>} : memref<256xf32, #tpu.memory_space<vmem>>, vector<16xf32>,
    %get3A_442 = vector.shape_cast %get3A_441 : vector<16xf32> to vector<16xf32>
    %get3A_443 = arith.constant 1 : i32
    %get3A_444 = arith.index_cast %get3A_443 : i32 to index
    %get3A_445 = arith.constant 0 : index
    %get3A_446 = tpu.vector_load %arg23[%get3A_444, %get3A_445] {strides = array<i32>} : memref<2x128xf32, #tpu.memory_space<vmem>>, vector<1x16xf32>,
    %get3A_447 = vector.shape_cast %get3A_446 : vector<1x16xf32> to vector<16xf32>
    %add3A_448 = arith.addf %get3A_442, %get3A_447 : vector<16xf32>
    %get3A_449 = arith.constant 128 : index
    %get3A_450 = tpu.vector_load %arg15[%get3A_449] {strides = array<i32>} : memref<256xf32, #tpu.memory_space<vmem>>, vector<16xf32>,
    %get3A_451 = vector.shape_cast %get3A_450 : vector<16xf32> to vector<16xf32>
    %mul3A_452 = arith.constant 2.000000e+00 : f32
    %mul3A_453 = vector.broadcast %mul3A_452 : f32 to vector<16xf32>
    %mul3A_454 = arith.mulf %mul3A_453, %get3A_451 : vector<16xf32>
    %sub3A_455 = arith.subf %add3A_448, %mul3A_454 : vector<16xf32>
    %swap3A_456 = arith.constant 128 : index
    %swap3A_457 = tpu.vector_load %arg26[%swap3A_456] {strides = array<i32>} : memref<256xf32, #tpu.memory_space<vmem>>, vector<16xf32>,
    %swap3A_458 = vector.shape_cast %swap3A_457 : vector<16xf32> to vector<16xf32>
    %swap3A_459 = vector.shape_cast %sub3A_455 : vector<16xf32> to vector<16xf32>
    tpu.vector_store %arg26[%swap3A_456], %swap3A_459 {strides = array<i32>} : memref<256xf32, #tpu.memory_space<vmem>>, vector<16xf32>,
    %get3A_460 = arith.constant 128 : index
    %get3A_461 = tpu.vector_load %arg22[%get3A_460] {strides = array<i32>} : memref<256xf32, #tpu.memory_space<vmem>>, vector<16xf32>,
    %get3A_462 = vector.shape_cast %get3A_461 : vector<16xf32> to vector<16xf32>
    %get3A_463 = arith.constant 1 : i32
    %get3A_464 = arith.index_cast %get3A_463 : i32 to index
    %get3A_465 = arith.constant 0 : index
    %get3A_466 = tpu.vector_load %arg24[%get3A_464, %get3A_465] {strides = array<i32>} : memref<2x128xf32, #tpu.memory_space<vmem>>, vector<1x16xf32>,
    %get3A_467 = vector.shape_cast %get3A_466 : vector<1x16xf32> to vector<16xf32>
    %sub3A_468 = arith.subf %get3A_462, %get3A_467 : vector<16xf32>
    %mul3A_469 = arith.constant 2.000000e-06 : f32
    %mul3A_470 = vector.broadcast %mul3A_469 : f32 to vector<16xf32>
    %mul3A_471 = arith.mulf %mul3A_470, %sub3A_468 : vector<16xf32>
    %add3A_472 = arith.addf %sub3A_455, %mul3A_471 : vector<16xf32>
    %add3A_473 = arith.constant 1.280000e-10 : f32
    %add3A_474 = vector.broadcast %add3A_473 : f32 to vector<16xf32>
    %add3A_475 = arith.addf %add3A_472, %add3A_474 : vector<16xf32>
    %swap3A_476 = arith.constant 128 : index
    %swap3A_477 = tpu.vector_load %arg25[%swap3A_476] {strides = array<i32>} : memref<256xf32, #tpu.memory_space<vmem>>, vector<16xf32>,
    %swap3A_478 = vector.shape_cast %swap3A_477 : vector<16xf32> to vector<16xf32>
    %swap3A_479 = vector.shape_cast %add3A_475 : vector<16xf32> to vector<16xf32>
    tpu.vector_store %arg25[%swap3A_476], %swap3A_479 {strides = array<i32>} : memref<256xf32, #tpu.memory_space<vmem>>, vector<16xf32>,
    %get3A_480 = arith.constant 144 : index
    %get3A_481 = tpu.vector_load %arg21[%get3A_480] {strides = array<i32>} : memref<256xf32, #tpu.memory_space<vmem>>, vector<16xf32>,
    %get3A_482 = vector.shape_cast %get3A_481 : vector<16xf32> to vector<16xf32>
    %get3A_483 = arith.constant 1 : i32
    %get3A_484 = arith.index_cast %get3A_483 : i32 to index
    %get3A_485 = arith.constant 16 : index
    %get3A_486 = tpu.vector_load %arg23[%get3A_484, %get3A_485] {strides = array<i32>} : memref<2x128xf32, #tpu.memory_space<vmem>>, vector<1x16xf32>,
    %get3A_487 = vector.shape_cast %get3A_486 : vector<1x16xf32> to vector<16xf32>
    %add3A_488 = arith.addf %get3A_482, %get3A_487 : vector<16xf32>
    %get3A_489 = arith.constant 144 : index
    %get3A_490 = tpu.vector_load %arg15[%get3A_489] {strides = array<i32>} : memref<256xf32, #tpu.memory_space<vmem>>, vector<16xf32>,
    %get3A_491 = vector.shape_cast %get3A_490 : vector<16xf32> to vector<16xf32>
    %mul3A_492 = arith.constant 2.000000e+00 : f32
    %mul3A_493 = vector.broadcast %mul3A_492 : f32 to vector<16xf32>
    %mul3A_494 = arith.mulf %mul3A_493, %get3A_491 : vector<16xf32>
    %sub3A_495 = arith.subf %add3A_488, %mul3A_494 : vector<16xf32>
    %swap3A_496 = arith.constant 144 : index
    %swap3A_497 = tpu.vector_load %arg26[%swap3A_496] {strides = array<i32>} : memref<256xf32, #tpu.memory_space<vmem>>, vector<16xf32>,
    %swap3A_498 = vector.shape_cast %swap3A_497 : vector<16xf32> to vector<16xf32>
    %swap3A_499 = vector.shape_cast %sub3A_495 : vector<16xf32> to vector<16xf32>
    tpu.vector_store %arg26[%swap3A_496], %swap3A_499 {strides = array<i32>} : memref<256xf32, #tpu.memory_space<vmem>>, vector<16xf32>,
    %get3A_500 = arith.constant 144 : index
    %get3A_501 = tpu.vector_load %arg22[%get3A_500] {strides = array<i32>} : memref<256xf32, #tpu.memory_space<vmem>>, vector<16xf32>,
    %get3A_502 = vector.shape_cast %get3A_501 : vector<16xf32> to vector<16xf32>
    %get3A_503 = arith.constant 1 : i32
    %get3A_504 = arith.index_cast %get3A_503 : i32 to index
    %get3A_505 = arith.constant 16 : index
    %get3A_506 = tpu.vector_load %arg24[%get3A_504, %get3A_505] {strides = array<i32>} : memref<2x128xf32, #tpu.memory_space<vmem>>, vector<1x16xf32>,
    %get3A_507 = vector.shape_cast %get3A_506 : vector<1x16xf32> to vector<16xf32>
    %sub3A_508 = arith.subf %get3A_502, %get3A_507 : vector<16xf32>
    %mul3A_509 = arith.constant 2.000000e-06 : f32
    %mul3A_510 = vector.broadcast %mul3A_509 : f32 to vector<16xf32>
    %mul3A_511 = arith.mulf %mul3A_510, %sub3A_508 : vector<16xf32>
    %add3A_512 = arith.addf %sub3A_495, %mul3A_511 : vector<16xf32>
    %add3A_513 = arith.constant 1.280000e-10 : f32
    %add3A_514 = vector.broadcast %add3A_513 : f32 to vector<16xf32>
    %add3A_515 = arith.addf %add3A_512, %add3A_514 : vector<16xf32>
    %swap3A_516 = arith.constant 144 : index
    %swap3A_517 = tpu.vector_load %arg25[%swap3A_516] {strides = array<i32>} : memref<256xf32, #tpu.memory_space<vmem>>, vector<16xf32>,
    %swap3A_518 = vector.shape_cast %swap3A_517 : vector<16xf32> to vector<16xf32>
    %swap3A_519 = vector.shape_cast %add3A_515 : vector<16xf32> to vector<16xf32>
    tpu.vector_store %arg25[%swap3A_516], %swap3A_519 {strides = array<i32>} : memref<256xf32, #tpu.memory_space<vmem>>, vector<16xf32>,
    %get3A_520 = arith.constant 160 : index
    %get3A_521 = tpu.vector_load %arg21[%get3A_520] {strides = array<i32>} : memref<256xf32, #tpu.memory_space<vmem>>, vector<16xf32>,
    %get3A_522 = vector.shape_cast %get3A_521 : vector<16xf32> to vector<16xf32>
    %get3A_523 = arith.constant 1 : i32
    %get3A_524 = arith.index_cast %get3A_523 : i32 to index
    %get3A_525 = arith.constant 32 : index
    %get3A_526 = tpu.vector_load %arg23[%get3A_524, %get3A_525] {strides = array<i32>} : memref<2x128xf32, #tpu.memory_space<vmem>>, vector<1x16xf32>,
    %get3A_527 = vector.shape_cast %get3A_526 : vector<1x16xf32> to vector<16xf32>
    %add3A_528 = arith.addf %get3A_522, %get3A_527 : vector<16xf32>
    %get3A_529 = arith.constant 160 : index
    %get3A_530 = tpu.vector_load %arg15[%get3A_529] {strides = array<i32>} : memref<256xf32, #tpu.memory_space<vmem>>, vector<16xf32>,
    %get3A_531 = vector.shape_cast %get3A_530 : vector<16xf32> to vector<16xf32>
    %mul3A_532 = arith.constant 2.000000e+00 : f32
    %mul3A_533 = vector.broadcast %mul3A_532 : f32 to vector<16xf32>
    %mul3A_534 = arith.mulf %mul3A_533, %get3A_531 : vector<16xf32>
    %sub3A_535 = arith.subf %add3A_528, %mul3A_534 : vector<16xf32>
    %swap3A_536 = arith.constant 160 : index
    %swap3A_537 = tpu.vector_load %arg26[%swap3A_536] {strides = array<i32>} : memref<256xf32, #tpu.memory_space<vmem>>, vector<16xf32>,
    %swap3A_538 = vector.shape_cast %swap3A_537 : vector<16xf32> to vector<16xf32>
    %swap3A_539 = vector.shape_cast %sub3A_535 : vector<16xf32> to vector<16xf32>
    tpu.vector_store %arg26[%swap3A_536], %swap3A_539 {strides = array<i32>} : memref<256xf32, #tpu.memory_space<vmem>>, vector<16xf32>,
    %get3A_540 = arith.constant 160 : index
    %get3A_541 = tpu.vector_load %arg22[%get3A_540] {strides = array<i32>} : memref<256xf32, #tpu.memory_space<vmem>>, vector<16xf32>,
    %get3A_542 = vector.shape_cast %get3A_541 : vector<16xf32> to vector<16xf32>
    %get3A_543 = arith.constant 1 : i32
    %get3A_544 = arith.index_cast %get3A_543 : i32 to index
    %get3A_545 = arith.constant 32 : index
    %get3A_546 = tpu.vector_load %arg24[%get3A_544, %get3A_545] {strides = array<i32>} : memref<2x128xf32, #tpu.memory_space<vmem>>, vector<1x16xf32>,
    %get3A_547 = vector.shape_cast %get3A_546 : vector<1x16xf32> to vector<16xf32>
    %sub3A_548 = arith.subf %get3A_542, %get3A_547 : vector<16xf32>
    %mul3A_549 = arith.constant 2.000000e-06 : f32
    %mul3A_550 = vector.broadcast %mul3A_549 : f32 to vector<16xf32>
    %mul3A_551 = arith.mulf %mul3A_550, %sub3A_548 : vector<16xf32>
    %add3A_552 = arith.addf %sub3A_535, %mul3A_551 : vector<16xf32>
    %add3A_553 = arith.constant 1.280000e-10 : f32
    %add3A_554 = vector.broadcast %add3A_553 : f32 to vector<16xf32>
    %add3A_555 = arith.addf %add3A_552, %add3A_554 : vector<16xf32>
    %swap3A_556 = arith.constant 160 : index
    %swap3A_557 = tpu.vector_load %arg25[%swap3A_556] {strides = array<i32>} : memref<256xf32, #tpu.memory_space<vmem>>, vector<16xf32>,
    %swap3A_558 = vector.shape_cast %swap3A_557 : vector<16xf32> to vector<16xf32>
    %swap3A_559 = vector.shape_cast %add3A_555 : vector<16xf32> to vector<16xf32>
    tpu.vector_store %arg25[%swap3A_556], %swap3A_559 {strides = array<i32>} : memref<256xf32, #tpu.memory_space<vmem>>, vector<16xf32>,
    %get3A_560 = arith.constant 176 : index
    %get3A_561 = tpu.vector_load %arg21[%get3A_560] {strides = array<i32>} : memref<256xf32, #tpu.memory_space<vmem>>, vector<16xf32>,
    %get3A_562 = vector.shape_cast %get3A_561 : vector<16xf32> to vector<16xf32>
    %get3A_563 = arith.constant 1 : i32
    %get3A_564 = arith.index_cast %get3A_563 : i32 to index
    %get3A_565 = arith.constant 48 : index
    %get3A_566 = tpu.vector_load %arg23[%get3A_564, %get3A_565] {strides = array<i32>} : memref<2x128xf32, #tpu.memory_space<vmem>>, vector<1x16xf32>,
    %get3A_567 = vector.shape_cast %get3A_566 : vector<1x16xf32> to vector<16xf32>
    %add3A_568 = arith.addf %get3A_562, %get3A_567 : vector<16xf32>
    %get3A_569 = arith.constant 176 : index
    %get3A_570 = tpu.vector_load %arg15[%get3A_569] {strides = array<i32>} : memref<256xf32, #tpu.memory_space<vmem>>, vector<16xf32>,
    %get3A_571 = vector.shape_cast %get3A_570 : vector<16xf32> to vector<16xf32>
    %mul3A_572 = arith.constant 2.000000e+00 : f32
    %mul3A_573 = vector.broadcast %mul3A_572 : f32 to vector<16xf32>
    %mul3A_574 = arith.mulf %mul3A_573, %get3A_571 : vector<16xf32>
    %sub3A_575 = arith.subf %add3A_568, %mul3A_574 : vector<16xf32>
    %swap3A_576 = arith.constant 176 : index
    %swap3A_577 = tpu.vector_load %arg26[%swap3A_576] {strides = array<i32>} : memref<256xf32, #tpu.memory_space<vmem>>, vector<16xf32>,
    %swap3A_578 = vector.shape_cast %swap3A_577 : vector<16xf32> to vector<16xf32>
    %swap3A_579 = vector.shape_cast %sub3A_575 : vector<16xf32> to vector<16xf32>
    tpu.vector_store %arg26[%swap3A_576], %swap3A_579 {strides = array<i32>} : memref<256xf32, #tpu.memory_space<vmem>>, vector<16xf32>,
    %get3A_580 = arith.constant 176 : index
    %get3A_581 = tpu.vector_load %arg22[%get3A_580] {strides = array<i32>} : memref<256xf32, #tpu.memory_space<vmem>>, vector<16xf32>,
    %get3A_582 = vector.shape_cast %get3A_581 : vector<16xf32> to vector<16xf32>
    %get3A_583 = arith.constant 1 : i32
    %get3A_584 = arith.index_cast %get3A_583 : i32 to index
    %get3A_585 = arith.constant 48 : index
    %get3A_586 = tpu.vector_load %arg24[%get3A_584, %get3A_585] {strides = array<i32>} : memref<2x128xf32, #tpu.memory_space<vmem>>, vector<1x16xf32>,
    %get3A_587 = vector.shape_cast %get3A_586 : vector<1x16xf32> to vector<16xf32>
    %sub3A_588 = arith.subf %get3A_582, %get3A_587 : vector<16xf32>
    %mul3A_589 = arith.constant 2.000000e-06 : f32
    %mul3A_590 = vector.broadcast %mul3A_589 : f32 to vector<16xf32>
    %mul3A_591 = arith.mulf %mul3A_590, %sub3A_588 : vector<16xf32>
    %add3A_592 = arith.addf %sub3A_575, %mul3A_591 : vector<16xf32>
    %add3A_593 = arith.constant 1.280000e-10 : f32
    %add3A_594 = vector.broadcast %add3A_593 : f32 to vector<16xf32>
    %add3A_595 = arith.addf %add3A_592, %add3A_594 : vector<16xf32>
    %swap3A_596 = arith.constant 176 : index
    %swap3A_597 = tpu.vector_load %arg25[%swap3A_596] {strides = array<i32>} : memref<256xf32, #tpu.memory_space<vmem>>, vector<16xf32>,
    %swap3A_598 = vector.shape_cast %swap3A_597 : vector<16xf32> to vector<16xf32>
    %swap3A_599 = vector.shape_cast %add3A_595 : vector<16xf32> to vector<16xf32>
    tpu.vector_store %arg25[%swap3A_596], %swap3A_599 {strides = array<i32>} : memref<256xf32, #tpu.memory_space<vmem>>, vector<16xf32>,
    %get3A_600 = arith.constant 192 : index
    %get3A_601 = tpu.vector_load %arg21[%get3A_600] {strides = array<i32>} : memref<256xf32, #tpu.memory_space<vmem>>, vector<16xf32>,
    %get3A_602 = vector.shape_cast %get3A_601 : vector<16xf32> to vector<16xf32>
    %get3A_603 = arith.constant 1 : i32
    %get3A_604 = arith.index_cast %get3A_603 : i32 to index
    %get3A_605 = arith.constant 64 : index
    %get3A_606 = tpu.vector_load %arg23[%get3A_604, %get3A_605] {strides = array<i32>} : memref<2x128xf32, #tpu.memory_space<vmem>>, vector<1x16xf32>,
    %get3A_607 = vector.shape_cast %get3A_606 : vector<1x16xf32> to vector<16xf32>
    %add3A_608 = arith.addf %get3A_602, %get3A_607 : vector<16xf32>
    %get3A_609 = arith.constant 192 : index
    %get3A_610 = tpu.vector_load %arg15[%get3A_609] {strides = array<i32>} : memref<256xf32, #tpu.memory_space<vmem>>, vector<16xf32>,
    %get3A_611 = vector.shape_cast %get3A_610 : vector<16xf32> to vector<16xf32>
    %mul3A_612 = arith.constant 2.000000e+00 : f32
    %mul3A_613 = vector.broadcast %mul3A_612 : f32 to vector<16xf32>
    %mul3A_614 = arith.mulf %mul3A_613, %get3A_611 : vector<16xf32>
    %sub3A_615 = arith.subf %add3A_608, %mul3A_614 : vector<16xf32>
    %swap3A_616 = arith.constant 192 : index
    %swap3A_617 = tpu.vector_load %arg26[%swap3A_616] {strides = array<i32>} : memref<256xf32, #tpu.memory_space<vmem>>, vector<16xf32>,
    %swap3A_618 = vector.shape_cast %swap3A_617 : vector<16xf32> to vector<16xf32>
    %swap3A_619 = vector.shape_cast %sub3A_615 : vector<16xf32> to vector<16xf32>
    tpu.vector_store %arg26[%swap3A_616], %swap3A_619 {strides = array<i32>} : memref<256xf32, #tpu.memory_space<vmem>>, vector<16xf32>,
    %get3A_620 = arith.constant 192 : index
    %get3A_621 = tpu.vector_load %arg22[%get3A_620] {strides = array<i32>} : memref<256xf32, #tpu.memory_space<vmem>>, vector<16xf32>,
    %get3A_622 = vector.shape_cast %get3A_621 : vector<16xf32> to vector<16xf32>
    %get3A_623 = arith.constant 1 : i32
    %get3A_624 = arith.index_cast %get3A_623 : i32 to index
    %get3A_625 = arith.constant 64 : index
    %get3A_626 = tpu.vector_load %arg24[%get3A_624, %get3A_625] {strides = array<i32>} : memref<2x128xf32, #tpu.memory_space<vmem>>, vector<1x16xf32>,
    %get3A_627 = vector.shape_cast %get3A_626 : vector<1x16xf32> to vector<16xf32>
    %sub3A_628 = arith.subf %get3A_622, %get3A_627 : vector<16xf32>
    %mul3A_629 = arith.constant 2.000000e-06 : f32
    %mul3A_630 = vector.broadcast %mul3A_629 : f32 to vector<16xf32>
    %mul3A_631 = arith.mulf %mul3A_630, %sub3A_628 : vector<16xf32>
    %add3A_632 = arith.addf %sub3A_615, %mul3A_631 : vector<16xf32>
    %add3A_633 = arith.constant 1.280000e-10 : f32
    %add3A_634 = vector.broadcast %add3A_633 : f32 to vector<16xf32>
    %add3A_635 = arith.addf %add3A_632, %add3A_634 : vector<16xf32>
    %swap3A_636 = arith.constant 192 : index
    %swap3A_637 = tpu.vector_load %arg25[%swap3A_636] {strides = array<i32>} : memref<256xf32, #tpu.memory_space<vmem>>, vector<16xf32>,
    %swap3A_638 = vector.shape_cast %swap3A_637 : vector<16xf32> to vector<16xf32>
    %swap3A_639 = vector.shape_cast %add3A_635 : vector<16xf32> to vector<16xf32>
    tpu.vector_store %arg25[%swap3A_636], %swap3A_639 {strides = array<i32>} : memref<256xf32, #tpu.memory_space<vmem>>, vector<16xf32>,
    %get3A_640 = arith.constant 208 : index
    %get3A_641 = tpu.vector_load %arg21[%get3A_640] {strides = array<i32>} : memref<256xf32, #tpu.memory_space<vmem>>, vector<16xf32>,
    %get3A_642 = vector.shape_cast %get3A_641 : vector<16xf32> to vector<16xf32>
    %get3A_643 = arith.constant 1 : i32
    %get3A_644 = arith.index_cast %get3A_643 : i32 to index
    %get3A_645 = arith.constant 80 : index
    %get3A_646 = tpu.vector_load %arg23[%get3A_644, %get3A_645] {strides = array<i32>} : memref<2x128xf32, #tpu.memory_space<vmem>>, vector<1x16xf32>,
    %get3A_647 = vector.shape_cast %get3A_646 : vector<1x16xf32> to vector<16xf32>
    %add3A_648 = arith.addf %get3A_642, %get3A_647 : vector<16xf32>
    %get3A_649 = arith.constant 208 : index
    %get3A_650 = tpu.vector_load %arg15[%get3A_649] {strides = array<i32>} : memref<256xf32, #tpu.memory_space<vmem>>, vector<16xf32>,
    %get3A_651 = vector.shape_cast %get3A_650 : vector<16xf32> to vector<16xf32>
    %mul3A_652 = arith.constant 2.000000e+00 : f32
    %mul3A_653 = vector.broadcast %mul3A_652 : f32 to vector<16xf32>
    %mul3A_654 = arith.mulf %mul3A_653, %get3A_651 : vector<16xf32>
    %sub3A_655 = arith.subf %add3A_648, %mul3A_654 : vector<16xf32>
    %swap3A_656 = arith.constant 208 : index
    %swap3A_657 = tpu.vector_load %arg26[%swap3A_656] {strides = array<i32>} : memref<256xf32, #tpu.memory_space<vmem>>, vector<16xf32>,
    %swap3A_658 = vector.shape_cast %swap3A_657 : vector<16xf32> to vector<16xf32>
    %swap3A_659 = vector.shape_cast %sub3A_655 : vector<16xf32> to vector<16xf32>
    tpu.vector_store %arg26[%swap3A_656], %swap3A_659 {strides = array<i32>} : memref<256xf32, #tpu.memory_space<vmem>>, vector<16xf32>,
    %get3A_660 = arith.constant 208 : index
    %get3A_661 = tpu.vector_load %arg22[%get3A_660] {strides = array<i32>} : memref<256xf32, #tpu.memory_space<vmem>>, vector<16xf32>,
    %get3A_662 = vector.shape_cast %get3A_661 : vector<16xf32> to vector<16xf32>
    %get3A_663 = arith.constant 1 : i32
    %get3A_664 = arith.index_cast %get3A_663 : i32 to index
    %get3A_665 = arith.constant 80 : index
    %get3A_666 = tpu.vector_load %arg24[%get3A_664, %get3A_665] {strides = array<i32>} : memref<2x128xf32, #tpu.memory_space<vmem>>, vector<1x16xf32>,
    %get3A_667 = vector.shape_cast %get3A_666 : vector<1x16xf32> to vector<16xf32>
    %sub3A_668 = arith.subf %get3A_662, %get3A_667 : vector<16xf32>
    %mul3A_669 = arith.constant 2.000000e-06 : f32
    %mul3A_670 = vector.broadcast %mul3A_669 : f32 to vector<16xf32>
    %mul3A_671 = arith.mulf %mul3A_670, %sub3A_668 : vector<16xf32>
    %add3A_672 = arith.addf %sub3A_655, %mul3A_671 : vector<16xf32>
    %add3A_673 = arith.constant 1.280000e-10 : f32
    %add3A_674 = vector.broadcast %add3A_673 : f32 to vector<16xf32>
    %add3A_675 = arith.addf %add3A_672, %add3A_674 : vector<16xf32>
    %swap3A_676 = arith.constant 208 : index
    %swap3A_677 = tpu.vector_load %arg25[%swap3A_676] {strides = array<i32>} : memref<256xf32, #tpu.memory_space<vmem>>, vector<16xf32>,
    %swap3A_678 = vector.shape_cast %swap3A_677 : vector<16xf32> to vector<16xf32>
    %swap3A_679 = vector.shape_cast %add3A_675 : vector<16xf32> to vector<16xf32>
    tpu.vector_store %arg25[%swap3A_676], %swap3A_679 {strides = array<i32>} : memref<256xf32, #tpu.memory_space<vmem>>, vector<16xf32>,
    %get3A_680 = arith.constant 224 : index
    %get3A_681 = tpu.vector_load %arg21[%get3A_680] {strides = array<i32>} : memref<256xf32, #tpu.memory_space<vmem>>, vector<16xf32>,
    %get3A_682 = vector.shape_cast %get3A_681 : vector<16xf32> to vector<16xf32>
    %get3A_683 = arith.constant 1 : i32
    %get3A_684 = arith.index_cast %get3A_683 : i32 to index
    %get3A_685 = arith.constant 96 : index
    %get3A_686 = tpu.vector_load %arg23[%get3A_684, %get3A_685] {strides = array<i32>} : memref<2x128xf32, #tpu.memory_space<vmem>>, vector<1x16xf32>,
    %get3A_687 = vector.shape_cast %get3A_686 : vector<1x16xf32> to vector<16xf32>
    %add3A_688 = arith.addf %get3A_682, %get3A_687 : vector<16xf32>
    %get3A_689 = arith.constant 224 : index
    %get3A_690 = tpu.vector_load %arg15[%get3A_689] {strides = array<i32>} : memref<256xf32, #tpu.memory_space<vmem>>, vector<16xf32>,
    %get3A_691 = vector.shape_cast %get3A_690 : vector<16xf32> to vector<16xf32>
    %mul3A_692 = arith.constant 2.000000e+00 : f32
    %mul3A_693 = vector.broadcast %mul3A_692 : f32 to vector<16xf32>
    %mul3A_694 = arith.mulf %mul3A_693, %get3A_691 : vector<16xf32>
    %sub3A_695 = arith.subf %add3A_688, %mul3A_694 : vector<16xf32>
    %swap3A_696 = arith.constant 224 : index
    %swap3A_697 = tpu.vector_load %arg26[%swap3A_696] {strides = array<i32>} : memref<256xf32, #tpu.memory_space<vmem>>, vector<16xf32>,
    %swap3A_698 = vector.shape_cast %swap3A_697 : vector<16xf32> to vector<16xf32>
    %swap3A_699 = vector.shape_cast %sub3A_695 : vector<16xf32> to vector<16xf32>
    tpu.vector_store %arg26[%swap3A_696], %swap3A_699 {strides = array<i32>} : memref<256xf32, #tpu.memory_space<vmem>>, vector<16xf32>,
    %get3A_700 = arith.constant 224 : index
    %get3A_701 = tpu.vector_load %arg22[%get3A_700] {strides = array<i32>} : memref<256xf32, #tpu.memory_space<vmem>>, vector<16xf32>,
    %get3A_702 = vector.shape_cast %get3A_701 : vector<16xf32> to vector<16xf32>
    %get3A_703 = arith.constant 1 : i32
    %get3A_704 = arith.index_cast %get3A_703 : i32 to index
    %get3A_705 = arith.constant 96 : index
    %get3A_706 = tpu.vector_load %arg24[%get3A_704, %get3A_705] {strides = array<i32>} : memref<2x128xf32, #tpu.memory_space<vmem>>, vector<1x16xf32>,
    %get3A_707 = vector.shape_cast %get3A_706 : vector<1x16xf32> to vector<16xf32>
    %sub3A_708 = arith.subf %get3A_702, %get3A_707 : vector<16xf32>
    %mul3A_709 = arith.constant 2.000000e-06 : f32
    %mul3A_710 = vector.broadcast %mul3A_709 : f32 to vector<16xf32>
    %mul3A_711 = arith.mulf %mul3A_710, %sub3A_708 : vector<16xf32>
    %add3A_712 = arith.addf %sub3A_695, %mul3A_711 : vector<16xf32>
    %add3A_713 = arith.constant 1.280000e-10 : f32
    %add3A_714 = vector.broadcast %add3A_713 : f32 to vector<16xf32>
    %add3A_715 = arith.addf %add3A_712, %add3A_714 : vector<16xf32>
    %swap3A_716 = arith.constant 224 : index
    %swap3A_717 = tpu.vector_load %arg25[%swap3A_716] {strides = array<i32>} : memref<256xf32, #tpu.memory_space<vmem>>, vector<16xf32>,
    %swap3A_718 = vector.shape_cast %swap3A_717 : vector<16xf32> to vector<16xf32>
    %swap3A_719 = vector.shape_cast %add3A_715 : vector<16xf32> to vector<16xf32>
    tpu.vector_store %arg25[%swap3A_716], %swap3A_719 {strides = array<i32>} : memref<256xf32, #tpu.memory_space<vmem>>, vector<16xf32>,
    %get3A_720 = arith.constant 240 : index
    %get3A_721 = tpu.vector_load %arg21[%get3A_720] {strides = array<i32>} : memref<256xf32, #tpu.memory_space<vmem>>, vector<16xf32>,
    %get3A_722 = vector.shape_cast %get3A_721 : vector<16xf32> to vector<16xf32>
    %get3A_723 = arith.constant 1 : i32
    %get3A_724 = arith.index_cast %get3A_723 : i32 to index
    %get3A_725 = arith.constant 112 : index
    %get3A_726 = tpu.vector_load %arg23[%get3A_724, %get3A_725] {strides = array<i32>} : memref<2x128xf32, #tpu.memory_space<vmem>>, vector<1x16xf32>,
    %get3A_727 = vector.shape_cast %get3A_726 : vector<1x16xf32> to vector<16xf32>
    %add3A_728 = arith.addf %get3A_722, %get3A_727 : vector<16xf32>
    %get3A_729 = arith.constant 240 : index
    %get3A_730 = tpu.vector_load %arg15[%get3A_729] {strides = array<i32>} : memref<256xf32, #tpu.memory_space<vmem>>, vector<16xf32>,
    %get3A_731 = vector.shape_cast %get3A_730 : vector<16xf32> to vector<16xf32>
    %mul3A_732 = arith.constant 2.000000e+00 : f32
    %mul3A_733 = vector.broadcast %mul3A_732 : f32 to vector<16xf32>
    %mul3A_734 = arith.mulf %mul3A_733, %get3A_731 : vector<16xf32>
    %sub3A_735 = arith.subf %add3A_728, %mul3A_734 : vector<16xf32>
    %swap3A_736 = arith.constant 240 : index
    %swap3A_737 = tpu.vector_load %arg26[%swap3A_736] {strides = array<i32>} : memref<256xf32, #tpu.memory_space<vmem>>, vector<16xf32>,
    %swap3A_738 = vector.shape_cast %swap3A_737 : vector<16xf32> to vector<16xf32>
    %swap3A_739 = vector.shape_cast %sub3A_735 : vector<16xf32> to vector<16xf32>
    tpu.vector_store %arg26[%swap3A_736], %swap3A_739 {strides = array<i32>} : memref<256xf32, #tpu.memory_space<vmem>>, vector<16xf32>,
    %get3A_740 = arith.constant 240 : index
    %get3A_741 = tpu.vector_load %arg22[%get3A_740] {strides = array<i32>} : memref<256xf32, #tpu.memory_space<vmem>>, vector<16xf32>,
    %get3A_742 = vector.shape_cast %get3A_741 : vector<16xf32> to vector<16xf32>
    %get3A_743 = arith.constant 1 : i32
    %get3A_744 = arith.index_cast %get3A_743 : i32 to index
    %get3A_745 = arith.constant 112 : index
    %get3A_746 = tpu.vector_load %arg24[%get3A_744, %get3A_745] {strides = array<i32>} : memref<2x128xf32, #tpu.memory_space<vmem>>, vector<1x16xf32>,
    %get3A_747 = vector.shape_cast %get3A_746 : vector<1x16xf32> to vector<16xf32>
    %sub3A_748 = arith.subf %get3A_742, %get3A_747 : vector<16xf32>
    %mul3A_749 = arith.constant 2.000000e-06 : f32
    %mul3A_750 = vector.broadcast %mul3A_749 : f32 to vector<16xf32>
    %mul3A_751 = arith.mulf %mul3A_750, %sub3A_748 : vector<16xf32>
    %add3A_752 = arith.addf %sub3A_735, %mul3A_751 : vector<16xf32>
    %add3A_753 = arith.constant 1.280000e-10 : f32
    %add3A_754 = vector.broadcast %add3A_753 : f32 to vector<16xf32>
    %add3A_755 = arith.addf %add3A_752, %add3A_754 : vector<16xf32>
    %swap3A_756 = arith.constant 240 : index
    %swap3A_757 = tpu.vector_load %arg25[%swap3A_756] {strides = array<i32>} : memref<256xf32, #tpu.memory_space<vmem>>, vector<16xf32>,
    %swap3A_758 = vector.shape_cast %swap3A_757 : vector<16xf32> to vector<16xf32>
    %swap3A_759 = vector.shape_cast %add3A_755 : vector<16xf32> to vector<16xf32>
    tpu.vector_store %arg25[%swap3A_756], %swap3A_759 {strides = array<i32>} : memref<256xf32, #tpu.memory_space<vmem>>, vector<16xf32>,
    "tpu.region"() ({
      %run_scoped3A_1034 = tpu.sem_alloc : memref<!tpu.dma_semaphore, #tpu.memory_space<semaphore_mem>>
      %dma_start3A_1035 = tpu.memref_slice %arg12[%mul3A_2] : memref<8192xf32, #tpu.memory_space<hbm>> -> memref<256xf32, #tpu.memory_space<hbm>>
      %dma_start3A_1036 = tpu.memref_slice %arg12[%mul3A_2] : memref<8192xf32, #tpu.memory_space<hbm>> -> memref<256xf32, #tpu.memory_space<hbm>>
      tpu.enqueue_dma source(%arg26 : memref<256xf32, #tpu.memory_space<vmem>>) target(%dma_start3A_1036 : memref<256xf32, #tpu.memory_space<hbm>>) target_semaphore(%run_scoped3A_1034 : memref<!tpu.dma_semaphore, #tpu.memory_space<semaphore_mem>>)
      %dma_wait3A_1037 = tpu.memref_slice %arg12[%mul3A_2] : memref<8192xf32, #tpu.memory_space<hbm>> -> memref<256xf32, #tpu.memory_space<hbm>>
      %dma_wait3A_1038 = tpu.memref_slice %arg12[%mul3A_2] : memref<8192xf32, #tpu.memory_space<hbm>> -> memref<256xf32, #tpu.memory_space<hbm>>
      tpu.wait_dma2 semaphore(%run_scoped3A_1034 : memref<!tpu.dma_semaphore, #tpu.memory_space<semaphore_mem>>) src(%arg26 : memref<256xf32, #tpu.memory_space<vmem>>) dst(%dma_wait3A_1038 : memref<256xf32, #tpu.memory_space<hbm>>)
      tpu.yield
    }) : () -> ()
    "tpu.region"() ({
      %run_scoped3A_1034 = tpu.sem_alloc : memref<!tpu.dma_semaphore, #tpu.memory_space<semaphore_mem>>
      %dma_start3A_1035 = tpu.memref_slice %arg11[%mul3A_2] : memref<8192xf32, #tpu.memory_space<hbm>> -> memref<256xf32, #tpu.memory_space<hbm>>
      %dma_start3A_1036 = tpu.memref_slice %arg11[%mul3A_2] : memref<8192xf32, #tpu.memory_space<hbm>> -> memref<256xf32, #tpu.memory_space<hbm>>
      tpu.enqueue_dma source(%arg25 : memref<256xf32, #tpu.memory_space<vmem>>) target(%dma_start3A_1036 : memref<256xf32, #tpu.memory_space<hbm>>) target_semaphore(%run_scoped3A_1034 : memref<!tpu.dma_semaphore, #tpu.memory_space<semaphore_mem>>)
      %dma_wait3A_1037 = tpu.memref_slice %arg11[%mul3A_2] : memref<8192xf32, #tpu.memory_space<hbm>> -> memref<256xf32, #tpu.memory_space<hbm>>
      %dma_wait3A_1038 = tpu.memref_slice %arg11[%mul3A_2] : memref<8192xf32, #tpu.memory_space<hbm>> -> memref<256xf32, #tpu.memory_space<hbm>>
      tpu.wait_dma2 semaphore(%run_scoped3A_1034 : memref<!tpu.dma_semaphore, #tpu.memory_space<semaphore_mem>>) src(%arg25 : memref<256xf32, #tpu.memory_space<vmem>>) dst(%dma_wait3A_1038 : memref<256xf32, #tpu.memory_space<hbm>>)
      tpu.yield
    }) : () -> ()
    %scan3A = arith.constant 0 : i32
    %scan3A_760 = arith.constant 0 : i32
    %scan3A_761 = arith.constant 128 : i32
    %scan3A_762 = arith.addi %scan3A_760, %scan3A_761 : i32
    %scan3A_763 = arith.constant 1 : i32
    scf.for %scan3A_1034 = %scan3A_760 to %scan3A_762 step %scan3A_763  : i32 {
      %broadcast_in_dim3A = arith.constant 0.000000e+00 : f32
      %broadcast_in_dim3A_1035 = vector.broadcast %broadcast_in_dim3A : f32 to vector<16xf32>
      %swap3A_1036 = arith.index_cast %scan3A_1034 : i32 to index
      %swap3A_1037 = arith.constant 0 : index
      %swap3A_1038 = tpu.vector_load %arg18[%swap3A_1036, %swap3A_1037] {strides = array<i32>} : memref<256x128xf32, #tpu.memory_space<vmem>>, vector<1x16xf32>,
      %swap3A_1039 = vector.shape_cast %swap3A_1038 : vector<1x16xf32> to vector<16xf32>
      %swap3A_1040 = vector.shape_cast %broadcast_in_dim3A_1035 : vector<16xf32> to vector<1x16xf32>
      tpu.vector_store %arg18[%swap3A_1036, %swap3A_1037], %swap3A_1040 {strides = array<i32>} : memref<256x128xf32, #tpu.memory_space<vmem>>, vector<1x16xf32>,
      %broadcast_in_dim3A_1041 = arith.constant 0.000000e+00 : f32
      %broadcast_in_dim3A_1042 = vector.broadcast %broadcast_in_dim3A_1041 : f32 to vector<16xf32>
      %swap3A_1043 = arith.index_cast %scan3A_1034 : i32 to index
      %swap3A_1044 = arith.constant 16 : index
      %swap3A_1045 = tpu.vector_load %arg18[%swap3A_1043, %swap3A_1044] {strides = array<i32>} : memref<256x128xf32, #tpu.memory_space<vmem>>, vector<1x16xf32>,
      %swap3A_1046 = vector.shape_cast %swap3A_1045 : vector<1x16xf32> to vector<16xf32>
      %swap3A_1047 = vector.shape_cast %broadcast_in_dim3A_1042 : vector<16xf32> to vector<1x16xf32>
      tpu.vector_store %arg18[%swap3A_1043, %swap3A_1044], %swap3A_1047 {strides = array<i32>} : memref<256x128xf32, #tpu.memory_space<vmem>>, vector<1x16xf32>,
      %broadcast_in_dim3A_1048 = arith.constant 0.000000e+00 : f32
      %broadcast_in_dim3A_1049 = vector.broadcast %broadcast_in_dim3A_1048 : f32 to vector<16xf32>
      %swap3A_1050 = arith.index_cast %scan3A_1034 : i32 to index
      %swap3A_1051 = arith.constant 32 : index
      %swap3A_1052 = tpu.vector_load %arg18[%swap3A_1050, %swap3A_1051] {strides = array<i32>} : memref<256x128xf32, #tpu.memory_space<vmem>>, vector<1x16xf32>,
      %swap3A_1053 = vector.shape_cast %swap3A_1052 : vector<1x16xf32> to vector<16xf32>
      %swap3A_1054 = vector.shape_cast %broadcast_in_dim3A_1049 : vector<16xf32> to vector<1x16xf32>
      tpu.vector_store %arg18[%swap3A_1050, %swap3A_1051], %swap3A_1054 {strides = array<i32>} : memref<256x128xf32, #tpu.memory_space<vmem>>, vector<1x16xf32>,
      %broadcast_in_dim3A_1055 = arith.constant 0.000000e+00 : f32
      %broadcast_in_dim3A_1056 = vector.broadcast %broadcast_in_dim3A_1055 : f32 to vector<16xf32>
      %swap3A_1057 = arith.index_cast %scan3A_1034 : i32 to index
      %swap3A_1058 = arith.constant 48 : index
      %swap3A_1059 = tpu.vector_load %arg18[%swap3A_1057, %swap3A_1058] {strides = array<i32>} : memref<256x128xf32, #tpu.memory_space<vmem>>, vector<1x16xf32>,
      %swap3A_1060 = vector.shape_cast %swap3A_1059 : vector<1x16xf32> to vector<16xf32>
      %swap3A_1061 = vector.shape_cast %broadcast_in_dim3A_1056 : vector<16xf32> to vector<1x16xf32>
      tpu.vector_store %arg18[%swap3A_1057, %swap3A_1058], %swap3A_1061 {strides = array<i32>} : memref<256x128xf32, #tpu.memory_space<vmem>>, vector<1x16xf32>,
      %broadcast_in_dim3A_1062 = arith.constant 0.000000e+00 : f32
      %broadcast_in_dim3A_1063 = vector.broadcast %broadcast_in_dim3A_1062 : f32 to vector<16xf32>
      %swap3A_1064 = arith.index_cast %scan3A_1034 : i32 to index
      %swap3A_1065 = arith.constant 64 : index
      %swap3A_1066 = tpu.vector_load %arg18[%swap3A_1064, %swap3A_1065] {strides = array<i32>} : memref<256x128xf32, #tpu.memory_space<vmem>>, vector<1x16xf32>,
      %swap3A_1067 = vector.shape_cast %swap3A_1066 : vector<1x16xf32> to vector<16xf32>
      %swap3A_1068 = vector.shape_cast %broadcast_in_dim3A_1063 : vector<16xf32> to vector<1x16xf32>
      tpu.vector_store %arg18[%swap3A_1064, %swap3A_1065], %swap3A_1068 {strides = array<i32>} : memref<256x128xf32, #tpu.memory_space<vmem>>, vector<1x16xf32>,
      %broadcast_in_dim3A_1069 = arith.constant 0.000000e+00 : f32
      %broadcast_in_dim3A_1070 = vector.broadcast %broadcast_in_dim3A_1069 : f32 to vector<16xf32>
      %swap3A_1071 = arith.index_cast %scan3A_1034 : i32 to index
      %swap3A_1072 = arith.constant 80 : index
      %swap3A_1073 = tpu.vector_load %arg18[%swap3A_1071, %swap3A_1072] {strides = array<i32>} : memref<256x128xf32, #tpu.memory_space<vmem>>, vector<1x16xf32>,
      %swap3A_1074 = vector.shape_cast %swap3A_1073 : vector<1x16xf32> to vector<16xf32>
      %swap3A_1075 = vector.shape_cast %broadcast_in_dim3A_1070 : vector<16xf32> to vector<1x16xf32>
      tpu.vector_store %arg18[%swap3A_1071, %swap3A_1072], %swap3A_1075 {strides = array<i32>} : memref<256x128xf32, #tpu.memory_space<vmem>>, vector<1x16xf32>,
      %broadcast_in_dim3A_1076 = arith.constant 0.000000e+00 : f32
      %broadcast_in_dim3A_1077 = vector.broadcast %broadcast_in_dim3A_1076 : f32 to vector<16xf32>
      %swap3A_1078 = arith.index_cast %scan3A_1034 : i32 to index
      %swap3A_1079 = arith.constant 96 : index
      %swap3A_1080 = tpu.vector_load %arg18[%swap3A_1078, %swap3A_1079] {strides = array<i32>} : memref<256x128xf32, #tpu.memory_space<vmem>>, vector<1x16xf32>,
      %swap3A_1081 = vector.shape_cast %swap3A_1080 : vector<1x16xf32> to vector<16xf32>
      %swap3A_1082 = vector.shape_cast %broadcast_in_dim3A_1077 : vector<16xf32> to vector<1x16xf32>
      tpu.vector_store %arg18[%swap3A_1078, %swap3A_1079], %swap3A_1082 {strides = array<i32>} : memref<256x128xf32, #tpu.memory_space<vmem>>, vector<1x16xf32>,
      %broadcast_in_dim3A_1083 = arith.constant 0.000000e+00 : f32
      %broadcast_in_dim3A_1084 = vector.broadcast %broadcast_in_dim3A_1083 : f32 to vector<16xf32>
      %swap3A_1085 = arith.index_cast %scan3A_1034 : i32 to index
      %swap3A_1086 = arith.constant 112 : index
      %swap3A_1087 = tpu.vector_load %arg18[%swap3A_1085, %swap3A_1086] {strides = array<i32>} : memref<256x128xf32, #tpu.memory_space<vmem>>, vector<1x16xf32>,
      %swap3A_1088 = vector.shape_cast %swap3A_1087 : vector<1x16xf32> to vector<16xf32>
      %swap3A_1089 = vector.shape_cast %broadcast_in_dim3A_1084 : vector<16xf32> to vector<1x16xf32>
      tpu.vector_store %arg18[%swap3A_1085, %swap3A_1086], %swap3A_1089 {strides = array<i32>} : memref<256x128xf32, #tpu.memory_space<vmem>>, vector<1x16xf32>,
    }
    %scan3A_764 = arith.constant 128 : i32
    %mul3A_765 = arith.constant 128 : i32
    %mul3A_766 = arith.muli %arg1, %mul3A_765 : i32
    "tpu.region"() ({
      %run_scoped3A_1034 = tpu.sem_alloc : memref<!tpu.dma_semaphore, #tpu.memory_space<semaphore_mem>>
      %dma_start3A_1035 = arith.constant 0 : i32
      %dma_start3A_1036 = arith.constant 0 : i32
      %dma_start3A_1037 = tpu.memref_slice %arg18[%dma_start3A_1035, %dma_start3A_1036] : memref<256x128xf32, #tpu.memory_space<vmem>> -> memref<128x128xf32, #tpu.memory_space<vmem>>
      %dma_start3A_1038 = arith.constant 0 : i32
      %dma_start3A_1039 = tpu.memref_slice %arg19[%mul3A_766, %dma_start3A_1038] : memref<2048x128xf32, #tpu.memory_space<vmem_shared>> -> memref<128x128xf32, #tpu.memory_space<vmem_shared>>
      %dma_start3A_1040 = arith.constant 0 : i32
      %dma_start3A_1041 = tpu.memref_slice %arg19[%mul3A_766, %dma_start3A_1040] : memref<2048x128xf32, #tpu.memory_space<vmem_shared>> -> memref<128x128xf32, #tpu.memory_space<vmem_shared>>
      %dma_start3A_1042 = arith.constant 0 : i32
      %dma_start3A_1043 = arith.constant 0 : i32
      %dma_start3A_1044 = tpu.memref_slice %arg18[%dma_start3A_1042, %dma_start3A_1043] : memref<256x128xf32, #tpu.memory_space<vmem>> -> memref<128x128xf32, #tpu.memory_space<vmem>>
      tpu.enqueue_dma source(%dma_start3A_1044 : memref<128x128xf32, #tpu.memory_space<vmem>>) target(%dma_start3A_1041 : memref<128x128xf32, #tpu.memory_space<vmem_shared>>) target_semaphore(%run_scoped3A_1034 : memref<!tpu.dma_semaphore, #tpu.memory_space<semaphore_mem>>)
      %dma_wait3A_1045 = arith.constant 0 : i32
      %dma_wait3A_1046 = arith.constant 0 : i32
      %dma_wait3A_1047 = tpu.memref_slice %arg18[%dma_wait3A_1045, %dma_wait3A_1046] : memref<256x128xf32, #tpu.memory_space<vmem>> -> memref<128x128xf32, #tpu.memory_space<vmem>>
      %dma_wait3A_1048 = arith.constant 0 : i32
      %dma_wait3A_1049 = tpu.memref_slice %arg19[%mul3A_766, %dma_wait3A_1048] : memref<2048x128xf32, #tpu.memory_space<vmem_shared>> -> memref<128x128xf32, #tpu.memory_space<vmem_shared>>
      %dma_wait3A_1050 = arith.constant 0 : i32
      %dma_wait3A_1051 = tpu.memref_slice %arg19[%mul3A_766, %dma_wait3A_1050] : memref<2048x128xf32, #tpu.memory_space<vmem_shared>> -> memref<128x128xf32, #tpu.memory_space<vmem_shared>>
      %dma_wait3A_1052 = arith.constant 0 : i32
      %dma_wait3A_1053 = arith.constant 0 : i32
      %dma_wait3A_1054 = tpu.memref_slice %arg18[%dma_wait3A_1052, %dma_wait3A_1053] : memref<256x128xf32, #tpu.memory_space<vmem>> -> memref<128x128xf32, #tpu.memory_space<vmem>>
      tpu.wait_dma2 semaphore(%run_scoped3A_1034 : memref<!tpu.dma_semaphore, #tpu.memory_space<semaphore_mem>>) src(%dma_wait3A_1054 : memref<128x128xf32, #tpu.memory_space<vmem>>) dst(%dma_wait3A_1051 : memref<128x128xf32, #tpu.memory_space<vmem_shared>>)
      tpu.yield
    }) : () -> ()
    %get3A_767 = arith.constant 0 : index
    %get3A_768 = tpu.vector_load %arg15[%get3A_767] {strides = array<i32>} : memref<256xf32, #tpu.memory_space<vmem>>, vector<16xf32>,
    %get3A_769 = vector.shape_cast %get3A_768 : vector<16xf32> to vector<16xf32>
    %get3A_770 = arith.constant 0 : i32
    %get3A_771 = arith.index_cast %get3A_770 : i32 to index
    %get3A_772 = arith.constant 0 : index
    %get3A_773 = tpu.vector_load %arg16[%get3A_771, %get3A_772] {strides = array<i32>} : memref<2x128xf32, #tpu.memory_space<vmem>>, vector<1x16xf32>,
    %get3A_774 = vector.shape_cast %get3A_773 : vector<1x16xf32> to vector<16xf32>
    %sub3A_775 = arith.subf %get3A_769, %get3A_774 : vector<16xf32>
    %exp3A = math.exp %sub3A_775 : vector<16xf32>
    %swap3A_776 = arith.constant 0 : i32
    %swap3A_777 = arith.index_cast %swap3A_776 : i32 to index
    %swap3A_778 = arith.constant 0 : index
    %swap3A_779 = tpu.vector_load %arg17[%swap3A_777, %swap3A_778] {strides = array<i32>} : memref<2x128xf32, #tpu.memory_space<vmem>>, vector<1x16xf32>,
    %swap3A_780 = vector.shape_cast %swap3A_779 : vector<1x16xf32> to vector<16xf32>
    %swap3A_781 = vector.shape_cast %exp3A : vector<16xf32> to vector<1x16xf32>
    tpu.vector_store %arg17[%swap3A_777, %swap3A_778], %swap3A_781 {strides = array<i32>} : memref<2x128xf32, #tpu.memory_space<vmem>>, vector<1x16xf32>,
    %get3A_782 = arith.constant 16 : index
    %get3A_783 = tpu.vector_load %arg15[%get3A_782] {strides = array<i32>} : memref<256xf32, #tpu.memory_space<vmem>>, vector<16xf32>,
    %get3A_784 = vector.shape_cast %get3A_783 : vector<16xf32> to vector<16xf32>
    %get3A_785 = arith.constant 0 : i32
    %get3A_786 = arith.index_cast %get3A_785 : i32 to index
    %get3A_787 = arith.constant 16 : index
    %get3A_788 = tpu.vector_load %arg16[%get3A_786, %get3A_787] {strides = array<i32>} : memref<2x128xf32, #tpu.memory_space<vmem>>, vector<1x16xf32>,
    %get3A_789 = vector.shape_cast %get3A_788 : vector<1x16xf32> to vector<16xf32>
    %sub3A_790 = arith.subf %get3A_784, %get3A_789 : vector<16xf32>
    %exp3A_791 = math.exp %sub3A_790 : vector<16xf32>
    %swap3A_792 = arith.constant 0 : i32
    %swap3A_793 = arith.index_cast %swap3A_792 : i32 to index
    %swap3A_794 = arith.constant 16 : index
    %swap3A_795 = tpu.vector_load %arg17[%swap3A_793, %swap3A_794] {strides = array<i32>} : memref<2x128xf32, #tpu.memory_space<vmem>>, vector<1x16xf32>,
    %swap3A_796 = vector.shape_cast %swap3A_795 : vector<1x16xf32> to vector<16xf32>
    %swap3A_797 = vector.shape_cast %exp3A_791 : vector<16xf32> to vector<1x16xf32>
    tpu.vector_store %arg17[%swap3A_793, %swap3A_794], %swap3A_797 {strides = array<i32>} : memref<2x128xf32, #tpu.memory_space<vmem>>, vector<1x16xf32>,
    %get3A_798 = arith.constant 32 : index
    %get3A_799 = tpu.vector_load %arg15[%get3A_798] {strides = array<i32>} : memref<256xf32, #tpu.memory_space<vmem>>, vector<16xf32>,
    %get3A_800 = vector.shape_cast %get3A_799 : vector<16xf32> to vector<16xf32>
    %get3A_801 = arith.constant 0 : i32
    %get3A_802 = arith.index_cast %get3A_801 : i32 to index
    %get3A_803 = arith.constant 32 : index
    %get3A_804 = tpu.vector_load %arg16[%get3A_802, %get3A_803] {strides = array<i32>} : memref<2x128xf32, #tpu.memory_space<vmem>>, vector<1x16xf32>,
    %get3A_805 = vector.shape_cast %get3A_804 : vector<1x16xf32> to vector<16xf32>
    %sub3A_806 = arith.subf %get3A_800, %get3A_805 : vector<16xf32>
    %exp3A_807 = math.exp %sub3A_806 : vector<16xf32>
    %swap3A_808 = arith.constant 0 : i32
    %swap3A_809 = arith.index_cast %swap3A_808 : i32 to index
    %swap3A_810 = arith.constant 32 : index
    %swap3A_811 = tpu.vector_load %arg17[%swap3A_809, %swap3A_810] {strides = array<i32>} : memref<2x128xf32, #tpu.memory_space<vmem>>, vector<1x16xf32>,
    %swap3A_812 = vector.shape_cast %swap3A_811 : vector<1x16xf32> to vector<16xf32>
    %swap3A_813 = vector.shape_cast %exp3A_807 : vector<16xf32> to vector<1x16xf32>
    tpu.vector_store %arg17[%swap3A_809, %swap3A_810], %swap3A_813 {strides = array<i32>} : memref<2x128xf32, #tpu.memory_space<vmem>>, vector<1x16xf32>,
    %get3A_814 = arith.constant 48 : index
    %get3A_815 = tpu.vector_load %arg15[%get3A_814] {strides = array<i32>} : memref<256xf32, #tpu.memory_space<vmem>>, vector<16xf32>,
    %get3A_816 = vector.shape_cast %get3A_815 : vector<16xf32> to vector<16xf32>
    %get3A_817 = arith.constant 0 : i32
    %get3A_818 = arith.index_cast %get3A_817 : i32 to index
    %get3A_819 = arith.constant 48 : index
    %get3A_820 = tpu.vector_load %arg16[%get3A_818, %get3A_819] {strides = array<i32>} : memref<2x128xf32, #tpu.memory_space<vmem>>, vector<1x16xf32>,
    %get3A_821 = vector.shape_cast %get3A_820 : vector<1x16xf32> to vector<16xf32>
    %sub3A_822 = arith.subf %get3A_816, %get3A_821 : vector<16xf32>
    %exp3A_823 = math.exp %sub3A_822 : vector<16xf32>
    %swap3A_824 = arith.constant 0 : i32
    %swap3A_825 = arith.index_cast %swap3A_824 : i32 to index
    %swap3A_826 = arith.constant 48 : index
    %swap3A_827 = tpu.vector_load %arg17[%swap3A_825, %swap3A_826] {strides = array<i32>} : memref<2x128xf32, #tpu.memory_space<vmem>>, vector<1x16xf32>,
    %swap3A_828 = vector.shape_cast %swap3A_827 : vector<1x16xf32> to vector<16xf32>
    %swap3A_829 = vector.shape_cast %exp3A_823 : vector<16xf32> to vector<1x16xf32>
    tpu.vector_store %arg17[%swap3A_825, %swap3A_826], %swap3A_829 {strides = array<i32>} : memref<2x128xf32, #tpu.memory_space<vmem>>, vector<1x16xf32>,
    %get3A_830 = arith.constant 64 : index
    %get3A_831 = tpu.vector_load %arg15[%get3A_830] {strides = array<i32>} : memref<256xf32, #tpu.memory_space<vmem>>, vector<16xf32>,
    %get3A_832 = vector.shape_cast %get3A_831 : vector<16xf32> to vector<16xf32>
    %get3A_833 = arith.constant 0 : i32
    %get3A_834 = arith.index_cast %get3A_833 : i32 to index
    %get3A_835 = arith.constant 64 : index
    %get3A_836 = tpu.vector_load %arg16[%get3A_834, %get3A_835] {strides = array<i32>} : memref<2x128xf32, #tpu.memory_space<vmem>>, vector<1x16xf32>,
    %get3A_837 = vector.shape_cast %get3A_836 : vector<1x16xf32> to vector<16xf32>
    %sub3A_838 = arith.subf %get3A_832, %get3A_837 : vector<16xf32>
    %exp3A_839 = math.exp %sub3A_838 : vector<16xf32>
    %swap3A_840 = arith.constant 0 : i32
    %swap3A_841 = arith.index_cast %swap3A_840 : i32 to index
    %swap3A_842 = arith.constant 64 : index
    %swap3A_843 = tpu.vector_load %arg17[%swap3A_841, %swap3A_842] {strides = array<i32>} : memref<2x128xf32, #tpu.memory_space<vmem>>, vector<1x16xf32>,
    %swap3A_844 = vector.shape_cast %swap3A_843 : vector<1x16xf32> to vector<16xf32>
    %swap3A_845 = vector.shape_cast %exp3A_839 : vector<16xf32> to vector<1x16xf32>
    tpu.vector_store %arg17[%swap3A_841, %swap3A_842], %swap3A_845 {strides = array<i32>} : memref<2x128xf32, #tpu.memory_space<vmem>>, vector<1x16xf32>,
    %get3A_846 = arith.constant 80 : index
    %get3A_847 = tpu.vector_load %arg15[%get3A_846] {strides = array<i32>} : memref<256xf32, #tpu.memory_space<vmem>>, vector<16xf32>,
    %get3A_848 = vector.shape_cast %get3A_847 : vector<16xf32> to vector<16xf32>
    %get3A_849 = arith.constant 0 : i32
    %get3A_850 = arith.index_cast %get3A_849 : i32 to index
    %get3A_851 = arith.constant 80 : index
    %get3A_852 = tpu.vector_load %arg16[%get3A_850, %get3A_851] {strides = array<i32>} : memref<2x128xf32, #tpu.memory_space<vmem>>, vector<1x16xf32>,
    %get3A_853 = vector.shape_cast %get3A_852 : vector<1x16xf32> to vector<16xf32>
    %sub3A_854 = arith.subf %get3A_848, %get3A_853 : vector<16xf32>
    %exp3A_855 = math.exp %sub3A_854 : vector<16xf32>
    %swap3A_856 = arith.constant 0 : i32
    %swap3A_857 = arith.index_cast %swap3A_856 : i32 to index
    %swap3A_858 = arith.constant 80 : index
    %swap3A_859 = tpu.vector_load %arg17[%swap3A_857, %swap3A_858] {strides = array<i32>} : memref<2x128xf32, #tpu.memory_space<vmem>>, vector<1x16xf32>,
    %swap3A_860 = vector.shape_cast %swap3A_859 : vector<1x16xf32> to vector<16xf32>
    %swap3A_861 = vector.shape_cast %exp3A_855 : vector<16xf32> to vector<1x16xf32>
    tpu.vector_store %arg17[%swap3A_857, %swap3A_858], %swap3A_861 {strides = array<i32>} : memref<2x128xf32, #tpu.memory_space<vmem>>, vector<1x16xf32>,
    %get3A_862 = arith.constant 96 : index
    %get3A_863 = tpu.vector_load %arg15[%get3A_862] {strides = array<i32>} : memref<256xf32, #tpu.memory_space<vmem>>, vector<16xf32>,
    %get3A_864 = vector.shape_cast %get3A_863 : vector<16xf32> to vector<16xf32>
    %get3A_865 = arith.constant 0 : i32
    %get3A_866 = arith.index_cast %get3A_865 : i32 to index
    %get3A_867 = arith.constant 96 : index
    %get3A_868 = tpu.vector_load %arg16[%get3A_866, %get3A_867] {strides = array<i32>} : memref<2x128xf32, #tpu.memory_space<vmem>>, vector<1x16xf32>,
    %get3A_869 = vector.shape_cast %get3A_868 : vector<1x16xf32> to vector<16xf32>
    %sub3A_870 = arith.subf %get3A_864, %get3A_869 : vector<16xf32>
    %exp3A_871 = math.exp %sub3A_870 : vector<16xf32>
    %swap3A_872 = arith.constant 0 : i32
    %swap3A_873 = arith.index_cast %swap3A_872 : i32 to index
    %swap3A_874 = arith.constant 96 : index
    %swap3A_875 = tpu.vector_load %arg17[%swap3A_873, %swap3A_874] {strides = array<i32>} : memref<2x128xf32, #tpu.memory_space<vmem>>, vector<1x16xf32>,
    %swap3A_876 = vector.shape_cast %swap3A_875 : vector<1x16xf32> to vector<16xf32>
    %swap3A_877 = vector.shape_cast %exp3A_871 : vector<16xf32> to vector<1x16xf32>
    tpu.vector_store %arg17[%swap3A_873, %swap3A_874], %swap3A_877 {strides = array<i32>} : memref<2x128xf32, #tpu.memory_space<vmem>>, vector<1x16xf32>,
    %get3A_878 = arith.constant 112 : index
    %get3A_879 = tpu.vector_load %arg15[%get3A_878] {strides = array<i32>} : memref<256xf32, #tpu.memory_space<vmem>>, vector<16xf32>,
    %get3A_880 = vector.shape_cast %get3A_879 : vector<16xf32> to vector<16xf32>
    %get3A_881 = arith.constant 0 : i32
    %get3A_882 = arith.index_cast %get3A_881 : i32 to index
    %get3A_883 = arith.constant 112 : index
    %get3A_884 = tpu.vector_load %arg16[%get3A_882, %get3A_883] {strides = array<i32>} : memref<2x128xf32, #tpu.memory_space<vmem>>, vector<1x16xf32>,
    %get3A_885 = vector.shape_cast %get3A_884 : vector<1x16xf32> to vector<16xf32>
    %sub3A_886 = arith.subf %get3A_880, %get3A_885 : vector<16xf32>
    %exp3A_887 = math.exp %sub3A_886 : vector<16xf32>
    %swap3A_888 = arith.constant 0 : i32
    %swap3A_889 = arith.index_cast %swap3A_888 : i32 to index
    %swap3A_890 = arith.constant 112 : index
    %swap3A_891 = tpu.vector_load %arg17[%swap3A_889, %swap3A_890] {strides = array<i32>} : memref<2x128xf32, #tpu.memory_space<vmem>>, vector<1x16xf32>,
    %swap3A_892 = vector.shape_cast %swap3A_891 : vector<1x16xf32> to vector<16xf32>
    %swap3A_893 = vector.shape_cast %exp3A_887 : vector<16xf32> to vector<1x16xf32>
    tpu.vector_store %arg17[%swap3A_889, %swap3A_890], %swap3A_893 {strides = array<i32>} : memref<2x128xf32, #tpu.memory_space<vmem>>, vector<1x16xf32>,
    %get3A_894 = arith.constant 128 : index
    %get3A_895 = tpu.vector_load %arg15[%get3A_894] {strides = array<i32>} : memref<256xf32, #tpu.memory_space<vmem>>, vector<16xf32>,
    %get3A_896 = vector.shape_cast %get3A_895 : vector<16xf32> to vector<16xf32>
    %get3A_897 = arith.constant 1 : i32
    %get3A_898 = arith.index_cast %get3A_897 : i32 to index
    %get3A_899 = arith.constant 0 : index
    %get3A_900 = tpu.vector_load %arg16[%get3A_898, %get3A_899] {strides = array<i32>} : memref<2x128xf32, #tpu.memory_space<vmem>>, vector<1x16xf32>,
    %get3A_901 = vector.shape_cast %get3A_900 : vector<1x16xf32> to vector<16xf32>
    %sub3A_902 = arith.subf %get3A_896, %get3A_901 : vector<16xf32>
    %exp3A_903 = math.exp %sub3A_902 : vector<16xf32>
    %swap3A_904 = arith.constant 1 : i32
    %swap3A_905 = arith.index_cast %swap3A_904 : i32 to index
    %swap3A_906 = arith.constant 0 : index
    %swap3A_907 = tpu.vector_load %arg17[%swap3A_905, %swap3A_906] {strides = array<i32>} : memref<2x128xf32, #tpu.memory_space<vmem>>, vector<1x16xf32>,
    %swap3A_908 = vector.shape_cast %swap3A_907 : vector<1x16xf32> to vector<16xf32>
    %swap3A_909 = vector.shape_cast %exp3A_903 : vector<16xf32> to vector<1x16xf32>
    tpu.vector_store %arg17[%swap3A_905, %swap3A_906], %swap3A_909 {strides = array<i32>} : memref<2x128xf32, #tpu.memory_space<vmem>>, vector<1x16xf32>,
    %get3A_910 = arith.constant 144 : index
    %get3A_911 = tpu.vector_load %arg15[%get3A_910] {strides = array<i32>} : memref<256xf32, #tpu.memory_space<vmem>>, vector<16xf32>,
    %get3A_912 = vector.shape_cast %get3A_911 : vector<16xf32> to vector<16xf32>
    %get3A_913 = arith.constant 1 : i32
    %get3A_914 = arith.index_cast %get3A_913 : i32 to index
    %get3A_915 = arith.constant 16 : index
    %get3A_916 = tpu.vector_load %arg16[%get3A_914, %get3A_915] {strides = array<i32>} : memref<2x128xf32, #tpu.memory_space<vmem>>, vector<1x16xf32>,
    %get3A_917 = vector.shape_cast %get3A_916 : vector<1x16xf32> to vector<16xf32>
    %sub3A_918 = arith.subf %get3A_912, %get3A_917 : vector<16xf32>
    %exp3A_919 = math.exp %sub3A_918 : vector<16xf32>
    %swap3A_920 = arith.constant 1 : i32
    %swap3A_921 = arith.index_cast %swap3A_920 : i32 to index
    %swap3A_922 = arith.constant 16 : index
    %swap3A_923 = tpu.vector_load %arg17[%swap3A_921, %swap3A_922] {strides = array<i32>} : memref<2x128xf32, #tpu.memory_space<vmem>>, vector<1x16xf32>,
    %swap3A_924 = vector.shape_cast %swap3A_923 : vector<1x16xf32> to vector<16xf32>
    %swap3A_925 = vector.shape_cast %exp3A_919 : vector<16xf32> to vector<1x16xf32>
    tpu.vector_store %arg17[%swap3A_921, %swap3A_922], %swap3A_925 {strides = array<i32>} : memref<2x128xf32, #tpu.memory_space<vmem>>, vector<1x16xf32>,
    %get3A_926 = arith.constant 160 : index
    %get3A_927 = tpu.vector_load %arg15[%get3A_926] {strides = array<i32>} : memref<256xf32, #tpu.memory_space<vmem>>, vector<16xf32>,
    %get3A_928 = vector.shape_cast %get3A_927 : vector<16xf32> to vector<16xf32>
    %get3A_929 = arith.constant 1 : i32
    %get3A_930 = arith.index_cast %get3A_929 : i32 to index
    %get3A_931 = arith.constant 32 : index
    %get3A_932 = tpu.vector_load %arg16[%get3A_930, %get3A_931] {strides = array<i32>} : memref<2x128xf32, #tpu.memory_space<vmem>>, vector<1x16xf32>,
    %get3A_933 = vector.shape_cast %get3A_932 : vector<1x16xf32> to vector<16xf32>
    %sub3A_934 = arith.subf %get3A_928, %get3A_933 : vector<16xf32>
    %exp3A_935 = math.exp %sub3A_934 : vector<16xf32>
    %swap3A_936 = arith.constant 1 : i32
    %swap3A_937 = arith.index_cast %swap3A_936 : i32 to index
    %swap3A_938 = arith.constant 32 : index
    %swap3A_939 = tpu.vector_load %arg17[%swap3A_937, %swap3A_938] {strides = array<i32>} : memref<2x128xf32, #tpu.memory_space<vmem>>, vector<1x16xf32>,
    %swap3A_940 = vector.shape_cast %swap3A_939 : vector<1x16xf32> to vector<16xf32>
    %swap3A_941 = vector.shape_cast %exp3A_935 : vector<16xf32> to vector<1x16xf32>
    tpu.vector_store %arg17[%swap3A_937, %swap3A_938], %swap3A_941 {strides = array<i32>} : memref<2x128xf32, #tpu.memory_space<vmem>>, vector<1x16xf32>,
    %get3A_942 = arith.constant 176 : index
    %get3A_943 = tpu.vector_load %arg15[%get3A_942] {strides = array<i32>} : memref<256xf32, #tpu.memory_space<vmem>>, vector<16xf32>,
    %get3A_944 = vector.shape_cast %get3A_943 : vector<16xf32> to vector<16xf32>
    %get3A_945 = arith.constant 1 : i32
    %get3A_946 = arith.index_cast %get3A_945 : i32 to index
    %get3A_947 = arith.constant 48 : index
    %get3A_948 = tpu.vector_load %arg16[%get3A_946, %get3A_947] {strides = array<i32>} : memref<2x128xf32, #tpu.memory_space<vmem>>, vector<1x16xf32>,
    %get3A_949 = vector.shape_cast %get3A_948 : vector<1x16xf32> to vector<16xf32>
    %sub3A_950 = arith.subf %get3A_944, %get3A_949 : vector<16xf32>
    %exp3A_951 = math.exp %sub3A_950 : vector<16xf32>
    %swap3A_952 = arith.constant 1 : i32
    %swap3A_953 = arith.index_cast %swap3A_952 : i32 to index
    %swap3A_954 = arith.constant 48 : index
    %swap3A_955 = tpu.vector_load %arg17[%swap3A_953, %swap3A_954] {strides = array<i32>} : memref<2x128xf32, #tpu.memory_space<vmem>>, vector<1x16xf32>,
    %swap3A_956 = vector.shape_cast %swap3A_955 : vector<1x16xf32> to vector<16xf32>
    %swap3A_957 = vector.shape_cast %exp3A_951 : vector<16xf32> to vector<1x16xf32>
    tpu.vector_store %arg17[%swap3A_953, %swap3A_954], %swap3A_957 {strides = array<i32>} : memref<2x128xf32, #tpu.memory_space<vmem>>, vector<1x16xf32>,
    %get3A_958 = arith.constant 192 : index
    %get3A_959 = tpu.vector_load %arg15[%get3A_958] {strides = array<i32>} : memref<256xf32, #tpu.memory_space<vmem>>, vector<16xf32>,
    %get3A_960 = vector.shape_cast %get3A_959 : vector<16xf32> to vector<16xf32>
    %get3A_961 = arith.constant 1 : i32
    %get3A_962 = arith.index_cast %get3A_961 : i32 to index
    %get3A_963 = arith.constant 64 : index
    %get3A_964 = tpu.vector_load %arg16[%get3A_962, %get3A_963] {strides = array<i32>} : memref<2x128xf32, #tpu.memory_space<vmem>>, vector<1x16xf32>,
    %get3A_965 = vector.shape_cast %get3A_964 : vector<1x16xf32> to vector<16xf32>
    %sub3A_966 = arith.subf %get3A_960, %get3A_965 : vector<16xf32>
    %exp3A_967 = math.exp %sub3A_966 : vector<16xf32>
    %swap3A_968 = arith.constant 1 : i32
    %swap3A_969 = arith.index_cast %swap3A_968 : i32 to index
    %swap3A_970 = arith.constant 64 : index
    %swap3A_971 = tpu.vector_load %arg17[%swap3A_969, %swap3A_970] {strides = array<i32>} : memref<2x128xf32, #tpu.memory_space<vmem>>, vector<1x16xf32>,
    %swap3A_972 = vector.shape_cast %swap3A_971 : vector<1x16xf32> to vector<16xf32>
    %swap3A_973 = vector.shape_cast %exp3A_967 : vector<16xf32> to vector<1x16xf32>
    tpu.vector_store %arg17[%swap3A_969, %swap3A_970], %swap3A_973 {strides = array<i32>} : memref<2x128xf32, #tpu.memory_space<vmem>>, vector<1x16xf32>,
    %get3A_974 = arith.constant 208 : index
    %get3A_975 = tpu.vector_load %arg15[%get3A_974] {strides = array<i32>} : memref<256xf32, #tpu.memory_space<vmem>>, vector<16xf32>,
    %get3A_976 = vector.shape_cast %get3A_975 : vector<16xf32> to vector<16xf32>
    %get3A_977 = arith.constant 1 : i32
    %get3A_978 = arith.index_cast %get3A_977 : i32 to index
    %get3A_979 = arith.constant 80 : index
    %get3A_980 = tpu.vector_load %arg16[%get3A_978, %get3A_979] {strides = array<i32>} : memref<2x128xf32, #tpu.memory_space<vmem>>, vector<1x16xf32>,
    %get3A_981 = vector.shape_cast %get3A_980 : vector<1x16xf32> to vector<16xf32>
    %sub3A_982 = arith.subf %get3A_976, %get3A_981 : vector<16xf32>
    %exp3A_983 = math.exp %sub3A_982 : vector<16xf32>
    %swap3A_984 = arith.constant 1 : i32
    %swap3A_985 = arith.index_cast %swap3A_984 : i32 to index
    %swap3A_986 = arith.constant 80 : index
    %swap3A_987 = tpu.vector_load %arg17[%swap3A_985, %swap3A_986] {strides = array<i32>} : memref<2x128xf32, #tpu.memory_space<vmem>>, vector<1x16xf32>,
    %swap3A_988 = vector.shape_cast %swap3A_987 : vector<1x16xf32> to vector<16xf32>
    %swap3A_989 = vector.shape_cast %exp3A_983 : vector<16xf32> to vector<1x16xf32>
    tpu.vector_store %arg17[%swap3A_985, %swap3A_986], %swap3A_989 {strides = array<i32>} : memref<2x128xf32, #tpu.memory_space<vmem>>, vector<1x16xf32>,
    %get3A_990 = arith.constant 224 : index
    %get3A_991 = tpu.vector_load %arg15[%get3A_990] {strides = array<i32>} : memref<256xf32, #tpu.memory_space<vmem>>, vector<16xf32>,
    %get3A_992 = vector.shape_cast %get3A_991 : vector<16xf32> to vector<16xf32>
    %get3A_993 = arith.constant 1 : i32
    %get3A_994 = arith.index_cast %get3A_993 : i32 to index
    %get3A_995 = arith.constant 96 : index
    %get3A_996 = tpu.vector_load %arg16[%get3A_994, %get3A_995] {strides = array<i32>} : memref<2x128xf32, #tpu.memory_space<vmem>>, vector<1x16xf32>,
    %get3A_997 = vector.shape_cast %get3A_996 : vector<1x16xf32> to vector<16xf32>
    %sub3A_998 = arith.subf %get3A_992, %get3A_997 : vector<16xf32>
    %exp3A_999 = math.exp %sub3A_998 : vector<16xf32>
    %swap3A_1000 = arith.constant 1 : i32
    %swap3A_1001 = arith.index_cast %swap3A_1000 : i32 to index
    %swap3A_1002 = arith.constant 96 : index
    %swap3A_1003 = tpu.vector_load %arg17[%swap3A_1001, %swap3A_1002] {strides = array<i32>} : memref<2x128xf32, #tpu.memory_space<vmem>>, vector<1x16xf32>,
    %swap3A_1004 = vector.shape_cast %swap3A_1003 : vector<1x16xf32> to vector<16xf32>
    %swap3A_1005 = vector.shape_cast %exp3A_999 : vector<16xf32> to vector<1x16xf32>
    tpu.vector_store %arg17[%swap3A_1001, %swap3A_1002], %swap3A_1005 {strides = array<i32>} : memref<2x128xf32, #tpu.memory_space<vmem>>, vector<1x16xf32>,
    %get3A_1006 = arith.constant 240 : index
    %get3A_1007 = tpu.vector_load %arg15[%get3A_1006] {strides = array<i32>} : memref<256xf32, #tpu.memory_space<vmem>>, vector<16xf32>,
    %get3A_1008 = vector.shape_cast %get3A_1007 : vector<16xf32> to vector<16xf32>
    %get3A_1009 = arith.constant 1 : i32
    %get3A_1010 = arith.index_cast %get3A_1009 : i32 to index
    %get3A_1011 = arith.constant 112 : index
    %get3A_1012 = tpu.vector_load %arg16[%get3A_1010, %get3A_1011] {strides = array<i32>} : memref<2x128xf32, #tpu.memory_space<vmem>>, vector<1x16xf32>,
    %get3A_1013 = vector.shape_cast %get3A_1012 : vector<1x16xf32> to vector<16xf32>
    %sub3A_1014 = arith.subf %get3A_1008, %get3A_1013 : vector<16xf32>
    %exp3A_1015 = math.exp %sub3A_1014 : vector<16xf32>
    %swap3A_1016 = arith.constant 1 : i32
    %swap3A_1017 = arith.index_cast %swap3A_1016 : i32 to index
    %swap3A_1018 = arith.constant 112 : index
    %swap3A_1019 = tpu.vector_load %arg17[%swap3A_1017, %swap3A_1018] {strides = array<i32>} : memref<2x128xf32, #tpu.memory_space<vmem>>, vector<1x16xf32>,
    %swap3A_1020 = vector.shape_cast %swap3A_1019 : vector<1x16xf32> to vector<16xf32>
    %swap3A_1021 = vector.shape_cast %exp3A_1015 : vector<16xf32> to vector<1x16xf32>
    tpu.vector_store %arg17[%swap3A_1017, %swap3A_1018], %swap3A_1021 {strides = array<i32>} : memref<2x128xf32, #tpu.memory_space<vmem>>, vector<1x16xf32>,
    %scan3A_1022 = arith.constant 0 : i32
    %scan3A_1023 = arith.constant 0 : i32
    %scan3A_1024 = arith.constant 16 : i32
    %scan3A_1025 = arith.addi %scan3A_1023, %scan3A_1024 : i32
    %scan3A_1026 = arith.constant 1 : i32
    scf.for %scan3A_1034 = %scan3A_1023 to %scan3A_1025 step %scan3A_1026  : i32 {
      %shift_right_arithmetic3A = arith.constant 3 : i32
      %shift_right_arithmetic3A_1035 = arith.shrsi %scan3A_1034, %shift_right_arithmetic3A : i32
      %and3A = arith.constant 7 : i32
      %and3A_1036 = arith.andi %scan3A_1034, %and3A : i32
      %mul3A_1037 = arith.constant 16 : i32
      %mul3A_1038 = arith.muli %and3A_1036, %mul3A_1037 : i32
      %get3A_1039 = arith.index_cast %shift_right_arithmetic3A_1035 : i32 to index
      %get3A_1040 = arith.index_cast %mul3A_1038 : i32 to index
      %get3A_1041 = tpu.vector_load %arg17[%get3A_1039, %get3A_1040] {strides = array<i32>} : memref<2x128xf32, #tpu.memory_space<vmem>>, vector<1x16xf32>,
      %get3A_1042 = vector.shape_cast %get3A_1041 : vector<1x16xf32> to vector<16xf32>
      %mul3A_1043 = arith.constant 16 : i32
      %mul3A_1044 = arith.muli %scan3A_1034, %mul3A_1043 : i32
      %add3A_1045 = arith.constant 0 : i32
      %add3A_1046 = arith.addi %mul3A_1044, %add3A_1045 : i32
      %broadcast_in_dim3A = arith.constant 0.000000e+00 : f32
      %broadcast_in_dim3A_1047 = vector.broadcast %broadcast_in_dim3A : f32 to vector<16xf32>
      %slice3A = vector.extract_strided_slice %get3A_1042 {offsets = [0], sizes = [1], strides = [1]} : vector<16xf32> to vector<1xf32>
      %squeeze3A = vector.extract %slice3A[0] : f32 from vector<1xf32>
      %add3A_1048 = vector.broadcast %squeeze3A : f32 to vector<16xf32>
      %add3A_1049 = arith.addf %broadcast_in_dim3A_1047, %add3A_1048 : vector<16xf32>
      %get3A_1050 = arith.index_cast %add3A_1046 : i32 to index
      %get3A_1051 = arith.constant 0 : index
      %get3A_1052 = tpu.vector_load %arg13[%get3A_1050, %get3A_1051] {strides = array<i32>} : memref<256x128xf32, #tpu.memory_space<vmem>>, vector<1x16xf32>,
      %get3A_1053 = vector.shape_cast %get3A_1052 : vector<1x16xf32> to vector<16xf32>
      %mul3A_1054 = arith.mulf %get3A_1053, %add3A_1049 : vector<16xf32>
      %swap3A_1055 = arith.index_cast %add3A_1046 : i32 to index
      %swap3A_1056 = arith.constant 0 : index
      %swap3A_1057 = tpu.vector_load %arg18[%swap3A_1055, %swap3A_1056] {strides = array<i32>} : memref<256x128xf32, #tpu.memory_space<vmem>>, vector<1x16xf32>,
      %swap3A_1058 = vector.shape_cast %swap3A_1057 : vector<1x16xf32> to vector<16xf32>
      %swap3A_1059 = vector.shape_cast %mul3A_1054 : vector<16xf32> to vector<1x16xf32>
      tpu.vector_store %arg18[%swap3A_1055, %swap3A_1056], %swap3A_1059 {strides = array<i32>} : memref<256x128xf32, #tpu.memory_space<vmem>>, vector<1x16xf32>,
      %get3A_1060 = arith.index_cast %add3A_1046 : i32 to index
      %get3A_1061 = arith.constant 16 : index
      %get3A_1062 = tpu.vector_load %arg13[%get3A_1060, %get3A_1061] {strides = array<i32>} : memref<256x128xf32, #tpu.memory_space<vmem>>, vector<1x16xf32>,
      %get3A_1063 = vector.shape_cast %get3A_1062 : vector<1x16xf32> to vector<16xf32>
      %mul3A_1064 = arith.mulf %get3A_1063, %add3A_1049 : vector<16xf32>
      %swap3A_1065 = arith.index_cast %add3A_1046 : i32 to index
      %swap3A_1066 = arith.constant 16 : index
      %swap3A_1067 = tpu.vector_load %arg18[%swap3A_1065, %swap3A_1066] {strides = array<i32>} : memref<256x128xf32, #tpu.memory_space<vmem>>, vector<1x16xf32>,
      %swap3A_1068 = vector.shape_cast %swap3A_1067 : vector<1x16xf32> to vector<16xf32>
      %swap3A_1069 = vector.shape_cast %mul3A_1064 : vector<16xf32> to vector<1x16xf32>
      tpu.vector_store %arg18[%swap3A_1065, %swap3A_1066], %swap3A_1069 {strides = array<i32>} : memref<256x128xf32, #tpu.memory_space<vmem>>, vector<1x16xf32>,
      %get3A_1070 = arith.index_cast %add3A_1046 : i32 to index
      %get3A_1071 = arith.constant 32 : index
      %get3A_1072 = tpu.vector_load %arg13[%get3A_1070, %get3A_1071] {strides = array<i32>} : memref<256x128xf32, #tpu.memory_space<vmem>>, vector<1x16xf32>,
      %get3A_1073 = vector.shape_cast %get3A_1072 : vector<1x16xf32> to vector<16xf32>
      %mul3A_1074 = arith.mulf %get3A_1073, %add3A_1049 : vector<16xf32>
      %swap3A_1075 = arith.index_cast %add3A_1046 : i32 to index
      %swap3A_1076 = arith.constant 32 : index
      %swap3A_1077 = tpu.vector_load %arg18[%swap3A_1075, %swap3A_1076] {strides = array<i32>} : memref<256x128xf32, #tpu.memory_space<vmem>>, vector<1x16xf32>,
      %swap3A_1078 = vector.shape_cast %swap3A_1077 : vector<1x16xf32> to vector<16xf32>
      %swap3A_1079 = vector.shape_cast %mul3A_1074 : vector<16xf32> to vector<1x16xf32>
      tpu.vector_store %arg18[%swap3A_1075, %swap3A_1076], %swap3A_1079 {strides = array<i32>} : memref<256x128xf32, #tpu.memory_space<vmem>>, vector<1x16xf32>,
      %get3A_1080 = arith.index_cast %add3A_1046 : i32 to index
      %get3A_1081 = arith.constant 48 : index
      %get3A_1082 = tpu.vector_load %arg13[%get3A_1080, %get3A_1081] {strides = array<i32>} : memref<256x128xf32, #tpu.memory_space<vmem>>, vector<1x16xf32>,
      %get3A_1083 = vector.shape_cast %get3A_1082 : vector<1x16xf32> to vector<16xf32>
      %mul3A_1084 = arith.mulf %get3A_1083, %add3A_1049 : vector<16xf32>
      %swap3A_1085 = arith.index_cast %add3A_1046 : i32 to index
      %swap3A_1086 = arith.constant 48 : index
      %swap3A_1087 = tpu.vector_load %arg18[%swap3A_1085, %swap3A_1086] {strides = array<i32>} : memref<256x128xf32, #tpu.memory_space<vmem>>, vector<1x16xf32>,
      %swap3A_1088 = vector.shape_cast %swap3A_1087 : vector<1x16xf32> to vector<16xf32>
      %swap3A_1089 = vector.shape_cast %mul3A_1084 : vector<16xf32> to vector<1x16xf32>
      tpu.vector_store %arg18[%swap3A_1085, %swap3A_1086], %swap3A_1089 {strides = array<i32>} : memref<256x128xf32, #tpu.memory_space<vmem>>, vector<1x16xf32>,
      %get3A_1090 = arith.index_cast %add3A_1046 : i32 to index
      %get3A_1091 = arith.constant 64 : index
      %get3A_1092 = tpu.vector_load %arg13[%get3A_1090, %get3A_1091] {strides = array<i32>} : memref<256x128xf32, #tpu.memory_space<vmem>>, vector<1x16xf32>,
      %get3A_1093 = vector.shape_cast %get3A_1092 : vector<1x16xf32> to vector<16xf32>
      %mul3A_1094 = arith.mulf %get3A_1093, %add3A_1049 : vector<16xf32>
      %swap3A_1095 = arith.index_cast %add3A_1046 : i32 to index
      %swap3A_1096 = arith.constant 64 : index
      %swap3A_1097 = tpu.vector_load %arg18[%swap3A_1095, %swap3A_1096] {strides = array<i32>} : memref<256x128xf32, #tpu.memory_space<vmem>>, vector<1x16xf32>,
      %swap3A_1098 = vector.shape_cast %swap3A_1097 : vector<1x16xf32> to vector<16xf32>
      %swap3A_1099 = vector.shape_cast %mul3A_1094 : vector<16xf32> to vector<1x16xf32>
      tpu.vector_store %arg18[%swap3A_1095, %swap3A_1096], %swap3A_1099 {strides = array<i32>} : memref<256x128xf32, #tpu.memory_space<vmem>>, vector<1x16xf32>,
      %get3A_1100 = arith.index_cast %add3A_1046 : i32 to index
      %get3A_1101 = arith.constant 80 : index
      %get3A_1102 = tpu.vector_load %arg13[%get3A_1100, %get3A_1101] {strides = array<i32>} : memref<256x128xf32, #tpu.memory_space<vmem>>, vector<1x16xf32>,
      %get3A_1103 = vector.shape_cast %get3A_1102 : vector<1x16xf32> to vector<16xf32>
      %mul3A_1104 = arith.mulf %get3A_1103, %add3A_1049 : vector<16xf32>
      %swap3A_1105 = arith.index_cast %add3A_1046 : i32 to index
      %swap3A_1106 = arith.constant 80 : index
      %swap3A_1107 = tpu.vector_load %arg18[%swap3A_1105, %swap3A_1106] {strides = array<i32>} : memref<256x128xf32, #tpu.memory_space<vmem>>, vector<1x16xf32>,
      %swap3A_1108 = vector.shape_cast %swap3A_1107 : vector<1x16xf32> to vector<16xf32>
      %swap3A_1109 = vector.shape_cast %mul3A_1104 : vector<16xf32> to vector<1x16xf32>
      tpu.vector_store %arg18[%swap3A_1105, %swap3A_1106], %swap3A_1109 {strides = array<i32>} : memref<256x128xf32, #tpu.memory_space<vmem>>, vector<1x16xf32>,
      %get3A_1110 = arith.index_cast %add3A_1046 : i32 to index
      %get3A_1111 = arith.constant 96 : index
      %get3A_1112 = tpu.vector_load %arg13[%get3A_1110, %get3A_1111] {strides = array<i32>} : memref<256x128xf32, #tpu.memory_space<vmem>>, vector<1x16xf32>,
      %get3A_1113 = vector.shape_cast %get3A_1112 : vector<1x16xf32> to vector<16xf32>
      %mul3A_1114 = arith.mulf %get3A_1113, %add3A_1049 : vector<16xf32>
      %swap3A_1115 = arith.index_cast %add3A_1046 : i32 to index
      %swap3A_1116 = arith.constant 96 : index
      %swap3A_1117 = tpu.vector_load %arg18[%swap3A_1115, %swap3A_1116] {strides = array<i32>} : memref<256x128xf32, #tpu.memory_space<vmem>>, vector<1x16xf32>,
      %swap3A_1118 = vector.shape_cast %swap3A_1117 : vector<1x16xf32> to vector<16xf32>
      %swap3A_1119 = vector.shape_cast %mul3A_1114 : vector<16xf32> to vector<1x16xf32>
      tpu.vector_store %arg18[%swap3A_1115, %swap3A_1116], %swap3A_1119 {strides = array<i32>} : memref<256x128xf32, #tpu.memory_space<vmem>>, vector<1x16xf32>,
      %get3A_1120 = arith.index_cast %add3A_1046 : i32 to index
      %get3A_1121 = arith.constant 112 : index
      %get3A_1122 = tpu.vector_load %arg13[%get3A_1120, %get3A_1121] {strides = array<i32>} : memref<256x128xf32, #tpu.memory_space<vmem>>, vector<1x16xf32>,
      %get3A_1123 = vector.shape_cast %get3A_1122 : vector<1x16xf32> to vector<16xf32>
      %mul3A_1124 = arith.mulf %get3A_1123, %add3A_1049 : vector<16xf32>
      %swap3A_1125 = arith.index_cast %add3A_1046 : i32 to index
      %swap3A_1126 = arith.constant 112 : index
      %swap3A_1127 = tpu.vector_load %arg18[%swap3A_1125, %swap3A_1126] {strides = array<i32>} : memref<256x128xf32, #tpu.memory_space<vmem>>, vector<1x16xf32>,
      %swap3A_1128 = vector.shape_cast %swap3A_1127 : vector<1x16xf32> to vector<16xf32>
      %swap3A_1129 = vector.shape_cast %mul3A_1124 : vector<16xf32> to vector<1x16xf32>
      tpu.vector_store %arg18[%swap3A_1125, %swap3A_1126], %swap3A_1129 {strides = array<i32>} : memref<256x128xf32, #tpu.memory_space<vmem>>, vector<1x16xf32>,
      %mul3A_1130 = arith.constant 16 : i32
      %mul3A_1131 = arith.muli %scan3A_1034, %mul3A_1130 : i32
      %add3A_1132 = arith.constant 1 : i32
      %add3A_1133 = arith.addi %mul3A_1131, %add3A_1132 : i32
      %broadcast_in_dim3A_1134 = arith.constant 0.000000e+00 : f32
      %broadcast_in_dim3A_1135 = vector.broadcast %broadcast_in_dim3A_1134 : f32 to vector<16xf32>
      %slice3A_1136 = vector.extract_strided_slice %get3A_1042 {offsets = [1], sizes = [1], strides = [1]} : vector<16xf32> to vector<1xf32>
      %squeeze3A_1137 = vector.extract %slice3A_1136[0] : f32 from vector<1xf32>
      %add3A_1138 = vector.broadcast %squeeze3A_1137 : f32 to vector<16xf32>
      %add3A_1139 = arith.addf %broadcast_in_dim3A_1135, %add3A_1138 : vector<16xf32>
      %get3A_1140 = arith.index_cast %add3A_1133 : i32 to index
      %get3A_1141 = arith.constant 0 : index
      %get3A_1142 = tpu.vector_load %arg13[%get3A_1140, %get3A_1141] {strides = array<i32>} : memref<256x128xf32, #tpu.memory_space<vmem>>, vector<1x16xf32>,
      %get3A_1143 = vector.shape_cast %get3A_1142 : vector<1x16xf32> to vector<16xf32>
      %mul3A_1144 = arith.mulf %get3A_1143, %add3A_1139 : vector<16xf32>
      %swap3A_1145 = arith.index_cast %add3A_1133 : i32 to index
      %swap3A_1146 = arith.constant 0 : index
      %swap3A_1147 = tpu.vector_load %arg18[%swap3A_1145, %swap3A_1146] {strides = array<i32>} : memref<256x128xf32, #tpu.memory_space<vmem>>, vector<1x16xf32>,
      %swap3A_1148 = vector.shape_cast %swap3A_1147 : vector<1x16xf32> to vector<16xf32>
      %swap3A_1149 = vector.shape_cast %mul3A_1144 : vector<16xf32> to vector<1x16xf32>
      tpu.vector_store %arg18[%swap3A_1145, %swap3A_1146], %swap3A_1149 {strides = array<i32>} : memref<256x128xf32, #tpu.memory_space<vmem>>, vector<1x16xf32>,
      %get3A_1150 = arith.index_cast %add3A_1133 : i32 to index
      %get3A_1151 = arith.constant 16 : index
      %get3A_1152 = tpu.vector_load %arg13[%get3A_1150, %get3A_1151] {strides = array<i32>} : memref<256x128xf32, #tpu.memory_space<vmem>>, vector<1x16xf32>,
      %get3A_1153 = vector.shape_cast %get3A_1152 : vector<1x16xf32> to vector<16xf32>
      %mul3A_1154 = arith.mulf %get3A_1153, %add3A_1139 : vector<16xf32>
      %swap3A_1155 = arith.index_cast %add3A_1133 : i32 to index
      %swap3A_1156 = arith.constant 16 : index
      %swap3A_1157 = tpu.vector_load %arg18[%swap3A_1155, %swap3A_1156] {strides = array<i32>} : memref<256x128xf32, #tpu.memory_space<vmem>>, vector<1x16xf32>,
      %swap3A_1158 = vector.shape_cast %swap3A_1157 : vector<1x16xf32> to vector<16xf32>
      %swap3A_1159 = vector.shape_cast %mul3A_1154 : vector<16xf32> to vector<1x16xf32>
      tpu.vector_store %arg18[%swap3A_1155, %swap3A_1156], %swap3A_1159 {strides = array<i32>} : memref<256x128xf32, #tpu.memory_space<vmem>>, vector<1x16xf32>,
      %get3A_1160 = arith.index_cast %add3A_1133 : i32 to index
      %get3A_1161 = arith.constant 32 : index
      %get3A_1162 = tpu.vector_load %arg13[%get3A_1160, %get3A_1161] {strides = array<i32>} : memref<256x128xf32, #tpu.memory_space<vmem>>, vector<1x16xf32>,
      %get3A_1163 = vector.shape_cast %get3A_1162 : vector<1x16xf32> to vector<16xf32>
      %mul3A_1164 = arith.mulf %get3A_1163, %add3A_1139 : vector<16xf32>
      %swap3A_1165 = arith.index_cast %add3A_1133 : i32 to index
      %swap3A_1166 = arith.constant 32 : index
      %swap3A_1167 = tpu.vector_load %arg18[%swap3A_1165, %swap3A_1166] {strides = array<i32>} : memref<256x128xf32, #tpu.memory_space<vmem>>, vector<1x16xf32>,
      %swap3A_1168 = vector.shape_cast %swap3A_1167 : vector<1x16xf32> to vector<16xf32>
      %swap3A_1169 = vector.shape_cast %mul3A_1164 : vector<16xf32> to vector<1x16xf32>
      tpu.vector_store %arg18[%swap3A_1165, %swap3A_1166], %swap3A_1169 {strides = array<i32>} : memref<256x128xf32, #tpu.memory_space<vmem>>, vector<1x16xf32>,
      %get3A_1170 = arith.index_cast %add3A_1133 : i32 to index
      %get3A_1171 = arith.constant 48 : index
      %get3A_1172 = tpu.vector_load %arg13[%get3A_1170, %get3A_1171] {strides = array<i32>} : memref<256x128xf32, #tpu.memory_space<vmem>>, vector<1x16xf32>,
      %get3A_1173 = vector.shape_cast %get3A_1172 : vector<1x16xf32> to vector<16xf32>
      %mul3A_1174 = arith.mulf %get3A_1173, %add3A_1139 : vector<16xf32>
      %swap3A_1175 = arith.index_cast %add3A_1133 : i32 to index
      %swap3A_1176 = arith.constant 48 : index
      %swap3A_1177 = tpu.vector_load %arg18[%swap3A_1175, %swap3A_1176] {strides = array<i32>} : memref<256x128xf32, #tpu.memory_space<vmem>>, vector<1x16xf32>,
      %swap3A_1178 = vector.shape_cast %swap3A_1177 : vector<1x16xf32> to vector<16xf32>
      %swap3A_1179 = vector.shape_cast %mul3A_1174 : vector<16xf32> to vector<1x16xf32>
      tpu.vector_store %arg18[%swap3A_1175, %swap3A_1176], %swap3A_1179 {strides = array<i32>} : memref<256x128xf32, #tpu.memory_space<vmem>>, vector<1x16xf32>,
      %get3A_1180 = arith.index_cast %add3A_1133 : i32 to index
      %get3A_1181 = arith.constant 64 : index
      %get3A_1182 = tpu.vector_load %arg13[%get3A_1180, %get3A_1181] {strides = array<i32>} : memref<256x128xf32, #tpu.memory_space<vmem>>, vector<1x16xf32>,
      %get3A_1183 = vector.shape_cast %get3A_1182 : vector<1x16xf32> to vector<16xf32>
      %mul3A_1184 = arith.mulf %get3A_1183, %add3A_1139 : vector<16xf32>
      %swap3A_1185 = arith.index_cast %add3A_1133 : i32 to index
      %swap3A_1186 = arith.constant 64 : index
      %swap3A_1187 = tpu.vector_load %arg18[%swap3A_1185, %swap3A_1186] {strides = array<i32>} : memref<256x128xf32, #tpu.memory_space<vmem>>, vector<1x16xf32>,
      %swap3A_1188 = vector.shape_cast %swap3A_1187 : vector<1x16xf32> to vector<16xf32>
      %swap3A_1189 = vector.shape_cast %mul3A_1184 : vector<16xf32> to vector<1x16xf32>
      tpu.vector_store %arg18[%swap3A_1185, %swap3A_1186], %swap3A_1189 {strides = array<i32>} : memref<256x128xf32, #tpu.memory_space<vmem>>, vector<1x16xf32>,
      %get3A_1190 = arith.index_cast %add3A_1133 : i32 to index
      %get3A_1191 = arith.constant 80 : index
      %get3A_1192 = tpu.vector_load %arg13[%get3A_1190, %get3A_1191] {strides = array<i32>} : memref<256x128xf32, #tpu.memory_space<vmem>>, vector<1x16xf32>,
      %get3A_1193 = vector.shape_cast %get3A_1192 : vector<1x16xf32> to vector<16xf32>
      %mul3A_1194 = arith.mulf %get3A_1193, %add3A_1139 : vector<16xf32>
      %swap3A_1195 = arith.index_cast %add3A_1133 : i32 to index
      %swap3A_1196 = arith.constant 80 : index
      %swap3A_1197 = tpu.vector_load %arg18[%swap3A_1195, %swap3A_1196] {strides = array<i32>} : memref<256x128xf32, #tpu.memory_space<vmem>>, vector<1x16xf32>,
      %swap3A_1198 = vector.shape_cast %swap3A_1197 : vector<1x16xf32> to vector<16xf32>
      %swap3A_1199 = vector.shape_cast %mul3A_1194 : vector<16xf32> to vector<1x16xf32>
      tpu.vector_store %arg18[%swap3A_1195, %swap3A_1196], %swap3A_1199 {strides = array<i32>} : memref<256x128xf32, #tpu.memory_space<vmem>>, vector<1x16xf32>,
      %get3A_1200 = arith.index_cast %add3A_1133 : i32 to index
      %get3A_1201 = arith.constant 96 : index
      %get3A_1202 = tpu.vector_load %arg13[%get3A_1200, %get3A_1201] {strides = array<i32>} : memref<256x128xf32, #tpu.memory_space<vmem>>, vector<1x16xf32>,
      %get3A_1203 = vector.shape_cast %get3A_1202 : vector<1x16xf32> to vector<16xf32>
      %mul3A_1204 = arith.mulf %get3A_1203, %add3A_1139 : vector<16xf32>
      %swap3A_1205 = arith.index_cast %add3A_1133 : i32 to index
      %swap3A_1206 = arith.constant 96 : index
      %swap3A_1207 = tpu.vector_load %arg18[%swap3A_1205, %swap3A_1206] {strides = array<i32>} : memref<256x128xf32, #tpu.memory_space<vmem>>, vector<1x16xf32>,
      %swap3A_1208 = vector.shape_cast %swap3A_1207 : vector<1x16xf32> to vector<16xf32>
      %swap3A_1209 = vector.shape_cast %mul3A_1204 : vector<16xf32> to vector<1x16xf32>
      tpu.vector_store %arg18[%swap3A_1205, %swap3A_1206], %swap3A_1209 {strides = array<i32>} : memref<256x128xf32, #tpu.memory_space<vmem>>, vector<1x16xf32>,
      %get3A_1210 = arith.index_cast %add3A_1133 : i32 to index
      %get3A_1211 = arith.constant 112 : index
      %get3A_1212 = tpu.vector_load %arg13[%get3A_1210, %get3A_1211] {strides = array<i32>} : memref<256x128xf32, #tpu.memory_space<vmem>>, vector<1x16xf32>,
      %get3A_1213 = vector.shape_cast %get3A_1212 : vector<1x16xf32> to vector<16xf32>
      %mul3A_1214 = arith.mulf %get3A_1213, %add3A_1139 : vector<16xf32>
      %swap3A_1215 = arith.index_cast %add3A_1133 : i32 to index
      %swap3A_1216 = arith.constant 112 : index
      %swap3A_1217 = tpu.vector_load %arg18[%swap3A_1215, %swap3A_1216] {strides = array<i32>} : memref<256x128xf32, #tpu.memory_space<vmem>>, vector<1x16xf32>,
      %swap3A_1218 = vector.shape_cast %swap3A_1217 : vector<1x16xf32> to vector<16xf32>
      %swap3A_1219 = vector.shape_cast %mul3A_1214 : vector<16xf32> to vector<1x16xf32>
      tpu.vector_store %arg18[%swap3A_1215, %swap3A_1216], %swap3A_1219 {strides = array<i32>} : memref<256x128xf32, #tpu.memory_space<vmem>>, vector<1x16xf32>,
      %mul3A_1220 = arith.constant 16 : i32
      %mul3A_1221 = arith.muli %scan3A_1034, %mul3A_1220 : i32
      %add3A_1222 = arith.constant 2 : i32
      %add3A_1223 = arith.addi %mul3A_1221, %add3A_1222 : i32
      %broadcast_in_dim3A_1224 = arith.constant 0.000000e+00 : f32
      %broadcast_in_dim3A_1225 = vector.broadcast %broadcast_in_dim3A_1224 : f32 to vector<16xf32>
      %slice3A_1226 = vector.extract_strided_slice %get3A_1042 {offsets = [2], sizes = [1], strides = [1]} : vector<16xf32> to vector<1xf32>
      %squeeze3A_1227 = vector.extract %slice3A_1226[0] : f32 from vector<1xf32>
      %add3A_1228 = vector.broadcast %squeeze3A_1227 : f32 to vector<16xf32>
      %add3A_1229 = arith.addf %broadcast_in_dim3A_1225, %add3A_1228 : vector<16xf32>
      %get3A_1230 = arith.index_cast %add3A_1223 : i32 to index
      %get3A_1231 = arith.constant 0 : index
      %get3A_1232 = tpu.vector_load %arg13[%get3A_1230, %get3A_1231] {strides = array<i32>} : memref<256x128xf32, #tpu.memory_space<vmem>>, vector<1x16xf32>,
      %get3A_1233 = vector.shape_cast %get3A_1232 : vector<1x16xf32> to vector<16xf32>
      %mul3A_1234 = arith.mulf %get3A_1233, %add3A_1229 : vector<16xf32>
      %swap3A_1235 = arith.index_cast %add3A_1223 : i32 to index
      %swap3A_1236 = arith.constant 0 : index
      %swap3A_1237 = tpu.vector_load %arg18[%swap3A_1235, %swap3A_1236] {strides = array<i32>} : memref<256x128xf32, #tpu.memory_space<vmem>>, vector<1x16xf32>,
      %swap3A_1238 = vector.shape_cast %swap3A_1237 : vector<1x16xf32> to vector<16xf32>
      %swap3A_1239 = vector.shape_cast %mul3A_1234 : vector<16xf32> to vector<1x16xf32>
      tpu.vector_store %arg18[%swap3A_1235, %swap3A_1236], %swap3A_1239 {strides = array<i32>} : memref<256x128xf32, #tpu.memory_space<vmem>>, vector<1x16xf32>,
      %get3A_1240 = arith.index_cast %add3A_1223 : i32 to index
      %get3A_1241 = arith.constant 16 : index
      %get3A_1242 = tpu.vector_load %arg13[%get3A_1240, %get3A_1241] {strides = array<i32>} : memref<256x128xf32, #tpu.memory_space<vmem>>, vector<1x16xf32>,
      %get3A_1243 = vector.shape_cast %get3A_1242 : vector<1x16xf32> to vector<16xf32>
      %mul3A_1244 = arith.mulf %get3A_1243, %add3A_1229 : vector<16xf32>
      %swap3A_1245 = arith.index_cast %add3A_1223 : i32 to index
      %swap3A_1246 = arith.constant 16 : index
      %swap3A_1247 = tpu.vector_load %arg18[%swap3A_1245, %swap3A_1246] {strides = array<i32>} : memref<256x128xf32, #tpu.memory_space<vmem>>, vector<1x16xf32>,
      %swap3A_1248 = vector.shape_cast %swap3A_1247 : vector<1x16xf32> to vector<16xf32>
      %swap3A_1249 = vector.shape_cast %mul3A_1244 : vector<16xf32> to vector<1x16xf32>
      tpu.vector_store %arg18[%swap3A_1245, %swap3A_1246], %swap3A_1249 {strides = array<i32>} : memref<256x128xf32, #tpu.memory_space<vmem>>, vector<1x16xf32>,
      %get3A_1250 = arith.index_cast %add3A_1223 : i32 to index
      %get3A_1251 = arith.constant 32 : index
      %get3A_1252 = tpu.vector_load %arg13[%get3A_1250, %get3A_1251] {strides = array<i32>} : memref<256x128xf32, #tpu.memory_space<vmem>>, vector<1x16xf32>,
      %get3A_1253 = vector.shape_cast %get3A_1252 : vector<1x16xf32> to vector<16xf32>
      %mul3A_1254 = arith.mulf %get3A_1253, %add3A_1229 : vector<16xf32>
      %swap3A_1255 = arith.index_cast %add3A_1223 : i32 to index
      %swap3A_1256 = arith.constant 32 : index
      %swap3A_1257 = tpu.vector_load %arg18[%swap3A_1255, %swap3A_1256] {strides = array<i32>} : memref<256x128xf32, #tpu.memory_space<vmem>>, vector<1x16xf32>,
      %swap3A_1258 = vector.shape_cast %swap3A_1257 : vector<1x16xf32> to vector<16xf32>
      %swap3A_1259 = vector.shape_cast %mul3A_1254 : vector<16xf32> to vector<1x16xf32>
      tpu.vector_store %arg18[%swap3A_1255, %swap3A_1256], %swap3A_1259 {strides = array<i32>} : memref<256x128xf32, #tpu.memory_space<vmem>>, vector<1x16xf32>,
      %get3A_1260 = arith.index_cast %add3A_1223 : i32 to index
      %get3A_1261 = arith.constant 48 : index
      %get3A_1262 = tpu.vector_load %arg13[%get3A_1260, %get3A_1261] {strides = array<i32>} : memref<256x128xf32, #tpu.memory_space<vmem>>, vector<1x16xf32>,
      %get3A_1263 = vector.shape_cast %get3A_1262 : vector<1x16xf32> to vector<16xf32>
      %mul3A_1264 = arith.mulf %get3A_1263, %add3A_1229 : vector<16xf32>
      %swap3A_1265 = arith.index_cast %add3A_1223 : i32 to index
      %swap3A_1266 = arith.constant 48 : index
      %swap3A_1267 = tpu.vector_load %arg18[%swap3A_1265, %swap3A_1266] {strides = array<i32>} : memref<256x128xf32, #tpu.memory_space<vmem>>, vector<1x16xf32>,
      %swap3A_1268 = vector.shape_cast %swap3A_1267 : vector<1x16xf32> to vector<16xf32>
      %swap3A_1269 = vector.shape_cast %mul3A_1264 : vector<16xf32> to vector<1x16xf32>
      tpu.vector_store %arg18[%swap3A_1265, %swap3A_1266], %swap3A_1269 {strides = array<i32>} : memref<256x128xf32, #tpu.memory_space<vmem>>, vector<1x16xf32>,
      %get3A_1270 = arith.index_cast %add3A_1223 : i32 to index
      %get3A_1271 = arith.constant 64 : index
      %get3A_1272 = tpu.vector_load %arg13[%get3A_1270, %get3A_1271] {strides = array<i32>} : memref<256x128xf32, #tpu.memory_space<vmem>>, vector<1x16xf32>,
      %get3A_1273 = vector.shape_cast %get3A_1272 : vector<1x16xf32> to vector<16xf32>
      %mul3A_1274 = arith.mulf %get3A_1273, %add3A_1229 : vector<16xf32>
      %swap3A_1275 = arith.index_cast %add3A_1223 : i32 to index
      %swap3A_1276 = arith.constant 64 : index
      %swap3A_1277 = tpu.vector_load %arg18[%swap3A_1275, %swap3A_1276] {strides = array<i32>} : memref<256x128xf32, #tpu.memory_space<vmem>>, vector<1x16xf32>,
      %swap3A_1278 = vector.shape_cast %swap3A_1277 : vector<1x16xf32> to vector<16xf32>
      %swap3A_1279 = vector.shape_cast %mul3A_1274 : vector<16xf32> to vector<1x16xf32>
      tpu.vector_store %arg18[%swap3A_1275, %swap3A_1276], %swap3A_1279 {strides = array<i32>} : memref<256x128xf32, #tpu.memory_space<vmem>>, vector<1x16xf32>,
      %get3A_1280 = arith.index_cast %add3A_1223 : i32 to index
      %get3A_1281 = arith.constant 80 : index
      %get3A_1282 = tpu.vector_load %arg13[%get3A_1280, %get3A_1281] {strides = array<i32>} : memref<256x128xf32, #tpu.memory_space<vmem>>, vector<1x16xf32>,
      %get3A_1283 = vector.shape_cast %get3A_1282 : vector<1x16xf32> to vector<16xf32>
      %mul3A_1284 = arith.mulf %get3A_1283, %add3A_1229 : vector<16xf32>
      %swap3A_1285 = arith.index_cast %add3A_1223 : i32 to index
      %swap3A_1286 = arith.constant 80 : index
      %swap3A_1287 = tpu.vector_load %arg18[%swap3A_1285, %swap3A_1286] {strides = array<i32>} : memref<256x128xf32, #tpu.memory_space<vmem>>, vector<1x16xf32>,
      %swap3A_1288 = vector.shape_cast %swap3A_1287 : vector<1x16xf32> to vector<16xf32>
      %swap3A_1289 = vector.shape_cast %mul3A_1284 : vector<16xf32> to vector<1x16xf32>
      tpu.vector_store %arg18[%swap3A_1285, %swap3A_1286], %swap3A_1289 {strides = array<i32>} : memref<256x128xf32, #tpu.memory_space<vmem>>, vector<1x16xf32>,
      %get3A_1290 = arith.index_cast %add3A_1223 : i32 to index
      %get3A_1291 = arith.constant 96 : index
      %get3A_1292 = tpu.vector_load %arg13[%get3A_1290, %get3A_1291] {strides = array<i32>} : memref<256x128xf32, #tpu.memory_space<vmem>>, vector<1x16xf32>,
      %get3A_1293 = vector.shape_cast %get3A_1292 : vector<1x16xf32> to vector<16xf32>
      %mul3A_1294 = arith.mulf %get3A_1293, %add3A_1229 : vector<16xf32>
      %swap3A_1295 = arith.index_cast %add3A_1223 : i32 to index
      %swap3A_1296 = arith.constant 96 : index
      %swap3A_1297 = tpu.vector_load %arg18[%swap3A_1295, %swap3A_1296] {strides = array<i32>} : memref<256x128xf32, #tpu.memory_space<vmem>>, vector<1x16xf32>,
      %swap3A_1298 = vector.shape_cast %swap3A_1297 : vector<1x16xf32> to vector<16xf32>
      %swap3A_1299 = vector.shape_cast %mul3A_1294 : vector<16xf32> to vector<1x16xf32>
      tpu.vector_store %arg18[%swap3A_1295, %swap3A_1296], %swap3A_1299 {strides = array<i32>} : memref<256x128xf32, #tpu.memory_space<vmem>>, vector<1x16xf32>,
      %get3A_1300 = arith.index_cast %add3A_1223 : i32 to index
      %get3A_1301 = arith.constant 112 : index
      %get3A_1302 = tpu.vector_load %arg13[%get3A_1300, %get3A_1301] {strides = array<i32>} : memref<256x128xf32, #tpu.memory_space<vmem>>, vector<1x16xf32>,
      %get3A_1303 = vector.shape_cast %get3A_1302 : vector<1x16xf32> to vector<16xf32>
      %mul3A_1304 = arith.mulf %get3A_1303, %add3A_1229 : vector<16xf32>
      %swap3A_1305 = arith.index_cast %add3A_1223 : i32 to index
      %swap3A_1306 = arith.constant 112 : index
      %swap3A_1307 = tpu.vector_load %arg18[%swap3A_1305, %swap3A_1306] {strides = array<i32>} : memref<256x128xf32, #tpu.memory_space<vmem>>, vector<1x16xf32>,
      %swap3A_1308 = vector.shape_cast %swap3A_1307 : vector<1x16xf32> to vector<16xf32>
      %swap3A_1309 = vector.shape_cast %mul3A_1304 : vector<16xf32> to vector<1x16xf32>
      tpu.vector_store %arg18[%swap3A_1305, %swap3A_1306], %swap3A_1309 {strides = array<i32>} : memref<256x128xf32, #tpu.memory_space<vmem>>, vector<1x16xf32>,
      %mul3A_1310 = arith.constant 16 : i32
      %mul3A_1311 = arith.muli %scan3A_1034, %mul3A_1310 : i32
      %add3A_1312 = arith.constant 3 : i32
      %add3A_1313 = arith.addi %mul3A_1311, %add3A_1312 : i32
      %broadcast_in_dim3A_1314 = arith.constant 0.000000e+00 : f32
      %broadcast_in_dim3A_1315 = vector.broadcast %broadcast_in_dim3A_1314 : f32 to vector<16xf32>
      %slice3A_1316 = vector.extract_strided_slice %get3A_1042 {offsets = [3], sizes = [1], strides = [1]} : vector<16xf32> to vector<1xf32>
      %squeeze3A_1317 = vector.extract %slice3A_1316[0] : f32 from vector<1xf32>
      %add3A_1318 = vector.broadcast %squeeze3A_1317 : f32 to vector<16xf32>
      %add3A_1319 = arith.addf %broadcast_in_dim3A_1315, %add3A_1318 : vector<16xf32>
      %get3A_1320 = arith.index_cast %add3A_1313 : i32 to index
      %get3A_1321 = arith.constant 0 : index
      %get3A_1322 = tpu.vector_load %arg13[%get3A_1320, %get3A_1321] {strides = array<i32>} : memref<256x128xf32, #tpu.memory_space<vmem>>, vector<1x16xf32>,
      %get3A_1323 = vector.shape_cast %get3A_1322 : vector<1x16xf32> to vector<16xf32>
      %mul3A_1324 = arith.mulf %get3A_1323, %add3A_1319 : vector<16xf32>
      %swap3A_1325 = arith.index_cast %add3A_1313 : i32 to index
      %swap3A_1326 = arith.constant 0 : index
      %swap3A_1327 = tpu.vector_load %arg18[%swap3A_1325, %swap3A_1326] {strides = array<i32>} : memref<256x128xf32, #tpu.memory_space<vmem>>, vector<1x16xf32>,
      %swap3A_1328 = vector.shape_cast %swap3A_1327 : vector<1x16xf32> to vector<16xf32>
      %swap3A_1329 = vector.shape_cast %mul3A_1324 : vector<16xf32> to vector<1x16xf32>
      tpu.vector_store %arg18[%swap3A_1325, %swap3A_1326], %swap3A_1329 {strides = array<i32>} : memref<256x128xf32, #tpu.memory_space<vmem>>, vector<1x16xf32>,
      %get3A_1330 = arith.index_cast %add3A_1313 : i32 to index
      %get3A_1331 = arith.constant 16 : index
      %get3A_1332 = tpu.vector_load %arg13[%get3A_1330, %get3A_1331] {strides = array<i32>} : memref<256x128xf32, #tpu.memory_space<vmem>>, vector<1x16xf32>,
      %get3A_1333 = vector.shape_cast %get3A_1332 : vector<1x16xf32> to vector<16xf32>
      %mul3A_1334 = arith.mulf %get3A_1333, %add3A_1319 : vector<16xf32>
      %swap3A_1335 = arith.index_cast %add3A_1313 : i32 to index
      %swap3A_1336 = arith.constant 16 : index
      %swap3A_1337 = tpu.vector_load %arg18[%swap3A_1335, %swap3A_1336] {strides = array<i32>} : memref<256x128xf32, #tpu.memory_space<vmem>>, vector<1x16xf32>,
      %swap3A_1338 = vector.shape_cast %swap3A_1337 : vector<1x16xf32> to vector<16xf32>
      %swap3A_1339 = vector.shape_cast %mul3A_1334 : vector<16xf32> to vector<1x16xf32>
      tpu.vector_store %arg18[%swap3A_1335, %swap3A_1336], %swap3A_1339 {strides = array<i32>} : memref<256x128xf32, #tpu.memory_space<vmem>>, vector<1x16xf32>,
      %get3A_1340 = arith.index_cast %add3A_1313 : i32 to index
      %get3A_1341 = arith.constant 32 : index
      %get3A_1342 = tpu.vector_load %arg13[%get3A_1340, %get3A_1341] {strides = array<i32>} : memref<256x128xf32, #tpu.memory_space<vmem>>, vector<1x16xf32>,
      %get3A_1343 = vector.shape_cast %get3A_1342 : vector<1x16xf32> to vector<16xf32>
      %mul3A_1344 = arith.mulf %get3A_1343, %add3A_1319 : vector<16xf32>
      %swap3A_1345 = arith.index_cast %add3A_1313 : i32 to index
      %swap3A_1346 = arith.constant 32 : index
      %swap3A_1347 = tpu.vector_load %arg18[%swap3A_1345, %swap3A_1346] {strides = array<i32>} : memref<256x128xf32, #tpu.memory_space<vmem>>, vector<1x16xf32>,
      %swap3A_1348 = vector.shape_cast %swap3A_1347 : vector<1x16xf32> to vector<16xf32>
      %swap3A_1349 = vector.shape_cast %mul3A_1344 : vector<16xf32> to vector<1x16xf32>
      tpu.vector_store %arg18[%swap3A_1345, %swap3A_1346], %swap3A_1349 {strides = array<i32>} : memref<256x128xf32, #tpu.memory_space<vmem>>, vector<1x16xf32>,
      %get3A_1350 = arith.index_cast %add3A_1313 : i32 to index
      %get3A_1351 = arith.constant 48 : index
      %get3A_1352 = tpu.vector_load %arg13[%get3A_1350, %get3A_1351] {strides = array<i32>} : memref<256x128xf32, #tpu.memory_space<vmem>>, vector<1x16xf32>,
      %get3A_1353 = vector.shape_cast %get3A_1352 : vector<1x16xf32> to vector<16xf32>
      %mul3A_1354 = arith.mulf %get3A_1353, %add3A_1319 : vector<16xf32>
      %swap3A_1355 = arith.index_cast %add3A_1313 : i32 to index
      %swap3A_1356 = arith.constant 48 : index
      %swap3A_1357 = tpu.vector_load %arg18[%swap3A_1355, %swap3A_1356] {strides = array<i32>} : memref<256x128xf32, #tpu.memory_space<vmem>>, vector<1x16xf32>,
      %swap3A_1358 = vector.shape_cast %swap3A_1357 : vector<1x16xf32> to vector<16xf32>
      %swap3A_1359 = vector.shape_cast %mul3A_1354 : vector<16xf32> to vector<1x16xf32>
      tpu.vector_store %arg18[%swap3A_1355, %swap3A_1356], %swap3A_1359 {strides = array<i32>} : memref<256x128xf32, #tpu.memory_space<vmem>>, vector<1x16xf32>,
      %get3A_1360 = arith.index_cast %add3A_1313 : i32 to index
      %get3A_1361 = arith.constant 64 : index
      %get3A_1362 = tpu.vector_load %arg13[%get3A_1360, %get3A_1361] {strides = array<i32>} : memref<256x128xf32, #tpu.memory_space<vmem>>, vector<1x16xf32>,
      %get3A_1363 = vector.shape_cast %get3A_1362 : vector<1x16xf32> to vector<16xf32>
      %mul3A_1364 = arith.mulf %get3A_1363, %add3A_1319 : vector<16xf32>
      %swap3A_1365 = arith.index_cast %add3A_1313 : i32 to index
      %swap3A_1366 = arith.constant 64 : index
      %swap3A_1367 = tpu.vector_load %arg18[%swap3A_1365, %swap3A_1366] {strides = array<i32>} : memref<256x128xf32, #tpu.memory_space<vmem>>, vector<1x16xf32>,
      %swap3A_1368 = vector.shape_cast %swap3A_1367 : vector<1x16xf32> to vector<16xf32>
      %swap3A_1369 = vector.shape_cast %mul3A_1364 : vector<16xf32> to vector<1x16xf32>
      tpu.vector_store %arg18[%swap3A_1365, %swap3A_1366], %swap3A_1369 {strides = array<i32>} : memref<256x128xf32, #tpu.memory_space<vmem>>, vector<1x16xf32>,
      %get3A_1370 = arith.index_cast %add3A_1313 : i32 to index
      %get3A_1371 = arith.constant 80 : index
      %get3A_1372 = tpu.vector_load %arg13[%get3A_1370, %get3A_1371] {strides = array<i32>} : memref<256x128xf32, #tpu.memory_space<vmem>>, vector<1x16xf32>,
      %get3A_1373 = vector.shape_cast %get3A_1372 : vector<1x16xf32> to vector<16xf32>
      %mul3A_1374 = arith.mulf %get3A_1373, %add3A_1319 : vector<16xf32>
      %swap3A_1375 = arith.index_cast %add3A_1313 : i32 to index
      %swap3A_1376 = arith.constant 80 : index
      %swap3A_1377 = tpu.vector_load %arg18[%swap3A_1375, %swap3A_1376] {strides = array<i32>} : memref<256x128xf32, #tpu.memory_space<vmem>>, vector<1x16xf32>,
      %swap3A_1378 = vector.shape_cast %swap3A_1377 : vector<1x16xf32> to vector<16xf32>
      %swap3A_1379 = vector.shape_cast %mul3A_1374 : vector<16xf32> to vector<1x16xf32>
      tpu.vector_store %arg18[%swap3A_1375, %swap3A_1376], %swap3A_1379 {strides = array<i32>} : memref<256x128xf32, #tpu.memory_space<vmem>>, vector<1x16xf32>,
      %get3A_1380 = arith.index_cast %add3A_1313 : i32 to index
      %get3A_1381 = arith.constant 96 : index
      %get3A_1382 = tpu.vector_load %arg13[%get3A_1380, %get3A_1381] {strides = array<i32>} : memref<256x128xf32, #tpu.memory_space<vmem>>, vector<1x16xf32>,
      %get3A_1383 = vector.shape_cast %get3A_1382 : vector<1x16xf32> to vector<16xf32>
      %mul3A_1384 = arith.mulf %get3A_1383, %add3A_1319 : vector<16xf32>
      %swap3A_1385 = arith.index_cast %add3A_1313 : i32 to index
      %swap3A_1386 = arith.constant 96 : index
      %swap3A_1387 = tpu.vector_load %arg18[%swap3A_1385, %swap3A_1386] {strides = array<i32>} : memref<256x128xf32, #tpu.memory_space<vmem>>, vector<1x16xf32>,
      %swap3A_1388 = vector.shape_cast %swap3A_1387 : vector<1x16xf32> to vector<16xf32>
      %swap3A_1389 = vector.shape_cast %mul3A_1384 : vector<16xf32> to vector<1x16xf32>
      tpu.vector_store %arg18[%swap3A_1385, %swap3A_1386], %swap3A_1389 {strides = array<i32>} : memref<256x128xf32, #tpu.memory_space<vmem>>, vector<1x16xf32>,
      %get3A_1390 = arith.index_cast %add3A_1313 : i32 to index
      %get3A_1391 = arith.constant 112 : index
      %get3A_1392 = tpu.vector_load %arg13[%get3A_1390, %get3A_1391] {strides = array<i32>} : memref<256x128xf32, #tpu.memory_space<vmem>>, vector<1x16xf32>,
      %get3A_1393 = vector.shape_cast %get3A_1392 : vector<1x16xf32> to vector<16xf32>
      %mul3A_1394 = arith.mulf %get3A_1393, %add3A_1319 : vector<16xf32>
      %swap3A_1395 = arith.index_cast %add3A_1313 : i32 to index
      %swap3A_1396 = arith.constant 112 : index
      %swap3A_1397 = tpu.vector_load %arg18[%swap3A_1395, %swap3A_1396] {strides = array<i32>} : memref<256x128xf32, #tpu.memory_space<vmem>>, vector<1x16xf32>,
      %swap3A_1398 = vector.shape_cast %swap3A_1397 : vector<1x16xf32> to vector<16xf32>
      %swap3A_1399 = vector.shape_cast %mul3A_1394 : vector<16xf32> to vector<1x16xf32>
      tpu.vector_store %arg18[%swap3A_1395, %swap3A_1396], %swap3A_1399 {strides = array<i32>} : memref<256x128xf32, #tpu.memory_space<vmem>>, vector<1x16xf32>,
      %mul3A_1400 = arith.constant 16 : i32
      %mul3A_1401 = arith.muli %scan3A_1034, %mul3A_1400 : i32
      %add3A_1402 = arith.constant 4 : i32
      %add3A_1403 = arith.addi %mul3A_1401, %add3A_1402 : i32
      %broadcast_in_dim3A_1404 = arith.constant 0.000000e+00 : f32
      %broadcast_in_dim3A_1405 = vector.broadcast %broadcast_in_dim3A_1404 : f32 to vector<16xf32>
      %slice3A_1406 = vector.extract_strided_slice %get3A_1042 {offsets = [4], sizes = [1], strides = [1]} : vector<16xf32> to vector<1xf32>
      %squeeze3A_1407 = vector.extract %slice3A_1406[0] : f32 from vector<1xf32>
      %add3A_1408 = vector.broadcast %squeeze3A_1407 : f32 to vector<16xf32>
      %add3A_1409 = arith.addf %broadcast_in_dim3A_1405, %add3A_1408 : vector<16xf32>
      %get3A_1410 = arith.index_cast %add3A_1403 : i32 to index
      %get3A_1411 = arith.constant 0 : index
      %get3A_1412 = tpu.vector_load %arg13[%get3A_1410, %get3A_1411] {strides = array<i32>} : memref<256x128xf32, #tpu.memory_space<vmem>>, vector<1x16xf32>,
      %get3A_1413 = vector.shape_cast %get3A_1412 : vector<1x16xf32> to vector<16xf32>
      %mul3A_1414 = arith.mulf %get3A_1413, %add3A_1409 : vector<16xf32>
      %swap3A_1415 = arith.index_cast %add3A_1403 : i32 to index
      %swap3A_1416 = arith.constant 0 : index
      %swap3A_1417 = tpu.vector_load %arg18[%swap3A_1415, %swap3A_1416] {strides = array<i32>} : memref<256x128xf32, #tpu.memory_space<vmem>>, vector<1x16xf32>,
      %swap3A_1418 = vector.shape_cast %swap3A_1417 : vector<1x16xf32> to vector<16xf32>
      %swap3A_1419 = vector.shape_cast %mul3A_1414 : vector<16xf32> to vector<1x16xf32>
      tpu.vector_store %arg18[%swap3A_1415, %swap3A_1416], %swap3A_1419 {strides = array<i32>} : memref<256x128xf32, #tpu.memory_space<vmem>>, vector<1x16xf32>,
      %get3A_1420 = arith.index_cast %add3A_1403 : i32 to index
      %get3A_1421 = arith.constant 16 : index
      %get3A_1422 = tpu.vector_load %arg13[%get3A_1420, %get3A_1421] {strides = array<i32>} : memref<256x128xf32, #tpu.memory_space<vmem>>, vector<1x16xf32>,
      %get3A_1423 = vector.shape_cast %get3A_1422 : vector<1x16xf32> to vector<16xf32>
      %mul3A_1424 = arith.mulf %get3A_1423, %add3A_1409 : vector<16xf32>
      %swap3A_1425 = arith.index_cast %add3A_1403 : i32 to index
      %swap3A_1426 = arith.constant 16 : index
      %swap3A_1427 = tpu.vector_load %arg18[%swap3A_1425, %swap3A_1426] {strides = array<i32>} : memref<256x128xf32, #tpu.memory_space<vmem>>, vector<1x16xf32>,
      %swap3A_1428 = vector.shape_cast %swap3A_1427 : vector<1x16xf32> to vector<16xf32>
      %swap3A_1429 = vector.shape_cast %mul3A_1424 : vector<16xf32> to vector<1x16xf32>
      tpu.vector_store %arg18[%swap3A_1425, %swap3A_1426], %swap3A_1429 {strides = array<i32>} : memref<256x128xf32, #tpu.memory_space<vmem>>, vector<1x16xf32>,
      %get3A_1430 = arith.index_cast %add3A_1403 : i32 to index
      %get3A_1431 = arith.constant 32 : index
      %get3A_1432 = tpu.vector_load %arg13[%get3A_1430, %get3A_1431] {strides = array<i32>} : memref<256x128xf32, #tpu.memory_space<vmem>>, vector<1x16xf32>,
      %get3A_1433 = vector.shape_cast %get3A_1432 : vector<1x16xf32> to vector<16xf32>
      %mul3A_1434 = arith.mulf %get3A_1433, %add3A_1409 : vector<16xf32>
      %swap3A_1435 = arith.index_cast %add3A_1403 : i32 to index
      %swap3A_1436 = arith.constant 32 : index
      %swap3A_1437 = tpu.vector_load %arg18[%swap3A_1435, %swap3A_1436] {strides = array<i32>} : memref<256x128xf32, #tpu.memory_space<vmem>>, vector<1x16xf32>,
      %swap3A_1438 = vector.shape_cast %swap3A_1437 : vector<1x16xf32> to vector<16xf32>
      %swap3A_1439 = vector.shape_cast %mul3A_1434 : vector<16xf32> to vector<1x16xf32>
      tpu.vector_store %arg18[%swap3A_1435, %swap3A_1436], %swap3A_1439 {strides = array<i32>} : memref<256x128xf32, #tpu.memory_space<vmem>>, vector<1x16xf32>,
      %get3A_1440 = arith.index_cast %add3A_1403 : i32 to index
      %get3A_1441 = arith.constant 48 : index
      %get3A_1442 = tpu.vector_load %arg13[%get3A_1440, %get3A_1441] {strides = array<i32>} : memref<256x128xf32, #tpu.memory_space<vmem>>, vector<1x16xf32>,
      %get3A_1443 = vector.shape_cast %get3A_1442 : vector<1x16xf32> to vector<16xf32>
      %mul3A_1444 = arith.mulf %get3A_1443, %add3A_1409 : vector<16xf32>
      %swap3A_1445 = arith.index_cast %add3A_1403 : i32 to index
      %swap3A_1446 = arith.constant 48 : index
      %swap3A_1447 = tpu.vector_load %arg18[%swap3A_1445, %swap3A_1446] {strides = array<i32>} : memref<256x128xf32, #tpu.memory_space<vmem>>, vector<1x16xf32>,
      %swap3A_1448 = vector.shape_cast %swap3A_1447 : vector<1x16xf32> to vector<16xf32>
      %swap3A_1449 = vector.shape_cast %mul3A_1444 : vector<16xf32> to vector<1x16xf32>
      tpu.vector_store %arg18[%swap3A_1445, %swap3A_1446], %swap3A_1449 {strides = array<i32>} : memref<256x128xf32, #tpu.memory_space<vmem>>, vector<1x16xf32>,
      %get3A_1450 = arith.index_cast %add3A_1403 : i32 to index
      %get3A_1451 = arith.constant 64 : index
      %get3A_1452 = tpu.vector_load %arg13[%get3A_1450, %get3A_1451] {strides = array<i32>} : memref<256x128xf32, #tpu.memory_space<vmem>>, vector<1x16xf32>,
      %get3A_1453 = vector.shape_cast %get3A_1452 : vector<1x16xf32> to vector<16xf32>
      %mul3A_1454 = arith.mulf %get3A_1453, %add3A_1409 : vector<16xf32>
      %swap3A_1455 = arith.index_cast %add3A_1403 : i32 to index
      %swap3A_1456 = arith.constant 64 : index
      %swap3A_1457 = tpu.vector_load %arg18[%swap3A_1455, %swap3A_1456] {strides = array<i32>} : memref<256x128xf32, #tpu.memory_space<vmem>>, vector<1x16xf32>,
      %swap3A_1458 = vector.shape_cast %swap3A_1457 : vector<1x16xf32> to vector<16xf32>
      %swap3A_1459 = vector.shape_cast %mul3A_1454 : vector<16xf32> to vector<1x16xf32>
      tpu.vector_store %arg18[%swap3A_1455, %swap3A_1456], %swap3A_1459 {strides = array<i32>} : memref<256x128xf32, #tpu.memory_space<vmem>>, vector<1x16xf32>,
      %get3A_1460 = arith.index_cast %add3A_1403 : i32 to index
      %get3A_1461 = arith.constant 80 : index
      %get3A_1462 = tpu.vector_load %arg13[%get3A_1460, %get3A_1461] {strides = array<i32>} : memref<256x128xf32, #tpu.memory_space<vmem>>, vector<1x16xf32>,
      %get3A_1463 = vector.shape_cast %get3A_1462 : vector<1x16xf32> to vector<16xf32>
      %mul3A_1464 = arith.mulf %get3A_1463, %add3A_1409 : vector<16xf32>
      %swap3A_1465 = arith.index_cast %add3A_1403 : i32 to index
      %swap3A_1466 = arith.constant 80 : index
      %swap3A_1467 = tpu.vector_load %arg18[%swap3A_1465, %swap3A_1466] {strides = array<i32>} : memref<256x128xf32, #tpu.memory_space<vmem>>, vector<1x16xf32>,
      %swap3A_1468 = vector.shape_cast %swap3A_1467 : vector<1x16xf32> to vector<16xf32>
      %swap3A_1469 = vector.shape_cast %mul3A_1464 : vector<16xf32> to vector<1x16xf32>
      tpu.vector_store %arg18[%swap3A_1465, %swap3A_1466], %swap3A_1469 {strides = array<i32>} : memref<256x128xf32, #tpu.memory_space<vmem>>, vector<1x16xf32>,
      %get3A_1470 = arith.index_cast %add3A_1403 : i32 to index
      %get3A_1471 = arith.constant 96 : index
      %get3A_1472 = tpu.vector_load %arg13[%get3A_1470, %get3A_1471] {strides = array<i32>} : memref<256x128xf32, #tpu.memory_space<vmem>>, vector<1x16xf32>,
      %get3A_1473 = vector.shape_cast %get3A_1472 : vector<1x16xf32> to vector<16xf32>
      %mul3A_1474 = arith.mulf %get3A_1473, %add3A_1409 : vector<16xf32>
      %swap3A_1475 = arith.index_cast %add3A_1403 : i32 to index
      %swap3A_1476 = arith.constant 96 : index
      %swap3A_1477 = tpu.vector_load %arg18[%swap3A_1475, %swap3A_1476] {strides = array<i32>} : memref<256x128xf32, #tpu.memory_space<vmem>>, vector<1x16xf32>,
      %swap3A_1478 = vector.shape_cast %swap3A_1477 : vector<1x16xf32> to vector<16xf32>
      %swap3A_1479 = vector.shape_cast %mul3A_1474 : vector<16xf32> to vector<1x16xf32>
      tpu.vector_store %arg18[%swap3A_1475, %swap3A_1476], %swap3A_1479 {strides = array<i32>} : memref<256x128xf32, #tpu.memory_space<vmem>>, vector<1x16xf32>,
      %get3A_1480 = arith.index_cast %add3A_1403 : i32 to index
      %get3A_1481 = arith.constant 112 : index
      %get3A_1482 = tpu.vector_load %arg13[%get3A_1480, %get3A_1481] {strides = array<i32>} : memref<256x128xf32, #tpu.memory_space<vmem>>, vector<1x16xf32>,
      %get3A_1483 = vector.shape_cast %get3A_1482 : vector<1x16xf32> to vector<16xf32>
      %mul3A_1484 = arith.mulf %get3A_1483, %add3A_1409 : vector<16xf32>
      %swap3A_1485 = arith.index_cast %add3A_1403 : i32 to index
      %swap3A_1486 = arith.constant 112 : index
      %swap3A_1487 = tpu.vector_load %arg18[%swap3A_1485, %swap3A_1486] {strides = array<i32>} : memref<256x128xf32, #tpu.memory_space<vmem>>, vector<1x16xf32>,
      %swap3A_1488 = vector.shape_cast %swap3A_1487 : vector<1x16xf32> to vector<16xf32>
      %swap3A_1489 = vector.shape_cast %mul3A_1484 : vector<16xf32> to vector<1x16xf32>
      tpu.vector_store %arg18[%swap3A_1485, %swap3A_1486], %swap3A_1489 {strides = array<i32>} : memref<256x128xf32, #tpu.memory_space<vmem>>, vector<1x16xf32>,
      %mul3A_1490 = arith.constant 16 : i32
      %mul3A_1491 = arith.muli %scan3A_1034, %mul3A_1490 : i32
      %add3A_1492 = arith.constant 5 : i32
      %add3A_1493 = arith.addi %mul3A_1491, %add3A_1492 : i32
      %broadcast_in_dim3A_1494 = arith.constant 0.000000e+00 : f32
      %broadcast_in_dim3A_1495 = vector.broadcast %broadcast_in_dim3A_1494 : f32 to vector<16xf32>
      %slice3A_1496 = vector.extract_strided_slice %get3A_1042 {offsets = [5], sizes = [1], strides = [1]} : vector<16xf32> to vector<1xf32>
      %squeeze3A_1497 = vector.extract %slice3A_1496[0] : f32 from vector<1xf32>
      %add3A_1498 = vector.broadcast %squeeze3A_1497 : f32 to vector<16xf32>
      %add3A_1499 = arith.addf %broadcast_in_dim3A_1495, %add3A_1498 : vector<16xf32>
      %get3A_1500 = arith.index_cast %add3A_1493 : i32 to index
      %get3A_1501 = arith.constant 0 : index
      %get3A_1502 = tpu.vector_load %arg13[%get3A_1500, %get3A_1501] {strides = array<i32>} : memref<256x128xf32, #tpu.memory_space<vmem>>, vector<1x16xf32>,
      %get3A_1503 = vector.shape_cast %get3A_1502 : vector<1x16xf32> to vector<16xf32>
      %mul3A_1504 = arith.mulf %get3A_1503, %add3A_1499 : vector<16xf32>
      %swap3A_1505 = arith.index_cast %add3A_1493 : i32 to index
      %swap3A_1506 = arith.constant 0 : index
      %swap3A_1507 = tpu.vector_load %arg18[%swap3A_1505, %swap3A_1506] {strides = array<i32>} : memref<256x128xf32, #tpu.memory_space<vmem>>, vector<1x16xf32>,
      %swap3A_1508 = vector.shape_cast %swap3A_1507 : vector<1x16xf32> to vector<16xf32>
      %swap3A_1509 = vector.shape_cast %mul3A_1504 : vector<16xf32> to vector<1x16xf32>
      tpu.vector_store %arg18[%swap3A_1505, %swap3A_1506], %swap3A_1509 {strides = array<i32>} : memref<256x128xf32, #tpu.memory_space<vmem>>, vector<1x16xf32>,
      %get3A_1510 = arith.index_cast %add3A_1493 : i32 to index
      %get3A_1511 = arith.constant 16 : index
      %get3A_1512 = tpu.vector_load %arg13[%get3A_1510, %get3A_1511] {strides = array<i32>} : memref<256x128xf32, #tpu.memory_space<vmem>>, vector<1x16xf32>,
      %get3A_1513 = vector.shape_cast %get3A_1512 : vector<1x16xf32> to vector<16xf32>
      %mul3A_1514 = arith.mulf %get3A_1513, %add3A_1499 : vector<16xf32>
      %swap3A_1515 = arith.index_cast %add3A_1493 : i32 to index
      %swap3A_1516 = arith.constant 16 : index
      %swap3A_1517 = tpu.vector_load %arg18[%swap3A_1515, %swap3A_1516] {strides = array<i32>} : memref<256x128xf32, #tpu.memory_space<vmem>>, vector<1x16xf32>,
      %swap3A_1518 = vector.shape_cast %swap3A_1517 : vector<1x16xf32> to vector<16xf32>
      %swap3A_1519 = vector.shape_cast %mul3A_1514 : vector<16xf32> to vector<1x16xf32>
      tpu.vector_store %arg18[%swap3A_1515, %swap3A_1516], %swap3A_1519 {strides = array<i32>} : memref<256x128xf32, #tpu.memory_space<vmem>>, vector<1x16xf32>,
      %get3A_1520 = arith.index_cast %add3A_1493 : i32 to index
      %get3A_1521 = arith.constant 32 : index
      %get3A_1522 = tpu.vector_load %arg13[%get3A_1520, %get3A_1521] {strides = array<i32>} : memref<256x128xf32, #tpu.memory_space<vmem>>, vector<1x16xf32>,
      %get3A_1523 = vector.shape_cast %get3A_1522 : vector<1x16xf32> to vector<16xf32>
      %mul3A_1524 = arith.mulf %get3A_1523, %add3A_1499 : vector<16xf32>
      %swap3A_1525 = arith.index_cast %add3A_1493 : i32 to index
      %swap3A_1526 = arith.constant 32 : index
      %swap3A_1527 = tpu.vector_load %arg18[%swap3A_1525, %swap3A_1526] {strides = array<i32>} : memref<256x128xf32, #tpu.memory_space<vmem>>, vector<1x16xf32>,
      %swap3A_1528 = vector.shape_cast %swap3A_1527 : vector<1x16xf32> to vector<16xf32>
      %swap3A_1529 = vector.shape_cast %mul3A_1524 : vector<16xf32> to vector<1x16xf32>
      tpu.vector_store %arg18[%swap3A_1525, %swap3A_1526], %swap3A_1529 {strides = array<i32>} : memref<256x128xf32, #tpu.memory_space<vmem>>, vector<1x16xf32>,
      %get3A_1530 = arith.index_cast %add3A_1493 : i32 to index
      %get3A_1531 = arith.constant 48 : index
      %get3A_1532 = tpu.vector_load %arg13[%get3A_1530, %get3A_1531] {strides = array<i32>} : memref<256x128xf32, #tpu.memory_space<vmem>>, vector<1x16xf32>,
      %get3A_1533 = vector.shape_cast %get3A_1532 : vector<1x16xf32> to vector<16xf32>
      %mul3A_1534 = arith.mulf %get3A_1533, %add3A_1499 : vector<16xf32>
      %swap3A_1535 = arith.index_cast %add3A_1493 : i32 to index
      %swap3A_1536 = arith.constant 48 : index
      %swap3A_1537 = tpu.vector_load %arg18[%swap3A_1535, %swap3A_1536] {strides = array<i32>} : memref<256x128xf32, #tpu.memory_space<vmem>>, vector<1x16xf32>,
      %swap3A_1538 = vector.shape_cast %swap3A_1537 : vector<1x16xf32> to vector<16xf32>
      %swap3A_1539 = vector.shape_cast %mul3A_1534 : vector<16xf32> to vector<1x16xf32>
      tpu.vector_store %arg18[%swap3A_1535, %swap3A_1536], %swap3A_1539 {strides = array<i32>} : memref<256x128xf32, #tpu.memory_space<vmem>>, vector<1x16xf32>,
      %get3A_1540 = arith.index_cast %add3A_1493 : i32 to index
      %get3A_1541 = arith.constant 64 : index
      %get3A_1542 = tpu.vector_load %arg13[%get3A_1540, %get3A_1541] {strides = array<i32>} : memref<256x128xf32, #tpu.memory_space<vmem>>, vector<1x16xf32>,
      %get3A_1543 = vector.shape_cast %get3A_1542 : vector<1x16xf32> to vector<16xf32>
      %mul3A_1544 = arith.mulf %get3A_1543, %add3A_1499 : vector<16xf32>
      %swap3A_1545 = arith.index_cast %add3A_1493 : i32 to index
      %swap3A_1546 = arith.constant 64 : index
      %swap3A_1547 = tpu.vector_load %arg18[%swap3A_1545, %swap3A_1546] {strides = array<i32>} : memref<256x128xf32, #tpu.memory_space<vmem>>, vector<1x16xf32>,
      %swap3A_1548 = vector.shape_cast %swap3A_1547 : vector<1x16xf32> to vector<16xf32>
      %swap3A_1549 = vector.shape_cast %mul3A_1544 : vector<16xf32> to vector<1x16xf32>
      tpu.vector_store %arg18[%swap3A_1545, %swap3A_1546], %swap3A_1549 {strides = array<i32>} : memref<256x128xf32, #tpu.memory_space<vmem>>, vector<1x16xf32>,
      %get3A_1550 = arith.index_cast %add3A_1493 : i32 to index
      %get3A_1551 = arith.constant 80 : index
      %get3A_1552 = tpu.vector_load %arg13[%get3A_1550, %get3A_1551] {strides = array<i32>} : memref<256x128xf32, #tpu.memory_space<vmem>>, vector<1x16xf32>,
      %get3A_1553 = vector.shape_cast %get3A_1552 : vector<1x16xf32> to vector<16xf32>
      %mul3A_1554 = arith.mulf %get3A_1553, %add3A_1499 : vector<16xf32>
      %swap3A_1555 = arith.index_cast %add3A_1493 : i32 to index
      %swap3A_1556 = arith.constant 80 : index
      %swap3A_1557 = tpu.vector_load %arg18[%swap3A_1555, %swap3A_1556] {strides = array<i32>} : memref<256x128xf32, #tpu.memory_space<vmem>>, vector<1x16xf32>,
      %swap3A_1558 = vector.shape_cast %swap3A_1557 : vector<1x16xf32> to vector<16xf32>
      %swap3A_1559 = vector.shape_cast %mul3A_1554 : vector<16xf32> to vector<1x16xf32>
      tpu.vector_store %arg18[%swap3A_1555, %swap3A_1556], %swap3A_1559 {strides = array<i32>} : memref<256x128xf32, #tpu.memory_space<vmem>>, vector<1x16xf32>,
      %get3A_1560 = arith.index_cast %add3A_1493 : i32 to index
      %get3A_1561 = arith.constant 96 : index
      %get3A_1562 = tpu.vector_load %arg13[%get3A_1560, %get3A_1561] {strides = array<i32>} : memref<256x128xf32, #tpu.memory_space<vmem>>, vector<1x16xf32>,
      %get3A_1563 = vector.shape_cast %get3A_1562 : vector<1x16xf32> to vector<16xf32>
      %mul3A_1564 = arith.mulf %get3A_1563, %add3A_1499 : vector<16xf32>
      %swap3A_1565 = arith.index_cast %add3A_1493 : i32 to index
      %swap3A_1566 = arith.constant 96 : index
      %swap3A_1567 = tpu.vector_load %arg18[%swap3A_1565, %swap3A_1566] {strides = array<i32>} : memref<256x128xf32, #tpu.memory_space<vmem>>, vector<1x16xf32>,
      %swap3A_1568 = vector.shape_cast %swap3A_1567 : vector<1x16xf32> to vector<16xf32>
      %swap3A_1569 = vector.shape_cast %mul3A_1564 : vector<16xf32> to vector<1x16xf32>
      tpu.vector_store %arg18[%swap3A_1565, %swap3A_1566], %swap3A_1569 {strides = array<i32>} : memref<256x128xf32, #tpu.memory_space<vmem>>, vector<1x16xf32>,
      %get3A_1570 = arith.index_cast %add3A_1493 : i32 to index
      %get3A_1571 = arith.constant 112 : index
      %get3A_1572 = tpu.vector_load %arg13[%get3A_1570, %get3A_1571] {strides = array<i32>} : memref<256x128xf32, #tpu.memory_space<vmem>>, vector<1x16xf32>,
      %get3A_1573 = vector.shape_cast %get3A_1572 : vector<1x16xf32> to vector<16xf32>
      %mul3A_1574 = arith.mulf %get3A_1573, %add3A_1499 : vector<16xf32>
      %swap3A_1575 = arith.index_cast %add3A_1493 : i32 to index
      %swap3A_1576 = arith.constant 112 : index
      %swap3A_1577 = tpu.vector_load %arg18[%swap3A_1575, %swap3A_1576] {strides = array<i32>} : memref<256x128xf32, #tpu.memory_space<vmem>>, vector<1x16xf32>,
      %swap3A_1578 = vector.shape_cast %swap3A_1577 : vector<1x16xf32> to vector<16xf32>
      %swap3A_1579 = vector.shape_cast %mul3A_1574 : vector<16xf32> to vector<1x16xf32>
      tpu.vector_store %arg18[%swap3A_1575, %swap3A_1576], %swap3A_1579 {strides = array<i32>} : memref<256x128xf32, #tpu.memory_space<vmem>>, vector<1x16xf32>,
      %mul3A_1580 = arith.constant 16 : i32
      %mul3A_1581 = arith.muli %scan3A_1034, %mul3A_1580 : i32
      %add3A_1582 = arith.constant 6 : i32
      %add3A_1583 = arith.addi %mul3A_1581, %add3A_1582 : i32
      %broadcast_in_dim3A_1584 = arith.constant 0.000000e+00 : f32
      %broadcast_in_dim3A_1585 = vector.broadcast %broadcast_in_dim3A_1584 : f32 to vector<16xf32>
      %slice3A_1586 = vector.extract_strided_slice %get3A_1042 {offsets = [6], sizes = [1], strides = [1]} : vector<16xf32> to vector<1xf32>
      %squeeze3A_1587 = vector.extract %slice3A_1586[0] : f32 from vector<1xf32>
      %add3A_1588 = vector.broadcast %squeeze3A_1587 : f32 to vector<16xf32>
      %add3A_1589 = arith.addf %broadcast_in_dim3A_1585, %add3A_1588 : vector<16xf32>
      %get3A_1590 = arith.index_cast %add3A_1583 : i32 to index
      %get3A_1591 = arith.constant 0 : index
      %get3A_1592 = tpu.vector_load %arg13[%get3A_1590, %get3A_1591] {strides = array<i32>} : memref<256x128xf32, #tpu.memory_space<vmem>>, vector<1x16xf32>,
      %get3A_1593 = vector.shape_cast %get3A_1592 : vector<1x16xf32> to vector<16xf32>
      %mul3A_1594 = arith.mulf %get3A_1593, %add3A_1589 : vector<16xf32>
      %swap3A_1595 = arith.index_cast %add3A_1583 : i32 to index
      %swap3A_1596 = arith.constant 0 : index
      %swap3A_1597 = tpu.vector_load %arg18[%swap3A_1595, %swap3A_1596] {strides = array<i32>} : memref<256x128xf32, #tpu.memory_space<vmem>>, vector<1x16xf32>,
      %swap3A_1598 = vector.shape_cast %swap3A_1597 : vector<1x16xf32> to vector<16xf32>
      %swap3A_1599 = vector.shape_cast %mul3A_1594 : vector<16xf32> to vector<1x16xf32>
      tpu.vector_store %arg18[%swap3A_1595, %swap3A_1596], %swap3A_1599 {strides = array<i32>} : memref<256x128xf32, #tpu.memory_space<vmem>>, vector<1x16xf32>,
      %get3A_1600 = arith.index_cast %add3A_1583 : i32 to index
      %get3A_1601 = arith.constant 16 : index
      %get3A_1602 = tpu.vector_load %arg13[%get3A_1600, %get3A_1601] {strides = array<i32>} : memref<256x128xf32, #tpu.memory_space<vmem>>, vector<1x16xf32>,
      %get3A_1603 = vector.shape_cast %get3A_1602 : vector<1x16xf32> to vector<16xf32>
      %mul3A_1604 = arith.mulf %get3A_1603, %add3A_1589 : vector<16xf32>
      %swap3A_1605 = arith.index_cast %add3A_1583 : i32 to index
      %swap3A_1606 = arith.constant 16 : index
      %swap3A_1607 = tpu.vector_load %arg18[%swap3A_1605, %swap3A_1606] {strides = array<i32>} : memref<256x128xf32, #tpu.memory_space<vmem>>, vector<1x16xf32>,
      %swap3A_1608 = vector.shape_cast %swap3A_1607 : vector<1x16xf32> to vector<16xf32>
      %swap3A_1609 = vector.shape_cast %mul3A_1604 : vector<16xf32> to vector<1x16xf32>
      tpu.vector_store %arg18[%swap3A_1605, %swap3A_1606], %swap3A_1609 {strides = array<i32>} : memref<256x128xf32, #tpu.memory_space<vmem>>, vector<1x16xf32>,
      %get3A_1610 = arith.index_cast %add3A_1583 : i32 to index
      %get3A_1611 = arith.constant 32 : index
      %get3A_1612 = tpu.vector_load %arg13[%get3A_1610, %get3A_1611] {strides = array<i32>} : memref<256x128xf32, #tpu.memory_space<vmem>>, vector<1x16xf32>,
      %get3A_1613 = vector.shape_cast %get3A_1612 : vector<1x16xf32> to vector<16xf32>
      %mul3A_1614 = arith.mulf %get3A_1613, %add3A_1589 : vector<16xf32>
      %swap3A_1615 = arith.index_cast %add3A_1583 : i32 to index
      %swap3A_1616 = arith.constant 32 : index
      %swap3A_1617 = tpu.vector_load %arg18[%swap3A_1615, %swap3A_1616] {strides = array<i32>} : memref<256x128xf32, #tpu.memory_space<vmem>>, vector<1x16xf32>,
      %swap3A_1618 = vector.shape_cast %swap3A_1617 : vector<1x16xf32> to vector<16xf32>
      %swap3A_1619 = vector.shape_cast %mul3A_1614 : vector<16xf32> to vector<1x16xf32>
      tpu.vector_store %arg18[%swap3A_1615, %swap3A_1616], %swap3A_1619 {strides = array<i32>} : memref<256x128xf32, #tpu.memory_space<vmem>>, vector<1x16xf32>,
      %get3A_1620 = arith.index_cast %add3A_1583 : i32 to index
      %get3A_1621 = arith.constant 48 : index
      %get3A_1622 = tpu.vector_load %arg13[%get3A_1620, %get3A_1621] {strides = array<i32>} : memref<256x128xf32, #tpu.memory_space<vmem>>, vector<1x16xf32>,
      %get3A_1623 = vector.shape_cast %get3A_1622 : vector<1x16xf32> to vector<16xf32>
      %mul3A_1624 = arith.mulf %get3A_1623, %add3A_1589 : vector<16xf32>
      %swap3A_1625 = arith.index_cast %add3A_1583 : i32 to index
      %swap3A_1626 = arith.constant 48 : index
      %swap3A_1627 = tpu.vector_load %arg18[%swap3A_1625, %swap3A_1626] {strides = array<i32>} : memref<256x128xf32, #tpu.memory_space<vmem>>, vector<1x16xf32>,
      %swap3A_1628 = vector.shape_cast %swap3A_1627 : vector<1x16xf32> to vector<16xf32>
      %swap3A_1629 = vector.shape_cast %mul3A_1624 : vector<16xf32> to vector<1x16xf32>
      tpu.vector_store %arg18[%swap3A_1625, %swap3A_1626], %swap3A_1629 {strides = array<i32>} : memref<256x128xf32, #tpu.memory_space<vmem>>, vector<1x16xf32>,
      %get3A_1630 = arith.index_cast %add3A_1583 : i32 to index
      %get3A_1631 = arith.constant 64 : index
      %get3A_1632 = tpu.vector_load %arg13[%get3A_1630, %get3A_1631] {strides = array<i32>} : memref<256x128xf32, #tpu.memory_space<vmem>>, vector<1x16xf32>,
      %get3A_1633 = vector.shape_cast %get3A_1632 : vector<1x16xf32> to vector<16xf32>
      %mul3A_1634 = arith.mulf %get3A_1633, %add3A_1589 : vector<16xf32>
      %swap3A_1635 = arith.index_cast %add3A_1583 : i32 to index
      %swap3A_1636 = arith.constant 64 : index
      %swap3A_1637 = tpu.vector_load %arg18[%swap3A_1635, %swap3A_1636] {strides = array<i32>} : memref<256x128xf32, #tpu.memory_space<vmem>>, vector<1x16xf32>,
      %swap3A_1638 = vector.shape_cast %swap3A_1637 : vector<1x16xf32> to vector<16xf32>
      %swap3A_1639 = vector.shape_cast %mul3A_1634 : vector<16xf32> to vector<1x16xf32>
      tpu.vector_store %arg18[%swap3A_1635, %swap3A_1636], %swap3A_1639 {strides = array<i32>} : memref<256x128xf32, #tpu.memory_space<vmem>>, vector<1x16xf32>,
      %get3A_1640 = arith.index_cast %add3A_1583 : i32 to index
      %get3A_1641 = arith.constant 80 : index
      %get3A_1642 = tpu.vector_load %arg13[%get3A_1640, %get3A_1641] {strides = array<i32>} : memref<256x128xf32, #tpu.memory_space<vmem>>, vector<1x16xf32>,
      %get3A_1643 = vector.shape_cast %get3A_1642 : vector<1x16xf32> to vector<16xf32>
      %mul3A_1644 = arith.mulf %get3A_1643, %add3A_1589 : vector<16xf32>
      %swap3A_1645 = arith.index_cast %add3A_1583 : i32 to index
      %swap3A_1646 = arith.constant 80 : index
      %swap3A_1647 = tpu.vector_load %arg18[%swap3A_1645, %swap3A_1646] {strides = array<i32>} : memref<256x128xf32, #tpu.memory_space<vmem>>, vector<1x16xf32>,
      %swap3A_1648 = vector.shape_cast %swap3A_1647 : vector<1x16xf32> to vector<16xf32>
      %swap3A_1649 = vector.shape_cast %mul3A_1644 : vector<16xf32> to vector<1x16xf32>
      tpu.vector_store %arg18[%swap3A_1645, %swap3A_1646], %swap3A_1649 {strides = array<i32>} : memref<256x128xf32, #tpu.memory_space<vmem>>, vector<1x16xf32>,
      %get3A_1650 = arith.index_cast %add3A_1583 : i32 to index
      %get3A_1651 = arith.constant 96 : index
      %get3A_1652 = tpu.vector_load %arg13[%get3A_1650, %get3A_1651] {strides = array<i32>} : memref<256x128xf32, #tpu.memory_space<vmem>>, vector<1x16xf32>,
      %get3A_1653 = vector.shape_cast %get3A_1652 : vector<1x16xf32> to vector<16xf32>
      %mul3A_1654 = arith.mulf %get3A_1653, %add3A_1589 : vector<16xf32>
      %swap3A_1655 = arith.index_cast %add3A_1583 : i32 to index
      %swap3A_1656 = arith.constant 96 : index
      %swap3A_1657 = tpu.vector_load %arg18[%swap3A_1655, %swap3A_1656] {strides = array<i32>} : memref<256x128xf32, #tpu.memory_space<vmem>>, vector<1x16xf32>,
      %swap3A_1658 = vector.shape_cast %swap3A_1657 : vector<1x16xf32> to vector<16xf32>
      %swap3A_1659 = vector.shape_cast %mul3A_1654 : vector<16xf32> to vector<1x16xf32>
      tpu.vector_store %arg18[%swap3A_1655, %swap3A_1656], %swap3A_1659 {strides = array<i32>} : memref<256x128xf32, #tpu.memory_space<vmem>>, vector<1x16xf32>,
      %get3A_1660 = arith.index_cast %add3A_1583 : i32 to index
      %get3A_1661 = arith.constant 112 : index
      %get3A_1662 = tpu.vector_load %arg13[%get3A_1660, %get3A_1661] {strides = array<i32>} : memref<256x128xf32, #tpu.memory_space<vmem>>, vector<1x16xf32>,
      %get3A_1663 = vector.shape_cast %get3A_1662 : vector<1x16xf32> to vector<16xf32>
      %mul3A_1664 = arith.mulf %get3A_1663, %add3A_1589 : vector<16xf32>
      %swap3A_1665 = arith.index_cast %add3A_1583 : i32 to index
      %swap3A_1666 = arith.constant 112 : index
      %swap3A_1667 = tpu.vector_load %arg18[%swap3A_1665, %swap3A_1666] {strides = array<i32>} : memref<256x128xf32, #tpu.memory_space<vmem>>, vector<1x16xf32>,
      %swap3A_1668 = vector.shape_cast %swap3A_1667 : vector<1x16xf32> to vector<16xf32>
      %swap3A_1669 = vector.shape_cast %mul3A_1664 : vector<16xf32> to vector<1x16xf32>
      tpu.vector_store %arg18[%swap3A_1665, %swap3A_1666], %swap3A_1669 {strides = array<i32>} : memref<256x128xf32, #tpu.memory_space<vmem>>, vector<1x16xf32>,
      %mul3A_1670 = arith.constant 16 : i32
      %mul3A_1671 = arith.muli %scan3A_1034, %mul3A_1670 : i32
      %add3A_1672 = arith.constant 7 : i32
      %add3A_1673 = arith.addi %mul3A_1671, %add3A_1672 : i32
      %broadcast_in_dim3A_1674 = arith.constant 0.000000e+00 : f32
      %broadcast_in_dim3A_1675 = vector.broadcast %broadcast_in_dim3A_1674 : f32 to vector<16xf32>
      %slice3A_1676 = vector.extract_strided_slice %get3A_1042 {offsets = [7], sizes = [1], strides = [1]} : vector<16xf32> to vector<1xf32>
      %squeeze3A_1677 = vector.extract %slice3A_1676[0] : f32 from vector<1xf32>
      %add3A_1678 = vector.broadcast %squeeze3A_1677 : f32 to vector<16xf32>
      %add3A_1679 = arith.addf %broadcast_in_dim3A_1675, %add3A_1678 : vector<16xf32>
      %get3A_1680 = arith.index_cast %add3A_1673 : i32 to index
      %get3A_1681 = arith.constant 0 : index
      %get3A_1682 = tpu.vector_load %arg13[%get3A_1680, %get3A_1681] {strides = array<i32>} : memref<256x128xf32, #tpu.memory_space<vmem>>, vector<1x16xf32>,
      %get3A_1683 = vector.shape_cast %get3A_1682 : vector<1x16xf32> to vector<16xf32>
      %mul3A_1684 = arith.mulf %get3A_1683, %add3A_1679 : vector<16xf32>
      %swap3A_1685 = arith.index_cast %add3A_1673 : i32 to index
      %swap3A_1686 = arith.constant 0 : index
      %swap3A_1687 = tpu.vector_load %arg18[%swap3A_1685, %swap3A_1686] {strides = array<i32>} : memref<256x128xf32, #tpu.memory_space<vmem>>, vector<1x16xf32>,
      %swap3A_1688 = vector.shape_cast %swap3A_1687 : vector<1x16xf32> to vector<16xf32>
      %swap3A_1689 = vector.shape_cast %mul3A_1684 : vector<16xf32> to vector<1x16xf32>
      tpu.vector_store %arg18[%swap3A_1685, %swap3A_1686], %swap3A_1689 {strides = array<i32>} : memref<256x128xf32, #tpu.memory_space<vmem>>, vector<1x16xf32>,
      %get3A_1690 = arith.index_cast %add3A_1673 : i32 to index
      %get3A_1691 = arith.constant 16 : index
      %get3A_1692 = tpu.vector_load %arg13[%get3A_1690, %get3A_1691] {strides = array<i32>} : memref<256x128xf32, #tpu.memory_space<vmem>>, vector<1x16xf32>,
      %get3A_1693 = vector.shape_cast %get3A_1692 : vector<1x16xf32> to vector<16xf32>
      %mul3A_1694 = arith.mulf %get3A_1693, %add3A_1679 : vector<16xf32>
      %swap3A_1695 = arith.index_cast %add3A_1673 : i32 to index
      %swap3A_1696 = arith.constant 16 : index
      %swap3A_1697 = tpu.vector_load %arg18[%swap3A_1695, %swap3A_1696] {strides = array<i32>} : memref<256x128xf32, #tpu.memory_space<vmem>>, vector<1x16xf32>,
      %swap3A_1698 = vector.shape_cast %swap3A_1697 : vector<1x16xf32> to vector<16xf32>
      %swap3A_1699 = vector.shape_cast %mul3A_1694 : vector<16xf32> to vector<1x16xf32>
      tpu.vector_store %arg18[%swap3A_1695, %swap3A_1696], %swap3A_1699 {strides = array<i32>} : memref<256x128xf32, #tpu.memory_space<vmem>>, vector<1x16xf32>,
      %get3A_1700 = arith.index_cast %add3A_1673 : i32 to index
      %get3A_1701 = arith.constant 32 : index
      %get3A_1702 = tpu.vector_load %arg13[%get3A_1700, %get3A_1701] {strides = array<i32>} : memref<256x128xf32, #tpu.memory_space<vmem>>, vector<1x16xf32>,
      %get3A_1703 = vector.shape_cast %get3A_1702 : vector<1x16xf32> to vector<16xf32>
      %mul3A_1704 = arith.mulf %get3A_1703, %add3A_1679 : vector<16xf32>
      %swap3A_1705 = arith.index_cast %add3A_1673 : i32 to index
      %swap3A_1706 = arith.constant 32 : index
      %swap3A_1707 = tpu.vector_load %arg18[%swap3A_1705, %swap3A_1706] {strides = array<i32>} : memref<256x128xf32, #tpu.memory_space<vmem>>, vector<1x16xf32>,
      %swap3A_1708 = vector.shape_cast %swap3A_1707 : vector<1x16xf32> to vector<16xf32>
      %swap3A_1709 = vector.shape_cast %mul3A_1704 : vector<16xf32> to vector<1x16xf32>
      tpu.vector_store %arg18[%swap3A_1705, %swap3A_1706], %swap3A_1709 {strides = array<i32>} : memref<256x128xf32, #tpu.memory_space<vmem>>, vector<1x16xf32>,
      %get3A_1710 = arith.index_cast %add3A_1673 : i32 to index
      %get3A_1711 = arith.constant 48 : index
      %get3A_1712 = tpu.vector_load %arg13[%get3A_1710, %get3A_1711] {strides = array<i32>} : memref<256x128xf32, #tpu.memory_space<vmem>>, vector<1x16xf32>,
      %get3A_1713 = vector.shape_cast %get3A_1712 : vector<1x16xf32> to vector<16xf32>
      %mul3A_1714 = arith.mulf %get3A_1713, %add3A_1679 : vector<16xf32>
      %swap3A_1715 = arith.index_cast %add3A_1673 : i32 to index
      %swap3A_1716 = arith.constant 48 : index
      %swap3A_1717 = tpu.vector_load %arg18[%swap3A_1715, %swap3A_1716] {strides = array<i32>} : memref<256x128xf32, #tpu.memory_space<vmem>>, vector<1x16xf32>,
      %swap3A_1718 = vector.shape_cast %swap3A_1717 : vector<1x16xf32> to vector<16xf32>
      %swap3A_1719 = vector.shape_cast %mul3A_1714 : vector<16xf32> to vector<1x16xf32>
      tpu.vector_store %arg18[%swap3A_1715, %swap3A_1716], %swap3A_1719 {strides = array<i32>} : memref<256x128xf32, #tpu.memory_space<vmem>>, vector<1x16xf32>,
      %get3A_1720 = arith.index_cast %add3A_1673 : i32 to index
      %get3A_1721 = arith.constant 64 : index
      %get3A_1722 = tpu.vector_load %arg13[%get3A_1720, %get3A_1721] {strides = array<i32>} : memref<256x128xf32, #tpu.memory_space<vmem>>, vector<1x16xf32>,
      %get3A_1723 = vector.shape_cast %get3A_1722 : vector<1x16xf32> to vector<16xf32>
      %mul3A_1724 = arith.mulf %get3A_1723, %add3A_1679 : vector<16xf32>
      %swap3A_1725 = arith.index_cast %add3A_1673 : i32 to index
      %swap3A_1726 = arith.constant 64 : index
      %swap3A_1727 = tpu.vector_load %arg18[%swap3A_1725, %swap3A_1726] {strides = array<i32>} : memref<256x128xf32, #tpu.memory_space<vmem>>, vector<1x16xf32>,
      %swap3A_1728 = vector.shape_cast %swap3A_1727 : vector<1x16xf32> to vector<16xf32>
      %swap3A_1729 = vector.shape_cast %mul3A_1724 : vector<16xf32> to vector<1x16xf32>
      tpu.vector_store %arg18[%swap3A_1725, %swap3A_1726], %swap3A_1729 {strides = array<i32>} : memref<256x128xf32, #tpu.memory_space<vmem>>, vector<1x16xf32>,
      %get3A_1730 = arith.index_cast %add3A_1673 : i32 to index
      %get3A_1731 = arith.constant 80 : index
      %get3A_1732 = tpu.vector_load %arg13[%get3A_1730, %get3A_1731] {strides = array<i32>} : memref<256x128xf32, #tpu.memory_space<vmem>>, vector<1x16xf32>,
      %get3A_1733 = vector.shape_cast %get3A_1732 : vector<1x16xf32> to vector<16xf32>
      %mul3A_1734 = arith.mulf %get3A_1733, %add3A_1679 : vector<16xf32>
      %swap3A_1735 = arith.index_cast %add3A_1673 : i32 to index
      %swap3A_1736 = arith.constant 80 : index
      %swap3A_1737 = tpu.vector_load %arg18[%swap3A_1735, %swap3A_1736] {strides = array<i32>} : memref<256x128xf32, #tpu.memory_space<vmem>>, vector<1x16xf32>,
      %swap3A_1738 = vector.shape_cast %swap3A_1737 : vector<1x16xf32> to vector<16xf32>
      %swap3A_1739 = vector.shape_cast %mul3A_1734 : vector<16xf32> to vector<1x16xf32>
      tpu.vector_store %arg18[%swap3A_1735, %swap3A_1736], %swap3A_1739 {strides = array<i32>} : memref<256x128xf32, #tpu.memory_space<vmem>>, vector<1x16xf32>,
      %get3A_1740 = arith.index_cast %add3A_1673 : i32 to index
      %get3A_1741 = arith.constant 96 : index
      %get3A_1742 = tpu.vector_load %arg13[%get3A_1740, %get3A_1741] {strides = array<i32>} : memref<256x128xf32, #tpu.memory_space<vmem>>, vector<1x16xf32>,
      %get3A_1743 = vector.shape_cast %get3A_1742 : vector<1x16xf32> to vector<16xf32>
      %mul3A_1744 = arith.mulf %get3A_1743, %add3A_1679 : vector<16xf32>
      %swap3A_1745 = arith.index_cast %add3A_1673 : i32 to index
      %swap3A_1746 = arith.constant 96 : index
      %swap3A_1747 = tpu.vector_load %arg18[%swap3A_1745, %swap3A_1746] {strides = array<i32>} : memref<256x128xf32, #tpu.memory_space<vmem>>, vector<1x16xf32>,
      %swap3A_1748 = vector.shape_cast %swap3A_1747 : vector<1x16xf32> to vector<16xf32>
      %swap3A_1749 = vector.shape_cast %mul3A_1744 : vector<16xf32> to vector<1x16xf32>
      tpu.vector_store %arg18[%swap3A_1745, %swap3A_1746], %swap3A_1749 {strides = array<i32>} : memref<256x128xf32, #tpu.memory_space<vmem>>, vector<1x16xf32>,
      %get3A_1750 = arith.index_cast %add3A_1673 : i32 to index
      %get3A_1751 = arith.constant 112 : index
      %get3A_1752 = tpu.vector_load %arg13[%get3A_1750, %get3A_1751] {strides = array<i32>} : memref<256x128xf32, #tpu.memory_space<vmem>>, vector<1x16xf32>,
      %get3A_1753 = vector.shape_cast %get3A_1752 : vector<1x16xf32> to vector<16xf32>
      %mul3A_1754 = arith.mulf %get3A_1753, %add3A_1679 : vector<16xf32>
      %swap3A_1755 = arith.index_cast %add3A_1673 : i32 to index
      %swap3A_1756 = arith.constant 112 : index
      %swap3A_1757 = tpu.vector_load %arg18[%swap3A_1755, %swap3A_1756] {strides = array<i32>} : memref<256x128xf32, #tpu.memory_space<vmem>>, vector<1x16xf32>,
      %swap3A_1758 = vector.shape_cast %swap3A_1757 : vector<1x16xf32> to vector<16xf32>
      %swap3A_1759 = vector.shape_cast %mul3A_1754 : vector<16xf32> to vector<1x16xf32>
      tpu.vector_store %arg18[%swap3A_1755, %swap3A_1756], %swap3A_1759 {strides = array<i32>} : memref<256x128xf32, #tpu.memory_space<vmem>>, vector<1x16xf32>,
      %mul3A_1760 = arith.constant 16 : i32
      %mul3A_1761 = arith.muli %scan3A_1034, %mul3A_1760 : i32
      %add3A_1762 = arith.constant 8 : i32
      %add3A_1763 = arith.addi %mul3A_1761, %add3A_1762 : i32
      %broadcast_in_dim3A_1764 = arith.constant 0.000000e+00 : f32
      %broadcast_in_dim3A_1765 = vector.broadcast %broadcast_in_dim3A_1764 : f32 to vector<16xf32>
      %slice3A_1766 = vector.extract_strided_slice %get3A_1042 {offsets = [8], sizes = [1], strides = [1]} : vector<16xf32> to vector<1xf32>
      %squeeze3A_1767 = vector.extract %slice3A_1766[0] : f32 from vector<1xf32>
      %add3A_1768 = vector.broadcast %squeeze3A_1767 : f32 to vector<16xf32>
      %add3A_1769 = arith.addf %broadcast_in_dim3A_1765, %add3A_1768 : vector<16xf32>
      %get3A_1770 = arith.index_cast %add3A_1763 : i32 to index
      %get3A_1771 = arith.constant 0 : index
      %get3A_1772 = tpu.vector_load %arg13[%get3A_1770, %get3A_1771] {strides = array<i32>} : memref<256x128xf32, #tpu.memory_space<vmem>>, vector<1x16xf32>,
      %get3A_1773 = vector.shape_cast %get3A_1772 : vector<1x16xf32> to vector<16xf32>
      %mul3A_1774 = arith.mulf %get3A_1773, %add3A_1769 : vector<16xf32>
      %swap3A_1775 = arith.index_cast %add3A_1763 : i32 to index
      %swap3A_1776 = arith.constant 0 : index
      %swap3A_1777 = tpu.vector_load %arg18[%swap3A_1775, %swap3A_1776] {strides = array<i32>} : memref<256x128xf32, #tpu.memory_space<vmem>>, vector<1x16xf32>,
      %swap3A_1778 = vector.shape_cast %swap3A_1777 : vector<1x16xf32> to vector<16xf32>
      %swap3A_1779 = vector.shape_cast %mul3A_1774 : vector<16xf32> to vector<1x16xf32>
      tpu.vector_store %arg18[%swap3A_1775, %swap3A_1776], %swap3A_1779 {strides = array<i32>} : memref<256x128xf32, #tpu.memory_space<vmem>>, vector<1x16xf32>,
      %get3A_1780 = arith.index_cast %add3A_1763 : i32 to index
      %get3A_1781 = arith.constant 16 : index
      %get3A_1782 = tpu.vector_load %arg13[%get3A_1780, %get3A_1781] {strides = array<i32>} : memref<256x128xf32, #tpu.memory_space<vmem>>, vector<1x16xf32>,
      %get3A_1783 = vector.shape_cast %get3A_1782 : vector<1x16xf32> to vector<16xf32>
      %mul3A_1784 = arith.mulf %get3A_1783, %add3A_1769 : vector<16xf32>
      %swap3A_1785 = arith.index_cast %add3A_1763 : i32 to index
      %swap3A_1786 = arith.constant 16 : index
      %swap3A_1787 = tpu.vector_load %arg18[%swap3A_1785, %swap3A_1786] {strides = array<i32>} : memref<256x128xf32, #tpu.memory_space<vmem>>, vector<1x16xf32>,
      %swap3A_1788 = vector.shape_cast %swap3A_1787 : vector<1x16xf32> to vector<16xf32>
      %swap3A_1789 = vector.shape_cast %mul3A_1784 : vector<16xf32> to vector<1x16xf32>
      tpu.vector_store %arg18[%swap3A_1785, %swap3A_1786], %swap3A_1789 {strides = array<i32>} : memref<256x128xf32, #tpu.memory_space<vmem>>, vector<1x16xf32>,
      %get3A_1790 = arith.index_cast %add3A_1763 : i32 to index
      %get3A_1791 = arith.constant 32 : index
      %get3A_1792 = tpu.vector_load %arg13[%get3A_1790, %get3A_1791] {strides = array<i32>} : memref<256x128xf32, #tpu.memory_space<vmem>>, vector<1x16xf32>,
      %get3A_1793 = vector.shape_cast %get3A_1792 : vector<1x16xf32> to vector<16xf32>
      %mul3A_1794 = arith.mulf %get3A_1793, %add3A_1769 : vector<16xf32>
      %swap3A_1795 = arith.index_cast %add3A_1763 : i32 to index
      %swap3A_1796 = arith.constant 32 : index
      %swap3A_1797 = tpu.vector_load %arg18[%swap3A_1795, %swap3A_1796] {strides = array<i32>} : memref<256x128xf32, #tpu.memory_space<vmem>>, vector<1x16xf32>,
      %swap3A_1798 = vector.shape_cast %swap3A_1797 : vector<1x16xf32> to vector<16xf32>
      %swap3A_1799 = vector.shape_cast %mul3A_1794 : vector<16xf32> to vector<1x16xf32>
      tpu.vector_store %arg18[%swap3A_1795, %swap3A_1796], %swap3A_1799 {strides = array<i32>} : memref<256x128xf32, #tpu.memory_space<vmem>>, vector<1x16xf32>,
      %get3A_1800 = arith.index_cast %add3A_1763 : i32 to index
      %get3A_1801 = arith.constant 48 : index
      %get3A_1802 = tpu.vector_load %arg13[%get3A_1800, %get3A_1801] {strides = array<i32>} : memref<256x128xf32, #tpu.memory_space<vmem>>, vector<1x16xf32>,
      %get3A_1803 = vector.shape_cast %get3A_1802 : vector<1x16xf32> to vector<16xf32>
      %mul3A_1804 = arith.mulf %get3A_1803, %add3A_1769 : vector<16xf32>
      %swap3A_1805 = arith.index_cast %add3A_1763 : i32 to index
      %swap3A_1806 = arith.constant 48 : index
      %swap3A_1807 = tpu.vector_load %arg18[%swap3A_1805, %swap3A_1806] {strides = array<i32>} : memref<256x128xf32, #tpu.memory_space<vmem>>, vector<1x16xf32>,
      %swap3A_1808 = vector.shape_cast %swap3A_1807 : vector<1x16xf32> to vector<16xf32>
      %swap3A_1809 = vector.shape_cast %mul3A_1804 : vector<16xf32> to vector<1x16xf32>
      tpu.vector_store %arg18[%swap3A_1805, %swap3A_1806], %swap3A_1809 {strides = array<i32>} : memref<256x128xf32, #tpu.memory_space<vmem>>, vector<1x16xf32>,
      %get3A_1810 = arith.index_cast %add3A_1763 : i32 to index
      %get3A_1811 = arith.constant 64 : index
      %get3A_1812 = tpu.vector_load %arg13[%get3A_1810, %get3A_1811] {strides = array<i32>} : memref<256x128xf32, #tpu.memory_space<vmem>>, vector<1x16xf32>,
      %get3A_1813 = vector.shape_cast %get3A_1812 : vector<1x16xf32> to vector<16xf32>
      %mul3A_1814 = arith.mulf %get3A_1813, %add3A_1769 : vector<16xf32>
      %swap3A_1815 = arith.index_cast %add3A_1763 : i32 to index
      %swap3A_1816 = arith.constant 64 : index
      %swap3A_1817 = tpu.vector_load %arg18[%swap3A_1815, %swap3A_1816] {strides = array<i32>} : memref<256x128xf32, #tpu.memory_space<vmem>>, vector<1x16xf32>,
      %swap3A_1818 = vector.shape_cast %swap3A_1817 : vector<1x16xf32> to vector<16xf32>
      %swap3A_1819 = vector.shape_cast %mul3A_1814 : vector<16xf32> to vector<1x16xf32>
      tpu.vector_store %arg18[%swap3A_1815, %swap3A_1816], %swap3A_1819 {strides = array<i32>} : memref<256x128xf32, #tpu.memory_space<vmem>>, vector<1x16xf32>,
      %get3A_1820 = arith.index_cast %add3A_1763 : i32 to index
      %get3A_1821 = arith.constant 80 : index
      %get3A_1822 = tpu.vector_load %arg13[%get3A_1820, %get3A_1821] {strides = array<i32>} : memref<256x128xf32, #tpu.memory_space<vmem>>, vector<1x16xf32>,
      %get3A_1823 = vector.shape_cast %get3A_1822 : vector<1x16xf32> to vector<16xf32>
      %mul3A_1824 = arith.mulf %get3A_1823, %add3A_1769 : vector<16xf32>
      %swap3A_1825 = arith.index_cast %add3A_1763 : i32 to index
      %swap3A_1826 = arith.constant 80 : index
      %swap3A_1827 = tpu.vector_load %arg18[%swap3A_1825, %swap3A_1826] {strides = array<i32>} : memref<256x128xf32, #tpu.memory_space<vmem>>, vector<1x16xf32>,
      %swap3A_1828 = vector.shape_cast %swap3A_1827 : vector<1x16xf32> to vector<16xf32>
      %swap3A_1829 = vector.shape_cast %mul3A_1824 : vector<16xf32> to vector<1x16xf32>
      tpu.vector_store %arg18[%swap3A_1825, %swap3A_1826], %swap3A_1829 {strides = array<i32>} : memref<256x128xf32, #tpu.memory_space<vmem>>, vector<1x16xf32>,
      %get3A_1830 = arith.index_cast %add3A_1763 : i32 to index
      %get3A_1831 = arith.constant 96 : index
      %get3A_1832 = tpu.vector_load %arg13[%get3A_1830, %get3A_1831] {strides = array<i32>} : memref<256x128xf32, #tpu.memory_space<vmem>>, vector<1x16xf32>,
      %get3A_1833 = vector.shape_cast %get3A_1832 : vector<1x16xf32> to vector<16xf32>
      %mul3A_1834 = arith.mulf %get3A_1833, %add3A_1769 : vector<16xf32>
      %swap3A_1835 = arith.index_cast %add3A_1763 : i32 to index
      %swap3A_1836 = arith.constant 96 : index
      %swap3A_1837 = tpu.vector_load %arg18[%swap3A_1835, %swap3A_1836] {strides = array<i32>} : memref<256x128xf32, #tpu.memory_space<vmem>>, vector<1x16xf32>,
      %swap3A_1838 = vector.shape_cast %swap3A_1837 : vector<1x16xf32> to vector<16xf32>
      %swap3A_1839 = vector.shape_cast %mul3A_1834 : vector<16xf32> to vector<1x16xf32>
      tpu.vector_store %arg18[%swap3A_1835, %swap3A_1836], %swap3A_1839 {strides = array<i32>} : memref<256x128xf32, #tpu.memory_space<vmem>>, vector<1x16xf32>,
      %get3A_1840 = arith.index_cast %add3A_1763 : i32 to index
      %get3A_1841 = arith.constant 112 : index
      %get3A_1842 = tpu.vector_load %arg13[%get3A_1840, %get3A_1841] {strides = array<i32>} : memref<256x128xf32, #tpu.memory_space<vmem>>, vector<1x16xf32>,
      %get3A_1843 = vector.shape_cast %get3A_1842 : vector<1x16xf32> to vector<16xf32>
      %mul3A_1844 = arith.mulf %get3A_1843, %add3A_1769 : vector<16xf32>
      %swap3A_1845 = arith.index_cast %add3A_1763 : i32 to index
      %swap3A_1846 = arith.constant 112 : index
      %swap3A_1847 = tpu.vector_load %arg18[%swap3A_1845, %swap3A_1846] {strides = array<i32>} : memref<256x128xf32, #tpu.memory_space<vmem>>, vector<1x16xf32>,
      %swap3A_1848 = vector.shape_cast %swap3A_1847 : vector<1x16xf32> to vector<16xf32>
      %swap3A_1849 = vector.shape_cast %mul3A_1844 : vector<16xf32> to vector<1x16xf32>
      tpu.vector_store %arg18[%swap3A_1845, %swap3A_1846], %swap3A_1849 {strides = array<i32>} : memref<256x128xf32, #tpu.memory_space<vmem>>, vector<1x16xf32>,
      %mul3A_1850 = arith.constant 16 : i32
      %mul3A_1851 = arith.muli %scan3A_1034, %mul3A_1850 : i32
      %add3A_1852 = arith.constant 9 : i32
      %add3A_1853 = arith.addi %mul3A_1851, %add3A_1852 : i32
      %broadcast_in_dim3A_1854 = arith.constant 0.000000e+00 : f32
      %broadcast_in_dim3A_1855 = vector.broadcast %broadcast_in_dim3A_1854 : f32 to vector<16xf32>
      %slice3A_1856 = vector.extract_strided_slice %get3A_1042 {offsets = [9], sizes = [1], strides = [1]} : vector<16xf32> to vector<1xf32>
      %squeeze3A_1857 = vector.extract %slice3A_1856[0] : f32 from vector<1xf32>
      %add3A_1858 = vector.broadcast %squeeze3A_1857 : f32 to vector<16xf32>
      %add3A_1859 = arith.addf %broadcast_in_dim3A_1855, %add3A_1858 : vector<16xf32>
      %get3A_1860 = arith.index_cast %add3A_1853 : i32 to index
      %get3A_1861 = arith.constant 0 : index
      %get3A_1862 = tpu.vector_load %arg13[%get3A_1860, %get3A_1861] {strides = array<i32>} : memref<256x128xf32, #tpu.memory_space<vmem>>, vector<1x16xf32>,
      %get3A_1863 = vector.shape_cast %get3A_1862 : vector<1x16xf32> to vector<16xf32>
      %mul3A_1864 = arith.mulf %get3A_1863, %add3A_1859 : vector<16xf32>
      %swap3A_1865 = arith.index_cast %add3A_1853 : i32 to index
      %swap3A_1866 = arith.constant 0 : index
      %swap3A_1867 = tpu.vector_load %arg18[%swap3A_1865, %swap3A_1866] {strides = array<i32>} : memref<256x128xf32, #tpu.memory_space<vmem>>, vector<1x16xf32>,
      %swap3A_1868 = vector.shape_cast %swap3A_1867 : vector<1x16xf32> to vector<16xf32>
      %swap3A_1869 = vector.shape_cast %mul3A_1864 : vector<16xf32> to vector<1x16xf32>
      tpu.vector_store %arg18[%swap3A_1865, %swap3A_1866], %swap3A_1869 {strides = array<i32>} : memref<256x128xf32, #tpu.memory_space<vmem>>, vector<1x16xf32>,
      %get3A_1870 = arith.index_cast %add3A_1853 : i32 to index
      %get3A_1871 = arith.constant 16 : index
      %get3A_1872 = tpu.vector_load %arg13[%get3A_1870, %get3A_1871] {strides = array<i32>} : memref<256x128xf32, #tpu.memory_space<vmem>>, vector<1x16xf32>,
      %get3A_1873 = vector.shape_cast %get3A_1872 : vector<1x16xf32> to vector<16xf32>
      %mul3A_1874 = arith.mulf %get3A_1873, %add3A_1859 : vector<16xf32>
      %swap3A_1875 = arith.index_cast %add3A_1853 : i32 to index
      %swap3A_1876 = arith.constant 16 : index
      %swap3A_1877 = tpu.vector_load %arg18[%swap3A_1875, %swap3A_1876] {strides = array<i32>} : memref<256x128xf32, #tpu.memory_space<vmem>>, vector<1x16xf32>,
      %swap3A_1878 = vector.shape_cast %swap3A_1877 : vector<1x16xf32> to vector<16xf32>
      %swap3A_1879 = vector.shape_cast %mul3A_1874 : vector<16xf32> to vector<1x16xf32>
      tpu.vector_store %arg18[%swap3A_1875, %swap3A_1876], %swap3A_1879 {strides = array<i32>} : memref<256x128xf32, #tpu.memory_space<vmem>>, vector<1x16xf32>,
      %get3A_1880 = arith.index_cast %add3A_1853 : i32 to index
      %get3A_1881 = arith.constant 32 : index
      %get3A_1882 = tpu.vector_load %arg13[%get3A_1880, %get3A_1881] {strides = array<i32>} : memref<256x128xf32, #tpu.memory_space<vmem>>, vector<1x16xf32>,
      %get3A_1883 = vector.shape_cast %get3A_1882 : vector<1x16xf32> to vector<16xf32>
      %mul3A_1884 = arith.mulf %get3A_1883, %add3A_1859 : vector<16xf32>
      %swap3A_1885 = arith.index_cast %add3A_1853 : i32 to index
      %swap3A_1886 = arith.constant 32 : index
      %swap3A_1887 = tpu.vector_load %arg18[%swap3A_1885, %swap3A_1886] {strides = array<i32>} : memref<256x128xf32, #tpu.memory_space<vmem>>, vector<1x16xf32>,
      %swap3A_1888 = vector.shape_cast %swap3A_1887 : vector<1x16xf32> to vector<16xf32>
      %swap3A_1889 = vector.shape_cast %mul3A_1884 : vector<16xf32> to vector<1x16xf32>
      tpu.vector_store %arg18[%swap3A_1885, %swap3A_1886], %swap3A_1889 {strides = array<i32>} : memref<256x128xf32, #tpu.memory_space<vmem>>, vector<1x16xf32>,
      %get3A_1890 = arith.index_cast %add3A_1853 : i32 to index
      %get3A_1891 = arith.constant 48 : index
      %get3A_1892 = tpu.vector_load %arg13[%get3A_1890, %get3A_1891] {strides = array<i32>} : memref<256x128xf32, #tpu.memory_space<vmem>>, vector<1x16xf32>,
      %get3A_1893 = vector.shape_cast %get3A_1892 : vector<1x16xf32> to vector<16xf32>
      %mul3A_1894 = arith.mulf %get3A_1893, %add3A_1859 : vector<16xf32>
      %swap3A_1895 = arith.index_cast %add3A_1853 : i32 to index
      %swap3A_1896 = arith.constant 48 : index
      %swap3A_1897 = tpu.vector_load %arg18[%swap3A_1895, %swap3A_1896] {strides = array<i32>} : memref<256x128xf32, #tpu.memory_space<vmem>>, vector<1x16xf32>,
      %swap3A_1898 = vector.shape_cast %swap3A_1897 : vector<1x16xf32> to vector<16xf32>
      %swap3A_1899 = vector.shape_cast %mul3A_1894 : vector<16xf32> to vector<1x16xf32>
      tpu.vector_store %arg18[%swap3A_1895, %swap3A_1896], %swap3A_1899 {strides = array<i32>} : memref<256x128xf32, #tpu.memory_space<vmem>>, vector<1x16xf32>,
      %get3A_1900 = arith.index_cast %add3A_1853 : i32 to index
      %get3A_1901 = arith.constant 64 : index
      %get3A_1902 = tpu.vector_load %arg13[%get3A_1900, %get3A_1901] {strides = array<i32>} : memref<256x128xf32, #tpu.memory_space<vmem>>, vector<1x16xf32>,
      %get3A_1903 = vector.shape_cast %get3A_1902 : vector<1x16xf32> to vector<16xf32>
      %mul3A_1904 = arith.mulf %get3A_1903, %add3A_1859 : vector<16xf32>
      %swap3A_1905 = arith.index_cast %add3A_1853 : i32 to index
      %swap3A_1906 = arith.constant 64 : index
      %swap3A_1907 = tpu.vector_load %arg18[%swap3A_1905, %swap3A_1906] {strides = array<i32>} : memref<256x128xf32, #tpu.memory_space<vmem>>, vector<1x16xf32>,
      %swap3A_1908 = vector.shape_cast %swap3A_1907 : vector<1x16xf32> to vector<16xf32>
      %swap3A_1909 = vector.shape_cast %mul3A_1904 : vector<16xf32> to vector<1x16xf32>
      tpu.vector_store %arg18[%swap3A_1905, %swap3A_1906], %swap3A_1909 {strides = array<i32>} : memref<256x128xf32, #tpu.memory_space<vmem>>, vector<1x16xf32>,
      %get3A_1910 = arith.index_cast %add3A_1853 : i32 to index
      %get3A_1911 = arith.constant 80 : index
      %get3A_1912 = tpu.vector_load %arg13[%get3A_1910, %get3A_1911] {strides = array<i32>} : memref<256x128xf32, #tpu.memory_space<vmem>>, vector<1x16xf32>,
      %get3A_1913 = vector.shape_cast %get3A_1912 : vector<1x16xf32> to vector<16xf32>
      %mul3A_1914 = arith.mulf %get3A_1913, %add3A_1859 : vector<16xf32>
      %swap3A_1915 = arith.index_cast %add3A_1853 : i32 to index
      %swap3A_1916 = arith.constant 80 : index
      %swap3A_1917 = tpu.vector_load %arg18[%swap3A_1915, %swap3A_1916] {strides = array<i32>} : memref<256x128xf32, #tpu.memory_space<vmem>>, vector<1x16xf32>,
      %swap3A_1918 = vector.shape_cast %swap3A_1917 : vector<1x16xf32> to vector<16xf32>
      %swap3A_1919 = vector.shape_cast %mul3A_1914 : vector<16xf32> to vector<1x16xf32>
      tpu.vector_store %arg18[%swap3A_1915, %swap3A_1916], %swap3A_1919 {strides = array<i32>} : memref<256x128xf32, #tpu.memory_space<vmem>>, vector<1x16xf32>,
      %get3A_1920 = arith.index_cast %add3A_1853 : i32 to index
      %get3A_1921 = arith.constant 96 : index
      %get3A_1922 = tpu.vector_load %arg13[%get3A_1920, %get3A_1921] {strides = array<i32>} : memref<256x128xf32, #tpu.memory_space<vmem>>, vector<1x16xf32>,
      %get3A_1923 = vector.shape_cast %get3A_1922 : vector<1x16xf32> to vector<16xf32>
      %mul3A_1924 = arith.mulf %get3A_1923, %add3A_1859 : vector<16xf32>
      %swap3A_1925 = arith.index_cast %add3A_1853 : i32 to index
      %swap3A_1926 = arith.constant 96 : index
      %swap3A_1927 = tpu.vector_load %arg18[%swap3A_1925, %swap3A_1926] {strides = array<i32>} : memref<256x128xf32, #tpu.memory_space<vmem>>, vector<1x16xf32>,
      %swap3A_1928 = vector.shape_cast %swap3A_1927 : vector<1x16xf32> to vector<16xf32>
      %swap3A_1929 = vector.shape_cast %mul3A_1924 : vector<16xf32> to vector<1x16xf32>
      tpu.vector_store %arg18[%swap3A_1925, %swap3A_1926], %swap3A_1929 {strides = array<i32>} : memref<256x128xf32, #tpu.memory_space<vmem>>, vector<1x16xf32>,
      %get3A_1930 = arith.index_cast %add3A_1853 : i32 to index
      %get3A_1931 = arith.constant 112 : index
      %get3A_1932 = tpu.vector_load %arg13[%get3A_1930, %get3A_1931] {strides = array<i32>} : memref<256x128xf32, #tpu.memory_space<vmem>>, vector<1x16xf32>,
      %get3A_1933 = vector.shape_cast %get3A_1932 : vector<1x16xf32> to vector<16xf32>
      %mul3A_1934 = arith.mulf %get3A_1933, %add3A_1859 : vector<16xf32>
      %swap3A_1935 = arith.index_cast %add3A_1853 : i32 to index
      %swap3A_1936 = arith.constant 112 : index
      %swap3A_1937 = tpu.vector_load %arg18[%swap3A_1935, %swap3A_1936] {strides = array<i32>} : memref<256x128xf32, #tpu.memory_space<vmem>>, vector<1x16xf32>,
      %swap3A_1938 = vector.shape_cast %swap3A_1937 : vector<1x16xf32> to vector<16xf32>
      %swap3A_1939 = vector.shape_cast %mul3A_1934 : vector<16xf32> to vector<1x16xf32>
      tpu.vector_store %arg18[%swap3A_1935, %swap3A_1936], %swap3A_1939 {strides = array<i32>} : memref<256x128xf32, #tpu.memory_space<vmem>>, vector<1x16xf32>,
      %mul3A_1940 = arith.constant 16 : i32
      %mul3A_1941 = arith.muli %scan3A_1034, %mul3A_1940 : i32
      %add3A_1942 = arith.constant 10 : i32
      %add3A_1943 = arith.addi %mul3A_1941, %add3A_1942 : i32
      %broadcast_in_dim3A_1944 = arith.constant 0.000000e+00 : f32
      %broadcast_in_dim3A_1945 = vector.broadcast %broadcast_in_dim3A_1944 : f32 to vector<16xf32>
      %slice3A_1946 = vector.extract_strided_slice %get3A_1042 {offsets = [10], sizes = [1], strides = [1]} : vector<16xf32> to vector<1xf32>
      %squeeze3A_1947 = vector.extract %slice3A_1946[0] : f32 from vector<1xf32>
      %add3A_1948 = vector.broadcast %squeeze3A_1947 : f32 to vector<16xf32>
      %add3A_1949 = arith.addf %broadcast_in_dim3A_1945, %add3A_1948 : vector<16xf32>
      %get3A_1950 = arith.index_cast %add3A_1943 : i32 to index
      %get3A_1951 = arith.constant 0 : index
      %get3A_1952 = tpu.vector_load %arg13[%get3A_1950, %get3A_1951] {strides = array<i32>} : memref<256x128xf32, #tpu.memory_space<vmem>>, vector<1x16xf32>,
      %get3A_1953 = vector.shape_cast %get3A_1952 : vector<1x16xf32> to vector<16xf32>
      %mul3A_1954 = arith.mulf %get3A_1953, %add3A_1949 : vector<16xf32>
      %swap3A_1955 = arith.index_cast %add3A_1943 : i32 to index
      %swap3A_1956 = arith.constant 0 : index
      %swap3A_1957 = tpu.vector_load %arg18[%swap3A_1955, %swap3A_1956] {strides = array<i32>} : memref<256x128xf32, #tpu.memory_space<vmem>>, vector<1x16xf32>,
      %swap3A_1958 = vector.shape_cast %swap3A_1957 : vector<1x16xf32> to vector<16xf32>
      %swap3A_1959 = vector.shape_cast %mul3A_1954 : vector<16xf32> to vector<1x16xf32>
      tpu.vector_store %arg18[%swap3A_1955, %swap3A_1956], %swap3A_1959 {strides = array<i32>} : memref<256x128xf32, #tpu.memory_space<vmem>>, vector<1x16xf32>,
      %get3A_1960 = arith.index_cast %add3A_1943 : i32 to index
      %get3A_1961 = arith.constant 16 : index
      %get3A_1962 = tpu.vector_load %arg13[%get3A_1960, %get3A_1961] {strides = array<i32>} : memref<256x128xf32, #tpu.memory_space<vmem>>, vector<1x16xf32>,
      %get3A_1963 = vector.shape_cast %get3A_1962 : vector<1x16xf32> to vector<16xf32>
      %mul3A_1964 = arith.mulf %get3A_1963, %add3A_1949 : vector<16xf32>
      %swap3A_1965 = arith.index_cast %add3A_1943 : i32 to index
      %swap3A_1966 = arith.constant 16 : index
      %swap3A_1967 = tpu.vector_load %arg18[%swap3A_1965, %swap3A_1966] {strides = array<i32>} : memref<256x128xf32, #tpu.memory_space<vmem>>, vector<1x16xf32>,
      %swap3A_1968 = vector.shape_cast %swap3A_1967 : vector<1x16xf32> to vector<16xf32>
      %swap3A_1969 = vector.shape_cast %mul3A_1964 : vector<16xf32> to vector<1x16xf32>
      tpu.vector_store %arg18[%swap3A_1965, %swap3A_1966], %swap3A_1969 {strides = array<i32>} : memref<256x128xf32, #tpu.memory_space<vmem>>, vector<1x16xf32>,
      %get3A_1970 = arith.index_cast %add3A_1943 : i32 to index
      %get3A_1971 = arith.constant 32 : index
      %get3A_1972 = tpu.vector_load %arg13[%get3A_1970, %get3A_1971] {strides = array<i32>} : memref<256x128xf32, #tpu.memory_space<vmem>>, vector<1x16xf32>,
      %get3A_1973 = vector.shape_cast %get3A_1972 : vector<1x16xf32> to vector<16xf32>
      %mul3A_1974 = arith.mulf %get3A_1973, %add3A_1949 : vector<16xf32>
      %swap3A_1975 = arith.index_cast %add3A_1943 : i32 to index
      %swap3A_1976 = arith.constant 32 : index
      %swap3A_1977 = tpu.vector_load %arg18[%swap3A_1975, %swap3A_1976] {strides = array<i32>} : memref<256x128xf32, #tpu.memory_space<vmem>>, vector<1x16xf32>,
      %swap3A_1978 = vector.shape_cast %swap3A_1977 : vector<1x16xf32> to vector<16xf32>
      %swap3A_1979 = vector.shape_cast %mul3A_1974 : vector<16xf32> to vector<1x16xf32>
      tpu.vector_store %arg18[%swap3A_1975, %swap3A_1976], %swap3A_1979 {strides = array<i32>} : memref<256x128xf32, #tpu.memory_space<vmem>>, vector<1x16xf32>,
      %get3A_1980 = arith.index_cast %add3A_1943 : i32 to index
      %get3A_1981 = arith.constant 48 : index
      %get3A_1982 = tpu.vector_load %arg13[%get3A_1980, %get3A_1981] {strides = array<i32>} : memref<256x128xf32, #tpu.memory_space<vmem>>, vector<1x16xf32>,
      %get3A_1983 = vector.shape_cast %get3A_1982 : vector<1x16xf32> to vector<16xf32>
      %mul3A_1984 = arith.mulf %get3A_1983, %add3A_1949 : vector<16xf32>
      %swap3A_1985 = arith.index_cast %add3A_1943 : i32 to index
      %swap3A_1986 = arith.constant 48 : index
      %swap3A_1987 = tpu.vector_load %arg18[%swap3A_1985, %swap3A_1986] {strides = array<i32>} : memref<256x128xf32, #tpu.memory_space<vmem>>, vector<1x16xf32>,
      %swap3A_1988 = vector.shape_cast %swap3A_1987 : vector<1x16xf32> to vector<16xf32>
      %swap3A_1989 = vector.shape_cast %mul3A_1984 : vector<16xf32> to vector<1x16xf32>
      tpu.vector_store %arg18[%swap3A_1985, %swap3A_1986], %swap3A_1989 {strides = array<i32>} : memref<256x128xf32, #tpu.memory_space<vmem>>, vector<1x16xf32>,
      %get3A_1990 = arith.index_cast %add3A_1943 : i32 to index
      %get3A_1991 = arith.constant 64 : index
      %get3A_1992 = tpu.vector_load %arg13[%get3A_1990, %get3A_1991] {strides = array<i32>} : memref<256x128xf32, #tpu.memory_space<vmem>>, vector<1x16xf32>,
      %get3A_1993 = vector.shape_cast %get3A_1992 : vector<1x16xf32> to vector<16xf32>
      %mul3A_1994 = arith.mulf %get3A_1993, %add3A_1949 : vector<16xf32>
      %swap3A_1995 = arith.index_cast %add3A_1943 : i32 to index
      %swap3A_1996 = arith.constant 64 : index
      %swap3A_1997 = tpu.vector_load %arg18[%swap3A_1995, %swap3A_1996] {strides = array<i32>} : memref<256x128xf32, #tpu.memory_space<vmem>>, vector<1x16xf32>,
      %swap3A_1998 = vector.shape_cast %swap3A_1997 : vector<1x16xf32> to vector<16xf32>
      %swap3A_1999 = vector.shape_cast %mul3A_1994 : vector<16xf32> to vector<1x16xf32>
      tpu.vector_store %arg18[%swap3A_1995, %swap3A_1996], %swap3A_1999 {strides = array<i32>} : memref<256x128xf32, #tpu.memory_space<vmem>>, vector<1x16xf32>,
      %get3A_2000 = arith.index_cast %add3A_1943 : i32 to index
      %get3A_2001 = arith.constant 80 : index
      %get3A_2002 = tpu.vector_load %arg13[%get3A_2000, %get3A_2001] {strides = array<i32>} : memref<256x128xf32, #tpu.memory_space<vmem>>, vector<1x16xf32>,
      %get3A_2003 = vector.shape_cast %get3A_2002 : vector<1x16xf32> to vector<16xf32>
      %mul3A_2004 = arith.mulf %get3A_2003, %add3A_1949 : vector<16xf32>
      %swap3A_2005 = arith.index_cast %add3A_1943 : i32 to index
      %swap3A_2006 = arith.constant 80 : index
      %swap3A_2007 = tpu.vector_load %arg18[%swap3A_2005, %swap3A_2006] {strides = array<i32>} : memref<256x128xf32, #tpu.memory_space<vmem>>, vector<1x16xf32>,
      %swap3A_2008 = vector.shape_cast %swap3A_2007 : vector<1x16xf32> to vector<16xf32>
      %swap3A_2009 = vector.shape_cast %mul3A_2004 : vector<16xf32> to vector<1x16xf32>
      tpu.vector_store %arg18[%swap3A_2005, %swap3A_2006], %swap3A_2009 {strides = array<i32>} : memref<256x128xf32, #tpu.memory_space<vmem>>, vector<1x16xf32>,
      %get3A_2010 = arith.index_cast %add3A_1943 : i32 to index
      %get3A_2011 = arith.constant 96 : index
      %get3A_2012 = tpu.vector_load %arg13[%get3A_2010, %get3A_2011] {strides = array<i32>} : memref<256x128xf32, #tpu.memory_space<vmem>>, vector<1x16xf32>,
      %get3A_2013 = vector.shape_cast %get3A_2012 : vector<1x16xf32> to vector<16xf32>
      %mul3A_2014 = arith.mulf %get3A_2013, %add3A_1949 : vector<16xf32>
      %swap3A_2015 = arith.index_cast %add3A_1943 : i32 to index
      %swap3A_2016 = arith.constant 96 : index
      %swap3A_2017 = tpu.vector_load %arg18[%swap3A_2015, %swap3A_2016] {strides = array<i32>} : memref<256x128xf32, #tpu.memory_space<vmem>>, vector<1x16xf32>,
      %swap3A_2018 = vector.shape_cast %swap3A_2017 : vector<1x16xf32> to vector<16xf32>
      %swap3A_2019 = vector.shape_cast %mul3A_2014 : vector<16xf32> to vector<1x16xf32>
      tpu.vector_store %arg18[%swap3A_2015, %swap3A_2016], %swap3A_2019 {strides = array<i32>} : memref<256x128xf32, #tpu.memory_space<vmem>>, vector<1x16xf32>,
      %get3A_2020 = arith.index_cast %add3A_1943 : i32 to index
      %get3A_2021 = arith.constant 112 : index
      %get3A_2022 = tpu.vector_load %arg13[%get3A_2020, %get3A_2021] {strides = array<i32>} : memref<256x128xf32, #tpu.memory_space<vmem>>, vector<1x16xf32>,
      %get3A_2023 = vector.shape_cast %get3A_2022 : vector<1x16xf32> to vector<16xf32>
      %mul3A_2024 = arith.mulf %get3A_2023, %add3A_1949 : vector<16xf32>
      %swap3A_2025 = arith.index_cast %add3A_1943 : i32 to index
      %swap3A_2026 = arith.constant 112 : index
      %swap3A_2027 = tpu.vector_load %arg18[%swap3A_2025, %swap3A_2026] {strides = array<i32>} : memref<256x128xf32, #tpu.memory_space<vmem>>, vector<1x16xf32>,
      %swap3A_2028 = vector.shape_cast %swap3A_2027 : vector<1x16xf32> to vector<16xf32>
      %swap3A_2029 = vector.shape_cast %mul3A_2024 : vector<16xf32> to vector<1x16xf32>
      tpu.vector_store %arg18[%swap3A_2025, %swap3A_2026], %swap3A_2029 {strides = array<i32>} : memref<256x128xf32, #tpu.memory_space<vmem>>, vector<1x16xf32>,
      %mul3A_2030 = arith.constant 16 : i32
      %mul3A_2031 = arith.muli %scan3A_1034, %mul3A_2030 : i32
      %add3A_2032 = arith.constant 11 : i32
      %add3A_2033 = arith.addi %mul3A_2031, %add3A_2032 : i32
      %broadcast_in_dim3A_2034 = arith.constant 0.000000e+00 : f32
      %broadcast_in_dim3A_2035 = vector.broadcast %broadcast_in_dim3A_2034 : f32 to vector<16xf32>
      %slice3A_2036 = vector.extract_strided_slice %get3A_1042 {offsets = [11], sizes = [1], strides = [1]} : vector<16xf32> to vector<1xf32>
      %squeeze3A_2037 = vector.extract %slice3A_2036[0] : f32 from vector<1xf32>
      %add3A_2038 = vector.broadcast %squeeze3A_2037 : f32 to vector<16xf32>
      %add3A_2039 = arith.addf %broadcast_in_dim3A_2035, %add3A_2038 : vector<16xf32>
      %get3A_2040 = arith.index_cast %add3A_2033 : i32 to index
      %get3A_2041 = arith.constant 0 : index
      %get3A_2042 = tpu.vector_load %arg13[%get3A_2040, %get3A_2041] {strides = array<i32>} : memref<256x128xf32, #tpu.memory_space<vmem>>, vector<1x16xf32>,
      %get3A_2043 = vector.shape_cast %get3A_2042 : vector<1x16xf32> to vector<16xf32>
      %mul3A_2044 = arith.mulf %get3A_2043, %add3A_2039 : vector<16xf32>
      %swap3A_2045 = arith.index_cast %add3A_2033 : i32 to index
      %swap3A_2046 = arith.constant 0 : index
      %swap3A_2047 = tpu.vector_load %arg18[%swap3A_2045, %swap3A_2046] {strides = array<i32>} : memref<256x128xf32, #tpu.memory_space<vmem>>, vector<1x16xf32>,
      %swap3A_2048 = vector.shape_cast %swap3A_2047 : vector<1x16xf32> to vector<16xf32>
      %swap3A_2049 = vector.shape_cast %mul3A_2044 : vector<16xf32> to vector<1x16xf32>
      tpu.vector_store %arg18[%swap3A_2045, %swap3A_2046], %swap3A_2049 {strides = array<i32>} : memref<256x128xf32, #tpu.memory_space<vmem>>, vector<1x16xf32>,
      %get3A_2050 = arith.index_cast %add3A_2033 : i32 to index
      %get3A_2051 = arith.constant 16 : index
      %get3A_2052 = tpu.vector_load %arg13[%get3A_2050, %get3A_2051] {strides = array<i32>} : memref<256x128xf32, #tpu.memory_space<vmem>>, vector<1x16xf32>,
      %get3A_2053 = vector.shape_cast %get3A_2052 : vector<1x16xf32> to vector<16xf32>
      %mul3A_2054 = arith.mulf %get3A_2053, %add3A_2039 : vector<16xf32>
      %swap3A_2055 = arith.index_cast %add3A_2033 : i32 to index
      %swap3A_2056 = arith.constant 16 : index
      %swap3A_2057 = tpu.vector_load %arg18[%swap3A_2055, %swap3A_2056] {strides = array<i32>} : memref<256x128xf32, #tpu.memory_space<vmem>>, vector<1x16xf32>,
      %swap3A_2058 = vector.shape_cast %swap3A_2057 : vector<1x16xf32> to vector<16xf32>
      %swap3A_2059 = vector.shape_cast %mul3A_2054 : vector<16xf32> to vector<1x16xf32>
      tpu.vector_store %arg18[%swap3A_2055, %swap3A_2056], %swap3A_2059 {strides = array<i32>} : memref<256x128xf32, #tpu.memory_space<vmem>>, vector<1x16xf32>,
      %get3A_2060 = arith.index_cast %add3A_2033 : i32 to index
      %get3A_2061 = arith.constant 32 : index
      %get3A_2062 = tpu.vector_load %arg13[%get3A_2060, %get3A_2061] {strides = array<i32>} : memref<256x128xf32, #tpu.memory_space<vmem>>, vector<1x16xf32>,
      %get3A_2063 = vector.shape_cast %get3A_2062 : vector<1x16xf32> to vector<16xf32>
      %mul3A_2064 = arith.mulf %get3A_2063, %add3A_2039 : vector<16xf32>
      %swap3A_2065 = arith.index_cast %add3A_2033 : i32 to index
      %swap3A_2066 = arith.constant 32 : index
      %swap3A_2067 = tpu.vector_load %arg18[%swap3A_2065, %swap3A_2066] {strides = array<i32>} : memref<256x128xf32, #tpu.memory_space<vmem>>, vector<1x16xf32>,
      %swap3A_2068 = vector.shape_cast %swap3A_2067 : vector<1x16xf32> to vector<16xf32>
      %swap3A_2069 = vector.shape_cast %mul3A_2064 : vector<16xf32> to vector<1x16xf32>
      tpu.vector_store %arg18[%swap3A_2065, %swap3A_2066], %swap3A_2069 {strides = array<i32>} : memref<256x128xf32, #tpu.memory_space<vmem>>, vector<1x16xf32>,
      %get3A_2070 = arith.index_cast %add3A_2033 : i32 to index
      %get3A_2071 = arith.constant 48 : index
      %get3A_2072 = tpu.vector_load %arg13[%get3A_2070, %get3A_2071] {strides = array<i32>} : memref<256x128xf32, #tpu.memory_space<vmem>>, vector<1x16xf32>,
      %get3A_2073 = vector.shape_cast %get3A_2072 : vector<1x16xf32> to vector<16xf32>
      %mul3A_2074 = arith.mulf %get3A_2073, %add3A_2039 : vector<16xf32>
      %swap3A_2075 = arith.index_cast %add3A_2033 : i32 to index
      %swap3A_2076 = arith.constant 48 : index
      %swap3A_2077 = tpu.vector_load %arg18[%swap3A_2075, %swap3A_2076] {strides = array<i32>} : memref<256x128xf32, #tpu.memory_space<vmem>>, vector<1x16xf32>,
      %swap3A_2078 = vector.shape_cast %swap3A_2077 : vector<1x16xf32> to vector<16xf32>
      %swap3A_2079 = vector.shape_cast %mul3A_2074 : vector<16xf32> to vector<1x16xf32>
      tpu.vector_store %arg18[%swap3A_2075, %swap3A_2076], %swap3A_2079 {strides = array<i32>} : memref<256x128xf32, #tpu.memory_space<vmem>>, vector<1x16xf32>,
      %get3A_2080 = arith.index_cast %add3A_2033 : i32 to index
      %get3A_2081 = arith.constant 64 : index
      %get3A_2082 = tpu.vector_load %arg13[%get3A_2080, %get3A_2081] {strides = array<i32>} : memref<256x128xf32, #tpu.memory_space<vmem>>, vector<1x16xf32>,
      %get3A_2083 = vector.shape_cast %get3A_2082 : vector<1x16xf32> to vector<16xf32>
      %mul3A_2084 = arith.mulf %get3A_2083, %add3A_2039 : vector<16xf32>
      %swap3A_2085 = arith.index_cast %add3A_2033 : i32 to index
      %swap3A_2086 = arith.constant 64 : index
      %swap3A_2087 = tpu.vector_load %arg18[%swap3A_2085, %swap3A_2086] {strides = array<i32>} : memref<256x128xf32, #tpu.memory_space<vmem>>, vector<1x16xf32>,
      %swap3A_2088 = vector.shape_cast %swap3A_2087 : vector<1x16xf32> to vector<16xf32>
      %swap3A_2089 = vector.shape_cast %mul3A_2084 : vector<16xf32> to vector<1x16xf32>
      tpu.vector_store %arg18[%swap3A_2085, %swap3A_2086], %swap3A_2089 {strides = array<i32>} : memref<256x128xf32, #tpu.memory_space<vmem>>, vector<1x16xf32>,
      %get3A_2090 = arith.index_cast %add3A_2033 : i32 to index
      %get3A_2091 = arith.constant 80 : index
      %get3A_2092 = tpu.vector_load %arg13[%get3A_2090, %get3A_2091] {strides = array<i32>} : memref<256x128xf32, #tpu.memory_space<vmem>>, vector<1x16xf32>,
      %get3A_2093 = vector.shape_cast %get3A_2092 : vector<1x16xf32> to vector<16xf32>
      %mul3A_2094 = arith.mulf %get3A_2093, %add3A_2039 : vector<16xf32>
      %swap3A_2095 = arith.index_cast %add3A_2033 : i32 to index
      %swap3A_2096 = arith.constant 80 : index
      %swap3A_2097 = tpu.vector_load %arg18[%swap3A_2095, %swap3A_2096] {strides = array<i32>} : memref<256x128xf32, #tpu.memory_space<vmem>>, vector<1x16xf32>,
      %swap3A_2098 = vector.shape_cast %swap3A_2097 : vector<1x16xf32> to vector<16xf32>
      %swap3A_2099 = vector.shape_cast %mul3A_2094 : vector<16xf32> to vector<1x16xf32>
      tpu.vector_store %arg18[%swap3A_2095, %swap3A_2096], %swap3A_2099 {strides = array<i32>} : memref<256x128xf32, #tpu.memory_space<vmem>>, vector<1x16xf32>,
      %get3A_2100 = arith.index_cast %add3A_2033 : i32 to index
      %get3A_2101 = arith.constant 96 : index
      %get3A_2102 = tpu.vector_load %arg13[%get3A_2100, %get3A_2101] {strides = array<i32>} : memref<256x128xf32, #tpu.memory_space<vmem>>, vector<1x16xf32>,
      %get3A_2103 = vector.shape_cast %get3A_2102 : vector<1x16xf32> to vector<16xf32>
      %mul3A_2104 = arith.mulf %get3A_2103, %add3A_2039 : vector<16xf32>
      %swap3A_2105 = arith.index_cast %add3A_2033 : i32 to index
      %swap3A_2106 = arith.constant 96 : index
      %swap3A_2107 = tpu.vector_load %arg18[%swap3A_2105, %swap3A_2106] {strides = array<i32>} : memref<256x128xf32, #tpu.memory_space<vmem>>, vector<1x16xf32>,
      %swap3A_2108 = vector.shape_cast %swap3A_2107 : vector<1x16xf32> to vector<16xf32>
      %swap3A_2109 = vector.shape_cast %mul3A_2104 : vector<16xf32> to vector<1x16xf32>
      tpu.vector_store %arg18[%swap3A_2105, %swap3A_2106], %swap3A_2109 {strides = array<i32>} : memref<256x128xf32, #tpu.memory_space<vmem>>, vector<1x16xf32>,
      %get3A_2110 = arith.index_cast %add3A_2033 : i32 to index
      %get3A_2111 = arith.constant 112 : index
      %get3A_2112 = tpu.vector_load %arg13[%get3A_2110, %get3A_2111] {strides = array<i32>} : memref<256x128xf32, #tpu.memory_space<vmem>>, vector<1x16xf32>,
      %get3A_2113 = vector.shape_cast %get3A_2112 : vector<1x16xf32> to vector<16xf32>
      %mul3A_2114 = arith.mulf %get3A_2113, %add3A_2039 : vector<16xf32>
      %swap3A_2115 = arith.index_cast %add3A_2033 : i32 to index
      %swap3A_2116 = arith.constant 112 : index
      %swap3A_2117 = tpu.vector_load %arg18[%swap3A_2115, %swap3A_2116] {strides = array<i32>} : memref<256x128xf32, #tpu.memory_space<vmem>>, vector<1x16xf32>,
      %swap3A_2118 = vector.shape_cast %swap3A_2117 : vector<1x16xf32> to vector<16xf32>
      %swap3A_2119 = vector.shape_cast %mul3A_2114 : vector<16xf32> to vector<1x16xf32>
      tpu.vector_store %arg18[%swap3A_2115, %swap3A_2116], %swap3A_2119 {strides = array<i32>} : memref<256x128xf32, #tpu.memory_space<vmem>>, vector<1x16xf32>,
      %mul3A_2120 = arith.constant 16 : i32
      %mul3A_2121 = arith.muli %scan3A_1034, %mul3A_2120 : i32
      %add3A_2122 = arith.constant 12 : i32
      %add3A_2123 = arith.addi %mul3A_2121, %add3A_2122 : i32
      %broadcast_in_dim3A_2124 = arith.constant 0.000000e+00 : f32
      %broadcast_in_dim3A_2125 = vector.broadcast %broadcast_in_dim3A_2124 : f32 to vector<16xf32>
      %slice3A_2126 = vector.extract_strided_slice %get3A_1042 {offsets = [12], sizes = [1], strides = [1]} : vector<16xf32> to vector<1xf32>
      %squeeze3A_2127 = vector.extract %slice3A_2126[0] : f32 from vector<1xf32>
      %add3A_2128 = vector.broadcast %squeeze3A_2127 : f32 to vector<16xf32>
      %add3A_2129 = arith.addf %broadcast_in_dim3A_2125, %add3A_2128 : vector<16xf32>
      %get3A_2130 = arith.index_cast %add3A_2123 : i32 to index
      %get3A_2131 = arith.constant 0 : index
      %get3A_2132 = tpu.vector_load %arg13[%get3A_2130, %get3A_2131] {strides = array<i32>} : memref<256x128xf32, #tpu.memory_space<vmem>>, vector<1x16xf32>,
      %get3A_2133 = vector.shape_cast %get3A_2132 : vector<1x16xf32> to vector<16xf32>
      %mul3A_2134 = arith.mulf %get3A_2133, %add3A_2129 : vector<16xf32>
      %swap3A_2135 = arith.index_cast %add3A_2123 : i32 to index
      %swap3A_2136 = arith.constant 0 : index
      %swap3A_2137 = tpu.vector_load %arg18[%swap3A_2135, %swap3A_2136] {strides = array<i32>} : memref<256x128xf32, #tpu.memory_space<vmem>>, vector<1x16xf32>,
      %swap3A_2138 = vector.shape_cast %swap3A_2137 : vector<1x16xf32> to vector<16xf32>
      %swap3A_2139 = vector.shape_cast %mul3A_2134 : vector<16xf32> to vector<1x16xf32>
      tpu.vector_store %arg18[%swap3A_2135, %swap3A_2136], %swap3A_2139 {strides = array<i32>} : memref<256x128xf32, #tpu.memory_space<vmem>>, vector<1x16xf32>,
      %get3A_2140 = arith.index_cast %add3A_2123 : i32 to index
      %get3A_2141 = arith.constant 16 : index
      %get3A_2142 = tpu.vector_load %arg13[%get3A_2140, %get3A_2141] {strides = array<i32>} : memref<256x128xf32, #tpu.memory_space<vmem>>, vector<1x16xf32>,
      %get3A_2143 = vector.shape_cast %get3A_2142 : vector<1x16xf32> to vector<16xf32>
      %mul3A_2144 = arith.mulf %get3A_2143, %add3A_2129 : vector<16xf32>
      %swap3A_2145 = arith.index_cast %add3A_2123 : i32 to index
      %swap3A_2146 = arith.constant 16 : index
      %swap3A_2147 = tpu.vector_load %arg18[%swap3A_2145, %swap3A_2146] {strides = array<i32>} : memref<256x128xf32, #tpu.memory_space<vmem>>, vector<1x16xf32>,
      %swap3A_2148 = vector.shape_cast %swap3A_2147 : vector<1x16xf32> to vector<16xf32>
      %swap3A_2149 = vector.shape_cast %mul3A_2144 : vector<16xf32> to vector<1x16xf32>
      tpu.vector_store %arg18[%swap3A_2145, %swap3A_2146], %swap3A_2149 {strides = array<i32>} : memref<256x128xf32, #tpu.memory_space<vmem>>, vector<1x16xf32>,
      %get3A_2150 = arith.index_cast %add3A_2123 : i32 to index
      %get3A_2151 = arith.constant 32 : index
      %get3A_2152 = tpu.vector_load %arg13[%get3A_2150, %get3A_2151] {strides = array<i32>} : memref<256x128xf32, #tpu.memory_space<vmem>>, vector<1x16xf32>,
      %get3A_2153 = vector.shape_cast %get3A_2152 : vector<1x16xf32> to vector<16xf32>
      %mul3A_2154 = arith.mulf %get3A_2153, %add3A_2129 : vector<16xf32>
      %swap3A_2155 = arith.index_cast %add3A_2123 : i32 to index
      %swap3A_2156 = arith.constant 32 : index
      %swap3A_2157 = tpu.vector_load %arg18[%swap3A_2155, %swap3A_2156] {strides = array<i32>} : memref<256x128xf32, #tpu.memory_space<vmem>>, vector<1x16xf32>,
      %swap3A_2158 = vector.shape_cast %swap3A_2157 : vector<1x16xf32> to vector<16xf32>
      %swap3A_2159 = vector.shape_cast %mul3A_2154 : vector<16xf32> to vector<1x16xf32>
      tpu.vector_store %arg18[%swap3A_2155, %swap3A_2156], %swap3A_2159 {strides = array<i32>} : memref<256x128xf32, #tpu.memory_space<vmem>>, vector<1x16xf32>,
      %get3A_2160 = arith.index_cast %add3A_2123 : i32 to index
      %get3A_2161 = arith.constant 48 : index
      %get3A_2162 = tpu.vector_load %arg13[%get3A_2160, %get3A_2161] {strides = array<i32>} : memref<256x128xf32, #tpu.memory_space<vmem>>, vector<1x16xf32>,
      %get3A_2163 = vector.shape_cast %get3A_2162 : vector<1x16xf32> to vector<16xf32>
      %mul3A_2164 = arith.mulf %get3A_2163, %add3A_2129 : vector<16xf32>
      %swap3A_2165 = arith.index_cast %add3A_2123 : i32 to index
      %swap3A_2166 = arith.constant 48 : index
      %swap3A_2167 = tpu.vector_load %arg18[%swap3A_2165, %swap3A_2166] {strides = array<i32>} : memref<256x128xf32, #tpu.memory_space<vmem>>, vector<1x16xf32>,
      %swap3A_2168 = vector.shape_cast %swap3A_2167 : vector<1x16xf32> to vector<16xf32>
      %swap3A_2169 = vector.shape_cast %mul3A_2164 : vector<16xf32> to vector<1x16xf32>
      tpu.vector_store %arg18[%swap3A_2165, %swap3A_2166], %swap3A_2169 {strides = array<i32>} : memref<256x128xf32, #tpu.memory_space<vmem>>, vector<1x16xf32>,
      %get3A_2170 = arith.index_cast %add3A_2123 : i32 to index
      %get3A_2171 = arith.constant 64 : index
      %get3A_2172 = tpu.vector_load %arg13[%get3A_2170, %get3A_2171] {strides = array<i32>} : memref<256x128xf32, #tpu.memory_space<vmem>>, vector<1x16xf32>,
      %get3A_2173 = vector.shape_cast %get3A_2172 : vector<1x16xf32> to vector<16xf32>
      %mul3A_2174 = arith.mulf %get3A_2173, %add3A_2129 : vector<16xf32>
      %swap3A_2175 = arith.index_cast %add3A_2123 : i32 to index
      %swap3A_2176 = arith.constant 64 : index
      %swap3A_2177 = tpu.vector_load %arg18[%swap3A_2175, %swap3A_2176] {strides = array<i32>} : memref<256x128xf32, #tpu.memory_space<vmem>>, vector<1x16xf32>,
      %swap3A_2178 = vector.shape_cast %swap3A_2177 : vector<1x16xf32> to vector<16xf32>
      %swap3A_2179 = vector.shape_cast %mul3A_2174 : vector<16xf32> to vector<1x16xf32>
      tpu.vector_store %arg18[%swap3A_2175, %swap3A_2176], %swap3A_2179 {strides = array<i32>} : memref<256x128xf32, #tpu.memory_space<vmem>>, vector<1x16xf32>,
      %get3A_2180 = arith.index_cast %add3A_2123 : i32 to index
      %get3A_2181 = arith.constant 80 : index
      %get3A_2182 = tpu.vector_load %arg13[%get3A_2180, %get3A_2181] {strides = array<i32>} : memref<256x128xf32, #tpu.memory_space<vmem>>, vector<1x16xf32>,
      %get3A_2183 = vector.shape_cast %get3A_2182 : vector<1x16xf32> to vector<16xf32>
      %mul3A_2184 = arith.mulf %get3A_2183, %add3A_2129 : vector<16xf32>
      %swap3A_2185 = arith.index_cast %add3A_2123 : i32 to index
      %swap3A_2186 = arith.constant 80 : index
      %swap3A_2187 = tpu.vector_load %arg18[%swap3A_2185, %swap3A_2186] {strides = array<i32>} : memref<256x128xf32, #tpu.memory_space<vmem>>, vector<1x16xf32>,
      %swap3A_2188 = vector.shape_cast %swap3A_2187 : vector<1x16xf32> to vector<16xf32>
      %swap3A_2189 = vector.shape_cast %mul3A_2184 : vector<16xf32> to vector<1x16xf32>
      tpu.vector_store %arg18[%swap3A_2185, %swap3A_2186], %swap3A_2189 {strides = array<i32>} : memref<256x128xf32, #tpu.memory_space<vmem>>, vector<1x16xf32>,
      %get3A_2190 = arith.index_cast %add3A_2123 : i32 to index
      %get3A_2191 = arith.constant 96 : index
      %get3A_2192 = tpu.vector_load %arg13[%get3A_2190, %get3A_2191] {strides = array<i32>} : memref<256x128xf32, #tpu.memory_space<vmem>>, vector<1x16xf32>,
      %get3A_2193 = vector.shape_cast %get3A_2192 : vector<1x16xf32> to vector<16xf32>
      %mul3A_2194 = arith.mulf %get3A_2193, %add3A_2129 : vector<16xf32>
      %swap3A_2195 = arith.index_cast %add3A_2123 : i32 to index
      %swap3A_2196 = arith.constant 96 : index
      %swap3A_2197 = tpu.vector_load %arg18[%swap3A_2195, %swap3A_2196] {strides = array<i32>} : memref<256x128xf32, #tpu.memory_space<vmem>>, vector<1x16xf32>,
      %swap3A_2198 = vector.shape_cast %swap3A_2197 : vector<1x16xf32> to vector<16xf32>
      %swap3A_2199 = vector.shape_cast %mul3A_2194 : vector<16xf32> to vector<1x16xf32>
      tpu.vector_store %arg18[%swap3A_2195, %swap3A_2196], %swap3A_2199 {strides = array<i32>} : memref<256x128xf32, #tpu.memory_space<vmem>>, vector<1x16xf32>,
      %get3A_2200 = arith.index_cast %add3A_2123 : i32 to index
      %get3A_2201 = arith.constant 112 : index
      %get3A_2202 = tpu.vector_load %arg13[%get3A_2200, %get3A_2201] {strides = array<i32>} : memref<256x128xf32, #tpu.memory_space<vmem>>, vector<1x16xf32>,
      %get3A_2203 = vector.shape_cast %get3A_2202 : vector<1x16xf32> to vector<16xf32>
      %mul3A_2204 = arith.mulf %get3A_2203, %add3A_2129 : vector<16xf32>
      %swap3A_2205 = arith.index_cast %add3A_2123 : i32 to index
      %swap3A_2206 = arith.constant 112 : index
      %swap3A_2207 = tpu.vector_load %arg18[%swap3A_2205, %swap3A_2206] {strides = array<i32>} : memref<256x128xf32, #tpu.memory_space<vmem>>, vector<1x16xf32>,
      %swap3A_2208 = vector.shape_cast %swap3A_2207 : vector<1x16xf32> to vector<16xf32>
      %swap3A_2209 = vector.shape_cast %mul3A_2204 : vector<16xf32> to vector<1x16xf32>
      tpu.vector_store %arg18[%swap3A_2205, %swap3A_2206], %swap3A_2209 {strides = array<i32>} : memref<256x128xf32, #tpu.memory_space<vmem>>, vector<1x16xf32>,
      %mul3A_2210 = arith.constant 16 : i32
      %mul3A_2211 = arith.muli %scan3A_1034, %mul3A_2210 : i32
      %add3A_2212 = arith.constant 13 : i32
      %add3A_2213 = arith.addi %mul3A_2211, %add3A_2212 : i32
      %broadcast_in_dim3A_2214 = arith.constant 0.000000e+00 : f32
      %broadcast_in_dim3A_2215 = vector.broadcast %broadcast_in_dim3A_2214 : f32 to vector<16xf32>
      %slice3A_2216 = vector.extract_strided_slice %get3A_1042 {offsets = [13], sizes = [1], strides = [1]} : vector<16xf32> to vector<1xf32>
      %squeeze3A_2217 = vector.extract %slice3A_2216[0] : f32 from vector<1xf32>
      %add3A_2218 = vector.broadcast %squeeze3A_2217 : f32 to vector<16xf32>
      %add3A_2219 = arith.addf %broadcast_in_dim3A_2215, %add3A_2218 : vector<16xf32>
      %get3A_2220 = arith.index_cast %add3A_2213 : i32 to index
      %get3A_2221 = arith.constant 0 : index
      %get3A_2222 = tpu.vector_load %arg13[%get3A_2220, %get3A_2221] {strides = array<i32>} : memref<256x128xf32, #tpu.memory_space<vmem>>, vector<1x16xf32>,
      %get3A_2223 = vector.shape_cast %get3A_2222 : vector<1x16xf32> to vector<16xf32>
      %mul3A_2224 = arith.mulf %get3A_2223, %add3A_2219 : vector<16xf32>
      %swap3A_2225 = arith.index_cast %add3A_2213 : i32 to index
      %swap3A_2226 = arith.constant 0 : index
      %swap3A_2227 = tpu.vector_load %arg18[%swap3A_2225, %swap3A_2226] {strides = array<i32>} : memref<256x128xf32, #tpu.memory_space<vmem>>, vector<1x16xf32>,
      %swap3A_2228 = vector.shape_cast %swap3A_2227 : vector<1x16xf32> to vector<16xf32>
      %swap3A_2229 = vector.shape_cast %mul3A_2224 : vector<16xf32> to vector<1x16xf32>
      tpu.vector_store %arg18[%swap3A_2225, %swap3A_2226], %swap3A_2229 {strides = array<i32>} : memref<256x128xf32, #tpu.memory_space<vmem>>, vector<1x16xf32>,
      %get3A_2230 = arith.index_cast %add3A_2213 : i32 to index
      %get3A_2231 = arith.constant 16 : index
      %get3A_2232 = tpu.vector_load %arg13[%get3A_2230, %get3A_2231] {strides = array<i32>} : memref<256x128xf32, #tpu.memory_space<vmem>>, vector<1x16xf32>,
      %get3A_2233 = vector.shape_cast %get3A_2232 : vector<1x16xf32> to vector<16xf32>
      %mul3A_2234 = arith.mulf %get3A_2233, %add3A_2219 : vector<16xf32>
      %swap3A_2235 = arith.index_cast %add3A_2213 : i32 to index
      %swap3A_2236 = arith.constant 16 : index
      %swap3A_2237 = tpu.vector_load %arg18[%swap3A_2235, %swap3A_2236] {strides = array<i32>} : memref<256x128xf32, #tpu.memory_space<vmem>>, vector<1x16xf32>,
      %swap3A_2238 = vector.shape_cast %swap3A_2237 : vector<1x16xf32> to vector<16xf32>
      %swap3A_2239 = vector.shape_cast %mul3A_2234 : vector<16xf32> to vector<1x16xf32>
      tpu.vector_store %arg18[%swap3A_2235, %swap3A_2236], %swap3A_2239 {strides = array<i32>} : memref<256x128xf32, #tpu.memory_space<vmem>>, vector<1x16xf32>,
      %get3A_2240 = arith.index_cast %add3A_2213 : i32 to index
      %get3A_2241 = arith.constant 32 : index
      %get3A_2242 = tpu.vector_load %arg13[%get3A_2240, %get3A_2241] {strides = array<i32>} : memref<256x128xf32, #tpu.memory_space<vmem>>, vector<1x16xf32>,
      %get3A_2243 = vector.shape_cast %get3A_2242 : vector<1x16xf32> to vector<16xf32>
      %mul3A_2244 = arith.mulf %get3A_2243, %add3A_2219 : vector<16xf32>
      %swap3A_2245 = arith.index_cast %add3A_2213 : i32 to index
      %swap3A_2246 = arith.constant 32 : index
      %swap3A_2247 = tpu.vector_load %arg18[%swap3A_2245, %swap3A_2246] {strides = array<i32>} : memref<256x128xf32, #tpu.memory_space<vmem>>, vector<1x16xf32>,
      %swap3A_2248 = vector.shape_cast %swap3A_2247 : vector<1x16xf32> to vector<16xf32>
      %swap3A_2249 = vector.shape_cast %mul3A_2244 : vector<16xf32> to vector<1x16xf32>
      tpu.vector_store %arg18[%swap3A_2245, %swap3A_2246], %swap3A_2249 {strides = array<i32>} : memref<256x128xf32, #tpu.memory_space<vmem>>, vector<1x16xf32>,
      %get3A_2250 = arith.index_cast %add3A_2213 : i32 to index
      %get3A_2251 = arith.constant 48 : index
      %get3A_2252 = tpu.vector_load %arg13[%get3A_2250, %get3A_2251] {strides = array<i32>} : memref<256x128xf32, #tpu.memory_space<vmem>>, vector<1x16xf32>,
      %get3A_2253 = vector.shape_cast %get3A_2252 : vector<1x16xf32> to vector<16xf32>
      %mul3A_2254 = arith.mulf %get3A_2253, %add3A_2219 : vector<16xf32>
      %swap3A_2255 = arith.index_cast %add3A_2213 : i32 to index
      %swap3A_2256 = arith.constant 48 : index
      %swap3A_2257 = tpu.vector_load %arg18[%swap3A_2255, %swap3A_2256] {strides = array<i32>} : memref<256x128xf32, #tpu.memory_space<vmem>>, vector<1x16xf32>,
      %swap3A_2258 = vector.shape_cast %swap3A_2257 : vector<1x16xf32> to vector<16xf32>
      %swap3A_2259 = vector.shape_cast %mul3A_2254 : vector<16xf32> to vector<1x16xf32>
      tpu.vector_store %arg18[%swap3A_2255, %swap3A_2256], %swap3A_2259 {strides = array<i32>} : memref<256x128xf32, #tpu.memory_space<vmem>>, vector<1x16xf32>,
      %get3A_2260 = arith.index_cast %add3A_2213 : i32 to index
      %get3A_2261 = arith.constant 64 : index
      %get3A_2262 = tpu.vector_load %arg13[%get3A_2260, %get3A_2261] {strides = array<i32>} : memref<256x128xf32, #tpu.memory_space<vmem>>, vector<1x16xf32>,
      %get3A_2263 = vector.shape_cast %get3A_2262 : vector<1x16xf32> to vector<16xf32>
      %mul3A_2264 = arith.mulf %get3A_2263, %add3A_2219 : vector<16xf32>
      %swap3A_2265 = arith.index_cast %add3A_2213 : i32 to index
      %swap3A_2266 = arith.constant 64 : index
      %swap3A_2267 = tpu.vector_load %arg18[%swap3A_2265, %swap3A_2266] {strides = array<i32>} : memref<256x128xf32, #tpu.memory_space<vmem>>, vector<1x16xf32>,
      %swap3A_2268 = vector.shape_cast %swap3A_2267 : vector<1x16xf32> to vector<16xf32>
      %swap3A_2269 = vector.shape_cast %mul3A_2264 : vector<16xf32> to vector<1x16xf32>
      tpu.vector_store %arg18[%swap3A_2265, %swap3A_2266], %swap3A_2269 {strides = array<i32>} : memref<256x128xf32, #tpu.memory_space<vmem>>, vector<1x16xf32>,
      %get3A_2270 = arith.index_cast %add3A_2213 : i32 to index
      %get3A_2271 = arith.constant 80 : index
      %get3A_2272 = tpu.vector_load %arg13[%get3A_2270, %get3A_2271] {strides = array<i32>} : memref<256x128xf32, #tpu.memory_space<vmem>>, vector<1x16xf32>,
      %get3A_2273 = vector.shape_cast %get3A_2272 : vector<1x16xf32> to vector<16xf32>
      %mul3A_2274 = arith.mulf %get3A_2273, %add3A_2219 : vector<16xf32>
      %swap3A_2275 = arith.index_cast %add3A_2213 : i32 to index
      %swap3A_2276 = arith.constant 80 : index
      %swap3A_2277 = tpu.vector_load %arg18[%swap3A_2275, %swap3A_2276] {strides = array<i32>} : memref<256x128xf32, #tpu.memory_space<vmem>>, vector<1x16xf32>,
      %swap3A_2278 = vector.shape_cast %swap3A_2277 : vector<1x16xf32> to vector<16xf32>
      %swap3A_2279 = vector.shape_cast %mul3A_2274 : vector<16xf32> to vector<1x16xf32>
      tpu.vector_store %arg18[%swap3A_2275, %swap3A_2276], %swap3A_2279 {strides = array<i32>} : memref<256x128xf32, #tpu.memory_space<vmem>>, vector<1x16xf32>,
      %get3A_2280 = arith.index_cast %add3A_2213 : i32 to index
      %get3A_2281 = arith.constant 96 : index
      %get3A_2282 = tpu.vector_load %arg13[%get3A_2280, %get3A_2281] {strides = array<i32>} : memref<256x128xf32, #tpu.memory_space<vmem>>, vector<1x16xf32>,
      %get3A_2283 = vector.shape_cast %get3A_2282 : vector<1x16xf32> to vector<16xf32>
      %mul3A_2284 = arith.mulf %get3A_2283, %add3A_2219 : vector<16xf32>
      %swap3A_2285 = arith.index_cast %add3A_2213 : i32 to index
      %swap3A_2286 = arith.constant 96 : index
      %swap3A_2287 = tpu.vector_load %arg18[%swap3A_2285, %swap3A_2286] {strides = array<i32>} : memref<256x128xf32, #tpu.memory_space<vmem>>, vector<1x16xf32>,
      %swap3A_2288 = vector.shape_cast %swap3A_2287 : vector<1x16xf32> to vector<16xf32>
      %swap3A_2289 = vector.shape_cast %mul3A_2284 : vector<16xf32> to vector<1x16xf32>
      tpu.vector_store %arg18[%swap3A_2285, %swap3A_2286], %swap3A_2289 {strides = array<i32>} : memref<256x128xf32, #tpu.memory_space<vmem>>, vector<1x16xf32>,
      %get3A_2290 = arith.index_cast %add3A_2213 : i32 to index
      %get3A_2291 = arith.constant 112 : index
      %get3A_2292 = tpu.vector_load %arg13[%get3A_2290, %get3A_2291] {strides = array<i32>} : memref<256x128xf32, #tpu.memory_space<vmem>>, vector<1x16xf32>,
      %get3A_2293 = vector.shape_cast %get3A_2292 : vector<1x16xf32> to vector<16xf32>
      %mul3A_2294 = arith.mulf %get3A_2293, %add3A_2219 : vector<16xf32>
      %swap3A_2295 = arith.index_cast %add3A_2213 : i32 to index
      %swap3A_2296 = arith.constant 112 : index
      %swap3A_2297 = tpu.vector_load %arg18[%swap3A_2295, %swap3A_2296] {strides = array<i32>} : memref<256x128xf32, #tpu.memory_space<vmem>>, vector<1x16xf32>,
      %swap3A_2298 = vector.shape_cast %swap3A_2297 : vector<1x16xf32> to vector<16xf32>
      %swap3A_2299 = vector.shape_cast %mul3A_2294 : vector<16xf32> to vector<1x16xf32>
      tpu.vector_store %arg18[%swap3A_2295, %swap3A_2296], %swap3A_2299 {strides = array<i32>} : memref<256x128xf32, #tpu.memory_space<vmem>>, vector<1x16xf32>,
      %mul3A_2300 = arith.constant 16 : i32
      %mul3A_2301 = arith.muli %scan3A_1034, %mul3A_2300 : i32
      %add3A_2302 = arith.constant 14 : i32
      %add3A_2303 = arith.addi %mul3A_2301, %add3A_2302 : i32
      %broadcast_in_dim3A_2304 = arith.constant 0.000000e+00 : f32
      %broadcast_in_dim3A_2305 = vector.broadcast %broadcast_in_dim3A_2304 : f32 to vector<16xf32>
      %slice3A_2306 = vector.extract_strided_slice %get3A_1042 {offsets = [14], sizes = [1], strides = [1]} : vector<16xf32> to vector<1xf32>
      %squeeze3A_2307 = vector.extract %slice3A_2306[0] : f32 from vector<1xf32>
      %add3A_2308 = vector.broadcast %squeeze3A_2307 : f32 to vector<16xf32>
      %add3A_2309 = arith.addf %broadcast_in_dim3A_2305, %add3A_2308 : vector<16xf32>
      %get3A_2310 = arith.index_cast %add3A_2303 : i32 to index
      %get3A_2311 = arith.constant 0 : index
      %get3A_2312 = tpu.vector_load %arg13[%get3A_2310, %get3A_2311] {strides = array<i32>} : memref<256x128xf32, #tpu.memory_space<vmem>>, vector<1x16xf32>,
      %get3A_2313 = vector.shape_cast %get3A_2312 : vector<1x16xf32> to vector<16xf32>
      %mul3A_2314 = arith.mulf %get3A_2313, %add3A_2309 : vector<16xf32>
      %swap3A_2315 = arith.index_cast %add3A_2303 : i32 to index
      %swap3A_2316 = arith.constant 0 : index
      %swap3A_2317 = tpu.vector_load %arg18[%swap3A_2315, %swap3A_2316] {strides = array<i32>} : memref<256x128xf32, #tpu.memory_space<vmem>>, vector<1x16xf32>,
      %swap3A_2318 = vector.shape_cast %swap3A_2317 : vector<1x16xf32> to vector<16xf32>
      %swap3A_2319 = vector.shape_cast %mul3A_2314 : vector<16xf32> to vector<1x16xf32>
      tpu.vector_store %arg18[%swap3A_2315, %swap3A_2316], %swap3A_2319 {strides = array<i32>} : memref<256x128xf32, #tpu.memory_space<vmem>>, vector<1x16xf32>,
      %get3A_2320 = arith.index_cast %add3A_2303 : i32 to index
      %get3A_2321 = arith.constant 16 : index
      %get3A_2322 = tpu.vector_load %arg13[%get3A_2320, %get3A_2321] {strides = array<i32>} : memref<256x128xf32, #tpu.memory_space<vmem>>, vector<1x16xf32>,
      %get3A_2323 = vector.shape_cast %get3A_2322 : vector<1x16xf32> to vector<16xf32>
      %mul3A_2324 = arith.mulf %get3A_2323, %add3A_2309 : vector<16xf32>
      %swap3A_2325 = arith.index_cast %add3A_2303 : i32 to index
      %swap3A_2326 = arith.constant 16 : index
      %swap3A_2327 = tpu.vector_load %arg18[%swap3A_2325, %swap3A_2326] {strides = array<i32>} : memref<256x128xf32, #tpu.memory_space<vmem>>, vector<1x16xf32>,
      %swap3A_2328 = vector.shape_cast %swap3A_2327 : vector<1x16xf32> to vector<16xf32>
      %swap3A_2329 = vector.shape_cast %mul3A_2324 : vector<16xf32> to vector<1x16xf32>
      tpu.vector_store %arg18[%swap3A_2325, %swap3A_2326], %swap3A_2329 {strides = array<i32>} : memref<256x128xf32, #tpu.memory_space<vmem>>, vector<1x16xf32>,
      %get3A_2330 = arith.index_cast %add3A_2303 : i32 to index
      %get3A_2331 = arith.constant 32 : index
      %get3A_2332 = tpu.vector_load %arg13[%get3A_2330, %get3A_2331] {strides = array<i32>} : memref<256x128xf32, #tpu.memory_space<vmem>>, vector<1x16xf32>,
      %get3A_2333 = vector.shape_cast %get3A_2332 : vector<1x16xf32> to vector<16xf32>
      %mul3A_2334 = arith.mulf %get3A_2333, %add3A_2309 : vector<16xf32>
      %swap3A_2335 = arith.index_cast %add3A_2303 : i32 to index
      %swap3A_2336 = arith.constant 32 : index
      %swap3A_2337 = tpu.vector_load %arg18[%swap3A_2335, %swap3A_2336] {strides = array<i32>} : memref<256x128xf32, #tpu.memory_space<vmem>>, vector<1x16xf32>,
      %swap3A_2338 = vector.shape_cast %swap3A_2337 : vector<1x16xf32> to vector<16xf32>
      %swap3A_2339 = vector.shape_cast %mul3A_2334 : vector<16xf32> to vector<1x16xf32>
      tpu.vector_store %arg18[%swap3A_2335, %swap3A_2336], %swap3A_2339 {strides = array<i32>} : memref<256x128xf32, #tpu.memory_space<vmem>>, vector<1x16xf32>,
      %get3A_2340 = arith.index_cast %add3A_2303 : i32 to index
      %get3A_2341 = arith.constant 48 : index
      %get3A_2342 = tpu.vector_load %arg13[%get3A_2340, %get3A_2341] {strides = array<i32>} : memref<256x128xf32, #tpu.memory_space<vmem>>, vector<1x16xf32>,
      %get3A_2343 = vector.shape_cast %get3A_2342 : vector<1x16xf32> to vector<16xf32>
      %mul3A_2344 = arith.mulf %get3A_2343, %add3A_2309 : vector<16xf32>
      %swap3A_2345 = arith.index_cast %add3A_2303 : i32 to index
      %swap3A_2346 = arith.constant 48 : index
      %swap3A_2347 = tpu.vector_load %arg18[%swap3A_2345, %swap3A_2346] {strides = array<i32>} : memref<256x128xf32, #tpu.memory_space<vmem>>, vector<1x16xf32>,
      %swap3A_2348 = vector.shape_cast %swap3A_2347 : vector<1x16xf32> to vector<16xf32>
      %swap3A_2349 = vector.shape_cast %mul3A_2344 : vector<16xf32> to vector<1x16xf32>
      tpu.vector_store %arg18[%swap3A_2345, %swap3A_2346], %swap3A_2349 {strides = array<i32>} : memref<256x128xf32, #tpu.memory_space<vmem>>, vector<1x16xf32>,
      %get3A_2350 = arith.index_cast %add3A_2303 : i32 to index
      %get3A_2351 = arith.constant 64 : index
      %get3A_2352 = tpu.vector_load %arg13[%get3A_2350, %get3A_2351] {strides = array<i32>} : memref<256x128xf32, #tpu.memory_space<vmem>>, vector<1x16xf32>,
      %get3A_2353 = vector.shape_cast %get3A_2352 : vector<1x16xf32> to vector<16xf32>
      %mul3A_2354 = arith.mulf %get3A_2353, %add3A_2309 : vector<16xf32>
      %swap3A_2355 = arith.index_cast %add3A_2303 : i32 to index
      %swap3A_2356 = arith.constant 64 : index
      %swap3A_2357 = tpu.vector_load %arg18[%swap3A_2355, %swap3A_2356] {strides = array<i32>} : memref<256x128xf32, #tpu.memory_space<vmem>>, vector<1x16xf32>,
      %swap3A_2358 = vector.shape_cast %swap3A_2357 : vector<1x16xf32> to vector<16xf32>
      %swap3A_2359 = vector.shape_cast %mul3A_2354 : vector<16xf32> to vector<1x16xf32>
      tpu.vector_store %arg18[%swap3A_2355, %swap3A_2356], %swap3A_2359 {strides = array<i32>} : memref<256x128xf32, #tpu.memory_space<vmem>>, vector<1x16xf32>,
      %get3A_2360 = arith.index_cast %add3A_2303 : i32 to index
      %get3A_2361 = arith.constant 80 : index
      %get3A_2362 = tpu.vector_load %arg13[%get3A_2360, %get3A_2361] {strides = array<i32>} : memref<256x128xf32, #tpu.memory_space<vmem>>, vector<1x16xf32>,
      %get3A_2363 = vector.shape_cast %get3A_2362 : vector<1x16xf32> to vector<16xf32>
      %mul3A_2364 = arith.mulf %get3A_2363, %add3A_2309 : vector<16xf32>
      %swap3A_2365 = arith.index_cast %add3A_2303 : i32 to index
      %swap3A_2366 = arith.constant 80 : index
      %swap3A_2367 = tpu.vector_load %arg18[%swap3A_2365, %swap3A_2366] {strides = array<i32>} : memref<256x128xf32, #tpu.memory_space<vmem>>, vector<1x16xf32>,
      %swap3A_2368 = vector.shape_cast %swap3A_2367 : vector<1x16xf32> to vector<16xf32>
      %swap3A_2369 = vector.shape_cast %mul3A_2364 : vector<16xf32> to vector<1x16xf32>
      tpu.vector_store %arg18[%swap3A_2365, %swap3A_2366], %swap3A_2369 {strides = array<i32>} : memref<256x128xf32, #tpu.memory_space<vmem>>, vector<1x16xf32>,
      %get3A_2370 = arith.index_cast %add3A_2303 : i32 to index
      %get3A_2371 = arith.constant 96 : index
      %get3A_2372 = tpu.vector_load %arg13[%get3A_2370, %get3A_2371] {strides = array<i32>} : memref<256x128xf32, #tpu.memory_space<vmem>>, vector<1x16xf32>,
      %get3A_2373 = vector.shape_cast %get3A_2372 : vector<1x16xf32> to vector<16xf32>
      %mul3A_2374 = arith.mulf %get3A_2373, %add3A_2309 : vector<16xf32>
      %swap3A_2375 = arith.index_cast %add3A_2303 : i32 to index
      %swap3A_2376 = arith.constant 96 : index
      %swap3A_2377 = tpu.vector_load %arg18[%swap3A_2375, %swap3A_2376] {strides = array<i32>} : memref<256x128xf32, #tpu.memory_space<vmem>>, vector<1x16xf32>,
      %swap3A_2378 = vector.shape_cast %swap3A_2377 : vector<1x16xf32> to vector<16xf32>
      %swap3A_2379 = vector.shape_cast %mul3A_2374 : vector<16xf32> to vector<1x16xf32>
      tpu.vector_store %arg18[%swap3A_2375, %swap3A_2376], %swap3A_2379 {strides = array<i32>} : memref<256x128xf32, #tpu.memory_space<vmem>>, vector<1x16xf32>,
      %get3A_2380 = arith.index_cast %add3A_2303 : i32 to index
      %get3A_2381 = arith.constant 112 : index
      %get3A_2382 = tpu.vector_load %arg13[%get3A_2380, %get3A_2381] {strides = array<i32>} : memref<256x128xf32, #tpu.memory_space<vmem>>, vector<1x16xf32>,
      %get3A_2383 = vector.shape_cast %get3A_2382 : vector<1x16xf32> to vector<16xf32>
      %mul3A_2384 = arith.mulf %get3A_2383, %add3A_2309 : vector<16xf32>
      %swap3A_2385 = arith.index_cast %add3A_2303 : i32 to index
      %swap3A_2386 = arith.constant 112 : index
      %swap3A_2387 = tpu.vector_load %arg18[%swap3A_2385, %swap3A_2386] {strides = array<i32>} : memref<256x128xf32, #tpu.memory_space<vmem>>, vector<1x16xf32>,
      %swap3A_2388 = vector.shape_cast %swap3A_2387 : vector<1x16xf32> to vector<16xf32>
      %swap3A_2389 = vector.shape_cast %mul3A_2384 : vector<16xf32> to vector<1x16xf32>
      tpu.vector_store %arg18[%swap3A_2385, %swap3A_2386], %swap3A_2389 {strides = array<i32>} : memref<256x128xf32, #tpu.memory_space<vmem>>, vector<1x16xf32>,
      %mul3A_2390 = arith.constant 16 : i32
      %mul3A_2391 = arith.muli %scan3A_1034, %mul3A_2390 : i32
      %add3A_2392 = arith.constant 15 : i32
      %add3A_2393 = arith.addi %mul3A_2391, %add3A_2392 : i32
      %broadcast_in_dim3A_2394 = arith.constant 0.000000e+00 : f32
      %broadcast_in_dim3A_2395 = vector.broadcast %broadcast_in_dim3A_2394 : f32 to vector<16xf32>
      %slice3A_2396 = vector.extract_strided_slice %get3A_1042 {offsets = [15], sizes = [1], strides = [1]} : vector<16xf32> to vector<1xf32>
      %squeeze3A_2397 = vector.extract %slice3A_2396[0] : f32 from vector<1xf32>
      %add3A_2398 = vector.broadcast %squeeze3A_2397 : f32 to vector<16xf32>
      %add3A_2399 = arith.addf %broadcast_in_dim3A_2395, %add3A_2398 : vector<16xf32>
      %get3A_2400 = arith.index_cast %add3A_2393 : i32 to index
      %get3A_2401 = arith.constant 0 : index
      %get3A_2402 = tpu.vector_load %arg13[%get3A_2400, %get3A_2401] {strides = array<i32>} : memref<256x128xf32, #tpu.memory_space<vmem>>, vector<1x16xf32>,
      %get3A_2403 = vector.shape_cast %get3A_2402 : vector<1x16xf32> to vector<16xf32>
      %mul3A_2404 = arith.mulf %get3A_2403, %add3A_2399 : vector<16xf32>
      %swap3A_2405 = arith.index_cast %add3A_2393 : i32 to index
      %swap3A_2406 = arith.constant 0 : index
      %swap3A_2407 = tpu.vector_load %arg18[%swap3A_2405, %swap3A_2406] {strides = array<i32>} : memref<256x128xf32, #tpu.memory_space<vmem>>, vector<1x16xf32>,
      %swap3A_2408 = vector.shape_cast %swap3A_2407 : vector<1x16xf32> to vector<16xf32>
      %swap3A_2409 = vector.shape_cast %mul3A_2404 : vector<16xf32> to vector<1x16xf32>
      tpu.vector_store %arg18[%swap3A_2405, %swap3A_2406], %swap3A_2409 {strides = array<i32>} : memref<256x128xf32, #tpu.memory_space<vmem>>, vector<1x16xf32>,
      %get3A_2410 = arith.index_cast %add3A_2393 : i32 to index
      %get3A_2411 = arith.constant 16 : index
      %get3A_2412 = tpu.vector_load %arg13[%get3A_2410, %get3A_2411] {strides = array<i32>} : memref<256x128xf32, #tpu.memory_space<vmem>>, vector<1x16xf32>,
      %get3A_2413 = vector.shape_cast %get3A_2412 : vector<1x16xf32> to vector<16xf32>
      %mul3A_2414 = arith.mulf %get3A_2413, %add3A_2399 : vector<16xf32>
      %swap3A_2415 = arith.index_cast %add3A_2393 : i32 to index
      %swap3A_2416 = arith.constant 16 : index
      %swap3A_2417 = tpu.vector_load %arg18[%swap3A_2415, %swap3A_2416] {strides = array<i32>} : memref<256x128xf32, #tpu.memory_space<vmem>>, vector<1x16xf32>,
      %swap3A_2418 = vector.shape_cast %swap3A_2417 : vector<1x16xf32> to vector<16xf32>
      %swap3A_2419 = vector.shape_cast %mul3A_2414 : vector<16xf32> to vector<1x16xf32>
      tpu.vector_store %arg18[%swap3A_2415, %swap3A_2416], %swap3A_2419 {strides = array<i32>} : memref<256x128xf32, #tpu.memory_space<vmem>>, vector<1x16xf32>,
      %get3A_2420 = arith.index_cast %add3A_2393 : i32 to index
      %get3A_2421 = arith.constant 32 : index
      %get3A_2422 = tpu.vector_load %arg13[%get3A_2420, %get3A_2421] {strides = array<i32>} : memref<256x128xf32, #tpu.memory_space<vmem>>, vector<1x16xf32>,
      %get3A_2423 = vector.shape_cast %get3A_2422 : vector<1x16xf32> to vector<16xf32>
      %mul3A_2424 = arith.mulf %get3A_2423, %add3A_2399 : vector<16xf32>
      %swap3A_2425 = arith.index_cast %add3A_2393 : i32 to index
      %swap3A_2426 = arith.constant 32 : index
      %swap3A_2427 = tpu.vector_load %arg18[%swap3A_2425, %swap3A_2426] {strides = array<i32>} : memref<256x128xf32, #tpu.memory_space<vmem>>, vector<1x16xf32>,
      %swap3A_2428 = vector.shape_cast %swap3A_2427 : vector<1x16xf32> to vector<16xf32>
      %swap3A_2429 = vector.shape_cast %mul3A_2424 : vector<16xf32> to vector<1x16xf32>
      tpu.vector_store %arg18[%swap3A_2425, %swap3A_2426], %swap3A_2429 {strides = array<i32>} : memref<256x128xf32, #tpu.memory_space<vmem>>, vector<1x16xf32>,
      %get3A_2430 = arith.index_cast %add3A_2393 : i32 to index
      %get3A_2431 = arith.constant 48 : index
      %get3A_2432 = tpu.vector_load %arg13[%get3A_2430, %get3A_2431] {strides = array<i32>} : memref<256x128xf32, #tpu.memory_space<vmem>>, vector<1x16xf32>,
      %get3A_2433 = vector.shape_cast %get3A_2432 : vector<1x16xf32> to vector<16xf32>
      %mul3A_2434 = arith.mulf %get3A_2433, %add3A_2399 : vector<16xf32>
      %swap3A_2435 = arith.index_cast %add3A_2393 : i32 to index
      %swap3A_2436 = arith.constant 48 : index
      %swap3A_2437 = tpu.vector_load %arg18[%swap3A_2435, %swap3A_2436] {strides = array<i32>} : memref<256x128xf32, #tpu.memory_space<vmem>>, vector<1x16xf32>,
      %swap3A_2438 = vector.shape_cast %swap3A_2437 : vector<1x16xf32> to vector<16xf32>
      %swap3A_2439 = vector.shape_cast %mul3A_2434 : vector<16xf32> to vector<1x16xf32>
      tpu.vector_store %arg18[%swap3A_2435, %swap3A_2436], %swap3A_2439 {strides = array<i32>} : memref<256x128xf32, #tpu.memory_space<vmem>>, vector<1x16xf32>,
      %get3A_2440 = arith.index_cast %add3A_2393 : i32 to index
      %get3A_2441 = arith.constant 64 : index
      %get3A_2442 = tpu.vector_load %arg13[%get3A_2440, %get3A_2441] {strides = array<i32>} : memref<256x128xf32, #tpu.memory_space<vmem>>, vector<1x16xf32>,
      %get3A_2443 = vector.shape_cast %get3A_2442 : vector<1x16xf32> to vector<16xf32>
      %mul3A_2444 = arith.mulf %get3A_2443, %add3A_2399 : vector<16xf32>
      %swap3A_2445 = arith.index_cast %add3A_2393 : i32 to index
      %swap3A_2446 = arith.constant 64 : index
      %swap3A_2447 = tpu.vector_load %arg18[%swap3A_2445, %swap3A_2446] {strides = array<i32>} : memref<256x128xf32, #tpu.memory_space<vmem>>, vector<1x16xf32>,
      %swap3A_2448 = vector.shape_cast %swap3A_2447 : vector<1x16xf32> to vector<16xf32>
      %swap3A_2449 = vector.shape_cast %mul3A_2444 : vector<16xf32> to vector<1x16xf32>
      tpu.vector_store %arg18[%swap3A_2445, %swap3A_2446], %swap3A_2449 {strides = array<i32>} : memref<256x128xf32, #tpu.memory_space<vmem>>, vector<1x16xf32>,
      %get3A_2450 = arith.index_cast %add3A_2393 : i32 to index
      %get3A_2451 = arith.constant 80 : index
      %get3A_2452 = tpu.vector_load %arg13[%get3A_2450, %get3A_2451] {strides = array<i32>} : memref<256x128xf32, #tpu.memory_space<vmem>>, vector<1x16xf32>,
      %get3A_2453 = vector.shape_cast %get3A_2452 : vector<1x16xf32> to vector<16xf32>
      %mul3A_2454 = arith.mulf %get3A_2453, %add3A_2399 : vector<16xf32>
      %swap3A_2455 = arith.index_cast %add3A_2393 : i32 to index
      %swap3A_2456 = arith.constant 80 : index
      %swap3A_2457 = tpu.vector_load %arg18[%swap3A_2455, %swap3A_2456] {strides = array<i32>} : memref<256x128xf32, #tpu.memory_space<vmem>>, vector<1x16xf32>,
      %swap3A_2458 = vector.shape_cast %swap3A_2457 : vector<1x16xf32> to vector<16xf32>
      %swap3A_2459 = vector.shape_cast %mul3A_2454 : vector<16xf32> to vector<1x16xf32>
      tpu.vector_store %arg18[%swap3A_2455, %swap3A_2456], %swap3A_2459 {strides = array<i32>} : memref<256x128xf32, #tpu.memory_space<vmem>>, vector<1x16xf32>,
      %get3A_2460 = arith.index_cast %add3A_2393 : i32 to index
      %get3A_2461 = arith.constant 96 : index
      %get3A_2462 = tpu.vector_load %arg13[%get3A_2460, %get3A_2461] {strides = array<i32>} : memref<256x128xf32, #tpu.memory_space<vmem>>, vector<1x16xf32>,
      %get3A_2463 = vector.shape_cast %get3A_2462 : vector<1x16xf32> to vector<16xf32>
      %mul3A_2464 = arith.mulf %get3A_2463, %add3A_2399 : vector<16xf32>
      %swap3A_2465 = arith.index_cast %add3A_2393 : i32 to index
      %swap3A_2466 = arith.constant 96 : index
      %swap3A_2467 = tpu.vector_load %arg18[%swap3A_2465, %swap3A_2466] {strides = array<i32>} : memref<256x128xf32, #tpu.memory_space<vmem>>, vector<1x16xf32>,
      %swap3A_2468 = vector.shape_cast %swap3A_2467 : vector<1x16xf32> to vector<16xf32>
      %swap3A_2469 = vector.shape_cast %mul3A_2464 : vector<16xf32> to vector<1x16xf32>
      tpu.vector_store %arg18[%swap3A_2465, %swap3A_2466], %swap3A_2469 {strides = array<i32>} : memref<256x128xf32, #tpu.memory_space<vmem>>, vector<1x16xf32>,
      %get3A_2470 = arith.index_cast %add3A_2393 : i32 to index
      %get3A_2471 = arith.constant 112 : index
      %get3A_2472 = tpu.vector_load %arg13[%get3A_2470, %get3A_2471] {strides = array<i32>} : memref<256x128xf32, #tpu.memory_space<vmem>>, vector<1x16xf32>,
      %get3A_2473 = vector.shape_cast %get3A_2472 : vector<1x16xf32> to vector<16xf32>
      %mul3A_2474 = arith.mulf %get3A_2473, %add3A_2399 : vector<16xf32>
      %swap3A_2475 = arith.index_cast %add3A_2393 : i32 to index
      %swap3A_2476 = arith.constant 112 : index
      %swap3A_2477 = tpu.vector_load %arg18[%swap3A_2475, %swap3A_2476] {strides = array<i32>} : memref<256x128xf32, #tpu.memory_space<vmem>>, vector<1x16xf32>,
      %swap3A_2478 = vector.shape_cast %swap3A_2477 : vector<1x16xf32> to vector<16xf32>
      %swap3A_2479 = vector.shape_cast %mul3A_2474 : vector<16xf32> to vector<1x16xf32>
      tpu.vector_store %arg18[%swap3A_2475, %swap3A_2476], %swap3A_2479 {strides = array<i32>} : memref<256x128xf32, #tpu.memory_space<vmem>>, vector<1x16xf32>,
    }
    %scan3A_1027 = arith.constant 16 : i32
    %barrier3A = arith.constant 0 : index
    tpu.barrier barrier_id(%barrier3A)
    %run_scoped3A = arith.constant 0 : i32
    "tpu.region"() ({
      %run_scoped3A_1034 = tpu.sem_alloc : memref<!tpu.dma_semaphore, #tpu.memory_space<semaphore_mem>>
      %dma_start3A_1035 = arith.constant 0 : i32
      %dma_start3A_1036 = arith.constant 0 : i32
      %dma_start3A_1037 = tpu.memref_slice %arg18[%dma_start3A_1035, %dma_start3A_1036] : memref<256x128xf32, #tpu.memory_space<vmem>> -> memref<128x128xf32, #tpu.memory_space<vmem>>
      %dma_start3A_1038 = arith.constant 0 : i32
      %dma_start3A_1039 = tpu.memref_slice %arg14[%run_scoped3A, %dma_start3A_1038] : memref<2x128xi32, #tpu.memory_space<vmem>> -> memref<1x128xi32, #tpu.memory_space<vmem>>
      %dma_start3A_1040 = tpu.memref_squeeze %dma_start3A_1039 : memref<1x128xi32, #tpu.memory_space<vmem>> -> memref<128xi32, #tpu.memory_space<vmem>>
      %dma_start3A_1041 = arith.constant 0 : i32
      %dma_start3A_1042 = arith.constant 0 : i32
      %dma_start3A_1043 = tpu.memref_slice %arg19[%dma_start3A_1041, %dma_start3A_1042] : memref<2048x128xf32, #tpu.memory_space<vmem_shared>> -> memref<2048x128xf32, #tpu.memory_space<vmem_shared>>
      tpu.enqueue_indirect_dma source(%dma_start3A_1037 : memref<128x128xf32, #tpu.memory_space<vmem>>) target(%dma_start3A_1043 : memref<2048x128xf32, #tpu.memory_space<vmem_shared>>) offsets(%dma_start3A_1040 : memref<128xi32, #tpu.memory_space<vmem>>) semaphore(%run_scoped3A_1034 : memref<!tpu.dma_semaphore, #tpu.memory_space<semaphore_mem>>) {add = true}
      %dma_wait3A_1044 = arith.constant 0 : i32
      %dma_wait3A_1045 = arith.constant 0 : i32
      %dma_wait3A_1046 = tpu.memref_slice %arg18[%dma_wait3A_1044, %dma_wait3A_1045] : memref<256x128xf32, #tpu.memory_space<vmem>> -> memref<128x128xf32, #tpu.memory_space<vmem>>
      %dma_wait3A_1047 = arith.constant 0 : i32
      %dma_wait3A_1048 = tpu.memref_slice %arg14[%run_scoped3A, %dma_wait3A_1047] : memref<2x128xi32, #tpu.memory_space<vmem>> -> memref<1x128xi32, #tpu.memory_space<vmem>>
      %dma_wait3A_1049 = tpu.memref_squeeze %dma_wait3A_1048 : memref<1x128xi32, #tpu.memory_space<vmem>> -> memref<128xi32, #tpu.memory_space<vmem>>
      %dma_wait3A_1050 = arith.constant 0 : i32
      %dma_wait3A_1051 = arith.constant 0 : i32
      %dma_wait3A_1052 = tpu.memref_slice %arg19[%dma_wait3A_1050, %dma_wait3A_1051] : memref<2048x128xf32, #tpu.memory_space<vmem_shared>> -> memref<2048x128xf32, #tpu.memory_space<vmem_shared>>
      tpu.wait_indirect_dma semaphore(%run_scoped3A_1034 : memref<!tpu.dma_semaphore, #tpu.memory_space<semaphore_mem>>) src(%dma_wait3A_1046 : memref<128x128xf32, #tpu.memory_space<vmem>>) dst(%dma_wait3A_1052 : memref<2048x128xf32, #tpu.memory_space<vmem_shared>>)
      tpu.yield
    }) : () -> ()
    %run_scoped3A_1028 = arith.constant 1 : i32
    "tpu.region"() ({
      %run_scoped3A_1034 = tpu.sem_alloc : memref<!tpu.dma_semaphore, #tpu.memory_space<semaphore_mem>>
      %dma_start3A_1035 = arith.constant 128 : i32
      %dma_start3A_1036 = arith.constant 0 : i32
      %dma_start3A_1037 = tpu.memref_slice %arg18[%dma_start3A_1035, %dma_start3A_1036] : memref<256x128xf32, #tpu.memory_space<vmem>> -> memref<128x128xf32, #tpu.memory_space<vmem>>
      %dma_start3A_1038 = arith.constant 0 : i32
      %dma_start3A_1039 = tpu.memref_slice %arg14[%run_scoped3A_1028, %dma_start3A_1038] : memref<2x128xi32, #tpu.memory_space<vmem>> -> memref<1x128xi32, #tpu.memory_space<vmem>>
      %dma_start3A_1040 = tpu.memref_squeeze %dma_start3A_1039 : memref<1x128xi32, #tpu.memory_space<vmem>> -> memref<128xi32, #tpu.memory_space<vmem>>
      %dma_start3A_1041 = arith.constant 0 : i32
      %dma_start3A_1042 = arith.constant 0 : i32
      %dma_start3A_1043 = tpu.memref_slice %arg19[%dma_start3A_1041, %dma_start3A_1042] : memref<2048x128xf32, #tpu.memory_space<vmem_shared>> -> memref<2048x128xf32, #tpu.memory_space<vmem_shared>>
      tpu.enqueue_indirect_dma source(%dma_start3A_1037 : memref<128x128xf32, #tpu.memory_space<vmem>>) target(%dma_start3A_1043 : memref<2048x128xf32, #tpu.memory_space<vmem_shared>>) offsets(%dma_start3A_1040 : memref<128xi32, #tpu.memory_space<vmem>>) semaphore(%run_scoped3A_1034 : memref<!tpu.dma_semaphore, #tpu.memory_space<semaphore_mem>>) {add = true}
      %dma_wait3A_1044 = arith.constant 128 : i32
      %dma_wait3A_1045 = arith.constant 0 : i32
      %dma_wait3A_1046 = tpu.memref_slice %arg18[%dma_wait3A_1044, %dma_wait3A_1045] : memref<256x128xf32, #tpu.memory_space<vmem>> -> memref<128x128xf32, #tpu.memory_space<vmem>>
      %dma_wait3A_1047 = arith.constant 0 : i32
      %dma_wait3A_1048 = tpu.memref_slice %arg14[%run_scoped3A_1028, %dma_wait3A_1047] : memref<2x128xi32, #tpu.memory_space<vmem>> -> memref<1x128xi32, #tpu.memory_space<vmem>>
      %dma_wait3A_1049 = tpu.memref_squeeze %dma_wait3A_1048 : memref<1x128xi32, #tpu.memory_space<vmem>> -> memref<128xi32, #tpu.memory_space<vmem>>
      %dma_wait3A_1050 = arith.constant 0 : i32
      %dma_wait3A_1051 = arith.constant 0 : i32
      %dma_wait3A_1052 = tpu.memref_slice %arg19[%dma_wait3A_1050, %dma_wait3A_1051] : memref<2048x128xf32, #tpu.memory_space<vmem_shared>> -> memref<2048x128xf32, #tpu.memory_space<vmem_shared>>
      tpu.wait_indirect_dma semaphore(%run_scoped3A_1034 : memref<!tpu.dma_semaphore, #tpu.memory_space<semaphore_mem>>) src(%dma_wait3A_1046 : memref<128x128xf32, #tpu.memory_space<vmem>>) dst(%dma_wait3A_1052 : memref<2048x128xf32, #tpu.memory_space<vmem_shared>>)
      tpu.yield
    }) : () -> ()
    %barrier3A_1029 = arith.constant 0 : index
    tpu.barrier barrier_id(%barrier3A_1029)
    %mul3A_1030 = arith.constant 128 : i32
    %mul3A_1031 = arith.muli %arg1, %mul3A_1030 : i32
    %mul3A_1032 = arith.constant 128 : i32
    %mul3A_1033 = arith.muli %arg1, %mul3A_1032 : i32
    "tpu.region"() ({
      %run_scoped3A_1034 = tpu.sem_alloc : memref<!tpu.dma_semaphore, #tpu.memory_space<semaphore_mem>>
      %dma_start3A_1035 = arith.constant 0 : i32
      %dma_start3A_1036 = tpu.memref_slice %arg10[%arg0, %mul3A_1033, %dma_start3A_1035] : memref<2x2048x128xf32, #tpu.memory_space<hbm>> -> memref<1x128x128xf32, #tpu.memory_space<hbm>>
      %dma_start3A_1037 = tpu.memref_squeeze %dma_start3A_1036 : memref<1x128x128xf32, #tpu.memory_space<hbm>> -> memref<128x128xf32, #tpu.memory_space<hbm>>
      %dma_start3A_1038 = arith.constant 0 : i32
      %dma_start3A_1039 = tpu.memref_slice %arg19[%mul3A_1031, %dma_start3A_1038] : memref<2048x128xf32, #tpu.memory_space<vmem_shared>> -> memref<128x128xf32, #tpu.memory_space<vmem_shared>>
      tpu.enqueue_dma source(%dma_start3A_1039 : memref<128x128xf32, #tpu.memory_space<vmem_shared>>) target(%dma_start3A_1037 : memref<128x128xf32, #tpu.memory_space<hbm>>) target_semaphore(%run_scoped3A_1034 : memref<!tpu.dma_semaphore, #tpu.memory_space<semaphore_mem>>)
      %dma_wait3A_1040 = arith.constant 0 : i32
      %dma_wait3A_1041 = tpu.memref_slice %arg10[%arg0, %mul3A_1033, %dma_wait3A_1040] : memref<2x2048x128xf32, #tpu.memory_space<hbm>> -> memref<1x128x128xf32, #tpu.memory_space<hbm>>
      %dma_wait3A_1042 = tpu.memref_squeeze %dma_wait3A_1041 : memref<1x128x128xf32, #tpu.memory_space<hbm>> -> memref<128x128xf32, #tpu.memory_space<hbm>>
      %dma_wait3A_1043 = arith.constant 0 : i32
      %dma_wait3A_1044 = tpu.memref_slice %arg19[%mul3A_1031, %dma_wait3A_1043] : memref<2048x128xf32, #tpu.memory_space<vmem_shared>> -> memref<128x128xf32, #tpu.memory_space<vmem_shared>>
      tpu.wait_dma2 semaphore(%run_scoped3A_1034 : memref<!tpu.dma_semaphore, #tpu.memory_space<semaphore_mem>>) src(%dma_wait3A_1044 : memref<128x128xf32, #tpu.memory_space<vmem_shared>>) dst(%dma_wait3A_1042 : memref<128x128xf32, #tpu.memory_space<hbm>>)
      tpu.yield
    }) : () -> ()
    return
  }
}

module attributes {stable_mosaic.version = 14 : i64} {
  func.func @_pass1(%arg0: i32, %arg1: memref<512x128xf32, #tpu.memory_space<vmem>>, %arg2: memref<2048x128xf32, #tpu.memory_space<vmem>>, %arg3: memref<512x2048xf32, #tpu.memory_space<vmem>>, %arg4: memref<512x128xf32, #tpu.memory_space<vmem>>, %arg5: memref<512x128xf32, #tpu.memory_space<vmem>>, %arg6: memref<1x1x512xf32, #tpu.memory_space<vmem>>, %arg7: memref<1x1x512xi32, #tpu.memory_space<vmem>>, %arg8: memref<1x1x512xf32, #tpu.memory_space<vmem>>, %arg9: memref<1x1x512xf32, #tpu.memory_space<vmem>>, %arg10: memref<1x2048xf32, #tpu.memory_space<vmem>>, %arg11: memref<1x2048xf32, #tpu.memory_space<vmem>>, %arg12: memref<1x2048xf32, #tpu.memory_space<vmem>>, %arg13: memref<1x2048xf32, #tpu.memory_space<vmem>>, %arg14: memref<1x2048xf32, #tpu.memory_space<vmem>>, %arg15: memref<1x2048xf32, #tpu.memory_space<vmem>>) attributes {dimension_semantics = [#tpu.dimension_semantics<arbitrary>], iteration_bounds = array<i64: 16>, scalar_prefetch = 0 : i64, scratch_operands = 2 : i64, tpu.core_type = #tpu.core_type<tc>, window_params = [{transform_indices = @transform_0, window_bounds = array<i64: 512, 128>}, {pipeline_mode = #tpu.pipeline_mode<synchronous>, transform_indices = @transform_1, window_bounds = array<i64: 2048, 128>}, {transform_indices = @transform_2, window_bounds = array<i64: 512, 2048>}, {transform_indices = @transform_3, window_bounds = array<i64: 512, 128>}, {transform_indices = @transform_4, window_bounds = array<i64: 512, 128>}, {transform_indices = @transform_5, window_bounds = array<i64: 1, 1, 512>}, {transform_indices = @transform_6, window_bounds = array<i64: 1, 1, 512>}, {transform_indices = @transform_7, window_bounds = array<i64: 1, 1, 512>}, {transform_indices = @transform_8, window_bounds = array<i64: 1, 1, 512>}, {pipeline_mode = #tpu.pipeline_mode<synchronous>, transform_indices = @transform_9, window_bounds = array<i64: 1, 2048>}, {pipeline_mode = #tpu.pipeline_mode<synchronous>, transform_indices = @transform_10, window_bounds = array<i64: 1, 2048>}, {pipeline_mode = #tpu.pipeline_mode<synchronous>, transform_indices = @transform_11, window_bounds = array<i64: 1, 2048>}, {pipeline_mode = #tpu.pipeline_mode<synchronous>, transform_indices = @transform_12, window_bounds = array<i64: 1, 2048>}]} {
    %eq3A = arith.constant 0 : i32
    %eq3A_0 = arith.cmpi eq, %arg0, %eq3A : i32
    %convert_element_type3A = arith.extui %eq3A_0 : i1 to i32
    %cond3A = arith.constant 0 : i32
    %cond3A_1 = arith.cmpi ne, %convert_element_type3A, %cond3A : i32
    scf.if %cond3A_1 {
      %broadcast_in_dim3A_97 = arith.constant 0xFF800000 : f32
      %broadcast_in_dim3A_98 = vector.broadcast %broadcast_in_dim3A_97 : f32 to vector<1x2048xf32>
      %swap3A_99 = arith.constant 0 : index
      %swap3A_100 = arith.constant 0 : index
      %swap3A_101 = vector.load %arg14[%swap3A_99, %swap3A_100] : memref<1x2048xf32, #tpu.memory_space<vmem>>, vector<1x2048xf32>
      tpu.vector_store %arg14[%swap3A_99, %swap3A_100], %broadcast_in_dim3A_98 {strides = array<i32>} : memref<1x2048xf32, #tpu.memory_space<vmem>>, vector<1x2048xf32>,
      %broadcast_in_dim3A_102 = arith.constant 0.000000e+00 : f32
      %broadcast_in_dim3A_103 = vector.broadcast %broadcast_in_dim3A_102 : f32 to vector<1x2048xf32>
      %swap3A_104 = arith.constant 0 : index
      %swap3A_105 = arith.constant 0 : index
      %swap3A_106 = vector.load %arg15[%swap3A_104, %swap3A_105] : memref<1x2048xf32, #tpu.memory_space<vmem>>, vector<1x2048xf32>
      tpu.vector_store %arg15[%swap3A_104, %swap3A_105], %broadcast_in_dim3A_103 {strides = array<i32>} : memref<1x2048xf32, #tpu.memory_space<vmem>>, vector<1x2048xf32>,
    } else {
    }
    %get3A = arith.constant 0 : index
    %get3A_2 = arith.constant 0 : index
    %get3A_3 = vector.load %arg1[%get3A, %get3A_2] : memref<512x128xf32, #tpu.memory_space<vmem>>, vector<512x128xf32>
    %mul3A = arith.mulf %get3A_3, %get3A_3 : vector<512x128xf32>
    %reduce_sum3A = arith.constant dense<0.000000e+00> : vector<512xf32>
    %reduce_sum3A_4 = vector.multi_reduction <add>, %mul3A, %reduce_sum3A [1] : vector<512x128xf32> to vector<512xf32>
    %broadcast_in_dim3A = vector.shape_cast %reduce_sum3A_4 : vector<512xf32> to vector<512x1xf32>
    %sqrt3A = math.sqrt %broadcast_in_dim3A : vector<512x1xf32>
    %max3A = arith.constant 9.99999996E-13 : f32
    %max3A_5 = vector.broadcast %max3A : f32 to vector<512x1xf32>
    %max3A_6 = arith.maximumf %sqrt3A, %max3A_5 : vector<512x1xf32>
    %div3A = arith.constant 1.000000e+00 : f32
    %div3A_7 = vector.broadcast %div3A : f32 to vector<512x1xf32>
    %div3A_8 = arith.divf %div3A_7, %max3A_6 : vector<512x1xf32>
    %mul3A_9 = vector.broadcast %div3A_8 : vector<512x1xf32> to vector<512x128xf32>
    %mul3A_10 = arith.mulf %get3A_3, %mul3A_9 : vector<512x128xf32>
    %swap3A = arith.constant 0 : index
    %swap3A_11 = arith.constant 0 : index
    %swap3A_12 = vector.load %arg5[%swap3A, %swap3A_11] : memref<512x128xf32, #tpu.memory_space<vmem>>, vector<512x128xf32>
    tpu.vector_store %arg5[%swap3A, %swap3A_11], %mul3A_10 {strides = array<i32>} : memref<512x128xf32, #tpu.memory_space<vmem>>, vector<512x128xf32>,
    %get3A_13 = arith.constant 0 : index
    %get3A_14 = arith.constant 0 : index
    %get3A_15 = vector.load %arg2[%get3A_13, %get3A_14] : memref<2048x128xf32, #tpu.memory_space<vmem>>, vector<2048x128xf32>
    %dot_general3A = arith.constant dense<0.000000e+00> : vector<512x2048xf32>
    %dot_general3A_16 = tpu.matmul %mul3A_10, %get3A_15, %dot_general3A {dimension_numbers = #tpu.dot_dimension_numbers<[1], [1], [0], [0], [0, 0, 1, 0], [], []>, transpose_lhs_hint = false} : vector<512x128xf32>, vector<2048x128xf32>, vector<512x2048xf32> -> vector<512x2048xf32>
    %reduce_max3A = arith.constant dense<0xFF800000> : vector<512xf32>
    %reduce_max3A_17 = vector.multi_reduction <maximumf>, %dot_general3A_16, %reduce_max3A [1] : vector<512x2048xf32> to vector<512xf32>
    %broadcast_in_dim3A_18 = vector.shape_cast %reduce_max3A_17 : vector<512xf32> to vector<512x1xf32>
    %sub3A = vector.broadcast %broadcast_in_dim3A_18 : vector<512x1xf32> to vector<512x2048xf32>
    %sub3A_19 = arith.subf %dot_general3A_16, %sub3A : vector<512x2048xf32>
    %exp3A = math.exp %sub3A_19 : vector<512x2048xf32>
    %reduce_sum3A_20 = arith.constant dense<0.000000e+00> : vector<512xf32>
    %reduce_sum3A_21 = vector.multi_reduction <add>, %exp3A, %reduce_sum3A_20 [1] : vector<512x2048xf32> to vector<512xf32>
    %broadcast_in_dim3A_22 = vector.shape_cast %reduce_sum3A_21 : vector<512xf32> to vector<512x1xf32>
    %div3A_23 = arith.constant 1.000000e+00 : f32
    %div3A_24 = vector.broadcast %div3A_23 : f32 to vector<512x1xf32>
    %div3A_25 = arith.divf %div3A_24, %broadcast_in_dim3A_22 : vector<512x1xf32>
    %mul3A_26 = vector.broadcast %div3A_25 : vector<512x1xf32> to vector<512x2048xf32>
    %mul3A_27 = arith.mulf %exp3A, %mul3A_26 : vector<512x2048xf32>
    %swap3A_28 = arith.constant 0 : index
    %swap3A_29 = arith.constant 0 : index
    %swap3A_30 = vector.load %arg3[%swap3A_28, %swap3A_29] : memref<512x2048xf32, #tpu.memory_space<vmem>>, vector<512x2048xf32>
    tpu.vector_store %arg3[%swap3A_28, %swap3A_29], %mul3A_27 {strides = array<i32>} : memref<512x2048xf32, #tpu.memory_space<vmem>>, vector<512x2048xf32>,
    %dot_general3A_31 = arith.constant dense<0.000000e+00> : vector<512x128xf32>
    %dot_general3A_32 = tpu.matmul %mul3A_27, %get3A_15, %dot_general3A_31 {dimension_numbers = #tpu.dot_dimension_numbers<[1], [0], [0], [1], [0, 0, 1, 1], [], []>, transpose_lhs_hint = false} : vector<512x2048xf32>, vector<2048x128xf32>, vector<512x128xf32> -> vector<512x128xf32>
    %swap3A_33 = arith.constant 0 : index
    %swap3A_34 = arith.constant 0 : index
    %swap3A_35 = vector.load %arg4[%swap3A_33, %swap3A_34] : memref<512x128xf32, #tpu.memory_space<vmem>>, vector<512x128xf32>
    tpu.vector_store %arg4[%swap3A_33, %swap3A_34], %dot_general3A_32 {strides = array<i32>} : memref<512x128xf32, #tpu.memory_space<vmem>>, vector<512x128xf32>,
    %argmax3A = tpu.reduce_index %dot_general3A_16 {axis = 1 : i32, kind = #tpu.reduction_kind<arg_max>} : vector<512x2048xf32> -> vector<512xi32>
    %squeeze3A = vector.shape_cast %broadcast_in_dim3A_18 : vector<512x1xf32> to vector<512xf32>
    %swap3A_36 = arith.constant 0 : index
    %swap3A_37 = arith.constant 0 : index
    %swap3A_38 = arith.constant 0 : index
    %swap3A_39 = vector.load %arg6[%swap3A_36, %swap3A_37, %swap3A_38] : memref<1x1x512xf32, #tpu.memory_space<vmem>>, vector<1x1x512xf32>
    %swap3A_40 = vector.shape_cast %swap3A_39 : vector<1x1x512xf32> to vector<512xf32>
    %swap3A_41 = vector.shape_cast %squeeze3A : vector<512xf32> to vector<1x1x512xf32>
    tpu.vector_store %arg6[%swap3A_36, %swap3A_37, %swap3A_38], %swap3A_41 {strides = array<i32>} : memref<1x1x512xf32, #tpu.memory_space<vmem>>, vector<1x1x512xf32>,
    %swap3A_42 = arith.constant 0 : index
    %swap3A_43 = arith.constant 0 : index
    %swap3A_44 = arith.constant 0 : index
    %swap3A_45 = vector.load %arg7[%swap3A_42, %swap3A_43, %swap3A_44] : memref<1x1x512xi32, #tpu.memory_space<vmem>>, vector<1x1x512xi32>
    %swap3A_46 = vector.shape_cast %swap3A_45 : vector<1x1x512xi32> to vector<512xi32>
    %swap3A_47 = vector.shape_cast %argmax3A : vector<512xi32> to vector<1x1x512xi32>
    tpu.vector_store %arg7[%swap3A_42, %swap3A_43, %swap3A_44], %swap3A_47 {strides = array<i32>} : memref<1x1x512xi32, #tpu.memory_space<vmem>>, vector<1x1x512xi32>,
    %mul3A_48 = arith.mulf %mul3A_10, %mul3A_10 : vector<512x128xf32>
    %reduce_sum3A_49 = arith.constant dense<0.000000e+00> : vector<512xf32>
    %reduce_sum3A_50 = vector.multi_reduction <add>, %mul3A_48, %reduce_sum3A_49 [1] : vector<512x128xf32> to vector<512xf32>
    %swap3A_51 = arith.constant 0 : index
    %swap3A_52 = arith.constant 0 : index
    %swap3A_53 = arith.constant 0 : index
    %swap3A_54 = vector.load %arg8[%swap3A_51, %swap3A_52, %swap3A_53] : memref<1x1x512xf32, #tpu.memory_space<vmem>>, vector<1x1x512xf32>
    %swap3A_55 = vector.shape_cast %swap3A_54 : vector<1x1x512xf32> to vector<512xf32>
    %swap3A_56 = vector.shape_cast %reduce_sum3A_50 : vector<512xf32> to vector<1x1x512xf32>
    tpu.vector_store %arg8[%swap3A_51, %swap3A_52, %swap3A_53], %swap3A_56 {strides = array<i32>} : memref<1x1x512xf32, #tpu.memory_space<vmem>>, vector<1x1x512xf32>,
    %reduce_sum3A_57 = arith.constant dense<0.000000e+00> : vector<512xf32>
    %reduce_sum3A_58 = vector.multi_reduction <add>, %mul3A_10, %reduce_sum3A_57 [1] : vector<512x128xf32> to vector<512xf32>
    %swap3A_59 = arith.constant 0 : index
    %swap3A_60 = arith.constant 0 : index
    %swap3A_61 = arith.constant 0 : index
    %swap3A_62 = vector.load %arg9[%swap3A_59, %swap3A_60, %swap3A_61] : memref<1x1x512xf32, #tpu.memory_space<vmem>>, vector<1x1x512xf32>
    %swap3A_63 = vector.shape_cast %swap3A_62 : vector<1x1x512xf32> to vector<512xf32>
    %swap3A_64 = vector.shape_cast %reduce_sum3A_58 : vector<512xf32> to vector<1x1x512xf32>
    tpu.vector_store %arg9[%swap3A_59, %swap3A_60, %swap3A_61], %swap3A_64 {strides = array<i32>} : memref<1x1x512xf32, #tpu.memory_space<vmem>>, vector<1x1x512xf32>,
    %eq3A_65 = arith.constant 0 : i32
    %eq3A_66 = arith.cmpi eq, %arg0, %eq3A_65 : i32
    %convert_element_type3A_67 = arith.extui %eq3A_66 : i1 to i32
    %cond3A_68 = arith.constant 0 : i32
    %cond3A_69 = arith.cmpi ne, %convert_element_type3A_67, %cond3A_68 : i32
    scf.if %cond3A_69 {
      %mul3A_97 = arith.mulf %get3A_15, %get3A_15 : vector<2048x128xf32>
      %reduce_sum3A_98 = arith.constant dense<0.000000e+00> : vector<2048xf32>
      %reduce_sum3A_99 = vector.multi_reduction <add>, %mul3A_97, %reduce_sum3A_98 [1] : vector<2048x128xf32> to vector<2048xf32>
      %broadcast_in_dim3A_100 = vector.shape_cast %reduce_sum3A_99 : vector<2048xf32> to vector<1x2048xf32>
      %swap3A_101 = arith.constant 0 : index
      %swap3A_102 = arith.constant 0 : index
      %swap3A_103 = vector.load %arg12[%swap3A_101, %swap3A_102] : memref<1x2048xf32, #tpu.memory_space<vmem>>, vector<1x2048xf32>
      tpu.vector_store %arg12[%swap3A_101, %swap3A_102], %broadcast_in_dim3A_100 {strides = array<i32>} : memref<1x2048xf32, #tpu.memory_space<vmem>>, vector<1x2048xf32>,
      %reduce_sum3A_104 = arith.constant dense<0.000000e+00> : vector<2048xf32>
      %reduce_sum3A_105 = vector.multi_reduction <add>, %get3A_15, %reduce_sum3A_104 [1] : vector<2048x128xf32> to vector<2048xf32>
      %broadcast_in_dim3A_106 = vector.shape_cast %reduce_sum3A_105 : vector<2048xf32> to vector<1x2048xf32>
      %swap3A_107 = arith.constant 0 : index
      %swap3A_108 = arith.constant 0 : index
      %swap3A_109 = vector.load %arg13[%swap3A_107, %swap3A_108] : memref<1x2048xf32, #tpu.memory_space<vmem>>, vector<1x2048xf32>
      tpu.vector_store %arg13[%swap3A_107, %swap3A_108], %broadcast_in_dim3A_106 {strides = array<i32>} : memref<1x2048xf32, #tpu.memory_space<vmem>>, vector<1x2048xf32>,
    } else {
    }
    %get3A_70 = arith.constant 0 : index
    %get3A_71 = arith.constant 0 : index
    %get3A_72 = vector.load %arg14[%get3A_70, %get3A_71] : memref<1x2048xf32, #tpu.memory_space<vmem>>, vector<1x2048xf32>
    %reduce_max3A_73 = arith.constant dense<0xFF800000> : vector<2048xf32>
    %reduce_max3A_74 = vector.multi_reduction <maximumf>, %dot_general3A_16, %reduce_max3A_73 [0] : vector<512x2048xf32> to vector<2048xf32>
    %broadcast_in_dim3A_75 = vector.shape_cast %reduce_max3A_74 : vector<2048xf32> to vector<1x2048xf32>
    %max3A_76 = arith.maximumf %get3A_72, %broadcast_in_dim3A_75 : vector<1x2048xf32>
    %swap3A_77 = arith.constant 0 : index
    %swap3A_78 = arith.constant 0 : index
    %swap3A_79 = vector.load %arg14[%swap3A_77, %swap3A_78] : memref<1x2048xf32, #tpu.memory_space<vmem>>, vector<1x2048xf32>
    tpu.vector_store %arg14[%swap3A_77, %swap3A_78], %max3A_76 {strides = array<i32>} : memref<1x2048xf32, #tpu.memory_space<vmem>>, vector<1x2048xf32>,
    %exp3A_80 = math.exp %broadcast_in_dim3A_18 : vector<512x1xf32>
    %get3A_81 = arith.constant 0 : index
    %get3A_82 = arith.constant 0 : index
    %get3A_83 = vector.load %arg15[%get3A_81, %get3A_82] : memref<1x2048xf32, #tpu.memory_space<vmem>>, vector<1x2048xf32>
    %mul3A_84 = vector.broadcast %exp3A_80 : vector<512x1xf32> to vector<512x2048xf32>
    %mul3A_85 = arith.mulf %exp3A, %mul3A_84 : vector<512x2048xf32>
    %reduce_sum3A_86 = arith.constant dense<0.000000e+00> : vector<2048xf32>
    %reduce_sum3A_87 = vector.multi_reduction <add>, %mul3A_85, %reduce_sum3A_86 [0] : vector<512x2048xf32> to vector<2048xf32>
    %broadcast_in_dim3A_88 = vector.shape_cast %reduce_sum3A_87 : vector<2048xf32> to vector<1x2048xf32>
    %add3A = arith.addf %get3A_83, %broadcast_in_dim3A_88 : vector<1x2048xf32>
    %swap3A_89 = arith.constant 0 : index
    %swap3A_90 = arith.constant 0 : index
    %swap3A_91 = vector.load %arg15[%swap3A_89, %swap3A_90] : memref<1x2048xf32, #tpu.memory_space<vmem>>, vector<1x2048xf32>
    tpu.vector_store %arg15[%swap3A_89, %swap3A_90], %add3A {strides = array<i32>} : memref<1x2048xf32, #tpu.memory_space<vmem>>, vector<1x2048xf32>,
    %eq3A_92 = arith.constant 15 : i32
    %eq3A_93 = arith.cmpi eq, %arg0, %eq3A_92 : i32
    %convert_element_type3A_94 = arith.extui %eq3A_93 : i1 to i32
    %cond3A_95 = arith.constant 0 : i32
    %cond3A_96 = arith.cmpi ne, %convert_element_type3A_94, %cond3A_95 : i32
    scf.if %cond3A_96 {
      %get3A_97 = arith.constant 0 : index
      %get3A_98 = arith.constant 0 : index
      %get3A_99 = vector.load %arg14[%get3A_97, %get3A_98] : memref<1x2048xf32, #tpu.memory_space<vmem>>, vector<1x2048xf32>
      %swap3A_100 = arith.constant 0 : index
      %swap3A_101 = arith.constant 0 : index
      %swap3A_102 = vector.load %arg10[%swap3A_100, %swap3A_101] : memref<1x2048xf32, #tpu.memory_space<vmem>>, vector<1x2048xf32>
      tpu.vector_store %arg10[%swap3A_100, %swap3A_101], %get3A_99 {strides = array<i32>} : memref<1x2048xf32, #tpu.memory_space<vmem>>, vector<1x2048xf32>,
      %get3A_103 = arith.constant 0 : index
      %get3A_104 = arith.constant 0 : index
      %get3A_105 = vector.load %arg15[%get3A_103, %get3A_104] : memref<1x2048xf32, #tpu.memory_space<vmem>>, vector<1x2048xf32>
      %get3A_106 = arith.constant 0 : index
      %get3A_107 = arith.constant 0 : index
      %get3A_108 = vector.load %arg14[%get3A_106, %get3A_107] : memref<1x2048xf32, #tpu.memory_space<vmem>>, vector<1x2048xf32>
      %neg3A = arith.constant 0.000000e+00 : f32
      %neg3A_109 = vector.broadcast %neg3A : f32 to vector<1x2048xf32>
      %neg3A_110 = arith.subf %neg3A_109, %get3A_108 : vector<1x2048xf32>
      %exp3A_111 = math.exp %neg3A_110 : vector<1x2048xf32>
      %mul3A_112 = arith.mulf %get3A_105, %exp3A_111 : vector<1x2048xf32>
      %swap3A_113 = arith.constant 0 : index
      %swap3A_114 = arith.constant 0 : index
      %swap3A_115 = vector.load %arg11[%swap3A_113, %swap3A_114] : memref<1x2048xf32, #tpu.memory_space<vmem>>, vector<1x2048xf32>
      tpu.vector_store %arg11[%swap3A_113, %swap3A_114], %mul3A_112 {strides = array<i32>} : memref<1x2048xf32, #tpu.memory_space<vmem>>, vector<1x2048xf32>,
    } else {
    }
    return
  }
  func.func @transform_0(%arg0: i32) -> (i32, i32) {
    %c0_i32 = arith.constant 0 : i32
    %c0_i32_0 = arith.constant 0 : i32
    return %arg0, %c0_i32 : i32, i32
  }
  func.func @transform_1(%arg0: i32) -> (i32, i32) {
    %c0_i32 = arith.constant 0 : i32
    %c0_i32_0 = arith.constant 0 : i32
    %c0_i32_1 = arith.constant 0 : i32
    return %c0_i32, %c0_i32_0 : i32, i32
  }
  func.func @transform_2(%arg0: i32) -> (i32, i32) {
    %c0_i32 = arith.constant 0 : i32
    %c0_i32_0 = arith.constant 0 : i32
    return %arg0, %c0_i32 : i32, i32
  }
  func.func @transform_3(%arg0: i32) -> (i32, i32) {
    %c0_i32 = arith.constant 0 : i32
    %c0_i32_0 = arith.constant 0 : i32
    return %arg0, %c0_i32 : i32, i32
  }
  func.func @transform_4(%arg0: i32) -> (i32, i32) {
    %c0_i32 = arith.constant 0 : i32
    %c0_i32_0 = arith.constant 0 : i32
    return %arg0, %c0_i32 : i32, i32
  }
  func.func @transform_5(%arg0: i32) -> (i32, i32, i32) {
    %c0_i32 = arith.constant 0 : i32
    %c0_i32_0 = arith.constant 0 : i32
    %c0_i32_1 = arith.constant 0 : i32
    return %arg0, %c0_i32, %c0_i32_0 : i32, i32, i32
  }
  func.func @transform_6(%arg0: i32) -> (i32, i32, i32) {
    %c0_i32 = arith.constant 0 : i32
    %c0_i32_0 = arith.constant 0 : i32
    %c0_i32_1 = arith.constant 0 : i32
    return %arg0, %c0_i32, %c0_i32_0 : i32, i32, i32
  }
  func.func @transform_7(%arg0: i32) -> (i32, i32, i32) {
    %c0_i32 = arith.constant 0 : i32
    %c0_i32_0 = arith.constant 0 : i32
    %c0_i32_1 = arith.constant 0 : i32
    return %arg0, %c0_i32, %c0_i32_0 : i32, i32, i32
  }
  func.func @transform_8(%arg0: i32) -> (i32, i32, i32) {
    %c0_i32 = arith.constant 0 : i32
    %c0_i32_0 = arith.constant 0 : i32
    %c0_i32_1 = arith.constant 0 : i32
    return %arg0, %c0_i32, %c0_i32_0 : i32, i32, i32
  }
  func.func @transform_9(%arg0: i32) -> (i32, i32) {
    %c0_i32 = arith.constant 0 : i32
    %c0_i32_0 = arith.constant 0 : i32
    %c0_i32_1 = arith.constant 0 : i32
    return %c0_i32, %c0_i32_0 : i32, i32
  }
  func.func @transform_10(%arg0: i32) -> (i32, i32) {
    %c0_i32 = arith.constant 0 : i32
    %c0_i32_0 = arith.constant 0 : i32
    %c0_i32_1 = arith.constant 0 : i32
    return %c0_i32, %c0_i32_0 : i32, i32
  }
  func.func @transform_11(%arg0: i32) -> (i32, i32) {
    %c0_i32 = arith.constant 0 : i32
    %c0_i32_0 = arith.constant 0 : i32
    %c0_i32_1 = arith.constant 0 : i32
    return %c0_i32, %c0_i32_0 : i32, i32
  }
  func.func @transform_12(%arg0: i32) -> (i32, i32) {
    %c0_i32 = arith.constant 0 : i32
    %c0_i32_0 = arith.constant 0 : i32
    %c0_i32_1 = arith.constant 0 : i32
    return %c0_i32, %c0_i32_0 : i32, i32
  }
}

module attributes {stable_mosaic.version = 14 : i64} {
  func.func @_pass2(%arg0: i32, %arg1: memref<512x128xf32, #tpu.memory_space<vmem>>, %arg2: memref<2048x128xf32, #tpu.memory_space<vmem>>, %arg3: memref<1x2048xf32, #tpu.memory_space<vmem>>, %arg4: memref<1x2048xf32, #tpu.memory_space<vmem>>, %arg5: memref<1x1x512xi32, #tpu.memory_space<vmem>>, %arg6: memref<1x1x512xf32, #tpu.memory_space<vmem>>, %arg7: memref<1x1x512xf32, #tpu.memory_space<vmem>>, %arg8: memref<1x2048xf32, #tpu.memory_space<vmem>>, %arg9: memref<1x2048xf32, #tpu.memory_space<vmem>>, %arg10: memref<512x2048xf32, #tpu.memory_space<vmem>>, %arg11: memref<1x1x512xf32, #tpu.memory_space<vmem>>) attributes {dimension_semantics = [#tpu.dimension_semantics<arbitrary>], iteration_bounds = array<i64: 16>, scalar_prefetch = 0 : i64, scratch_operands = 0 : i64, tpu.core_type = #tpu.core_type<tc>, window_params = [{transform_indices = @transform_0, window_bounds = array<i64: 512, 128>}, {pipeline_mode = #tpu.pipeline_mode<synchronous>, transform_indices = @transform_1, window_bounds = array<i64: 2048, 128>}, {pipeline_mode = #tpu.pipeline_mode<synchronous>, transform_indices = @transform_2, window_bounds = array<i64: 1, 2048>}, {pipeline_mode = #tpu.pipeline_mode<synchronous>, transform_indices = @transform_3, window_bounds = array<i64: 1, 2048>}, {transform_indices = @transform_4, window_bounds = array<i64: 1, 1, 512>}, {transform_indices = @transform_5, window_bounds = array<i64: 1, 1, 512>}, {transform_indices = @transform_6, window_bounds = array<i64: 1, 1, 512>}, {pipeline_mode = #tpu.pipeline_mode<synchronous>, transform_indices = @transform_7, window_bounds = array<i64: 1, 2048>}, {pipeline_mode = #tpu.pipeline_mode<synchronous>, transform_indices = @transform_8, window_bounds = array<i64: 1, 2048>}, {transform_indices = @transform_9, window_bounds = array<i64: 512, 2048>}, {transform_indices = @transform_10, window_bounds = array<i64: 1, 1, 512>}]} {
    %get3A = arith.constant 0 : index
    %get3A_0 = arith.constant 0 : index
    %get3A_1 = vector.load %arg1[%get3A, %get3A_0] : memref<512x128xf32, #tpu.memory_space<vmem>>, vector<512x128xf32>
    %get3A_2 = arith.constant 0 : index
    %get3A_3 = arith.constant 0 : index
    %get3A_4 = vector.load %arg2[%get3A_2, %get3A_3] : memref<2048x128xf32, #tpu.memory_space<vmem>>, vector<2048x128xf32>
    %dot_general3A = arith.constant dense<0.000000e+00> : vector<512x2048xf32>
    %dot_general3A_5 = tpu.matmul %get3A_1, %get3A_4, %dot_general3A {dimension_numbers = #tpu.dot_dimension_numbers<[1], [1], [0], [0], [0, 0, 1, 0], [], []>, transpose_lhs_hint = false} : vector<512x128xf32>, vector<2048x128xf32>, vector<512x2048xf32> -> vector<512x2048xf32>
    %get3A_6 = arith.constant 0 : index
    %get3A_7 = arith.constant 0 : index
    %get3A_8 = vector.load %arg3[%get3A_6, %get3A_7] : memref<1x2048xf32, #tpu.memory_space<vmem>>, vector<1x2048xf32>
    %sub3A = vector.broadcast %get3A_8 : vector<1x2048xf32> to vector<512x2048xf32>
    %sub3A_9 = arith.subf %dot_general3A_5, %sub3A : vector<512x2048xf32>
    %exp3A = math.exp %sub3A_9 : vector<512x2048xf32>
    %get3A_10 = arith.constant 0 : index
    %get3A_11 = arith.constant 0 : index
    %get3A_12 = vector.load %arg4[%get3A_10, %get3A_11] : memref<1x2048xf32, #tpu.memory_space<vmem>>, vector<1x2048xf32>
    %div3A = arith.constant 1.000000e+00 : f32
    %div3A_13 = vector.broadcast %div3A : f32 to vector<1x2048xf32>
    %div3A_14 = arith.divf %div3A_13, %get3A_12 : vector<1x2048xf32>
    %mul3A = vector.broadcast %div3A_14 : vector<1x2048xf32> to vector<512x2048xf32>
    %mul3A_15 = arith.mulf %exp3A, %mul3A : vector<512x2048xf32>
    %swap3A = arith.constant 0 : index
    %swap3A_16 = arith.constant 0 : index
    %swap3A_17 = vector.load %arg10[%swap3A, %swap3A_16] : memref<512x2048xf32, #tpu.memory_space<vmem>>, vector<512x2048xf32>
    tpu.vector_store %arg10[%swap3A, %swap3A_16], %mul3A_15 {strides = array<i32>} : memref<512x2048xf32, #tpu.memory_space<vmem>>, vector<512x2048xf32>,
    %get3A_18 = arith.constant 0 : index
    %get3A_19 = arith.constant 0 : index
    %get3A_20 = arith.constant 0 : index
    %get3A_21 = vector.load %arg5[%get3A_18, %get3A_19, %get3A_20] : memref<1x1x512xi32, #tpu.memory_space<vmem>>, vector<1x1x512xi32>
    %get3A_22 = vector.shape_cast %get3A_21 : vector<1x1x512xi32> to vector<512xi32>
    %iota3A = tpu.iota {dimensions = array<i32: 1>} : vector<512x2048xi32>
    %broadcast_in_dim3A = vector.shape_cast %get3A_22 : vector<512xi32> to vector<512x1xi32>
    %eq3A = vector.broadcast %broadcast_in_dim3A : vector<512x1xi32> to vector<512x2048xi32>
    %eq3A_23 = arith.cmpi eq, %iota3A, %eq3A : vector<512x2048xi32>
    %jit3A = arith.constant 0xFF800000 : f32
    %broadcast_in_dim3A_24 = vector.broadcast %jit3A : f32 to vector<512x2048xf32>
    %select_n3A = arith.select %eq3A_23, %broadcast_in_dim3A_24, %dot_general3A_5 : vector<512x2048xi1>, vector<512x2048xf32>
    %reduce_max3A = arith.constant dense<0xFF800000> : vector<512xf32>
    %reduce_max3A_25 = vector.multi_reduction <maximumf>, %select_n3A, %reduce_max3A [1] : vector<512x2048xf32> to vector<512xf32>
    %broadcast_in_dim3A_26 = vector.shape_cast %reduce_max3A_25 : vector<512xf32> to vector<512x1xf32>
    %eq3A_27 = vector.broadcast %broadcast_in_dim3A_26 : vector<512x1xf32> to vector<512x2048xf32>
    %eq3A_28 = arith.cmpf oeq, %select_n3A, %eq3A_27 : vector<512x2048xf32>
    %get3A_29 = arith.constant 0 : index
    %get3A_30 = arith.constant 0 : index
    %get3A_31 = vector.load %arg8[%get3A_29, %get3A_30] : memref<1x2048xf32, #tpu.memory_space<vmem>>, vector<1x2048xf32>
    %jit3A_32 = arith.constant 0.000000e+00 : f32
    %broadcast_in_dim3A_33 = vector.shape_cast %get3A_31 : vector<1x2048xf32> to vector<1x2048xf32>
    %broadcast_in_dim3A_34 = vector.broadcast %broadcast_in_dim3A_33 : vector<1x2048xf32> to vector<512x2048xf32>
    %broadcast_in_dim3A_35 = vector.broadcast %jit3A_32 : f32 to vector<512x2048xf32>
    %select_n3A_36 = arith.select %eq3A_28, %broadcast_in_dim3A_34, %broadcast_in_dim3A_35 : vector<512x2048xi1>, vector<512x2048xf32>
    %reduce_sum3A = arith.constant dense<0.000000e+00> : vector<512xf32>
    %reduce_sum3A_37 = vector.multi_reduction <add>, %select_n3A_36, %reduce_sum3A [1] : vector<512x2048xf32> to vector<512xf32>
    %get3A_38 = arith.constant 0 : index
    %get3A_39 = arith.constant 0 : index
    %get3A_40 = vector.load %arg9[%get3A_38, %get3A_39] : memref<1x2048xf32, #tpu.memory_space<vmem>>, vector<1x2048xf32>
    %jit3A_41 = arith.constant 0.000000e+00 : f32
    %broadcast_in_dim3A_42 = vector.shape_cast %get3A_40 : vector<1x2048xf32> to vector<1x2048xf32>
    %broadcast_in_dim3A_43 = vector.broadcast %broadcast_in_dim3A_42 : vector<1x2048xf32> to vector<512x2048xf32>
    %broadcast_in_dim3A_44 = vector.broadcast %jit3A_41 : f32 to vector<512x2048xf32>
    %select_n3A_45 = arith.select %eq3A_28, %broadcast_in_dim3A_43, %broadcast_in_dim3A_44 : vector<512x2048xi1>, vector<512x2048xf32>
    %reduce_sum3A_46 = arith.constant dense<0.000000e+00> : vector<512xf32>
    %reduce_sum3A_47 = vector.multi_reduction <add>, %select_n3A_45, %reduce_sum3A_46 [1] : vector<512x2048xf32> to vector<512xf32>
    %jit3A_48 = arith.constant 1.000000e+00 : f32
    %jit3A_49 = arith.constant 0.000000e+00 : f32
    %broadcast_in_dim3A_50 = vector.broadcast %jit3A_48 : f32 to vector<512x2048xf32>
    %broadcast_in_dim3A_51 = vector.broadcast %jit3A_49 : f32 to vector<512x2048xf32>
    %select_n3A_52 = arith.select %eq3A_28, %broadcast_in_dim3A_50, %broadcast_in_dim3A_51 : vector<512x2048xi1>, vector<512x2048xf32>
    %reduce_sum3A_53 = arith.constant dense<0.000000e+00> : vector<512xf32>
    %reduce_sum3A_54 = vector.multi_reduction <add>, %select_n3A_52, %reduce_sum3A_53 [1] : vector<512x2048xf32> to vector<512xf32>
    %div3A_55 = arith.divf %reduce_sum3A_37, %reduce_sum3A_54 : vector<512xf32>
    %div3A_56 = arith.divf %reduce_sum3A_47, %reduce_sum3A_54 : vector<512xf32>
    %get3A_57 = arith.constant 0 : index
    %get3A_58 = arith.constant 0 : index
    %get3A_59 = arith.constant 0 : index
    %get3A_60 = vector.load %arg6[%get3A_57, %get3A_58, %get3A_59] : memref<1x1x512xf32, #tpu.memory_space<vmem>>, vector<1x1x512xf32>
    %get3A_61 = vector.shape_cast %get3A_60 : vector<1x1x512xf32> to vector<512xf32>
    %get3A_62 = arith.constant 0 : index
    %get3A_63 = arith.constant 0 : index
    %get3A_64 = arith.constant 0 : index
    %get3A_65 = vector.load %arg7[%get3A_62, %get3A_63, %get3A_64] : memref<1x1x512xf32, #tpu.memory_space<vmem>>, vector<1x1x512xf32>
    %get3A_66 = vector.shape_cast %get3A_65 : vector<1x1x512xf32> to vector<512xf32>
    %add3A = arith.addf %get3A_61, %div3A_55 : vector<512xf32>
    %squeeze3A = vector.shape_cast %broadcast_in_dim3A_26 : vector<512x1xf32> to vector<512xf32>
    %mul3A_67 = arith.constant 2.000000e+00 : f32
    %mul3A_68 = vector.broadcast %mul3A_67 : f32 to vector<512xf32>
    %mul3A_69 = arith.mulf %mul3A_68, %squeeze3A : vector<512xf32>
    %sub3A_70 = arith.subf %add3A, %mul3A_69 : vector<512xf32>
    %sub3A_71 = arith.subf %get3A_66, %div3A_56 : vector<512xf32>
    %mul3A_72 = arith.constant 2.000000e-06 : f32
    %mul3A_73 = vector.broadcast %mul3A_72 : f32 to vector<512xf32>
    %mul3A_74 = arith.mulf %mul3A_73, %sub3A_71 : vector<512xf32>
    %add3A_75 = arith.addf %sub3A_70, %mul3A_74 : vector<512xf32>
    %add3A_76 = arith.constant 1.280000e-10 : f32
    %add3A_77 = vector.broadcast %add3A_76 : f32 to vector<512xf32>
    %add3A_78 = arith.addf %add3A_75, %add3A_77 : vector<512xf32>
    %swap3A_79 = arith.constant 0 : index
    %swap3A_80 = arith.constant 0 : index
    %swap3A_81 = arith.constant 0 : index
    %swap3A_82 = vector.load %arg11[%swap3A_79, %swap3A_80, %swap3A_81] : memref<1x1x512xf32, #tpu.memory_space<vmem>>, vector<1x1x512xf32>
    %swap3A_83 = vector.shape_cast %swap3A_82 : vector<1x1x512xf32> to vector<512xf32>
    %swap3A_84 = vector.shape_cast %add3A_78 : vector<512xf32> to vector<1x1x512xf32>
    tpu.vector_store %arg11[%swap3A_79, %swap3A_80, %swap3A_81], %swap3A_84 {strides = array<i32>} : memref<1x1x512xf32, #tpu.memory_space<vmem>>, vector<1x1x512xf32>,
    return
  }
  func.func @transform_0(%arg0: i32) -> (i32, i32) {
    %c0_i32 = arith.constant 0 : i32
    %c0_i32_0 = arith.constant 0 : i32
    return %arg0, %c0_i32 : i32, i32
  }
  func.func @transform_1(%arg0: i32) -> (i32, i32) {
    %c0_i32 = arith.constant 0 : i32
    %c0_i32_0 = arith.constant 0 : i32
    %c0_i32_1 = arith.constant 0 : i32
    return %c0_i32, %c0_i32_0 : i32, i32
  }
  func.func @transform_2(%arg0: i32) -> (i32, i32) {
    %c0_i32 = arith.constant 0 : i32
    %c0_i32_0 = arith.constant 0 : i32
    %c0_i32_1 = arith.constant 0 : i32
    return %c0_i32, %c0_i32_0 : i32, i32
  }
  func.func @transform_3(%arg0: i32) -> (i32, i32) {
    %c0_i32 = arith.constant 0 : i32
    %c0_i32_0 = arith.constant 0 : i32
    %c0_i32_1 = arith.constant 0 : i32
    return %c0_i32, %c0_i32_0 : i32, i32
  }
  func.func @transform_4(%arg0: i32) -> (i32, i32, i32) {
    %c0_i32 = arith.constant 0 : i32
    %c0_i32_0 = arith.constant 0 : i32
    %c0_i32_1 = arith.constant 0 : i32
    return %arg0, %c0_i32, %c0_i32_0 : i32, i32, i32
  }
  func.func @transform_5(%arg0: i32) -> (i32, i32, i32) {
    %c0_i32 = arith.constant 0 : i32
    %c0_i32_0 = arith.constant 0 : i32
    %c0_i32_1 = arith.constant 0 : i32
    return %arg0, %c0_i32, %c0_i32_0 : i32, i32, i32
  }
  func.func @transform_6(%arg0: i32) -> (i32, i32, i32) {
    %c0_i32 = arith.constant 0 : i32
    %c0_i32_0 = arith.constant 0 : i32
    %c0_i32_1 = arith.constant 0 : i32
    return %arg0, %c0_i32, %c0_i32_0 : i32, i32, i32
  }
  func.func @transform_7(%arg0: i32) -> (i32, i32) {
    %c0_i32 = arith.constant 0 : i32
    %c0_i32_0 = arith.constant 0 : i32
    %c0_i32_1 = arith.constant 0 : i32
    return %c0_i32, %c0_i32_0 : i32, i32
  }
  func.func @transform_8(%arg0: i32) -> (i32, i32) {
    %c0_i32 = arith.constant 0 : i32
    %c0_i32_0 = arith.constant 0 : i32
    %c0_i32_1 = arith.constant 0 : i32
    return %c0_i32, %c0_i32_0 : i32, i32
  }
  func.func @transform_9(%arg0: i32) -> (i32, i32) {
    %c0_i32 = arith.constant 0 : i32
    %c0_i32_0 = arith.constant 0 : i32
    return %arg0, %c0_i32 : i32, i32
  }
  func.func @transform_10(%arg0: i32) -> (i32, i32, i32) {
    %c0_i32 = arith.constant 0 : i32
    %c0_i32_0 = arith.constant 0 : i32
    %c0_i32_1 = arith.constant 0 : i32
    return %arg0, %c0_i32, %c0_i32_0 : i32, i32, i32
  }
}

module attributes {stable_mosaic.version = 14 : i64} {
  func.func @_pass3(%arg0: memref<2x2048x128xf32, #tpu.memory_space<vmem>>, %arg1: memref<2048x128xf32, #tpu.memory_space<vmem>>, %arg2: memref<64x128xf32, #tpu.memory_space<vmem>>, %arg3: memref<64x128xf32, #tpu.memory_space<vmem>>, %arg4: memref<64x128xf32, #tpu.memory_space<vmem>>, %arg5: memref<2048x128xf32, #tpu.memory_space<vmem>>, %arg6: memref<1x128xf32, #tpu.memory_space<vmem>>) attributes {dimension_semantics = [], scalar_prefetch = 0 : i64, scratch_operands = 0 : i64, tpu.core_type = #tpu.core_type<tc>} {
    %get3A = arith.constant 0 : index
    %get3A_0 = arith.constant 0 : index
    %get3A_1 = arith.constant 0 : index
    %get3A_2 = vector.load %arg0[%get3A, %get3A_0, %get3A_1] : memref<2x2048x128xf32, #tpu.memory_space<vmem>>, vector<1x2048x128xf32>
    %get3A_3 = vector.shape_cast %get3A_2 : vector<1x2048x128xf32> to vector<2048x128xf32>
    %get3A_4 = arith.constant 1 : index
    %get3A_5 = arith.constant 0 : index
    %get3A_6 = arith.constant 0 : index
    %get3A_7 = vector.load %arg0[%get3A_4, %get3A_5, %get3A_6] : memref<2x2048x128xf32, #tpu.memory_space<vmem>>, vector<1x2048x128xf32>
    %get3A_8 = vector.shape_cast %get3A_7 : vector<1x2048x128xf32> to vector<2048x128xf32>
    %add3A = arith.addf %get3A_3, %get3A_8 : vector<2048x128xf32>
    %get3A_9 = arith.constant 0 : index
    %get3A_10 = arith.constant 0 : index
    %get3A_11 = vector.load %arg1[%get3A_9, %get3A_10] : memref<2048x128xf32, #tpu.memory_space<vmem>>, vector<2048x128xf32>
    %add3A_12 = arith.addf %add3A, %get3A_11 : vector<2048x128xf32>
    %mul3A = arith.mulf %add3A_12, %add3A_12 : vector<2048x128xf32>
    %reduce_sum3A = arith.constant dense<0.000000e+00> : vector<2048xf32>
    %reduce_sum3A_13 = vector.multi_reduction <add>, %mul3A, %reduce_sum3A [1] : vector<2048x128xf32> to vector<2048xf32>
    %broadcast_in_dim3A = vector.shape_cast %reduce_sum3A_13 : vector<2048xf32> to vector<2048x1xf32>
    %sqrt3A = math.sqrt %broadcast_in_dim3A : vector<2048x1xf32>
    %max3A = arith.constant 9.99999996E-13 : f32
    %max3A_14 = vector.broadcast %max3A : f32 to vector<2048x1xf32>
    %max3A_15 = arith.maximumf %sqrt3A, %max3A_14 : vector<2048x1xf32>
    %div3A = vector.broadcast %max3A_15 : vector<2048x1xf32> to vector<2048x128xf32>
    %div3A_16 = arith.divf %add3A_12, %div3A : vector<2048x128xf32>
    %swap3A = arith.constant 0 : index
    %swap3A_17 = arith.constant 0 : index
    %swap3A_18 = vector.load %arg5[%swap3A, %swap3A_17] : memref<2048x128xf32, #tpu.memory_space<vmem>>, vector<2048x128xf32>
    tpu.vector_store %arg5[%swap3A, %swap3A_17], %div3A_16 {strides = array<i32>} : memref<2048x128xf32, #tpu.memory_space<vmem>>, vector<2048x128xf32>,
    %get3A_19 = arith.constant 0 : index
    %get3A_20 = arith.constant 0 : index
    %get3A_21 = vector.load %arg2[%get3A_19, %get3A_20] : memref<64x128xf32, #tpu.memory_space<vmem>>, vector<64x128xf32>
    %max3A_22 = arith.constant 0.000000e+00 : f32
    %max3A_23 = vector.broadcast %max3A_22 : f32 to vector<64x128xf32>
    %max3A_24 = arith.maximumf %get3A_21, %max3A_23 : vector<64x128xf32>
    %sqrt3A_25 = math.sqrt %max3A_24 : vector<64x128xf32>
    %get3A_26 = arith.constant 0 : index
    %get3A_27 = arith.constant 0 : index
    %get3A_28 = vector.load %arg3[%get3A_26, %get3A_27] : memref<64x128xf32, #tpu.memory_space<vmem>>, vector<64x128xf32>
    %max3A_29 = arith.constant 0.000000e+00 : f32
    %max3A_30 = vector.broadcast %max3A_29 : f32 to vector<64x128xf32>
    %max3A_31 = arith.maximumf %get3A_28, %max3A_30 : vector<64x128xf32>
    %sqrt3A_32 = math.sqrt %max3A_31 : vector<64x128xf32>
    %sub3A = arith.subf %sqrt3A_25, %sqrt3A_32 : vector<64x128xf32>
    %add3A_33 = arith.constant 1.000000e+00 : f32
    %add3A_34 = vector.broadcast %add3A_33 : f32 to vector<64x128xf32>
    %add3A_35 = arith.addf %sub3A, %add3A_34 : vector<64x128xf32>
    %max3A_36 = arith.constant 0.000000e+00 : f32
    %max3A_37 = vector.broadcast %max3A_36 : f32 to vector<64x128xf32>
    %max3A_38 = arith.maximumf %add3A_35, %max3A_37 : vector<64x128xf32>
    %reduce_sum3A_39 = vector.shape_cast %max3A_38 : vector<64x128xf32> to vector<1x64x128xf32>
    %reduce_sum3A_40 = arith.constant dense<0.000000e+00> : vector<1xf32>
    %reduce_sum3A_41 = vector.multi_reduction <add>, %reduce_sum3A_39, %reduce_sum3A_40 [1, 2] : vector<1x64x128xf32> to vector<1xf32>
    %reduce_sum3A_42 = vector.shape_cast %reduce_sum3A_41 : vector<1xf32> to vector<1x1x1xf32>
    %reduce_sum3A_43 = vector.extract %reduce_sum3A_42[0, 0, 0] : f32 from vector<1x1x1xf32>
    %div3A_44 = arith.constant 8.192000e+03 : f32
    %div3A_45 = arith.divf %reduce_sum3A_43, %div3A_44 : f32
    %get3A_46 = arith.constant 0 : index
    %get3A_47 = arith.constant 0 : index
    %get3A_48 = vector.load %arg4[%get3A_46, %get3A_47] : memref<64x128xf32, #tpu.memory_space<vmem>>, vector<64x128xf32>
    %reduce_sum3A_49 = vector.shape_cast %get3A_48 : vector<64x128xf32> to vector<1x64x128xf32>
    %reduce_sum3A_50 = arith.constant dense<0.000000e+00> : vector<1xf32>
    %reduce_sum3A_51 = vector.multi_reduction <add>, %reduce_sum3A_49, %reduce_sum3A_50 [1, 2] : vector<1x64x128xf32> to vector<1xf32>
    %reduce_sum3A_52 = vector.shape_cast %reduce_sum3A_51 : vector<1xf32> to vector<1x1x1xf32>
    %reduce_sum3A_53 = vector.extract %reduce_sum3A_52[0, 0, 0] : f32 from vector<1x1x1xf32>
    %div3A_54 = arith.constant 0x49800000 : f32
    %div3A_55 = arith.divf %reduce_sum3A_53, %div3A_54 : f32
    %iota3A = tpu.iota {dimensions = array<i32: 1>} : vector<1x128xi32>
    %eq3A = arith.constant 0 : i32
    %eq3A_56 = vector.broadcast %eq3A : i32 to vector<1x128xi32>
    %eq3A_57 = arith.cmpi eq, %iota3A, %eq3A_56 : vector<1x128xi32>
    %jit3A = arith.constant 0.000000e+00 : f32
    %broadcast_in_dim3A_58 = vector.broadcast %div3A_45 : f32 to vector<1x128xf32>
    %broadcast_in_dim3A_59 = vector.broadcast %jit3A : f32 to vector<1x128xf32>
    %select_n3A = arith.select %eq3A_57, %broadcast_in_dim3A_58, %broadcast_in_dim3A_59 : vector<1x128xi1>, vector<1x128xf32>
    %eq3A_60 = arith.constant 1 : i32
    %eq3A_61 = vector.broadcast %eq3A_60 : i32 to vector<1x128xi32>
    %eq3A_62 = arith.cmpi eq, %iota3A, %eq3A_61 : vector<1x128xi32>
    %jit3A_63 = arith.constant 0.000000e+00 : f32
    %broadcast_in_dim3A_64 = vector.broadcast %div3A_55 : f32 to vector<1x128xf32>
    %broadcast_in_dim3A_65 = vector.broadcast %jit3A_63 : f32 to vector<1x128xf32>
    %select_n3A_66 = arith.select %eq3A_62, %broadcast_in_dim3A_64, %broadcast_in_dim3A_65 : vector<1x128xi1>, vector<1x128xf32>
    %add3A_67 = arith.addf %select_n3A, %select_n3A_66 : vector<1x128xf32>
    %swap3A_68 = arith.constant 0 : index
    %swap3A_69 = arith.constant 0 : index
    %swap3A_70 = vector.load %arg6[%swap3A_68, %swap3A_69] : memref<1x128xf32, #tpu.memory_space<vmem>>, vector<1x128xf32>
    tpu.vector_store %arg6[%swap3A_68, %swap3A_69], %add3A_67 {strides = array<i32>} : memref<1x128xf32, #tpu.memory_space<vmem>>, vector<1x128xf32>,
    return
  }
}

</mosaic_0001>

<sc_bundles>
// kernel: kernel.6.cloned.1.call-start
scs
__scs_entry_jumppad:
0x0: {  	(pc) =	sbr.rel $0x88, $3  }
0x1: {  	(tag) =	ssettag $0x0;
	lr =	simm.s32 $0x1  }
0x2: {  	[smem:$0x3F9F] =	sst lr;
	_ =	strace $0xD0000000  }
0x3: {  	_ = 	snop  }
0x4: {  	_ = 	snop  }
0x5: {  	_ = 	snop  }
0x6: {  	_ = 	snop  }
0x7: {  	_ = 	snop  }
__scs_overlays_trampoline_lowered:
0x8: {  	[smem:$0x3FAE] =	sst s0  }
0x9: {  	[smem:$0x3FAF] =	sst s1  }
0xa: {  	[smem:$0x3FB0] =	sst s2  }
0xb: {  	[smem:$0x3FB1] =	sst s3  }
0xc: {  	[smem:$0x3FB2] =	sst s4  }
0xd: {  	[smem:$0x3FB3] =	sst s5  }
0xe: {  	[smem:$0x3FB4] =	sst s6  }
0xf: {  	[smem:$0x3FB5] =	sst s7  }
0x10: {  	[smem:$0x3FB6] =	sst s8  }
0x11: {  	[smem:$0x3FB7] =	sst s9;
	s0 =	simm.s32 @!p0 $0x0  }
0x12: {  	s1 =	sld [smem:$0x3F9D];
	s0 =	simm.s32 @p0 $0x1  }
0x13: {  	[smem:$0x3FB8] =	sst s0;
	s0 =	simm.s32 @!p1 $0x0  }
0x14: {  	s2 =	sld [smem:$0x3F9C];
	s0 =	simm.s32 @p1 $0x1  }
0x15: {  	[smem:$0x3FB9] =	sst s0;
	s0 =	simm.s32 @!p2 $0x0  }
0x16: {  	s3 =	sld [smem:$0x3FDB];
	s0 =	simm.s32 @p2 $0x1  }
0x17: {  	s4 =	simm.s32 $0x1BF5;
	[smem:$0x3FBB] =	sst s0  }
0x18: {  	s0 =	sld [smem:$0x3F9E];
	_ =	swait.ge [sflag:s4], $0x0  }
0x19: {  	s7 =	sld [smem:$0x3F9F]  }
0x1a: {  	s8 =	sadd.s32 $0xFFFFE003, lr  }
0x1b: {  	s9 =	sadd.s32 $0xFFFFFEF7, lr;
	s5 =	simm.s32 $0xFFFFFFFF;
	p2 =	slt.u32 s8, $0xFFFFF086  }
0x1c: {  	p1 =	slt.u32 s9, $0xF7A;
	s5 =	simm.s32 @!p2 $0x0  }
0x1d: {  	s5 =	simm.s32 @p1 $0x1;
	p0 =	seq.s32 s7, s2  }
0x1e: {  	s7 =	smul.u32 @!p0 $0xF7A, s2;
	p2 =	seq.s32 @!p0 s5, $0x0  }
0x1f: {  	s9 =	smul.u32 $0xF7A, s1;
	s8 =	simm.s32 @!p0 $0x1BF5;
	p2 =	por !p2, p0  }
0x20: {  	[sflag:s8] =	ssyncset.s32 @!p0 $0xFFFFF086;
	s6 =	sadd.s32 @!p0 s3, s7;
	s7 =	simm.s32 @!p0 $0x108  }
0x21: {  	s3 =	sadd.s32 s3, s9;
	s6 =	sadd.s32 @!p0 $0x88, s6;
	s7 =	simm.s32 @p2 $0x1082  }
0x22: {  	[simem:s7], [sflag:s8] =	dma.local @!p0 [hbm:s6], $0xF7A  }
0x23: {  	s9 =	sor.u32 $0xD0000000, s2;
	s6 =	simm.s32 $0x108;
	_ =	swait.ge @!p0 [sflag:s8], $0x0  }
0x24: {  	s3 =	sadd.s32 $0x88, s3;
	s6 =	simm.s32 @!p1 $0x1082;
	[sflag:s4] =	ssyncset.s32 $0xFFFFF086  }
0x25: {  	[simem:s6], [sflag:s4] =	dma.local [hbm:s3], $0xF7A  }
0x26: {  	[smem:$0x3F9F] =	sst s1;
	(tag) =	ssettag s2;
	_ =	strace s9  }
0x27: {  	s1 =	sld [smem:$0x3FAF]  }
0x28: {  	s2 =	sld [smem:$0x3FB0]  }
0x29: {  	s4 =	sld [smem:$0x3FB2]  }
0x2a: {  	p0 =	seq.s32 s5, $0x0;
	s5 =	sld [smem:$0x3FB3]  }
0x2b: {  	s6 =	sld [smem:$0x3FB4]  }
0x2c: {  	s7 =	sld [smem:$0x3FB5]  }
0x2d: {  	s3 =	simm.s32 $0x108;
	s8 =	sld [smem:$0x3FB6]  }
0x2e: {  	s3 =	simm.s32 @!p0 $0x1082;
	s9 =	sld [smem:$0x3FB7]  }
0x2f: {  	lr =	sadd.s32 s0, s3;
	s0 =	sld [smem:$0x3FAE]  }
0x30: {  	s3 =	sld [smem:$0x3FB1]  }
0x31: {  	[smem:$0x3FBA] =	sst s10  }
0x32: {  	s10 =	sld [smem:$0x3FB8];
	_ =	sdelay $0x3  }
0x33: {  	p0 =	seq.s32 s10, $0x1;
	s10 =	sld [smem:$0x3FBA];
	_ =	sdelay $0x3  }
0x34: {  	[smem:$0x3FBA] =	sst s10  }
0x35: {  	s10 =	sld [smem:$0x3FB9];
	_ =	sdelay $0x3  }
0x36: {  	p1 =	seq.s32 s10, $0x1;
	s10 =	sld [smem:$0x3FBA];
	_ =	sdelay $0x3  }
0x37: {  	[smem:$0x3FBA] =	sst s10  }
0x38: {  	s10 =	sld [smem:$0x3FBB]  }
0x39: {  	_ = 	snop;
	(pc) =	sbr.ind lr, $3  }
0x3a: {  	_ = 	snop  }
0x3b: {  	_ = 	snop  }
0x3c: {  	p2 =	seq.s32 s10, $0x1;
	s10 =	sld [smem:$0x3FBA]  }
0x3d: {  	_ =	shalt  }
0x3e: {  	_ =	shalt  }
0x3f: {  	_ =	shalt  }
0x40: {  	_ =	shalt  }
0x41: {  	_ =	shalt  }
0x42: {  	_ =	shalt  }
0x43: {  	_ =	shalt  }
0x44: {  	_ =	shalt  }
0x45: {  	_ =	shalt  }
0x46: {  	_ =	shalt  }
0x47: {  	_ =	shalt  }
0x48: {  	_ =	shalt  }
0x49: {  	_ =	shalt  }
0x4a: {  	_ =	shalt  }
0x4b: {  	_ =	shalt  }
0x4c: {  	_ =	shalt  }
0x4d: {  	_ =	shalt  }
0x4e: {  	_ =	shalt  }
0x4f: {  	_ =	shalt  }
0x50: {  	_ =	shalt  }
0x51: {  	_ =	shalt  }
0x52: {  	_ =	shalt  }
0x53: {  	_ =	shalt  }
0x54: {  	_ =	shalt  }
0x55: {  	_ =	shalt  }
0x56: {  	_ =	shalt  }
0x57: {  	_ =	shalt  }
0x58: {  	_ =	shalt  }
0x59: {  	_ =	shalt  }
0x5a: {  	_ =	shalt  }
0x5b: {  	_ =	shalt  }
0x5c: {  	_ =	shalt  }
0x5d: {  	_ =	shalt  }
0x5e: {  	_ =	shalt  }
0x5f: {  	_ =	shalt  }
0x60: {  	_ =	shalt  }
0x61: {  	_ =	shalt  }
0x62: {  	_ =	shalt  }
0x63: {  	_ =	shalt  }
0x64: {  	_ =	shalt  }
0x65: {  	_ =	shalt  }
0x66: {  	_ =	shalt  }
0x67: {  	_ =	shalt  }
0x68: {  	_ =	shalt  }
0x69: {  	_ =	shalt  }
0x6a: {  	_ =	shalt  }
0x6b: {  	_ =	shalt  }
0x6c: {  	_ =	shalt  }
0x6d: {  	_ =	shalt  }
0x6e: {  	_ =	shalt  }
0x6f: {  	_ =	shalt  }
0x70: {  	_ =	shalt  }
0x71: {  	_ =	shalt  }
0x72: {  	_ =	shalt  }
0x73: {  	_ =	shalt  }
0x74: {  	_ =	shalt  }
0x75: {  	_ =	shalt  }
0x76: {  	_ =	shalt  }
0x77: {  	_ =	shalt  }
0x78: {  	_ =	shalt  }
0x79: {  	_ =	shalt  }
0x7a: {  	_ =	shalt  }
0x7b: {  	_ =	shalt  }
0x7c: {  	_ =	shalt  }
0x7d: {  	_ =	shalt  }
0x7e: {  	_ =	shalt  }
0x7f: {  	_ =	shalt  }
0x80: {  	_ =	shalt  }
0x81: {  	_ =	shalt  }
0x82: {  	_ =	shalt  }
0x83: {  	_ =	shalt  }
0x84: {  	_ =	shalt  }
0x85: {  	_ =	shalt  }
0x86: {  	_ =	shalt  }
0x87: {  	_ =	shalt  }
.Lfunc_end0:
.L_simem_size_0:
called_computation_lowered:
.L_overlay_start_0:
0x88: {  	s2 =	sld [smem:$0x3FD9]  }
0x89: {  	s3 =	sld [smem:$0x3FFE];
	_ =	sdelay $0x1  }
0x8a: {  	s1 =	srdreg.scid  }
0x8b: {  	s0 =	sand.u32 $0x1, s1  }
0x8c: {  	s14 =	sshll.u32 s0, $0xA;
	s2 =	sadd.s32 s3, s2  }
0x8d: {  	s2 =	sadd.s32 s2, s14  }
0x8e: {  	[smem:$0x3FC6] =	sst s2  }
0x8f: {  	_ = 	snop  }
0x90: {  	s2 =	sld [smem:$0x3FD0];
	_ =	sdelay $0x2  }
0x91: {  	s15 =	simm.s32 $0xA;
	s4 =	simm.s32 $0x10  }
0x92: {  	[smem:s4], [sflag:s15] =	dma.local [hbm:s2], $0x1  }
0x93: {  	_ =	swait.eq [sflag:s15], $0x1  }
0x94: {  	[sflag:s15] =	ssyncset.done $0x0  }
0x95: {  	[sflag:s15] =	ssyncadd.s32 $0xFFFFFFFF  }
0x96: {  	s16 =	sld [smem:$0x11];
	(tm) =	ssettm $0x1  }
0x97: {  	s17 =	sld [smem:$0x3FFB];
	_ =	sdelay $0x3  }
0x98: {  	_ =	strace s17  }
0x99: {  	s3 =	sld [smem:$0x3FFC];
	_ =	sdelay $0x3  }
0x9a: {  	_ =	strace s3  }
0x9b: {  	s3 =	sld [smem:$0x3FFD];
	_ =	sdelay $0x3  }
0x9c: {  	_ =	strace s3  }
0x9d: {  	_ =	strace $0x8FFFFFFF  }
0x9e: {  	s18 =	sld [smem:$0x3FDB];
	_ =	sdelay $0x1  }
0x9f: {  	s19 =	simm.s32 $_scs_section_size  }
0xa0: {  	s5 =	simm.s32 $_size__tile_overlayer_lowered;
	s6 =	simm.s32 $_tile_overlayer_lowered  }
0xa1: {  	s22 =	simm.s32 $0x1BFF;
	s21 =	sshll.u32 s6, $0x1;
	s3 =	sadd.s32 s19, s18  }
0xa2: {  	s7 =	simm.s32 $0x0;
	s20 =	sshll.u32 s5, $0x1;
	s5 =	sadd.s32 s21, s3  }
0xa3: {  	[timem:s7], [sflag:s22] =	dma.local [hbm:s5], s20  }
0xa4: {  	_ =	swait.ge [sflag:s22], s20  }
0xa5: {  	s4 =	ssub.s32 $0x0, s20;
	[sflag:s22] =	ssyncset.done $0x0  }
0xa6: {  	[sflag:s22] =	ssyncadd.s32 s4;
	_ =	sdelay $0x1  }
0xa7: {  	s23 =	simm.s32 $0x1B8B  }
0xa8: {  	_ =	swait.ge [sflag:s23], $0x1  }
0xa9: {  	[sflag:s23] =	ssyncset.done $0x0  }
0xaa: {  	s25 =	simm.s32 $0x1B8E;
	s24 =	sld [smem:$0x3FFE];
	[sflag:s23] =	ssyncadd.s32 $0xFFFFFFFF  }
0xab: {  	s26 =	simm.s32 $execute0_lowered;
	[smem:$0x3FD2] =	sst s25  }
0xac: {  	s5 =	sshll.u32 s26, $0x1;
	_ =	strace $0x80000046;
	[dreg:$0x1] =	wrdreg $0xFFFFFFFF  }
0xad: {  	s28 =	simm.s32 $_size_execute0_lowered;
	s3 =	sadd.s32 s3, s5;
	[dreg:$0x0] =	wrdreg $0x0  }
0xae: {  	s5 =	sshll.u32 s28, $0x1;
	[dreg:$0x2] =	wrdreg s3  }
0xaf: {  	[dreg:$0x3] =	wrdreg s5  }
0xb0: {  	[dreg:$0x4] =	wrdreg $0xC0  }
0xb1: {  	_ =	task [dreg:s7], $0x5FFFF  }
0xb2: {  	[dreg:$0x1] =	wrdreg $0xFFFFFFFF  }
0xb3: {  	[dreg:$0x0] =	wrdreg $0x60  }
0xb4: {  	[dreg:$0x2] =	wrdreg s24  }
0xb5: {  	[dreg:$0x3] =	wrdreg s16  }
0xb6: {  	[dreg:$0x4] =	wrdreg $0x104000  }
0xb7: {  	[dreg:$0x5] =	wrdreg $0x9  }
0xb8: {  	_ =	task.clear_ibuf [dreg:s7], $0x6FFFF;
	_ =	strace $0x90000046  }
0xb9: {  	s29 =	simm.s32 $0x9;
	_ =	strace $0x80000048  }
0xba: {  	_ =	swait.ge [sflag:s29], $0x1  }
0xbb: {  	[sflag:s29] =	ssyncadd.s32 $0xFFFFFFFF  }
0xbc: {  	_ =	strace $0x90000048  }
0xbd: {  	_ =	sfence  }
0xbe: {  	s30 =	sld [smem:$0x0];
	_ =	sdelay $0x2  }
0xbf: {  	s31 =	sshll.u32 s1, $0xD;
	s1 =	sshrl.u32 s1, $0x2  }
0xc0: {  	s3 =	sand.u32 $0x4000, s31;
	s1 =	sadd.s32 s1, s30  }
0xc1: {  	s0 =	sor.u32 s3, s0;
	s1 =	sshll.u32 s1, $0x11  }
0xc2: {  	s0 =	sor.u32 s1, s0  }
0xc3: {  	s0 =	sadd.s32 $0x8F2B, s0  }
0xc4: {  	[sflag:s0] =	ssyncadd.remote.s32 $0x1  }
0xc5: {  	_ =	sfence.sel $0xFFFF  }
0xc6: {  	[dreg:$0x0] =	wrdreg $0xFFFFFFFF;
	(pc) =	sbr.abs _section_cstart, $3  }
0xc7: {  	[dreg:$0x1] =	wrdreg $0xFFFFFFFF  }
0xc8: {  	_ =	task.clear_ibuf [dreg:s7], $0x2FFFF;
	_ =	strace $0x9FFFFFFF  }
0xc9: {  	(tm) =	ssettm $0x7FFFFFFF  }
tec
execute0_lowered:
.L_overlay_start_1:
0x0: {  	(tag) =	ssettag $0x1  }
0x1: {  	s1 =	rddreg [dreg:$0x0]  }
0x2: {  	s8 =	rddreg [dreg:$0x1];
	s3 =	srdreg.scid  }
0x3: {  	s0 =	stileid.u32;
	s2 =	rddreg [dreg:$0x2]  }
0x4: {  	s18 =	simm.s32 $0x8000;
	s22 =	simm.s32 $0x80;
	s24 =	simm.s32 $0x1  }
0x5: {  	s28 =	simm.s32 $0x8080;
	s31 =	simm.s32 $0x14780;
	s19 =	simm.s32 $0x14800  }
0x6: {  	s20 =	simm.s32 $0x8400;
	s21 =	simm.s32 $0xC400;
	s23 =	simm.s32 $0x0  }
0x7: {  	s13 =	sand.u32 $0x1, s3;
	s4 =	sshll.u32 s0, $0x1;
	s3 =	simm.s32 $0x0  }
0x8: {  	s5 =	sadd.s32 $0x24600, s1;
	s6 =	sadd.s32 $0x24800, s1;
	s10 =	sshll.u32 s0, $0xB  }
0x9: {  	s14 =	sshll.u32 s0, $0xE;
	s7 =	sor.u32 s13, s4;
	[smem:$0x7FF] =	sst s3  }
0xa: {  	s26 =	ssub.s32 $0x2, s13;
	s15 =	sadd.s32 s10, s1;
	s17 =	sshll.u32 s13, $0xF  }
0xb: {  	s14 =	sadd.s32 s14, s2;
	s4 =	sshll.u32 s7, $0xC;
	_ =	strace $0x80000047  }
0xc: {  	s11 =	sshll.u32 s7, $0x5;
	s29 =	sshrl.u32 s26, $0x1;
	s30 =	sadd.s32 s17, s15  }
0xd: {  	s17 =	simm.s32 $0x2;
	s9 =	sadd.s32 s4, s1;
	s4 =	sadd.s32 $0x24400, s1  }
0xe: {  	s1 =	sadd.s32 s11, s1;
	s16 =	ssub.s32 s26, s29;
	s8 =	sadd.s32 s8, s11  }
0xf: {  	s15 =	sadd.s32 $0x24A00, s30;
	s7 =	sadd.s32 $0x3800, s9;
	s9 =	sadd.s32 $0x24000, s1  }
0x10: {  	s10 =	sadd.s32 $0x23800, s1;
	s11 =	sadd.s32 $0x23C00, s1;
	s12 =	sadd.s32 $0x34E00, s1  }
0x11: {  	v41 =	vimm.f32 $0.0e+00;
	s13 =	sadd.s32 $0x34A00, s1;
	s16 =	smax.u32 s16, $0x1;
	s1 =	simm.s32 $0x14900  }
.LBB2_1:
0x12: {  	[tilespmem:s3], [sflag:$0x2] =	stream.linear.gather [hbm4b:s7+s3], $0x8000, $0x38;
	[tilespmem:$0x14A00] =	vst v63  }
0x13: {  	_ =	swait.ge [sflag:s17], $0x8000  }
0x14: {  	[sflag:s17] =	ssyncset.done $0x0  }
0x15: {  	[sflag:s17] =	ssyncadd.s32 $0xFFFF8000  }
0x16: {  	[tilespmem:s18], [sflag:$0x2] =	stream.linear.gather [hbm4b:s8+s3], $0x100, $0x38;
	[tilespmem:$0x14A00] =	vst v63  }
0x17: {  	_ =	swait.ge [sflag:s17], $0x100  }
0x18: {  	[sflag:s17] =	ssyncset.done $0x0  }
0x19: {  	s25 =	simm.s32 $0x8100;
	[sflag:s17] =	ssyncadd.s32 $0xFFFFFF00  }
0x1a: {  	[tilespmem:s25], [sflag:$0x2] =	stream.linear.gather [hbm4b:s9+s3], $0x100, $0x38;
	[tilespmem:$0x14A00] =	vst v63  }
0x1b: {  	_ =	swait.ge [sflag:s17], $0x100  }
0x1c: {  	[sflag:s17] =	ssyncset.done $0x0  }
0x1d: {  	s30 =	simm.s32 $0x14400;
	[sflag:s17] =	ssyncadd.s32 $0xFFFFFF00  }
0x1e: {  	[tilespmem:s30], [sflag:$0x2] =	stream.linear.gather [hbm4b:s10+s3], $0x100, $0x38;
	[tilespmem:$0x14A00] =	vst v63  }
0x1f: {  	_ =	swait.ge [sflag:s17], $0x100  }
0x20: {  	[sflag:s17] =	ssyncset.done $0x0  }
0x21: {  	s26 =	simm.s32 $0x14500;
	[sflag:s17] =	ssyncadd.s32 $0xFFFFFF00  }
0x22: {  	[tilespmem:s26], [sflag:$0x2] =	stream.linear.gather [hbm4b:s11+s3], $0x100, $0x38;
	[tilespmem:$0x14A00] =	vst v63  }
0x23: {  	_ =	swait.ge [sflag:s17], $0x100  }
0x24: {  	[sflag:s17] =	ssyncset.done $0x0  }
0x25: {  	s29 =	simm.s32 $0x8200;
	[sflag:s17] =	ssyncadd.s32 $0xFFFFFF00  }
0x26: {  	[tilespmem:s29], [sflag:$0x1] =	stream.indirect.gather [hbm4b:s4+s22], $0x1, s18, s22, $0xb8;
	[tilespmem:$0x14A00] =	vst v63  }
0x27: {  	_ =	swait.ge [sflag:s24], $0x80  }
0x28: {  	[sflag:s24] =	ssyncset.done $0x0  }
0x29: {  	s30 =	simm.s32 $0x14600;
	[sflag:s24] =	ssyncadd.s32 $0xFFFFFF80  }
0x2a: {  	[tilespmem:s30], [sflag:$0x1] =	stream.indirect.gather [hbm4b:s5+s22], $0x1, s18, s22, $0xb8;
	[tilespmem:$0x14A00] =	vst v63  }
0x2b: {  	_ =	swait.ge [sflag:s24], $0x80  }
0x2c: {  	[sflag:s24] =	ssyncset.done $0x0  }
0x2d: {  	s26 =	simm.s32 $0x14700;
	[sflag:s24] =	ssyncadd.s32 $0xFFFFFF80  }
0x2e: {  	[tilespmem:s26], [sflag:$0x1] =	stream.indirect.gather [hbm4b:s6+s22], $0x1, s18, s22, $0xb8;
	[tilespmem:$0x14A00] =	vst v63  }
0x2f: {  	_ =	swait.ge [sflag:s24], $0x80  }
0x30: {  	[sflag:s24] =	ssyncset.done $0x0  }
0x31: {  	s29 =	simm.s32 $0x8280;
	[sflag:s24] =	ssyncadd.s32 $0xFFFFFF80  }
0x32: {  	[tilespmem:s29], [sflag:$0x1] =	stream.indirect.gather [hbm4b:s4+s22], $0x1, s28, s22, $0xb8;
	[tilespmem:$0x14A00] =	vst v63  }
0x33: {  	_ =	swait.ge [sflag:s24], $0x80  }
0x34: {  	[sflag:s24] =	ssyncset.done $0x0  }
0x35: {  	s30 =	simm.s32 $0x14680;
	[sflag:s24] =	ssyncadd.s32 $0xFFFFFF80  }
0x36: {  	[tilespmem:s30], [sflag:$0x1] =	stream.indirect.gather [hbm4b:s5+s22], $0x1, s28, s22, $0xb8;
	[tilespmem:$0x14A00] =	vst v63  }
0x37: {  	_ =	swait.ge [sflag:s24], $0x80  }
0x38: {  	[sflag:s24] =	ssyncset.done $0x0  }
0x39: {  	[sflag:s24] =	ssyncadd.s32 $0xFFFFFF80  }
0x3a: {  	[tilespmem:s31], [sflag:$0x1] =	stream.indirect.gather [hbm4b:s6+s22], $0x1, s28, s22, $0xb8;
	[tilespmem:$0x14A00] =	vst v63  }
0x3b: {  	_ =	swait.ge [sflag:s24], $0x80  }
0x3c: {  	[sflag:s24] =	ssyncset.done $0x0  }
0x3d: {  	[sflag:s24] =	ssyncadd.s32 $0xFFFFFF80  }
0x3e: {  	v0 =	vld [tilespmem:$0x14400]  }
0x3f: {  	v1 =	vld [tilespmem:$0x14600]  }
0x40: {  	v2 =	vld [tilespmem:$0x8100]  }
0x41: {  	v3 =	vld [tilespmem:$0x14500]  }
0x42: {  	v4 =	vld [tilespmem:$0x14700]  }
0x43: {  	v5 =	vld [tilespmem:$0x14410]  }
0x44: {  	v6 =	vld [tilespmem:$0x14610]  }
0x45: {  	v7 =	vld [tilespmem:$0x8110]  }
0x46: {  	v8 =	vld [tilespmem:$0x14510]  }
0x47: {  	v9 =	vld [tilespmem:$0x14710]  }
0x48: {  	v10 =	vld [tilespmem:$0x14420]  }
0x49: {  	v11 =	vld [tilespmem:$0x14620]  }
0x4a: {  	v12 =	vld [tilespmem:$0x8120]  }
0x4b: {  	v13 =	vld [tilespmem:$0x14520]  }
0x4c: {  	v14 =	vld [tilespmem:$0x14720]  }
0x4d: {  	v15 =	vld [tilespmem:$0x14430]  }
0x4e: {  	v16 =	vld [tilespmem:$0x14630]  }
0x4f: {  	v17 =	vld [tilespmem:$0x8130]  }
0x50: {  	v18 =	vld [tilespmem:$0x14530]  }
0x51: {  	v19 =	vld [tilespmem:$0x14730]  }
0x52: {  	v20 =	vld [tilespmem:$0x14440]  }
0x53: {  	v21 =	vld [tilespmem:$0x14640]  }
0x54: {  	v22 =	vld [tilespmem:$0x8140]  }
0x55: {  	v23 =	vld [tilespmem:$0x14540]  }
0x56: {  	v24 =	vld [tilespmem:$0x14740]  }
0x57: {  	v25 =	vld [tilespmem:$0x14450]  }
0x58: {  	v26 =	vld [tilespmem:$0x14650]  }
0x59: {  	v27 =	vld [tilespmem:$0x8150]  }
0x5a: {  	v28 =	vld [tilespmem:$0x14550]  }
0x5b: {  	v29 =	vld [tilespmem:$0x14750]  }
0x5c: {  	v30 =	vld [tilespmem:$0x14460]  }
0x5d: {  	v31 =	vld [tilespmem:$0x14660]  }
0x5e: {  	v32 =	vld [tilespmem:$0x8160]  }
0x5f: {  	v33 =	vld [tilespmem:$0x14560]  }
0x60: {  	v34 =	vld [tilespmem:$0x14760]  }
0x61: {  	v35 =	vld [tilespmem:$0x14470]  }
0x62: {  	v36 =	vld [tilespmem:$0x14670]  }
0x63: {  	v37 =	vld [tilespmem:$0x8170]  }
0x64: {  	v38 =	vld [tilespmem:$0x14570]  }
0x65: {  	v39 =	vld [tilespmem:$0x14770]  }
0x66: {  	v40 =	vld [tilespmem:$0x14480]  }
0x67: {  	v42 =	vld [tilespmem:$0x8180];
	v0 =	vadd.f32 v1, v0;
	v62 =	vadd.f32 v2, v2  }
0x68: {  	v49 =	vld [tilespmem:$0x14690];
	v5 =	vadd.f32 v6, v5;
	v63 =	vadd.f32 v7, v7  }
0x69: {  	v51 =	vld [tilespmem:$0x8190];
	v43 =	vsub.f32 v3, v4;
	v44 =	vsub.f32 v8, v9  }
0x6a: {  	v54 =	vld [tilespmem:$0x144A0];
	v45 =	vadd.f32 v11, v10;
	v46 =	vadd.f32 v12, v12  }
0x6b: {  	v55 =	vld [tilespmem:$0x146A0];
	v47 =	vadd.f32 v16, v15;
	v48 =	vadd.f32 v17, v17  }
0x6c: {  	v58 =	vld [tilespmem:$0x81A0];
	v50 =	vsub.f32 v13, v14;
	v52 =	vadd.f32 v21, v20  }
0x6d: {  	v61 =	vld [tilespmem:$0x144B0];
	v53 =	vadd.f32 v22, v22;
	v18 =	vsub.f32 v18, v19  }
0x6e: {  	v2 =	vld [tilespmem:$0x14680];
	v56 =	vadd.f32 v26, v25;
	v57 =	vadd.f32 v27, v27  }
0x6f: {  	v3 =	vld [tilespmem:$0x14580];
	v23 =	vsub.f32 v23, v24;
	v59 =	vadd.f32 v31, v30  }
0x70: {  	v6 =	vld [tilespmem:$0x14780];
	v60 =	vadd.f32 v32, v32;
	v28 =	vsub.f32 v28, v29  }
0x71: {  	v10 =	vld [tilespmem:$0x14490];
	v36 =	vadd.f32 v36, v35;
	v37 =	vadd.f32 v37, v37  }
0x72: {  	v12 =	vld [tilespmem:$0x14590];
	v33 =	vsub.f32 v33, v34;
	v7 =	vadd.f32 v42, v42  }
0x73: {  	v17 =	vld [tilespmem:$0x14790];
	v13 =	vadd.f32 v51, v51;
	v54 =	vadd.f32 v55, v54  }
0x74: {  	v24 =	vld [tilespmem:$0x145A0];
	v55 =	vadd.f32 v58, v58;
	v0 =	vsub.f32 v0, v62  }
0x75: {  	v21 =	vld [tilespmem:$0x147A0];
	v4 =	vsub.f32 v5, v63;
	v1 =	vmul.f32 $1.999999990e-06, v43;
	v8 =	vsub.f32 v45, v46  }
0x76: {  	v32 =	vld [tilespmem:$0x145B0];
	v11 =	vsub.f32 v47, v48;
	v5 =	vmul.f32 $1.999999990e-06, v44;
	v14 =	vsub.f32 v52, v53  }
0x77: {  	v34 =	vld [tilespmem:$0x147B0];
	v9 =	vmul.f32 $1.999999990e-06, v50;
	v20 =	vsub.f32 v56, v57;
	v18 =	vmul.f32 $1.999999990e-06, v18  }
0x78: {  	v31 =	vld [tilespmem:$0x144C0];
	v25 =	vsub.f32 v59, v60;
	v23 =	vmul.f32 $1.999999990e-06, v23;
	v30 =	vsub.f32 v36, v37  }
0x79: {  	v42 =	vld [tilespmem:$0x146C0];
	v28 =	vmul.f32 $1.999999990e-06, v28;
	v44 =	vsub.f32 v38, v39;
	v1 =	vadd.f32 v1, v0  }
0x7a: {  	v58 =	vld [tilespmem:$0x145D0];
	v48 =	vmul.f32 $1.999999990e-06, v33;
	v5 =	vadd.f32 v5, v4;
	v9 =	vadd.f32 v9, v8  }
0x7b: {  	v62 =	vld [tilespmem:$0x146B0];
	v18 =	vadd.f32 v18, v11;
	v23 =	vadd.f32 v23, v14;
	[tilespmem:$0x14900] =	vst v0  }
0x7c: {  	v63 =	vld [tilespmem:$0x81B0];
	v46 =	vadd.f32 v28, v20;
	[tilespmem:$0x14910] =	vst v4;
	v4 =	vadd.f32 v48, v25  }
0x7d: {  	v45 =	vld [tilespmem:$0x81C0];
	[tilespmem:$0x14920] =	vst v8;
	v2 =	vadd.f32 v2, v40;
	v10 =	vadd.f32 v49, v10  }
0x7e: {  	v47 =	vld [tilespmem:$0x145C0];
	[tilespmem:$0x14930] =	vst v11;
	v3 =	vsub.f32 v3, v6;
	v57 =	vsub.f32 v12, v17  }
0x7f: {  	v50 =	vld [tilespmem:$0x144D0];
	[tilespmem:$0x14940] =	vst v14;
	v26 =	vsub.f32 v24, v21;
	v29 =	vadd.f32 v42, v31  }
0x80: {  	v52 =	vld [tilespmem:$0x146D0];
	[tilespmem:$0x14950] =	vst v20;
	v35 =	vsub.f32 v32, v34;
	v1 =	vadd.f32 $1.279999990e-10, v1  }
0x81: {  	v56 =	vld [tilespmem:$0x81D0];
	[tilespmem:$0x14960] =	vst v25;
	v5 =	vadd.f32 $1.279999990e-10, v5;
	v9 =	vadd.f32 $1.279999990e-10, v9  }
0x82: {  	v59 =	vld [tilespmem:$0x147D0];
	[tilespmem:$0x14970] =	vst v30;
	v18 =	vadd.f32 $1.279999990e-10, v18;
	v43 =	vadd.f32 $1.279999990e-10, v23  }
0x83: {  	v37 =	vld [tilespmem:$0x144F0];
	v4 =	vadd.f32 $1.279999990e-10, v4;
	v2 =	vsub.f32 v2, v7;
	[tilespmem:$0x14800] =	vst v1  }
0x84: {  	v38 =	vld [tilespmem:$0x146F0];
	v51 =	vsub.f32 v10, v13;
	v10 =	vsub.f32 v54, v55;
	[tilespmem:$0x14810] =	vst v5  }
0x85: {  	v33 =	vld [tilespmem:$0x145E0];
	v60 =	vadd.f32 v62, v61;
	v61 =	vadd.f32 v63, v63;
	[tilespmem:$0x14820] =	vst v9  }
0x86: {  	v53 =	vmul.f32 $1.999999990e-06, v44;
	v28 =	vld [tilespmem:$0x81E0];
	v31 =	vadd.f32 v45, v45;
	v40 =	vadd.f32 v56, v56;
	[tilespmem:$0x14830] =	vst v18  }
0x87: {  	v36 =	vld [tilespmem:$0x147E0];
	v3 =	vmul.f32 $1.999999990e-06, v3;
	v48 =	vsub.f32 v58, v59;
	v1 =	vadd.f32 $1.279999990e-10, v46;
	[tilespmem:$0x14840] =	vst v43  }
0x88: {  	v49 =	vld [tilespmem:$0x147C0];
	v11 =	vmul.f32 $1.999999990e-06, v57;
	v9 =	vadd.f32 v53, v30;
	[tilespmem:$0x14860] =	vst v4;
	v5 =	vadd.f32 v52, v50  }
0x89: {  	v42 =	vld [tilespmem:$0x81F0];
	v39 =	vmul.f32 $1.999999990e-06, v26;
	v4 =	vadd.f32 v38, v37;
	v3 =	vadd.f32 v3, v2;
	[tilespmem:$0x14980] =	vst v2  }
0x8a: {  	v27 =	vld [tilespmem:$0x146E0];
	v14 =	vsub.f32 v60, v61;
	v11 =	vadd.f32 v11, v51;
	[tilespmem:$0x14990] =	vst v51  }
0x8b: {  	v62 =	vld [tilespmem:$0x144E0];
	v44 =	vadd.f32 v28, v28;
	v0 =	vadd.f32 v39, v10;
	[tilespmem:$0x149A0] =	vst v10  }
0x8c: {  	v45 =	vld [tilespmem:$0x145F0];
	v63 =	vadd.f32 $1.279999990e-10, v9;
	[tilespmem:$0x14850] =	vst v1;
	v1 =	vsub.f32 v29, v31  }
0x8d: {  	v7 =	vsub.f32 v47, v49;
	v5 =	vsub.f32 v5, v40;
	v47 =	vld [tilespmem:$0x147F0];
	[tilespmem:$0x149B0] =	vst v14  }
0x8e: {  	v49 =	vsub.f32 v33, v36;
	v53 =	vadd.f32 v42, v42;
	[tilespmem:$0x14870] =	vst v63  }
0x8f: {  	v6 =	vmul.f32 $1.999999990e-06, v48;
	v3 =	vadd.f32 $1.279999990e-10, v3;
	v11 =	vadd.f32 $1.279999990e-10, v11;
	[tilespmem:$0x149C0] =	vst v1  }
0x90: {  	v46 =	vmul.f32 $1.999999990e-06, v35;
	v0 =	vadd.f32 $1.279999990e-10, v0;
	v43 =	vadd.f32 v27, v62;
	[tilespmem:$0x149D0] =	vst v5  }
0x91: {  	v55 =	vadd.f32 v6, v5;
	v57 =	vsub.f32 v4, v53;
	[tilespmem:$0x14880] =	vst v3  }
0x92: {  	v7 =	vmul.f32 $1.999999990e-06, v7;
	[tilespmem:$0x14890] =	vst v11;
	v3 =	vadd.f32 v46, v14;
	v52 =	vsub.f32 v45, v47  }
0x93: {  	v56 =	vmul.f32 $1.999999990e-06, v49;
	[tilespmem:$0x148A0] =	vst v0;
	v2 =	vsub.f32 v43, v44;
	v58 =	vadd.f32 $1.279999990e-10, v55  }
0x94: {  	v51 =	vadd.f32 v7, v1;
	[tilespmem:$0x149F0] =	vst v57;
	v60 =	vmul.f32 $1.999999990e-06, v52  }
0x95: {  	v50 =	vadd.f32 $1.279999990e-10, v3;
	v59 =	vadd.f32 v56, v2;
	[tilespmem:$0x148D0] =	vst v58  }
0x96: {  	v54 =	vadd.f32 $1.279999990e-10, v51;
	[tilespmem:$0x149E0] =	vst v2;
	v62 =	vadd.f32 v60, v57  }
0x97: {  	[tilespmem:$0x148B0] =	vst v50;
	v61 =	vadd.f32 $1.279999990e-10, v59  }
0x98: {  	[tilespmem:$0x148C0] =	vst v54;
	v63 =	vadd.f32 $1.279999990e-10, v62  }
0x99: {  	[tilespmem:$0x148E0] =	vst v61  }
0x9a: {  	[tilespmem:$0x148F0] =	vst v63  }
0x9b: {  	[hbm4b:s12+s3] =	stream.linear.scatter [tilespmem:s1], [sflag:$0x2], $0x100, $0x38;
	[tilespmem:$0x14A00] =	vst v63  }
0x9c: {  	_ =	swait.ge [sflag:s17], $0x100  }
0x9d: {  	[sflag:s17] =	ssyncset.done $0x0  }
0x9e: {  	[sflag:s17] =	ssyncadd.s32 $0xFFFFFF00  }
0x9f: {  	[hbm4b:s13+s3] =	stream.linear.scatter [tilespmem:s19], [sflag:$0x2], $0x100, $0x38;
	[tilespmem:$0x14A00] =	vst v63  }
0xa0: {  	_ =	swait.ge [sflag:s17], $0x100  }
0xa1: {  	[sflag:s17] =	ssyncset.done $0x0  }
0xa2: {  	s25 =	simm.s32 $0x0;
	s26 =	simm.s32 $0x200;
	[sflag:s17] =	ssyncadd.s32 $0xFFFFFF00  }
.LBB2_2:
0xa3: {  	p0 =	sne.s32 s26, $0xFE00;
	[tilespmem:s25+$0x8470] =	vst v41  }
0xa4: {  	[tilespmem:s25+$0x8400] =	vst v41  }
0xa5: {  	[tilespmem:s25+$0x8410] =	vst v41  }
.Ltmp0:
0xa6: {  	[tilespmem:s25+$0x8420] =	vst v41;
	(pc) =	sbr.rel @p0 .LBB2_2-.Ltmp0, $4  }
0xa7: {  	[tilespmem:s25+$0x8430] =	vst v41  }
0xa8: {  	[tilespmem:s25+$0x8440] =	vst v41  }
0xa9: {  	[tilespmem:s25+$0x8450] =	vst v41  }
0xaa: {  	[tilespmem:s25+$0x8460] =	vst v41;
	s25 =	sshra.s32 s26, $0x2;
	s26 =	sadd.s32 $0x200, s26  }
0xab: {  	[tilespmem:s25+$0x8470] =	vst v41  }
0xac: {  	[tilespmem:s25+$0x8400] =	vst v41  }
0xad: {  	[tilespmem:s25+$0x8410] =	vst v41  }
0xae: {  	[tilespmem:s25+$0x8420] =	vst v41  }
0xaf: {  	[tilespmem:s25+$0x8430] =	vst v41  }
0xb0: {  	[tilespmem:s25+$0x8440] =	vst v41  }
0xb1: {  	[tilespmem:s25+$0x8450] =	vst v41  }
0xb2: {  	[tilespmem:s25+$0x8460] =	vst v41  }
0xb3: {  	[spmem:s14] =	stream.linear.scatter [tilespmem:s20], [sflag:$0x2], $0x4000, $0x38;
	[tilespmem:$0x14A00] =	vst v63  }
0xb4: {  	_ =	swait.ge [sflag:s17], $0x4000  }
0xb5: {  	[sflag:s17] =	ssyncset.done $0x0  }
0xb6: {  	[sflag:s17] =	ssyncadd.s32 $0xFFFFC000  }
0xb7: {  	v0 =	vld [tilespmem:$0x8100]  }
0xb8: {  	v1 =	vld [tilespmem:$0x8200]  }
0xb9: {  	v2 =	vld [tilespmem:$0x8110]  }
0xba: {  	v3 =	vld [tilespmem:$0x8210]  }
0xbb: {  	v4 =	vld [tilespmem:$0x8120]  }
0xbc: {  	v5 =	vld [tilespmem:$0x8220]  }
0xbd: {  	v6 =	vld [tilespmem:$0x8130]  }
0xbe: {  	v7 =	vld [tilespmem:$0x8230]  }
0xbf: {  	v8 =	vld [tilespmem:$0x8140]  }
0xc0: {  	v9 =	vld [tilespmem:$0x8240]  }
0xc1: {  	v10 =	vld [tilespmem:$0x8150]  }
0xc2: {  	v11 =	vld [tilespmem:$0x8250]  }
0xc3: {  	v12 =	vld [tilespmem:$0x8160]  }
0xc4: {  	v13 =	vld [tilespmem:$0x8260]  }
0xc5: {  	v14 =	vld [tilespmem:$0x8170]  }
0xc6: {  	v15 =	vld [tilespmem:$0x8270]  }
0xc7: {  	v16 =	vld [tilespmem:$0x8180]  }
0xc8: {  	v17 =	vld [tilespmem:$0x8280]  }
0xc9: {  	v18 =	vld [tilespmem:$0x8190]  }
0xca: {  	v19 =	vld [tilespmem:$0x8290]  }
0xcb: {  	v20 =	vld [tilespmem:$0x81A0]  }
0xcc: {  	v32 =	vld [tilespmem:$0x82A0];
	v0 =	vsub.f32 v0, v1  }
0xcd: {  	v33 =	vld [tilespmem:$0x81B0];
	v2 =	vsub.f32 v2, v3  }
0xce: {  	v34 =	vld [tilespmem:$0x82B0];
	v4 =	vsub.f32 v4, v5;
	v0 =	vmul.f32 $1.442695020e+00, v0  }
0xcf: {  	v35 =	vld [tilespmem:$0x81C0];
	v6 =	vsub.f32 v6, v7;
	v2 =	vmul.f32 $1.442695020e+00, v2  }
0xd0: {  	v38 =	vld [tilespmem:$0x82C0];
	v37 =	vsub.f32 v8, v9;
	v36 =	vmul.f32 $1.442695020e+00, v4;
	(erf) = vpow2.f32 v0  }
0xd1: {  	v41 =	vld [tilespmem:$0x81D0];
	v40 =	vsub.f32 v10, v11;
	v39 =	vmul.f32 $1.442695020e+00, v6;
	(erf) = vpow2.f32 v2  }
0xd2: {  	v44 =	vld [tilespmem:$0x82D0];
	v43 =	vsub.f32 v12, v13;
	v42 =	vmul.f32 $1.442695020e+00, v37;
	(erf) = vpow2.f32 v36  }
0xd3: {  	v47 =	vld [tilespmem:$0x81E0];
	v46 =	vsub.f32 v14, v15;
	v45 =	vmul.f32 $1.442695020e+00, v40;
	(erf) = vpow2.f32 v39  }
0xd4: {  	v53 =	vld [tilespmem:$0x82F0];
	v49 =	vsub.f32 v16, v17;
	v48 =	vmul.f32 $1.442695020e+00, v43;
	(erf) = vpow2.f32 v42  }
0xd5: {  	v12 =	vld [tilespmem:$0x82E0];
	v51 =	vsub.f32 v18, v19;
	v50 =	vmul.f32 $1.442695020e+00, v46;
	(erf) = vpow2.f32 v45  }
0xd6: {  	v13 =	vld [tilespmem:$0x81F0];
	v1 =	vsub.f32 v20, v32;
	v52 =	vmul.f32 $1.442695020e+00, v49;
	(erf) = vpow2.f32 v48  }
0xd7: {  	v3 =	vsub.f32 v33, v34;
	v54 =	vmul.f32 $1.442695020e+00, v51;
	(erf) = vpow2.f32 v50  }
0xd8: {  	v56 =	vsub.f32 v35, v38;
	v55 =	vmul.f32 $1.442695020e+00, v1;
	(erf) = vpow2.f32 v52  }
0xd9: {  	v59 =	vsub.f32 v41, v44;
	v58 =	vmul.f32 $1.442695020e+00, v3;
	v57 =	vpop (erf);
	(erf) = vpow2.f32 v54  }
0xda: {  	v61 =	vmul.f32 $1.442695020e+00, v56;
	v62 =	vsub.f32 v47, v12;
	[tilespmem:$0x8300] =	vst v57;
	v60 =	vpop (erf);
	(erf) = vpow2.f32 v55  }
0xdb: {  	v8 =	vmul.f32 $1.442695020e+00, v59;
	v9 =	vsub.f32 v13, v53;
	[tilespmem:$0x8310] =	vst v60;
	v63 =	vpop (erf);
	(erf) = vpow2.f32 v58  }
0xdc: {  	v11 =	vmul.f32 $1.442695020e+00, v62;
	[tilespmem:$0x8320] =	vst v63;
	v10 =	vpop (erf);
	(erf) = vpow2.f32 v61  }
0xdd: {  	v33 =	vmul.f32 $1.442695020e+00, v9;
	[tilespmem:$0x8330] =	vst v10;
	v32 =	vpop (erf);
	(erf) = vpow2.f32 v8  }
0xde: {  	[tilespmem:$0x8340] =	vst v32;
	v34 =	vpop (erf);
	(erf) = vpow2.f32 v11  }
0xdf: {  	[tilespmem:$0x8350] =	vst v34;
	v35 =	vpop (erf);
	(erf) = vpow2.f32 v33  }
0xe0: {  	v36 =	vpop (erf);
	[tilespmem:$0x8360] =	vst v35  }
0xe1: {  	v37 =	vpop (erf);
	[tilespmem:$0x8370] =	vst v36  }
0xe2: {  	v38 =	vpop (erf);
	[tilespmem:$0x8380] =	vst v37  }
0xe3: {  	v39 =	vpop (erf);
	[tilespmem:$0x8390] =	vst v38  }
0xe4: {  	v40 =	vpop (erf);
	[tilespmem:$0x83A0] =	vst v39  }
0xe5: {  	v41 =	vpop (erf);
	[tilespmem:$0x83B0] =	vst v40  }
0xe6: {  	v42 =	vpop (erf);
	[tilespmem:$0x83C0] =	vst v41  }
0xe7: {  	v43 =	vpop (erf);
	[tilespmem:$0x83D0] =	vst v42  }
0xe8: {  	[tilespmem:$0x83E0] =	vst v43;
	v44 =	vpop (erf)  }
0xe9: {  	s25 =	simm.s32 $0x0;
	[tilespmem:$0x83F0] =	vst v44  }
0xea: {  	v2 =	vld [tilespmem:s25+$0x0]  }
0xeb: {  	v4 =	vld [tilespmem:s25+$0x10]  }
0xec: {  	v6 =	vld [tilespmem:s25+$0x20]  }
0xed: {  	v7 =	vld [tilespmem:s25+$0x30]  }
0xee: {  	v9 =	vld [tilespmem:s25+$0x40]  }
0xef: {  	v10 =	vld [tilespmem:s25+$0x50]  }
0xf0: {  	v13 =	vld [tilespmem:s25+$0x60]  }
0xf1: {  	v14 =	vld [tilespmem:s25+$0x70]  }
0xf2: {  	v15 =	vld [tilespmem:s25+$0x80]  }
0xf3: {  	v16 =	vld [tilespmem:s25+$0x90]  }
0xf4: {  	v17 =	vld [tilespmem:s25+$0xA0]  }
0xf5: {  	v18 =	vld [tilespmem:s25+$0xB0]  }
0xf6: {  	v19 =	vld [tilespmem:s25+$0xC0]  }
0xf7: {  	v20 =	vld [tilespmem:s25+$0xD0]  }
0xf8: {  	v21 =	vld [tilespmem:s25+$0xE0]  }
0xf9: {  	v22 =	vld [tilespmem:s25+$0xF0]  }
0xfa: {  	v23 =	vld [tilespmem:s25+$0x100]  }
0xfb: {  	v24 =	vld [tilespmem:s25+$0x110]  }
0xfc: {  	v25 =	vld [tilespmem:s25+$0x120]  }
0xfd: {  	v27 =	vld [tilespmem:s25+$0x130]  }
0xfe: {  	v30 =	vld [tilespmem:s25+$0x140]  }
0xff: {  	v31 =	vld [tilespmem:s25+$0x150]  }
0x100: {  	v32 =	vld [tilespmem:s25+$0x160]  }
0x101: {  	v33 =	vld [tilespmem:s25+$0x170]  }
0x102: {  	v0 =	vld [tilespmem:s25+$0x180]  }
0x103: {  	v1 =	vld [tilespmem:s25+$0x190]  }
0x104: {  	s26 =	simm.s32 $0x0;
	v3 =	vld [tilespmem:s25+$0x1A0]  }
0x105: {  	s26 =	sand.u32 $0xF0, s26;
	v5 =	vld [tilespmem:s25+$0x1B0]  }
0x106: {  	v28 =	vld [tilespmem:s26+$0x8300]  }
0x107: {  	v45 =	vld [tilespmem:s25+$0x3C0]  }
0x108: {  	v44 =	vld [tilespmem:s25+$0x3D0]  }
0x109: {  	v8 =	vld [tilespmem:s25+$0x1C0]  }
0x10a: {  	v40 =	vld [tilespmem:s25+$0x3B0]  }
0x10b: {  	v53 =	vld [tilespmem:s25+$0x3E0]  }
0x10c: {  	[tilespmem:$0x1FDF0] =	vst v45;
	v45 =	vld [tilespmem:s25+$0x400]  }
0x10d: {  	v28 =	vadd.f32 $0.0e+00, v28;
	[tilespmem:$0x1FE00] =	vst v44;
	v44 =	vld [tilespmem:s25+$0x420]  }
0x10e: {  	v34 =	vld [tilespmem:s25+$0x1D0]  }
0x10f: {  	v35 =	vld [tilespmem:s25+$0x1E0];
	[tilespmem:$0x1FDE0] =	vst v40;
	v40 =	vbroadcast v28, $0x0  }
0x110: {  	v47 =	vld [tilespmem:s25+$0x1F0];
	[tilespmem:$0x1FE10] =	vst v53  }
0x111: {  	v36 =	vld [tilespmem:s25+$0x200];
	v53 =	vmul.f32 v40, v2;
	[tilespmem:$0x1FE20] =	vst v45  }
0x112: {  	v37 =	vld [tilespmem:s25+$0x210];
	v4 =	vmul.f32 v4, v40;
	[tilespmem:$0x1FE40] =	vst v44  }
0x113: {  	v6 =	vmul.f32 v6, v40;
	[tilespmem:s25+$0x8400] =	vst v53;
	v53 =	vld [tilespmem:s25+$0x410]  }
0x114: {  	v38 =	vld [tilespmem:s25+$0x220];
	v7 =	vmul.f32 v7, v40;
	[tilespmem:s25+$0x8410] =	vst v4  }
0x115: {  	v39 =	vld [tilespmem:s25+$0x230];
	v9 =	vmul.f32 v9, v40;
	[tilespmem:s25+$0x8420] =	vst v6  }
0x116: {  	v41 =	vld [tilespmem:s25+$0x240];
	[tilespmem:s25+$0x8430] =	vst v7  }
0x117: {  	v42 =	vld [tilespmem:s25+$0x250];
	v10 =	vmul.f32 v10, v40;
	[tilespmem:s25+$0x8440] =	vst v9  }
0x118: {  	v13 =	vmul.f32 v13, v40;
	v45 =	vld [tilespmem:s25+$0x430];
	[tilespmem:$0x1FE30] =	vst v53;
	v53 =	vbroadcast v28, $0x1  }
0x119: {  	v11 =	vld [tilespmem:s25+$0x260];
	v14 =	vmul.f32 v14, v40;
	[tilespmem:s25+$0x8450] =	vst v10  }
0x11a: {  	v48 =	vld [tilespmem:s25+$0x270];
	[tilespmem:s25+$0x8460] =	vst v13;
	v15 =	vmul.f32 v15, v53  }
0x11b: {  	v46 =	vld [tilespmem:s25+$0x280];
	[tilespmem:s25+$0x8470] =	vst v14  }
0x11c: {  	v49 =	vld [tilespmem:s25+$0x290];
	[tilespmem:s25+$0x8480] =	vst v15;
	v15 =	vmul.f32 v16, v53  }
0x11d: {  	v50 =	vld [tilespmem:s25+$0x2A0];
	[tilespmem:$0x1FE50] =	vst v45;
	v16 =	vmul.f32 v17, v53  }
0x11e: {  	v51 =	vld [tilespmem:s25+$0x2B0];
	v17 =	vmul.f32 v18, v53;
	[tilespmem:s25+$0x8490] =	vst v15  }
0x11f: {  	v52 =	vld [tilespmem:s25+$0x2C0];
	v18 =	vmul.f32 v19, v53;
	[tilespmem:s25+$0x84A0] =	vst v16  }
0x120: {  	v62 =	vld [tilespmem:s25+$0x2D0];
	v19 =	vmul.f32 v20, v53;
	[tilespmem:s25+$0x84B0] =	vst v17  }
0x121: {  	v12 =	vld [tilespmem:s25+$0x2E0];
	v45 =	vbroadcast v28, $0x2;
	v20 =	vmul.f32 v21, v53;
	[tilespmem:s25+$0x84C0] =	vst v18  }
0x122: {  	v26 =	vld [tilespmem:s25+$0x2F0];
	v21 =	vmul.f32 v22, v53;
	[tilespmem:s25+$0x84D0] =	vst v19  }
0x123: {  	v56 =	vld [tilespmem:s25+$0x300];
	v22 =	vmul.f32 v24, v45;
	[tilespmem:s25+$0x84E0] =	vst v20  }
0x124: {  	v57 =	vld [tilespmem:s25+$0x310];
	v24 =	vmul.f32 v27, v45;
	[tilespmem:s25+$0x84F0] =	vst v21  }
0x125: {  	v58 =	vld [tilespmem:s25+$0x320];
	v27 =	vmul.f32 v31, v45;
	[tilespmem:s25+$0x8510] =	vst v22  }
0x126: {  	v59 =	vld [tilespmem:s25+$0x330];
	v21 =	vmul.f32 v23, v45;
	[tilespmem:s25+$0x8530] =	vst v24  }
0x127: {  	v60 =	vld [tilespmem:s25+$0x340];
	[tilespmem:s25+$0x8550] =	vst v27;
	v27 =	vmul.f32 v32, v45  }
0x128: {  	v61 =	vld [tilespmem:s25+$0x350];
	v23 =	vmul.f32 v25, v45;
	v25 =	vmul.f32 v30, v45;
	[tilespmem:s25+$0x8500] =	vst v21  }
0x129: {  	v43 =	vld [tilespmem:s25+$0x360];
	v30 =	vmul.f32 v33, v45;
	[tilespmem:s25+$0x8560] =	vst v27;
	v27 =	vbroadcast v28, $0x3  }
0x12a: {  	v63 =	vld [tilespmem:s25+$0x370];
	[tilespmem:s25+$0x8520] =	vst v23  }
0x12b: {  	v55 =	vld [tilespmem:s25+$0x380];
	[tilespmem:s25+$0x8570] =	vst v30;
	v30 =	vmul.f32 v0, v27  }
0x12c: {  	v54 =	vld [tilespmem:s25+$0x390];
	[tilespmem:s25+$0x8540] =	vst v25;
	v1 =	vmul.f32 v1, v27  }
0x12d: {  	v29 =	vld [tilespmem:s25+$0x3A0];
	v33 =	vmul.f32 v3, v27;
	[tilespmem:s25+$0x8580] =	vst v30  }
0x12e: {  	v2 =	vld [tilespmem:s25+$0x3F0];
	v8 =	vmul.f32 v8, v27;
	[tilespmem:s25+$0x8590] =	vst v1  }
0x12f: {  	v40 =	vld [tilespmem:s25+$0x490];
	[tilespmem:s25+$0x85A0] =	vst v33;
	v1 =	vmul.f32 v35, v27  }
0x130: {  	v44 =	vld [tilespmem:s25+$0x4F0];
	v5 =	vmul.f32 v5, v27;
	[tilespmem:s25+$0x85C0] =	vst v8  }
0x131: {  	v7 =	vld [tilespmem:s25+$0x440];
	v8 =	vmul.f32 v47, v27;
	[tilespmem:s25+$0x85E0] =	vst v1;
	v1 =	vbroadcast v28, $0x4  }
0x132: {  	v9 =	vld [tilespmem:s25+$0x450];
	[tilespmem:s25+$0x85B0] =	vst v5;
	v5 =	vmul.f32 v34, v27  }
0x133: {  	v10 =	vld [tilespmem:s25+$0x460];
	[tilespmem:s25+$0x85F0] =	vst v8;
	v8 =	vmul.f32 v36, v1  }
0x134: {  	v4 =	vld [tilespmem:s25+$0x470];
	v3 =	vbroadcast v28, $0x5;
	[tilespmem:s25+$0x85D0] =	vst v5;
	v11 =	vmul.f32 v11, v1  }
0x135: {  	v6 =	vld [tilespmem:s25+$0x480];
	[tilespmem:s25+$0x8600] =	vst v8;
	v8 =	vmul.f32 v37, v1  }
0x136: {  	v14 =	vld [tilespmem:s25+$0x6F0];
	[tilespmem:s25+$0x8660] =	vst v11;
	v11 =	vmul.f32 v49, v3  }
0x137: {  	v49 =	vld [tilespmem:s25+$0x690];
	[tilespmem:s25+$0x8610] =	vst v8;
	v8 =	vmul.f32 v38, v1  }
0x138: {  	v53 =	vld [tilespmem:s25+$0x560];
	[tilespmem:s25+$0x8690] =	vst v11;
	v11 =	vmul.f32 v51, v3  }
0x139: {  	v51 =	vmul.f32 v52, v3;
	v52 =	vld [tilespmem:s25+$0x6C0];
	[tilespmem:s25+$0x8620] =	vst v8  }
0x13a: {  	v31 =	vld [tilespmem:s25+$0x5A0];
	[tilespmem:s25+$0x86B0] =	vst v11  }
0x13b: {  	v8 =	vmul.f32 v39, v1;
	[tilespmem:s25+$0x86C0] =	vst v51;
	v11 =	vld [tilespmem:s25+$0x6D0]  }
0x13c: {  	v51 =	vld [tilespmem:s25+$0x6E0];
	[tilespmem:$0x1FE70] =	vst v49  }
0x13d: {  	v15 =	vld [tilespmem:s25+$0x4A0];
	[tilespmem:s25+$0x8630] =	vst v8;
	v8 =	vmul.f32 v41, v1  }
0x13e: {  	v16 =	vld [tilespmem:s25+$0x4B0];
	[tilespmem:$0x1FE90] =	vst v52  }
0x13f: {  	v49 =	vld [tilespmem:s25+$0x6B0];
	[tilespmem:s25+$0x8640] =	vst v8  }
0x140: {  	v17 =	vld [tilespmem:s25+$0x4C0];
	v8 =	vmul.f32 v42, v1;
	[tilespmem:$0x1FEA0] =	vst v11  }
0x141: {  	v18 =	vld [tilespmem:s25+$0x4D0];
	v1 =	vmul.f32 v48, v1;
	[tilespmem:$0x1FEB0] =	vst v51  }
0x142: {  	v19 =	vld [tilespmem:s25+$0x4E0];
	[tilespmem:s25+$0x8650] =	vst v8  }
0x143: {  	v20 =	vld [tilespmem:s25+$0x500];
	[tilespmem:s25+$0x8670] =	vst v1;
	v8 =	vmul.f32 v46, v3  }
0x144: {  	v11 =	vld [tilespmem:s25+$0x720];
	[tilespmem:$0x1FE80] =	vst v49;
	v49 =	vmul.f32 v12, v3;
	v1 =	vbroadcast v28, $0x6  }
0x145: {  	v22 =	vld [tilespmem:s25+$0x520];
	[tilespmem:s25+$0x8680] =	vst v8;
	v8 =	vmul.f32 v50, v3  }
0x146: {  	v24 =	vld [tilespmem:s25+$0x540];
	[tilespmem:s25+$0x86E0] =	vst v49;
	v52 =	vmul.f32 v56, v1  }
0x147: {  	v45 =	vld [tilespmem:s25+$0x570];
	[tilespmem:s25+$0x86A0] =	vst v8  }
0x148: {  	v32 =	vld [tilespmem:s25+$0x5B0];
	v49 =	vmul.f32 v59, v1;
	[tilespmem:s25+$0x8700] =	vst v52  }
0x149: {  	v21 =	vld [tilespmem:s25+$0x510];
	v51 =	vmul.f32 v60, v1;
	[tilespmem:$0x1FEE0] =	vst v11  }
0x14a: {  	v23 =	vld [tilespmem:s25+$0x530];
	v8 =	vmul.f32 v62, v3;
	[tilespmem:s25+$0x8730] =	vst v49  }
0x14b: {  	v25 =	vld [tilespmem:s25+$0x550];
	v3 =	vmul.f32 v26, v3;
	[tilespmem:s25+$0x8740] =	vst v51  }
0x14c: {  	v0 =	vld [tilespmem:s25+$0x580];
	v62 =	vmul.f32 v57, v1;
	[tilespmem:s25+$0x86D0] =	vst v8  }
0x14d: {  	v30 =	vld [tilespmem:s25+$0x590];
	v52 =	vmul.f32 v61, v1;
	[tilespmem:s25+$0x86F0] =	vst v3  }
0x14e: {  	v51 =	vld [tilespmem:s25+$0x7A0];
	[tilespmem:s25+$0x8710] =	vst v62;
	v8 =	vmul.f32 v58, v1  }
0x14f: {  	v33 =	vld [tilespmem:s25+$0x5C0];
	[tilespmem:s25+$0x8750] =	vst v52;
	v58 =	vmul.f32 v43, v1  }
0x150: {  	v34 =	vld [tilespmem:s25+$0x5D0];
	v1 =	vmul.f32 v63, v1;
	v3 =	vbroadcast v28, $0x7;
	[tilespmem:s25+$0x8720] =	vst v8  }
0x151: {  	v35 =	vld [tilespmem:s25+$0x5E0];
	[tilespmem:s25+$0x8760] =	vst v58  }
0x152: {  	v43 =	vld [tilespmem:s25+$0x790];
	[tilespmem:s25+$0x8770] =	vst v1;
	v8 =	vmul.f32 v55, v3  }
0x153: {  	v52 =	vld [tilespmem:$0x1FDE0];
	v11 =	vmul.f32 v54, v3;
	[tilespmem:$0x1FF70] =	vst v51  }
0x154: {  	v49 =	vmul.f32 v29, v3;
	v54 =	vld [tilespmem:s25+$0x7B0];
	[tilespmem:s25+$0x8780] =	vst v8  }
0x155: {  	v47 =	vld [tilespmem:s25+$0x5F0];
	v2 =	vmul.f32 v2, v3;
	[tilespmem:s25+$0x8790] =	vst v11  }
0x156: {  	v58 =	vld [tilespmem:s25+$0x7C0];
	[tilespmem:s25+$0x87A0] =	vst v49  }
0x157: {  	v55 =	vld [tilespmem:$0x1FDF0];
	[tilespmem:s25+$0x87F0] =	vst v2  }
0x158: {  	v27 =	vld [tilespmem:s25+$0x660];
	v49 =	vbroadcast v28, $0x8;
	[tilespmem:$0x1FF50] =	vst v43;
	v1 =	vmul.f32 v52, v3  }
0x159: {  	v8 =	vld [tilespmem:$0x1FE00];
	[tilespmem:$0x1FF90] =	vst v54  }
0x15a: {  	v11 =	vld [tilespmem:s25+$0x7D0];
	v9 =	vmul.f32 v9, v49;
	[tilespmem:s25+$0x87B0] =	vst v1  }
0x15b: {  	v36 =	vld [tilespmem:s25+$0x600];
	v10 =	vmul.f32 v10, v49;
	[tilespmem:$0x1FFB0] =	vst v58  }
0x15c: {  	v52 =	vld [tilespmem:$0x1FE30];
	v1 =	vmul.f32 v55, v3;
	[tilespmem:s25+$0x8850] =	vst v9  }
0x15d: {  	v43 =	vld [tilespmem:$0x1FE10];
	[tilespmem:s25+$0x8860] =	vst v10  }
0x15e: {  	v37 =	vld [tilespmem:s25+$0x610];
	[tilespmem:s25+$0x87C0] =	vst v1;
	v1 =	vmul.f32 v8, v3  }
0x15f: {  	v51 =	vld [tilespmem:$0x1FE20];
	[tilespmem:$0x1FFD0] =	vst v11;
	v8 =	vmul.f32 v7, v49  }
0x160: {  	v58 =	vld [tilespmem:$0x1FE50];
	v11 =	vmul.f32 v4, v49;
	[tilespmem:s25+$0x87D0] =	vst v1  }
0x161: {  	v54 =	vld [tilespmem:$0x1FE40];
	v7 =	vbroadcast v28, $0x9;
	v2 =	vmul.f32 v52, v49;
	[tilespmem:s25+$0x8840] =	vst v8  }
0x162: {  	v38 =	vld [tilespmem:s25+$0x620];
	v1 =	vmul.f32 v43, v3;
	[tilespmem:s25+$0x8870] =	vst v11  }
0x163: {  	v39 =	vld [tilespmem:s25+$0x630];
	v43 =	vmul.f32 v6, v7;
	[tilespmem:s25+$0x8810] =	vst v2  }
0x164: {  	v41 =	vld [tilespmem:s25+$0x640];
	[tilespmem:s25+$0x87E0] =	vst v1;
	v1 =	vmul.f32 v51, v49  }
0x165: {  	v42 =	vld [tilespmem:s25+$0x650];
	v2 =	vmul.f32 v58, v49;
	[tilespmem:s25+$0x8880] =	vst v43  }
0x166: {  	v48 =	vld [tilespmem:s25+$0x670];
	[tilespmem:s25+$0x8800] =	vst v1;
	v1 =	vmul.f32 v54, v49  }
0x167: {  	v46 =	vld [tilespmem:s25+$0x680];
	[tilespmem:s25+$0x8830] =	vst v2;
	v49 =	vmul.f32 v40, v7  }
0x168: {  	s26 =	simm.s32 $0x800;
	v50 =	vld [tilespmem:s25+$0x6A0];
	[tilespmem:s25+$0x8820] =	vst v1  }
0x169: {  	v51 =	vmul.f32 v15, v7;
	v3 =	vld [tilespmem:s26+$0x0];
	[tilespmem:s25+$0x8890] =	vst v49  }
0x16a: {  	v52 =	vmul.f32 v16, v7;
	v2 =	vld [tilespmem:s26+$0x10]  }
0x16b: {  	v56 =	vld [tilespmem:s25+$0x700];
	v54 =	vmul.f32 v17, v7;
	[tilespmem:s25+$0x88A0] =	vst v51  }
0x16c: {  	v58 =	vmul.f32 v18, v7;
	v43 =	vld [tilespmem:s26+$0x20];
	[tilespmem:s25+$0x88B0] =	vst v52  }
0x16d: {  	v4 =	vld [tilespmem:s26+$0x30];
	[tilespmem:s25+$0x88C0] =	vst v54  }
0x16e: {  	v12 =	vbroadcast v28, $0xA;
	v5 =	vmul.f32 v19, v7;
	v1 =	vld [tilespmem:s26+$0x40];
	[tilespmem:s25+$0x88D0] =	vst v58  }
0x16f: {  	v57 =	vld [tilespmem:s25+$0x710];
	v40 =	vmul.f32 v44, v7;
	[tilespmem:$0x1FE60] =	vst v2  }
0x170: {  	v44 =	vmul.f32 v20, v12;
	v2 =	vld [tilespmem:s26+$0x50];
	[tilespmem:s25+$0x88E0] =	vst v5  }
0x171: {  	v54 =	vmul.f32 v21, v12;
	v5 =	vld [tilespmem:s26+$0x60];
	[tilespmem:s25+$0x88F0] =	vst v40  }
0x172: {  	v58 =	vmul.f32 v22, v12;
	v51 =	vld [tilespmem:s26+$0x70];
	[tilespmem:s25+$0x8900] =	vst v44  }
0x173: {  	v7 =	vmul.f32 v23, v12;
	v6 =	vld [tilespmem:s26+$0x80];
	[tilespmem:s25+$0x8910] =	vst v54  }
0x174: {  	v15 =	vmul.f32 v24, v12;
	v17 =	vld [tilespmem:s26+$0x90];
	[tilespmem:s25+$0x8920] =	vst v58  }
0x175: {  	v16 =	vmul.f32 v25, v12;
	v21 =	vld [tilespmem:s26+$0xA0];
	[tilespmem:s25+$0x8930] =	vst v7  }
0x176: {  	v19 =	vbroadcast v28, $0xB;
	v23 =	vld [tilespmem:s26+$0xB0];
	[tilespmem:s25+$0x8940] =	vst v15;
	v15 =	vmul.f32 v53, v12  }
0x177: {  	v12 =	vmul.f32 v45, v12;
	v7 =	vld [tilespmem:s26+$0xC0];
	[tilespmem:s25+$0x8950] =	vst v16  }
0x178: {  	v0 =	vmul.f32 v0, v19;
	v22 =	vmov v1;
	v1 =	vld [tilespmem:s26+$0xD0];
	[tilespmem:s25+$0x8960] =	vst v15  }
0x179: {  	v8 =	vld [tilespmem:s26+$0xE0];
	[tilespmem:s25+$0x8970] =	vst v12;
	v12 =	vmul.f32 v30, v19  }
0x17a: {  	v11 =	vmul.f32 v31, v19;
	v52 =	vld [tilespmem:s26+$0xF0];
	[tilespmem:s25+$0x8980] =	vst v0  }
0x17b: {  	v9 =	vld [tilespmem:s26+$0x100];
	[tilespmem:s25+$0x8990] =	vst v12;
	v12 =	vmul.f32 v32, v19  }
0x17c: {  	v49 =	vld [tilespmem:s26+$0x110];
	[tilespmem:s25+$0x89A0] =	vst v11  }
0x17d: {  	v32 =	vmul.f32 v33, v19;
	v30 =	vld [tilespmem:s26+$0x120];
	[tilespmem:s25+$0x89B0] =	vst v12  }
0x17e: {  	v12 =	vmul.f32 v34, v19;
	v54 =	vld [tilespmem:s26+$0x130]  }
0x17f: {  	v15 =	vbroadcast v28, $0xC;
	v33 =	vmul.f32 v35, v19;
	[tilespmem:s25+$0x89C0] =	vst v32;
	v32 =	vld [tilespmem:$0x1FE90]  }
0x180: {  	v26 =	vld [tilespmem:s26+$0x140];
	[tilespmem:s25+$0x89D0] =	vst v12;
	v12 =	vmul.f32 v47, v19  }
0x181: {  	v34 =	vmul.f32 v36, v15;
	v58 =	vld [tilespmem:s26+$0x150];
	[tilespmem:s25+$0x89E0] =	vst v33  }
0x182: {  	v35 =	vmul.f32 v38, v15;
	v33 =	vld [tilespmem:s26+$0x160];
	[tilespmem:s25+$0x89F0] =	vst v12;
	v12 =	vmul.f32 v37, v15  }
0x183: {  	v38 =	vmul.f32 v27, v15;
	v27 =	vbroadcast v28, $0xD;
	v44 =	vld [tilespmem:s26+$0x170];
	[tilespmem:s25+$0x8A00] =	vst v34  }
0x184: {  	v34 =	vld [tilespmem:s26+$0x180];
	[tilespmem:s25+$0x8A10] =	vst v12;
	v12 =	vmul.f32 v39, v15  }
0x185: {  	v39 =	vmul.f32 v46, v27;
	v46 =	vmul.f32 v50, v27;
	v50 =	vld [tilespmem:$0x1FE80]  }
0x186: {  	v40 =	vld [tilespmem:s26+$0x190];
	[tilespmem:s25+$0x8A20] =	vst v35  }
0x187: {  	v37 =	vld [tilespmem:s26+$0x1A0]  }
0x188: {  	v36 =	vmul.f32 v41, v15;
	[tilespmem:s25+$0x8A30] =	vst v12;
	v12 =	vmul.f32 v42, v15;
	v42 =	vld [tilespmem:$0x1FE70]  }
0x189: {  	v45 =	vld [tilespmem:s26+$0x1B0]  }
0x18a: {  	[tilespmem:s25+$0x8A40] =	vst v36;
	v36 =	vld [tilespmem:$0x1FEA0]  }
0x18b: {  	v41 =	vld [tilespmem:s26+$0x1C0];
	[tilespmem:s25+$0x8A50] =	vst v12  }
0x18c: {  	v47 =	vld [tilespmem:s26+$0x1D0]  }
0x18d: {  	v12 =	vmul.f32 v48, v15;
	[tilespmem:s25+$0x8A60] =	vst v38;
	v38 =	vld [tilespmem:$0x1FEB0]  }
0x18e: {  	v20 =	vmul.f32 v50, v27;
	v50 =	vld [tilespmem:$0x1FEE0];
	v15 =	vmul.f32 v42, v27  }
0x18f: {  	v48 =	vld [tilespmem:s26+$0x1E0];
	[tilespmem:s25+$0x8A70] =	vst v12  }
0x190: {  	v53 =	vld [tilespmem:s26+$0x1F0];
	[tilespmem:s25+$0x8A80] =	vst v39  }
0x191: {  	v24 =	vld [tilespmem:s26+$0x200];
	[tilespmem:s25+$0x8A90] =	vst v15  }
0x192: {  	v0 =	vmul.f32 v32, v27;
	v15 =	vmov v3;
	v3 =	vld [tilespmem:s26+$0x210];
	[tilespmem:s25+$0x8AA0] =	vst v46  }
0x193: {  	v25 =	vmul.f32 v36, v27;
	v35 =	vld [tilespmem:s26+$0x220];
	[tilespmem:s25+$0x8AB0] =	vst v20  }
0x194: {  	v46 =	vbroadcast v28, $0xE;
	v20 =	vld [tilespmem:s26+$0x230];
	[tilespmem:s25+$0x8AC0] =	vst v0;
	v0 =	vmul.f32 v38, v27  }
0x195: {  	v27 =	vmul.f32 v14, v27;
	v10 =	vld [tilespmem:s26+$0x240];
	[tilespmem:s25+$0x8AD0] =	vst v25  }
0x196: {  	v39 =	vmul.f32 v56, v46;
	v25 =	vld [tilespmem:s26+$0x250];
	[tilespmem:s25+$0x8AE0] =	vst v0  }
0x197: {  	v38 =	vld [tilespmem:s26+$0x260];
	[tilespmem:s25+$0x8AF0] =	vst v27  }
0x198: {  	v42 =	vld [tilespmem:s26+$0x270];
	[tilespmem:s25+$0x8B00] =	vst v39  }
0x199: {  	v0 =	vld [tilespmem:s26+$0x280];
	_ =	sdelay $0x3  }
0x19a: {  	v59 =	vld [tilespmem:s25+$0x730];
	v31 =	vmul.f32 v57, v46  }
0x19b: {  	v60 =	vld [tilespmem:s25+$0x740];
	[tilespmem:$0x1FED0] =	vst v0;
	v0 =	vmul.f32 v50, v46  }
0x19c: {  	[tilespmem:s25+$0x8B10] =	vst v31  }
0x19d: {  	v57 =	vld [tilespmem:s26+$0x290];
	[tilespmem:s25+$0x8B20] =	vst v0  }
0x19e: {  	v0 =	vld [tilespmem:s26+$0x2A0]  }
0x19f: {  	v61 =	vld [tilespmem:s25+$0x750];
	v59 =	vmul.f32 v59, v46  }
0x1a0: {  	v62 =	vld [tilespmem:s25+$0x760];
	v27 =	vmov v9;
	v9 =	vmul.f32 v60, v46  }
0x1a1: {  	[tilespmem:s25+$0x8B30] =	vst v59  }
0x1a2: {  	v11 =	vld [tilespmem:s26+$0x2B0];
	[tilespmem:s25+$0x8B40] =	vst v9  }
0x1a3: {  	[tilespmem:$0x1FF00] =	vst v0;
	v0 =	vld [tilespmem:s26+$0x2C0]  }
0x1a4: {  	v13 =	vld [tilespmem:s25+$0x770];
	v32 =	vmul.f32 v61, v46  }
0x1a5: {  	v63 =	vld [tilespmem:s25+$0x780];
	v39 =	vmul.f32 v62, v46  }
0x1a6: {  	[tilespmem:s25+$0x8B50] =	vst v32  }
0x1a7: {  	v50 =	vld [tilespmem:s26+$0x2D0];
	[tilespmem:s25+$0x8B60] =	vst v39  }
0x1a8: {  	v36 =	vmov v1;
	v1 =	vbroadcast v28, $0xF;
	[tilespmem:$0x1FF20] =	vst v0;
	v0 =	vld [tilespmem:s26+$0x2E0]  }
0x1a9: {  	[tilespmem:$0x1FEF0] =	vst v57;
	v57 =	vmul.f32 v13, v46  }
0x1aa: {  	v28 =	vmov v5;
	v5 =	vld [tilespmem:$0x1FF70];
	v59 =	vmul.f32 v63, v1  }
0x1ab: {  	v60 =	vld [tilespmem:$0x1FF50];
	[tilespmem:s25+$0x8B70] =	vst v57  }
0x1ac: {  	v39 =	vld [tilespmem:s26+$0x2F0];
	[tilespmem:s25+$0x8B80] =	vst v59  }
0x1ad: {  	[tilespmem:$0x1FF40] =	vst v0;
	v0 =	vld [tilespmem:s26+$0x300];
	_ =	sdelay $0x3  }
0x1ae: {  	v63 =	vmul.f32 v60, v1  }
0x1af: {  	v46 =	vmov v8;
	v8 =	vld [tilespmem:$0x1FF90];
	[tilespmem:$0x1FF60] =	vst v0;
	v0 =	vmul.f32 v5, v1  }
0x1b0: {  	v62 =	vmov v10;
	v10 =	vld [tilespmem:$0x1FFB0];
	[tilespmem:s25+$0x8B90] =	vst v63  }
0x1b1: {  	v61 =	vmov v6;
	v6 =	vld [tilespmem:s26+$0x310];
	[tilespmem:s25+$0x8BA0] =	vst v0  }
0x1b2: {  	v0 =	vld [tilespmem:s26+$0x320]  }
0x1b3: {  	v32 =	vld [tilespmem:$0x1FFD0]  }
0x1b4: {  	v9 =	vmul.f32 v8, v1  }
0x1b5: {  	[tilespmem:$0x1FEC0] =	vst v42  }
0x1b6: {  	[tilespmem:s25+$0x8BB0] =	vst v9  }
0x1b7: {  	v29 =	vld [tilespmem:s25+$0x7E0];
	[tilespmem:$0x1FFA0] =	vst v0;
	v0 =	vmul.f32 v10, v1  }
0x1b8: {  	[tilespmem:$0x1FF10] =	vst v11;
	v42 =	vmul.f32 v32, v1;
	v11 =	vld [tilespmem:s26+$0x330]  }
0x1b9: {  	v55 =	vld [tilespmem:s25+$0x7F0];
	[tilespmem:s25+$0x8BC0] =	vst v0  }
0x1ba: {  	v0 =	vld [tilespmem:s26+$0x340];
	[tilespmem:s25+$0x8BD0] =	vst v42  }
0x1bb: {  	[tilespmem:$0x1FF30] =	vst v50;
	v63 =	vld [tilespmem:s26+$0x350]  }
0x1bc: {  	v60 =	vmul.f32 v29, v1;
	[tilespmem:$0x1FF80] =	vst v6  }
0x1bd: {  	[tilespmem:$0x1FFC0] =	vst v11  }
0x1be: {  	[tilespmem:s25+$0x8BE0] =	vst v60  }
0x1bf: {  	[tilespmem:$0x1FFE0] =	vst v0  }
0x1c0: {  	s30 =	simm.s32 $0x10;
	s29 =	simm.s32 $0x2;
	v55 =	vmul.f32 v55, v1;
	v56 =	vmovc v2;
	v31 =	vmovc v3;
	v57 =	vmov v4;
	v50 =	vmov v7;
	[tilespmem:$0x1FFF0] =	vst v63  }
.LBB2_4:
0x1c1: {  	v0 =	vld [tilespmem:s26+$0x360]  }
0x1c2: {  	s30 =	sand.u32 $0xF0, s30;
	[tilespmem:s25+$0x8BF0] =	vst v55;
	v32 =	vld [tilespmem:$0x1FE60]  }
0x1c3: {  	s25 =	smov.u32 s26;
	v6 =	vld [tilespmem:s30+$0x8300]  }
0x1c4: {  	v63 =	vld [tilespmem:s25+$0x370]  }
0x1c5: {  	v1 =	vld [tilespmem:s25+$0x380]  }
0x1c6: {  	v60 =	vld [tilespmem:s25+$0x390]  }
0x1c7: {  	v7 =	vld [tilespmem:s25+$0x3A0]  }
0x1c8: {  	v8 =	vld [tilespmem:s25+$0x3B0]  }
0x1c9: {  	v9 =	vld [tilespmem:s25+$0x3C0]  }
0x1ca: {  	v10 =	vld [tilespmem:s25+$0x3D0];
	[tilespmem:$0x1FC40] =	vst v0;
	v55 =	vadd.f32 $0.0e+00, v6  }
0x1cb: {  	v59 =	vld [tilespmem:s25+$0x410];
	[tilespmem:$0x1FC50] =	vst v1  }
0x1cc: {  	v5 =	vld [tilespmem:s25+$0x430];
	[tilespmem:$0x1FC60] =	vst v7;
	v3 =	vbroadcast v55, $0x0  }
0x1cd: {  	v11 =	vld [tilespmem:s25+$0x3E0];
	[tilespmem:$0x1FC70] =	vst v8;
	v8 =	vbroadcast v55, $0x1  }
0x1ce: {  	v42 =	vld [tilespmem:s25+$0x3F0];
	[tilespmem:$0x1FC80] =	vst v9;
	v12 =	vbroadcast v55, $0x2;
	v2 =	vmul.f32 v3, v15  }
0x1cf: {  	v4 =	vld [tilespmem:s25+$0x420];
	[tilespmem:$0x1FC90] =	vst v10;
	v9 =	vmul.f32 v57, v3;
	v10 =	vmul.f32 v22, v3  }
0x1d0: {  	[tilespmem:$0x1FCD0] =	vst v59;
	v59 =	vld [tilespmem:s25+$0x4C0];
	v16 =	vmul.f32 v61, v8;
	v17 =	vmul.f32 v17, v8  }
0x1d1: {  	[tilespmem:$0x1FCF0] =	vst v5;
	v5 =	vld [tilespmem:s25+$0x4F0];
	v18 =	vmul.f32 v21, v8;
	v19 =	vmul.f32 v23, v8  }
0x1d2: {  	v0 =	vmov v20;
	[tilespmem:$0x1FCA0] =	vst v11;
	v57 =	vld [tilespmem:s25+$0x400];
	v20 =	vmul.f32 v50, v8;
	v21 =	vmul.f32 v36, v8  }
0x1d3: {  	[tilespmem:$0x1FCB0] =	vst v42;
	v22 =	vmul.f32 v46, v8;
	v29 =	vmul.f32 v52, v8;
	v8 =	vld [tilespmem:s25+$0x480]  }
0x1d4: {  	[tilespmem:$0x1FCE0] =	vst v4;
	v6 =	vmul.f32 v32, v3;
	v61 =	vld [tilespmem:s25+$0x4B0]  }
0x1d5: {  	v7 =	vmul.f32 v43, v3;
	v32 =	vmul.f32 v58, v12;
	v58 =	vld [tilespmem:s25+$0x4D0];
	[tilespmem:s25+$0x8400] =	vst v2  }
0x1d6: {  	v50 =	vld [tilespmem:s25+$0x510];
	[tilespmem:s25+$0x8410] =	vst v6  }
0x1d7: {  	v1 =	vmul.f32 v49, v12;
	v49 =	vld [tilespmem:s25+$0x520];
	[tilespmem:s25+$0x8420] =	vst v7  }
0x1d8: {  	v11 =	vmul.f32 v56, v3;
	v52 =	vld [tilespmem:s25+$0x530];
	[tilespmem:s25+$0x8430] =	vst v9  }
0x1d9: {  	v14 =	vmul.f32 v28, v3;
	v46 =	vld [tilespmem:s25+$0x540];
	[tilespmem:s25+$0x8440] =	vst v10  }
0x1da: {  	v15 =	vmul.f32 v51, v3;
	v36 =	vld [tilespmem:$0x1FEF0];
	[tilespmem:s25+$0x8450] =	vst v11  }
0x1db: {  	v9 =	vld [tilespmem:s25+$0x440];
	[tilespmem:s25+$0x8460] =	vst v14  }
0x1dc: {  	v10 =	vld [tilespmem:s25+$0x450];
	[tilespmem:s25+$0x8470] =	vst v15  }
0x1dd: {  	v6 =	vld [tilespmem:s25+$0x460];
	[tilespmem:s25+$0x8480] =	vst v16  }
0x1de: {  	v13 =	vbroadcast v55, $0x3;
	v7 =	vld [tilespmem:s25+$0x470];
	[tilespmem:s25+$0x8490] =	vst v17  }
0x1df: {  	v15 =	vmul.f32 v30, v12;
	v30 =	vmul.f32 v54, v12;
	[tilespmem:s25+$0x84A0] =	vst v18;
	v54 =	vld [tilespmem:s25+$0x500]  }
0x1e0: {  	v33 =	vmul.f32 v33, v12;
	[tilespmem:s25+$0x84B0] =	vst v19;
	v11 =	vld [tilespmem:$0x1FEC0]  }
0x1e1: {  	v34 =	vmul.f32 v34, v13;
	[tilespmem:s25+$0x8550] =	vst v32;
	v32 =	vld [tilespmem:s25+$0x560]  }
0x1e2: {  	v40 =	vmul.f32 v40, v13;
	[tilespmem:s25+$0x8560] =	vst v33;
	v33 =	vld [tilespmem:$0x1FF40]  }
0x1e3: {  	v44 =	vmul.f32 v44, v12;
	[tilespmem:s25+$0x8580] =	vst v34;
	v34 =	vld [tilespmem:$0x1FF60]  }
0x1e4: {  	[tilespmem:s25+$0x8590] =	vst v40;
	v40 =	vld [tilespmem:$0x1FFA0]  }
0x1e5: {  	[tilespmem:s25+$0x8570] =	vst v44;
	v44 =	vld [tilespmem:$0x1FFC0]  }
0x1e6: {  	[tilespmem:s25+$0x84D0] =	vst v21;
	v21 =	vld [tilespmem:s25+$0x5A0]  }
0x1e7: {  	[tilespmem:s25+$0x84C0] =	vst v20;
	v17 =	vld [tilespmem:s25+$0x5C0]  }
0x1e8: {  	[tilespmem:s25+$0x84E0] =	vst v22;
	v16 =	vld [tilespmem:s25+$0x5D0]  }
0x1e9: {  	v26 =	vmul.f32 v26, v12;
	v22 =	vbroadcast v55, $0x4;
	[tilespmem:s25+$0x84F0] =	vst v29;
	v14 =	vld [tilespmem:s25+$0x5E0]  }
0x1ea: {  	[tilespmem:s25+$0x8510] =	vst v1;
	v18 =	vld [tilespmem:s25+$0x610]  }
0x1eb: {  	v19 =	vmul.f32 v37, v13;
	[tilespmem:s25+$0x8540] =	vst v26;
	v3 =	vmul.f32 v35, v22;
	v35 =	vld [tilespmem:$0x1FED0]  }
0x1ec: {  	v37 =	vmul.f32 v45, v13;
	[tilespmem:s25+$0x8520] =	vst v15;
	v4 =	vmul.f32 v38, v22;
	v38 =	vld [tilespmem:$0x1FF00]  }
0x1ed: {  	v20 =	vmul.f32 v41, v13;
	v15 =	vmul.f32 v62, v22;
	[tilespmem:s25+$0x8530] =	vst v30;
	v62 =	vld [tilespmem:$0x1FF20]  }
0x1ee: {  	v41 =	vmul.f32 v47, v13;
	v45 =	vmul.f32 v48, v13;
	v30 =	vld [tilespmem:s25+$0x570];
	[tilespmem:s25+$0x85A0] =	vst v19  }
0x1ef: {  	v13 =	vmul.f32 v53, v13;
	v53 =	vmul.f32 v24, v22;
	v24 =	vld [tilespmem:s25+$0x590];
	[tilespmem:s25+$0x85B0] =	vst v37  }
0x1f0: {  	v19 =	vld [tilespmem:s25+$0x5B0];
	[tilespmem:s25+$0x85C0] =	vst v20  }
0x1f1: {  	[tilespmem:s25+$0x85E0] =	vst v45;
	v45 =	vld [tilespmem:$0x1FC80]  }
0x1f2: {  	[tilespmem:s25+$0x85F0] =	vst v13;
	v13 =	vld [tilespmem:s25+$0x620]  }
0x1f3: {  	v47 =	vbroadcast v55, $0x5;
	v2 =	vmov v25;
	v25 =	vmul.f32 v27, v12;
	[tilespmem:s25+$0x85D0] =	vst v41;
	v12 =	vld [tilespmem:s25+$0x630]  }
0x1f4: {  	[tilespmem:$0x1FD20] =	vst v8;
	v8 =	vld [tilespmem:s25+$0x490]  }
0x1f5: {  	[tilespmem:$0x1FCC0] =	vst v57;
	v28 =	vmul.f32 v36, v47;
	v36 =	vld [tilespmem:s25+$0x550]  }
0x1f6: {  	v43 =	vmul.f32 v0, v22;
	v57 =	vld [tilespmem:$0x1FF10];
	[tilespmem:s25+$0x8500] =	vst v25  }
0x1f7: {  	v25 =	vld [tilespmem:s25+$0x580];
	[tilespmem:s25+$0x8600] =	vst v53  }
0x1f8: {  	v42 =	vmul.f32 v31, v22;
	[tilespmem:s25+$0x8630] =	vst v43;
	v43 =	vld [tilespmem:$0x1FCE0]  }
0x1f9: {  	v48 =	vbroadcast v55, $0x7;
	[tilespmem:s25+$0x8660] =	vst v4;
	v4 =	vld [tilespmem:s25+$0x6E0]  }
0x1fa: {  	v51 =	vmul.f32 v2, v22;
	[tilespmem:s25+$0x8610] =	vst v42;
	v22 =	vmul.f32 v11, v22;
	v11 =	vld [tilespmem:$0x1FF30]  }
0x1fb: {  	v60 =	vmul.f32 v60, v48;
	[tilespmem:$0x1FD10] =	vst v7;
	v7 =	vld [tilespmem:s25+$0x4A0]  }
0x1fc: {  	[tilespmem:s25+$0x8620] =	vst v3;
	v56 =	vmul.f32 v35, v47;
	v35 =	vmul.f32 v39, v47;
	v39 =	vld [tilespmem:$0x1FF80]  }
0x1fd: {  	v29 =	vbroadcast v55, $0x6;
	[tilespmem:s25+$0x8640] =	vst v15;
	v23 =	vmul.f32 v62, v47;
	v62 =	vld [tilespmem:$0x1FC40]  }
0x1fe: {  	[tilespmem:s25+$0x8790] =	vst v60;
	v26 =	vmul.f32 v38, v47;
	v38 =	vmul.f32 v57, v47;
	v57 =	vld [tilespmem:$0x1FFF0]  }
0x1ff: {  	[tilespmem:$0x1FD00] =	vst v6;
	v31 =	vmul.f32 v33, v47;
	v27 =	vmul.f32 v11, v47;
	v47 =	vld [tilespmem:$0x1FFE0]  }
0x200: {  	v2 =	vbroadcast v55, $0xB;
	v6 =	vld [tilespmem:s25+$0x4E0];
	v34 =	vmul.f32 v34, v29;
	[tilespmem:s25+$0x8650] =	vst v51  }
0x201: {  	v40 =	vmul.f32 v40, v29;
	v44 =	vmul.f32 v44, v29;
	v33 =	vld [tilespmem:$0x1FC70];
	[tilespmem:s25+$0x8690] =	vst v28  }
0x202: {  	v0 =	vmul.f32 v45, v48;
	[tilespmem:s25+$0x8670] =	vst v22;
	v11 =	vld [tilespmem:$0x1FC60];
	v39 =	vmul.f32 v39, v29  }
0x203: {  	v45 =	vld [tilespmem:s25+$0x5F0];
	[tilespmem:s25+$0x86E0] =	vst v31;
	v37 =	vmul.f32 v62, v29;
	v57 =	vmul.f32 v57, v29  }
0x204: {  	[tilespmem:s25+$0x8700] =	vst v34;
	v47 =	vmul.f32 v47, v29;
	v29 =	vmul.f32 v63, v29;
	v63 =	vld [tilespmem:$0x1FC50]  }
0x205: {  	v1 =	vbroadcast v55, $0xA;
	[tilespmem:s25+$0x8720] =	vst v40;
	v62 =	vld [tilespmem:$0x1FC90]  }
0x206: {  	v31 =	vmul.f32 v24, v2;
	v24 =	vmul.f32 v14, v2;
	v40 =	vld [tilespmem:s25+$0x730];
	[tilespmem:s25+$0x8730] =	vst v44  }
0x207: {  	v14 =	vbroadcast v55, $0xC;
	[tilespmem:s25+$0x86A0] =	vst v26;
	v41 =	vmul.f32 v11, v48;
	v11 =	vld [tilespmem:$0x1FCA0]  }
0x208: {  	v26 =	vmul.f32 v54, v1;
	v54 =	vld [tilespmem:s25+$0x6F0];
	[tilespmem:s25+$0x86F0] =	vst v35;
	v35 =	vmul.f32 v19, v2  }
0x209: {  	[tilespmem:$0x1FD30] =	vst v0;
	v20 =	vmul.f32 v63, v48;
	v63 =	vmul.f32 v33, v48;
	v33 =	vld [tilespmem:$0x1FCB0]  }
0x20a: {  	[tilespmem:s25+$0x8680] =	vst v56;
	v19 =	vmul.f32 v18, v14;
	v18 =	vld [tilespmem:s25+$0x760];
	v0 =	vmul.f32 v62, v48  }
0x20b: {  	[tilespmem:s25+$0x86B0] =	vst v38;
	v62 =	vld [tilespmem:$0x1FCC0]  }
0x20c: {  	v21 =	vmul.f32 v21, v2;
	[tilespmem:$0x1FD40] =	vst v0;
	v0 =	vmul.f32 v11, v48;
	v11 =	vld [tilespmem:$0x1FCD0]  }
0x20d: {  	v38 =	vld [tilespmem:s25+$0x6C0];
	[tilespmem:s25+$0x86D0] =	vst v27;
	v27 =	vmul.f32 v25, v2;
	v25 =	vmul.f32 v17, v2  }
0x20e: {  	v17 =	vld [tilespmem:s25+$0x710];
	[tilespmem:$0x1FD50] =	vst v0;
	v0 =	vmul.f32 v33, v48;
	v33 =	vbroadcast v55, $0x8  }
0x20f: {  	v16 =	vmul.f32 v16, v2;
	[tilespmem:s25+$0x86C0] =	vst v23;
	v45 =	vmul.f32 v45, v2;
	v2 =	vld [tilespmem:s25+$0x720]  }
0x210: {  	[tilespmem:s25+$0x8710] =	vst v39;
	v42 =	vmul.f32 v62, v33;
	v62 =	vld [tilespmem:$0x1FCF0];
	v9 =	vmul.f32 v9, v33  }
0x211: {  	[tilespmem:$0x1FDD0] =	vst v45;
	v53 =	vmul.f32 v11, v33;
	v11 =	vmul.f32 v10, v33;
	v10 =	vld [tilespmem:$0x1FD10]  }
0x212: {  	[tilespmem:$0x1FD80] =	vst v9;
	v9 =	vld [tilespmem:$0x1FD00]  }
0x213: {  	[tilespmem:s25+$0x8750] =	vst v57;
	v57 =	vld [tilespmem:s25+$0x790]  }
0x214: {  	v44 =	vbroadcast v55, $0xE;
	[tilespmem:s25+$0x87B0] =	vst v63;
	v63 =	vld [tilespmem:$0x1FD50]  }
0x215: {  	v23 =	vmul.f32 v30, v1;
	v48 =	vld [tilespmem:s25+$0x600];
	[tilespmem:$0x1FD60] =	vst v0;
	v0 =	vbroadcast v55, $0x9  }
0x216: {  	v43 =	vmul.f32 v43, v33;
	[tilespmem:$0x1FD90] =	vst v11;
	v11 =	vld [tilespmem:s25+$0x650];
	v3 =	vmul.f32 v62, v33  }
0x217: {  	[tilespmem:s25+$0x8760] =	vst v37;
	v51 =	vmul.f32 v10, v33;
	v15 =	vmul.f32 v9, v33;
	v33 =	vld [tilespmem:$0x1FD20]  }
0x218: {  	v12 =	vmul.f32 v12, v14;
	[tilespmem:s25+$0x8740] =	vst v47;
	v56 =	vmul.f32 v59, v0;
	v59 =	vld [tilespmem:s25+$0x690]  }
0x219: {  	[tilespmem:s25+$0x8770] =	vst v29;
	v22 =	vmul.f32 v7, v0;
	v61 =	vmul.f32 v61, v0;
	v7 =	vld [tilespmem:s25+$0x6A0]  }
0x21a: {  	[tilespmem:s25+$0x87A0] =	vst v41;
	v58 =	vmul.f32 v58, v0;
	v28 =	vmul.f32 v6, v0;
	v30 =	vld [tilespmem:$0x1FD80]  }
0x21b: {  	[tilespmem:s25+$0x8780] =	vst v20;
	v6 =	vmul.f32 v50, v1;
	v9 =	vmul.f32 v8, v0;
	v8 =	vld [tilespmem:s25+$0x680]  }
0x21c: {  	[tilespmem:s25+$0x87E0] =	vst v63;
	v33 =	vmul.f32 v33, v0;
	v0 =	vmul.f32 v5, v0;
	v5 =	vld [tilespmem:s25+$0x6D0]  }
0x21d: {  	v39 =	vbroadcast v55, $0xD;
	v45 =	vmul.f32 v13, v14;
	[tilespmem:$0x1FDC0] =	vst v6;
	v6 =	vld [tilespmem:s25+$0x6B0]  }
0x21e: {  	v55 =	vbroadcast v55, $0xF;
	v50 =	vmul.f32 v46, v1;
	[tilespmem:s25+$0x8800] =	vst v42;
	v62 =	vld [tilespmem:s25+$0x640]  }
0x21f: {  	v46 =	vmul.f32 v32, v1;
	[tilespmem:s25+$0x8810] =	vst v53;
	v34 =	vmul.f32 v48, v14;
	v10 =	vld [tilespmem:s25+$0x660]  }
0x220: {  	v47 =	vmul.f32 v11, v14;
	v20 =	vmul.f32 v59, v39;
	[tilespmem:$0x1FDA0] =	vst v9;
	v9 =	vld [tilespmem:s25+$0x670]  }
0x221: {  	[tilespmem:s25+$0x8820] =	vst v43;
	v32 =	vmul.f32 v8, v39;
	v8 =	vmul.f32 v5, v39;
	v5 =	vld [tilespmem:$0x1FD60]  }
0x222: {  	v60 =	vmul.f32 v7, v39;
	v59 =	vmul.f32 v38, v39;
	[tilespmem:s25+$0x8840] =	vst v30;
	v30 =	vld [tilespmem:$0x1FD90]  }
0x223: {  	[tilespmem:$0x1FD70] =	vst v3;
	v38 =	vmul.f32 v4, v39;
	v11 =	vld [tilespmem:$0x1FD30];
	v7 =	vmul.f32 v6, v39  }
0x224: {  	v41 =	vld [tilespmem:s25+$0x7B0];
	[tilespmem:s25+$0x8870] =	vst v51;
	v62 =	vmul.f32 v62, v14;
	v48 =	vmul.f32 v10, v14  }
0x225: {  	[tilespmem:s25+$0x8860] =	vst v15;
	v13 =	vmul.f32 v9, v14;
	v14 =	vmul.f32 v54, v39;
	v39 =	vld [tilespmem:$0x1FD40]  }
0x226: {  	[tilespmem:s25+$0x87F0] =	vst v5;
	v5 =	vmul.f32 v57, v55;
	v57 =	vld [tilespmem:$0x1FD70]  }
0x227: {  	[tilespmem:s25+$0x8850] =	vst v30;
	v30 =	vld [tilespmem:$0x1FDA0]  }
0x228: {  	v49 =	vmul.f32 v49, v1;
	v63 =	vld [tilespmem:s25+$0x7F0];
	[tilespmem:s25+$0x87C0] =	vst v11  }
0x229: {  	v52 =	vmul.f32 v52, v1;
	v36 =	vmul.f32 v36, v1;
	v1 =	vld [tilespmem:s25+$0x740];
	[tilespmem:s25+$0x8880] =	vst v33  }
0x22a: {  	v3 =	vld [tilespmem:s25+$0x700];
	[tilespmem:s25+$0x87D0] =	vst v39  }
0x22b: {  	s26 =	sshll.u32 s29, $0xB;
	v4 =	vld [tilespmem:s25+$0x7C0];
	[tilespmem:s25+$0x8830] =	vst v57  }
0x22c: {  	v15 =	vld [tilespmem:s26+$0x0];
	[tilespmem:s25+$0x8890] =	vst v30  }
0x22d: {  	v30 =	vld [tilespmem:s26+$0x10]  }
0x22e: {  	v6 =	vld [tilespmem:s25+$0x7A0]  }
0x22f: {  	v10 =	vld [tilespmem:s25+$0x780]  }
0x230: {  	[tilespmem:$0x1FDB0] =	vst v0;
	v0 =	vld [tilespmem:s25+$0x750]  }
0x231: {  	v54 =	vld [tilespmem:s25+$0x7D0];
	[tilespmem:s25+$0x88A0] =	vst v22  }
0x232: {  	[tilespmem:$0x1FE60] =	vst v30;
	v30 =	vld [tilespmem:$0x1FDB0]  }
0x233: {  	v43 =	vld [tilespmem:s26+$0x20];
	[tilespmem:s25+$0x88B0] =	vst v61  }
0x234: {  	v57 =	vld [tilespmem:s26+$0x30];
	[tilespmem:s25+$0x88C0] =	vst v56  }
0x235: {  	v22 =	vld [tilespmem:s26+$0x40];
	[tilespmem:s25+$0x88D0] =	vst v58  }
0x236: {  	v56 =	vld [tilespmem:s26+$0x50];
	[tilespmem:s25+$0x88E0] =	vst v28  }
0x237: {  	v28 =	vld [tilespmem:s26+$0x60];
	[tilespmem:s25+$0x88F0] =	vst v30  }
0x238: {  	v51 =	vld [tilespmem:s26+$0x70]  }
0x239: {  	v11 =	vmul.f32 v3, v44;
	v3 =	vmul.f32 v18, v44;
	[tilespmem:s25+$0x8900] =	vst v26;
	v26 =	vld [tilespmem:$0x1FDC0]  }
0x23a: {  	v39 =	vmul.f32 v2, v44;
	v2 =	vmul.f32 v40, v44;
	v40 =	vld [tilespmem:s25+$0x7E0]  }
0x23b: {  	v9 =	vmul.f32 v17, v44;
	v17 =	vmul.f32 v1, v44  }
0x23c: {  	v18 =	vmul.f32 v6, v55;
	v6 =	vmul.f32 v4, v55  }
0x23d: {  	v10 =	vmul.f32 v10, v55;
	v1 =	vmul.f32 v0, v44  }
0x23e: {  	v0 =	vmul.f32 v41, v55;
	v42 =	vmul.f32 v54, v55;
	v61 =	vld [tilespmem:s26+$0x80];
	[tilespmem:s25+$0x8910] =	vst v26  }
0x23f: {  	v4 =	vmul.f32 v40, v55;
	v55 =	vmul.f32 v63, v55;
	v63 =	vld [tilespmem:s26+$0x90];
	[tilespmem:s25+$0x8920] =	vst v49  }
0x240: {  	v26 =	vld [tilespmem:s26+$0xA0];
	[tilespmem:s25+$0x8930] =	vst v52  }
0x241: {  	v33 =	vld [tilespmem:s26+$0xB0];
	[tilespmem:s25+$0x8940] =	vst v50  }
0x242: {  	v50 =	vld [tilespmem:s26+$0xC0];
	[tilespmem:s25+$0x8950] =	vst v36  }
0x243: {  	v36 =	vld [tilespmem:s26+$0xD0];
	[tilespmem:s25+$0x8960] =	vst v46  }
0x244: {  	v46 =	vld [tilespmem:s26+$0xE0];
	[tilespmem:s25+$0x8970] =	vst v23  }
0x245: {  	v52 =	vld [tilespmem:s26+$0xF0];
	[tilespmem:s25+$0x8980] =	vst v27  }
0x246: {  	v27 =	vld [tilespmem:s26+$0x100];
	[tilespmem:s25+$0x8990] =	vst v31  }
0x247: {  	v49 =	vld [tilespmem:s26+$0x110];
	[tilespmem:s25+$0x89A0] =	vst v21  }
0x248: {  	v30 =	vld [tilespmem:s26+$0x120];
	[tilespmem:s25+$0x89B0] =	vst v35  }
0x249: {  	v54 =	vld [tilespmem:s26+$0x130];
	[tilespmem:s25+$0x89C0] =	vst v25  }
0x24a: {  	v21 =	vmov v26;
	v26 =	vld [tilespmem:s26+$0x140]  }
0x24b: {  	[tilespmem:s25+$0x89D0] =	vst v16;
	v16 =	vld [tilespmem:$0x1FDD0]  }
0x24c: {  	v37 =	vld [tilespmem:s25+$0x770];
	_ =	sdelay $0x2  }
0x24d: {  	v58 =	vld [tilespmem:s26+$0x150];
	[tilespmem:s25+$0x89E0] =	vst v24  }
0x24e: {  	v23 =	vmov v33;
	v33 =	vld [tilespmem:s26+$0x160];
	[tilespmem:s25+$0x89F0] =	vst v16  }
0x24f: {  	v29 =	vmul.f32 v37, v44;
	v44 =	vld [tilespmem:s26+$0x170];
	[tilespmem:s25+$0x8A00] =	vst v34  }
0x250: {  	v34 =	vld [tilespmem:s26+$0x180];
	[tilespmem:s25+$0x8A10] =	vst v19  }
0x251: {  	v40 =	vld [tilespmem:s26+$0x190];
	[tilespmem:s25+$0x8A20] =	vst v45  }
0x252: {  	v37 =	vld [tilespmem:s26+$0x1A0];
	[tilespmem:s25+$0x8A30] =	vst v12  }
0x253: {  	v45 =	vld [tilespmem:s26+$0x1B0];
	[tilespmem:s25+$0x8A40] =	vst v62  }
0x254: {  	v41 =	vld [tilespmem:s26+$0x1C0];
	[tilespmem:s25+$0x8A50] =	vst v47  }
0x255: {  	v47 =	vld [tilespmem:s26+$0x1D0];
	[tilespmem:s25+$0x8A60] =	vst v48  }
0x256: {  	v48 =	vld [tilespmem:s26+$0x1E0];
	[tilespmem:s25+$0x8A70] =	vst v13  }
0x257: {  	v53 =	vld [tilespmem:s26+$0x1F0];
	[tilespmem:s25+$0x8A80] =	vst v32  }
0x258: {  	v24 =	vld [tilespmem:s26+$0x200];
	[tilespmem:s25+$0x8A90] =	vst v20  }
0x259: {  	v31 =	vld [tilespmem:s26+$0x210];
	[tilespmem:s25+$0x8AA0] =	vst v60  }
0x25a: {  	v35 =	vld [tilespmem:s26+$0x220];
	[tilespmem:s25+$0x8AB0] =	vst v7  }
0x25b: {  	v20 =	vld [tilespmem:s26+$0x230];
	[tilespmem:s25+$0x8AC0] =	vst v59  }
0x25c: {  	v62 =	vld [tilespmem:s26+$0x240];
	[tilespmem:s25+$0x8AD0] =	vst v8  }
0x25d: {  	v25 =	vld [tilespmem:s26+$0x250];
	[tilespmem:s25+$0x8AE0] =	vst v38  }
0x25e: {  	v38 =	vld [tilespmem:s26+$0x260];
	[tilespmem:s25+$0x8AF0] =	vst v14  }
0x25f: {  	v7 =	vld [tilespmem:s26+$0x270];
	[tilespmem:s25+$0x8B00] =	vst v11  }
0x260: {  	v32 =	vld [tilespmem:s26+$0x280];
	[tilespmem:s25+$0x8B10] =	vst v9  }
0x261: {  	v59 =	vld [tilespmem:s26+$0x290];
	[tilespmem:s25+$0x8B20] =	vst v39  }
0x262: {  	v60 =	vld [tilespmem:s26+$0x2A0];
	[tilespmem:s25+$0x8B30] =	vst v2  }
0x263: {  	v2 =	vld [tilespmem:s26+$0x2B0];
	[tilespmem:s25+$0x8B40] =	vst v17  }
0x264: {  	[tilespmem:$0x1FEC0] =	vst v7  }
0x265: {  	v8 =	vld [tilespmem:s26+$0x2C0];
	[tilespmem:s25+$0x8B50] =	vst v1  }
0x266: {  	[tilespmem:$0x1FED0] =	vst v32  }
0x267: {  	v1 =	vld [tilespmem:s26+$0x2D0];
	[tilespmem:s25+$0x8B60] =	vst v3  }
0x268: {  	[tilespmem:$0x1FEF0] =	vst v59  }
0x269: {  	v9 =	vld [tilespmem:s26+$0x2E0];
	[tilespmem:s25+$0x8B70] =	vst v29  }
0x26a: {  	[tilespmem:$0x1FF00] =	vst v60  }
0x26b: {  	v39 =	vld [tilespmem:s26+$0x2F0];
	[tilespmem:s25+$0x8B80] =	vst v10  }
0x26c: {  	[tilespmem:$0x1FF10] =	vst v2  }
0x26d: {  	v11 =	vld [tilespmem:s26+$0x300];
	[tilespmem:s25+$0x8B90] =	vst v5  }
0x26e: {  	[tilespmem:$0x1FF20] =	vst v8  }
0x26f: {  	v32 =	vld [tilespmem:s26+$0x310];
	[tilespmem:s25+$0x8BA0] =	vst v18  }
0x270: {  	[tilespmem:$0x1FF30] =	vst v1  }
0x271: {  	v59 =	vld [tilespmem:s26+$0x320];
	[tilespmem:s25+$0x8BB0] =	vst v0  }
0x272: {  	[tilespmem:$0x1FF40] =	vst v9  }
0x273: {  	v0 =	vld [tilespmem:s26+$0x330];
	[tilespmem:s25+$0x8BC0] =	vst v6  }
0x274: {  	v60 =	vld [tilespmem:s26+$0x340];
	[tilespmem:s25+$0x8BD0] =	vst v42  }
0x275: {  	[tilespmem:$0x1FF60] =	vst v11  }
0x276: {  	p0 =	sne.s32 s29, $0xF;
	v17 =	vmov v63;
	v63 =	vld [tilespmem:s26+$0x350];
	[tilespmem:s25+$0x8BE0] =	vst v4  }
.Ltmp1:
0x277: {  	[tilespmem:$0x1FF80] =	vst v32;
	(pc) =	sbr.rel @p0 .LBB2_4-.Ltmp1, $4  }
0x278: {  	[tilespmem:$0x1FFA0] =	vst v59  }
0x279: {  	[tilespmem:$0x1FFC0] =	vst v0  }
0x27a: {  	[tilespmem:$0x1FFE0] =	vst v60  }
0x27b: {  	s30 =	sshll.u32 s29, $0x4;
	s29 =	sadd.s32 $0x1, s29;
	[tilespmem:$0x1FFF0] =	vst v63  }
0x27c: {  	v2 =	vmov v57;
	v57 =	vld [tilespmem:s26+$0x360]  }
0x27d: {  	s29 =	sand.u32 $0xF0, s30;
	[tilespmem:s25+$0x8BF0] =	vst v55;
	v32 =	vld [tilespmem:$0x1FE60]  }
0x27e: {  	v0 =	vld [tilespmem:s29+$0x8300]  }
0x27f: {  	v1 =	vld [tilespmem:s26+$0x3E0]  }
0x280: {  	v6 =	vld [tilespmem:s26+$0x3F0]  }
0x281: {  	v29 =	vld [tilespmem:s26+$0x400]  }
0x282: {  	v42 =	vld [tilespmem:s26+$0x410]  }
0x283: {  	v10 =	vld [tilespmem:s26+$0x420]  }
0x284: {  	v12 =	vld [tilespmem:s26+$0x430];
	[tilespmem:$0x1FBB0] =	vst v1  }
0x285: {  	v14 =	vld [tilespmem:s26+$0x440];
	[tilespmem:$0x1FBC0] =	vst v6  }
0x286: {  	v16 =	vld [tilespmem:s26+$0x450];
	v55 =	vadd.f32 $0.0e+00, v0;
	[tilespmem:$0x1FBD0] =	vst v29  }
0x287: {  	[tilespmem:$0x1FBE0] =	vst v42  }
0x288: {  	[tilespmem:$0x1FBF0] =	vst v10;
	v0 =	vbroadcast v55, $0x0  }
0x289: {  	[tilespmem:$0x1FC00] =	vst v12  }
0x28a: {  	[tilespmem:$0x1FC10] =	vst v14;
	v19 =	vmul.f32 v0, v15  }
0x28b: {  	[tilespmem:$0x1FC20] =	vst v16;
	v1 =	vmul.f32 v32, v0  }
0x28c: {  	v9 =	vmul.f32 v43, v0;
	[tilespmem:s26+$0x8400] =	vst v19  }
0x28d: {  	v11 =	vmul.f32 v2, v0;
	[tilespmem:s26+$0x8410] =	vst v1  }
0x28e: {  	v3 =	vmov v56;
	v13 =	vmul.f32 v22, v0;
	[tilespmem:s26+$0x8420] =	vst v9  }
0x28f: {  	v15 =	vmul.f32 v3, v0;
	[tilespmem:s26+$0x8430] =	vst v11  }
0x290: {  	v18 =	vmul.f32 v28, v0;
	v22 =	vbroadcast v55, $0x1;
	[tilespmem:s26+$0x8440] =	vst v13  }
0x291: {  	v5 =	vmov v61;
	v0 =	vmul.f32 v51, v0;
	[tilespmem:s26+$0x8450] =	vst v15  }
0x292: {  	[tilespmem:s26+$0x8460] =	vst v18;
	v28 =	vmul.f32 v5, v22  }
0x293: {  	[tilespmem:s26+$0x8470] =	vst v0;
	v29 =	vmul.f32 v17, v22  }
0x294: {  	v32 =	vmul.f32 v21, v22;
	[tilespmem:s26+$0x8480] =	vst v28  }
0x295: {  	v42 =	vmul.f32 v23, v22;
	[tilespmem:s26+$0x8490] =	vst v29  }
0x296: {  	v43 =	vmul.f32 v50, v22;
	[tilespmem:s26+$0x84A0] =	vst v32  }
0x297: {  	v50 =	vmul.f32 v36, v22;
	v51 =	vmul.f32 v46, v22;
	[tilespmem:s26+$0x84B0] =	vst v42  }
0x298: {  	v1 =	vmul.f32 v52, v22;
	v52 =	vbroadcast v55, $0x2;
	[tilespmem:s26+$0x84C0] =	vst v43  }
0x299: {  	[tilespmem:s26+$0x84D0] =	vst v50  }
0x29a: {  	[tilespmem:s26+$0x84E0] =	vst v51;
	v5 =	vmul.f32 v27, v52  }
0x29b: {  	[tilespmem:s26+$0x84F0] =	vst v1;
	v6 =	vmul.f32 v49, v52  }
0x29c: {  	v12 =	vmul.f32 v30, v52;
	[tilespmem:s26+$0x8500] =	vst v5  }
0x29d: {  	v19 =	vld [tilespmem:s26+$0x460];
	v15 =	vmul.f32 v54, v52;
	[tilespmem:s26+$0x8510] =	vst v6  }
0x29e: {  	v22 =	vmul.f32 v58, v52;
	[tilespmem:s26+$0x8520] =	vst v12  }
0x29f: {  	v0 =	vmul.f32 v44, v52;
	v28 =	vbroadcast v55, $0x3;
	[tilespmem:s26+$0x8530] =	vst v15  }
0x2a0: {  	[tilespmem:s26+$0x8550] =	vst v22  }
0x2a1: {  	[tilespmem:s26+$0x8570] =	vst v0;
	v46 =	vmul.f32 v40, v28  }
0x2a2: {  	v43 =	vmul.f32 v34, v28;
	[tilespmem:$0x1FC30] =	vst v19  }
0x2a3: {  	v50 =	vmul.f32 v45, v28;
	[tilespmem:s26+$0x8590] =	vst v46;
	v46 =	vld [tilespmem:$0x1FEC0]  }
0x2a4: {  	v49 =	vmul.f32 v37, v28;
	[tilespmem:s26+$0x8580] =	vst v43  }
0x2a5: {  	v58 =	vbroadcast v55, $0x4;
	v51 =	vmul.f32 v41, v28;
	[tilespmem:s26+$0x85B0] =	vst v50;
	v50 =	vld [tilespmem:$0x1FED0]  }
0x2a6: {  	v54 =	vmul.f32 v48, v28;
	v19 =	vmul.f32 v26, v52;
	[tilespmem:s26+$0x85A0] =	vst v49  }
0x2a7: {  	v26 =	vmul.f32 v33, v52;
	v52 =	vmul.f32 v47, v28;
	[tilespmem:s26+$0x85C0] =	vst v51;
	v51 =	vld [tilespmem:$0x1FEF0]  }
0x2a8: {  	[tilespmem:s26+$0x85E0] =	vst v54;
	v49 =	vbroadcast v55, $0x5;
	v0 =	vmul.f32 v46, v58  }
0x2a9: {  	v1 =	vmul.f32 v53, v28;
	[tilespmem:s26+$0x85D0] =	vst v52;
	v52 =	vld [tilespmem:$0x1FF00]  }
0x2aa: {  	v7 =	vmov v62;
	[tilespmem:s26+$0x8670] =	vst v0;
	v0 =	vmul.f32 v50, v49  }
0x2ab: {  	v36 =	vmul.f32 v7, v58;
	v53 =	vld [tilespmem:$0x1FF10];
	[tilespmem:s26+$0x85F0] =	vst v1  }
0x2ac: {  	[tilespmem:s26+$0x8680] =	vst v0;
	v0 =	vmul.f32 v51, v49;
	v51 =	vld [tilespmem:$0x1FF60]  }
0x2ad: {  	v28 =	vmul.f32 v31, v58;
	v31 =	vmul.f32 v35, v58;
	[tilespmem:s26+$0x8640] =	vst v36;
	v54 =	vld [tilespmem:$0x1FF20]  }
0x2ae: {  	v42 =	vmul.f32 v25, v58;
	[tilespmem:s26+$0x8690] =	vst v0;
	v0 =	vmul.f32 v52, v49;
	v52 =	vld [tilespmem:$0x1FF80]  }
0x2af: {  	[tilespmem:s26+$0x8620] =	vst v31;
	v31 =	vmul.f32 v39, v49;
	v39 =	vbroadcast v55, $0x6  }
0x2b0: {  	v35 =	vmul.f32 v20, v58;
	[tilespmem:s26+$0x86A0] =	vst v0;
	v0 =	vmul.f32 v53, v49;
	v53 =	vld [tilespmem:$0x1FFA0]  }
0x2b1: {  	v43 =	vmul.f32 v38, v58;
	v36 =	vld [tilespmem:$0x1FF40];
	[tilespmem:s26+$0x86F0] =	vst v31;
	v31 =	vmul.f32 v51, v39  }
0x2b2: {  	[tilespmem:s26+$0x8560] =	vst v26;
	v26 =	vmul.f32 v24, v58;
	v58 =	vmul.f32 v54, v49;
	v54 =	vld [tilespmem:$0x1FFC0]  }
0x2b3: {  	[tilespmem:s26+$0x8700] =	vst v31;
	v31 =	vmul.f32 v52, v39  }
0x2b4: {  	[tilespmem:s26+$0x86C0] =	vst v58;
	v58 =	vld [tilespmem:$0x1FFE0]  }
0x2b5: {  	[tilespmem:s26+$0x8710] =	vst v31;
	v31 =	vmul.f32 v53, v39  }
0x2b6: {  	[tilespmem:s26+$0x8650] =	vst v42;
	v38 =	vmul.f32 v36, v49;
	v36 =	vld [tilespmem:$0x1FFF0]  }
0x2b7: {  	[tilespmem:s26+$0x8720] =	vst v31;
	v31 =	vmul.f32 v54, v39  }
0x2b8: {  	[tilespmem:s26+$0x8610] =	vst v28;
	v28 =	vld [tilespmem:$0x1FF30]  }
0x2b9: {  	v56 =	vld [tilespmem:s26+$0x370];
	[tilespmem:s26+$0x8730] =	vst v31;
	v31 =	vmul.f32 v58, v39  }
0x2ba: {  	v63 =	vld [tilespmem:s26+$0x380];
	[tilespmem:s26+$0x8540] =	vst v19  }
0x2bb: {  	v62 =	vld [tilespmem:s26+$0x390];
	[tilespmem:s26+$0x8740] =	vst v31;
	v31 =	vmul.f32 v36, v39  }
0x2bc: {  	[tilespmem:s26+$0x8630] =	vst v35  }
0x2bd: {  	v59 =	vld [tilespmem:s26+$0x3C0];
	v35 =	vmul.f32 v28, v49;
	[tilespmem:s26+$0x8750] =	vst v31;
	v31 =	vbroadcast v55, $0x7  }
0x2be: {  	v60 =	vld [tilespmem:s26+$0x3B0];
	[tilespmem:s26+$0x86E0] =	vst v38;
	v38 =	vmul.f32 v57, v39  }
0x2bf: {  	v61 =	vld [tilespmem:s26+$0x3A0];
	[tilespmem:s26+$0x86D0] =	vst v35;
	v35 =	vmul.f32 v56, v39;
	v39 =	vmul.f32 v63, v31  }
0x2c0: {  	v4 =	vld [tilespmem:s26+$0x3D0];
	[tilespmem:s26+$0x8760] =	vst v38;
	v63 =	vmul.f32 v62, v31  }
0x2c1: {  	v62 =	vld [tilespmem:$0x1FBB0];
	[tilespmem:s26+$0x8780] =	vst v39  }
0x2c2: {  	[tilespmem:s26+$0x8790] =	vst v63;
	v39 =	vmul.f32 v59, v31;
	v63 =	vld [tilespmem:$0x1FBC0]  }
0x2c3: {  	[tilespmem:s26+$0x8770] =	vst v35;
	v38 =	vmul.f32 v60, v31  }
0x2c4: {  	v36 =	vmul.f32 v61, v31;
	[tilespmem:s26+$0x87C0] =	vst v39;
	v39 =	vld [tilespmem:$0x1FBE0]  }
0x2c5: {  	v4 =	vmul.f32 v4, v31;
	[tilespmem:s26+$0x87B0] =	vst v38;
	v38 =	vld [tilespmem:$0x1FBD0]  }
0x2c6: {  	v13 =	vld [tilespmem:s26+$0x470];
	v35 =	vbroadcast v55, $0x8;
	[tilespmem:s26+$0x87A0] =	vst v36  }
0x2c7: {  	[tilespmem:s26+$0x87D0] =	vst v4;
	v36 =	vld [tilespmem:$0x1FBF0];
	v4 =	vmul.f32 v62, v31;
	v31 =	vmul.f32 v63, v31  }
0x2c8: {  	[tilespmem:s26+$0x8660] =	vst v43  }
0x2c9: {  	[tilespmem:s26+$0x87F0] =	vst v31;
	v31 =	vmul.f32 v39, v35;
	v39 =	vld [tilespmem:$0x1FC10]  }
0x2ca: {  	[tilespmem:s26+$0x87E0] =	vst v4;
	v4 =	vmul.f32 v38, v35;
	v38 =	vld [tilespmem:$0x1FC00]  }
0x2cb: {  	[tilespmem:s26+$0x8600] =	vst v26;
	v13 =	vmul.f32 v13, v35  }
0x2cc: {  	[tilespmem:s26+$0x8800] =	vst v4;
	v4 =	vmul.f32 v36, v35;
	v36 =	vld [tilespmem:$0x1FC20]  }
0x2cd: {  	v8 =	vld [tilespmem:s26+$0x480];
	[tilespmem:s26+$0x8870] =	vst v13  }
0x2ce: {  	v10 =	vld [tilespmem:s26+$0x490];
	[tilespmem:s26+$0x8820] =	vst v4;
	v4 =	vmul.f32 v39, v35  }
0x2cf: {  	v9 =	vld [tilespmem:s26+$0x4A0];
	[tilespmem:s26+$0x8810] =	vst v31;
	v31 =	vmul.f32 v38, v35  }
0x2d0: {  	v14 =	vld [tilespmem:s26+$0x4B0];
	[tilespmem:s26+$0x8840] =	vst v4;
	v4 =	vbroadcast v55, $0x9  }
0x2d1: {  	v11 =	vld [tilespmem:s26+$0x4C0];
	[tilespmem:s26+$0x8830] =	vst v31;
	v31 =	vmul.f32 v36, v35  }
0x2d2: {  	v16 =	vld [tilespmem:s26+$0x4D0];
	[tilespmem:s26+$0x86B0] =	vst v0;
	v8 =	vmul.f32 v8, v4  }
0x2d3: {  	v17 =	vld [tilespmem:s26+$0x4E0];
	[tilespmem:s26+$0x8850] =	vst v31;
	v10 =	vmul.f32 v10, v4  }
0x2d4: {  	v29 =	vld [tilespmem:s26+$0x4F0];
	v38 =	vmul.f32 v9, v4;
	[tilespmem:s26+$0x8880] =	vst v8  }
0x2d5: {  	v36 =	vld [tilespmem:$0x1FC30];
	v39 =	vmul.f32 v14, v4;
	[tilespmem:s26+$0x8890] =	vst v10  }
0x2d6: {  	v18 =	vld [tilespmem:s26+$0x500];
	v13 =	vmul.f32 v11, v4;
	[tilespmem:s26+$0x88A0] =	vst v38  }
0x2d7: {  	v27 =	vld [tilespmem:s26+$0x510];
	v14 =	vmul.f32 v16, v4;
	[tilespmem:s26+$0x88B0] =	vst v39  }
0x2d8: {  	v21 =	vld [tilespmem:s26+$0x520];
	v17 =	vmul.f32 v17, v4;
	[tilespmem:s26+$0x88C0] =	vst v13  }
0x2d9: {  	v23 =	vld [tilespmem:s26+$0x540];
	v16 =	vbroadcast v55, $0xA;
	v4 =	vmul.f32 v29, v4;
	[tilespmem:s26+$0x88D0] =	vst v14  }
0x2da: {  	v32 =	vld [tilespmem:s26+$0x550];
	v36 =	vmul.f32 v36, v35;
	[tilespmem:s26+$0x88E0] =	vst v17  }
0x2db: {  	v33 =	vld [tilespmem:s26+$0x560];
	v29 =	vmul.f32 v18, v16;
	[tilespmem:s26+$0x88F0] =	vst v4  }
0x2dc: {  	v44 =	vld [tilespmem:s26+$0x570];
	v31 =	vmul.f32 v27, v16;
	[tilespmem:s26+$0x8860] =	vst v36  }
0x2dd: {  	v30 =	vld [tilespmem:s26+$0x530];
	v35 =	vmul.f32 v21, v16;
	[tilespmem:s26+$0x8900] =	vst v29  }
0x2de: {  	v34 =	vld [tilespmem:s26+$0x580];
	v38 =	vmul.f32 v23, v16;
	[tilespmem:s26+$0x8910] =	vst v31  }
0x2df: {  	v40 =	vld [tilespmem:s26+$0x590];
	v39 =	vmul.f32 v32, v16;
	[tilespmem:s26+$0x8920] =	vst v35  }
0x2e0: {  	v37 =	vld [tilespmem:s26+$0x5A0];
	v14 =	vmul.f32 v33, v16;
	[tilespmem:s26+$0x8940] =	vst v38  }
0x2e1: {  	v45 =	vld [tilespmem:s26+$0x5B0];
	v13 =	vbroadcast v55, $0xB;
	v8 =	vmul.f32 v44, v16;
	[tilespmem:s26+$0x8950] =	vst v39  }
0x2e2: {  	v41 =	vld [tilespmem:s26+$0x5C0];
	v36 =	vmul.f32 v30, v16;
	[tilespmem:s26+$0x8960] =	vst v14  }
0x2e3: {  	v47 =	vld [tilespmem:s26+$0x5D0];
	v16 =	vmul.f32 v34, v13;
	[tilespmem:s26+$0x8970] =	vst v8  }
0x2e4: {  	v48 =	vld [tilespmem:s26+$0x5E0];
	v17 =	vmul.f32 v40, v13;
	[tilespmem:s26+$0x8930] =	vst v36  }
0x2e5: {  	v6 =	vld [tilespmem:s26+$0x5F0];
	v18 =	vmul.f32 v37, v13;
	[tilespmem:s26+$0x8980] =	vst v16  }
0x2e6: {  	v12 =	vld [tilespmem:s26+$0x600];
	v21 =	vmul.f32 v45, v13;
	[tilespmem:s26+$0x8990] =	vst v17  }
0x2e7: {  	v19 =	vld [tilespmem:s26+$0x610];
	v23 =	vmul.f32 v41, v13;
	[tilespmem:s26+$0x89A0] =	vst v18  }
0x2e8: {  	v15 =	vld [tilespmem:s26+$0x620];
	v27 =	vmul.f32 v47, v13;
	[tilespmem:s26+$0x89B0] =	vst v21  }
0x2e9: {  	v5 =	vld [tilespmem:s26+$0x630];
	v30 =	vbroadcast v55, $0xC;
	v29 =	vmul.f32 v48, v13;
	[tilespmem:s26+$0x89C0] =	vst v23  }
0x2ea: {  	v20 =	vld [tilespmem:s26+$0x640];
	v6 =	vmul.f32 v6, v13;
	[tilespmem:s26+$0x89D0] =	vst v27  }
0x2eb: {  	v22 =	vld [tilespmem:s26+$0x650];
	v31 =	vmul.f32 v12, v30;
	[tilespmem:s26+$0x89E0] =	vst v29  }
0x2ec: {  	v25 =	vld [tilespmem:s26+$0x660];
	v32 =	vmul.f32 v19, v30;
	[tilespmem:s26+$0x89F0] =	vst v6  }
0x2ed: {  	v26 =	vld [tilespmem:s26+$0x670];
	v33 =	vmul.f32 v15, v30;
	[tilespmem:s26+$0x8A00] =	vst v31  }
0x2ee: {  	v43 =	vld [tilespmem:s26+$0x700];
	v5 =	vmul.f32 v5, v30;
	[tilespmem:s26+$0x8A10] =	vst v32  }
0x2ef: {  	v49 =	vld [tilespmem:s26+$0x710];
	v34 =	vmul.f32 v20, v30;
	[tilespmem:s26+$0x8A20] =	vst v33  }
0x2f0: {  	v46 =	vld [tilespmem:s26+$0x720];
	v35 =	vmul.f32 v22, v30;
	[tilespmem:s26+$0x8A30] =	vst v5  }
0x2f1: {  	v51 =	vld [tilespmem:s26+$0x730];
	v40 =	vbroadcast v55, $0xE;
	v37 =	vmul.f32 v25, v30;
	[tilespmem:s26+$0x8A40] =	vst v34  }
0x2f2: {  	v50 =	vld [tilespmem:s26+$0x740];
	v4 =	vmul.f32 v26, v30;
	[tilespmem:s26+$0x8A50] =	vst v35  }
0x2f3: {  	v52 =	vld [tilespmem:s26+$0x750];
	v45 =	vmul.f32 v43, v40;
	[tilespmem:s26+$0x8A60] =	vst v37  }
0x2f4: {  	v53 =	vld [tilespmem:s26+$0x760];
	v47 =	vmul.f32 v49, v40;
	[tilespmem:s26+$0x8A70] =	vst v4  }
0x2f5: {  	v24 =	vld [tilespmem:s26+$0x680];
	v48 =	vmul.f32 v46, v40;
	[tilespmem:s26+$0x8B00] =	vst v45  }
0x2f6: {  	v3 =	vld [tilespmem:s26+$0x690];
	v49 =	vmul.f32 v51, v40;
	[tilespmem:s26+$0x8B10] =	vst v47  }
0x2f7: {  	v2 =	vld [tilespmem:s26+$0x6A0];
	v50 =	vmul.f32 v50, v40;
	[tilespmem:s26+$0x8B20] =	vst v48  }
0x2f8: {  	v1 =	vld [tilespmem:s26+$0x6B0];
	v36 =	vbroadcast v55, $0xD;
	v51 =	vmul.f32 v52, v40;
	[tilespmem:s26+$0x8B30] =	vst v49  }
0x2f9: {  	v0 =	vld [tilespmem:s26+$0x6C0];
	v53 =	vmul.f32 v53, v40;
	[tilespmem:s26+$0x8B40] =	vst v50  }
0x2fa: {  	v7 =	vld [tilespmem:s26+$0x6D0];
	v38 =	vmul.f32 v24, v36;
	[tilespmem:s26+$0x8B50] =	vst v51  }
0x2fb: {  	v28 =	vld [tilespmem:s26+$0x6E0];
	v3 =	vmul.f32 v3, v36;
	[tilespmem:s26+$0x8B60] =	vst v53  }
0x2fc: {  	v42 =	vld [tilespmem:s26+$0x6F0];
	v2 =	vmul.f32 v2, v36;
	[tilespmem:s26+$0x8A80] =	vst v38  }
0x2fd: {  	v57 =	vld [tilespmem:s26+$0x790];
	v1 =	vmul.f32 v1, v36;
	[tilespmem:s26+$0x8A90] =	vst v3  }
0x2fe: {  	v60 =	vld [tilespmem:s26+$0x7B0];
	v0 =	vmul.f32 v0, v36;
	[tilespmem:s26+$0x8AA0] =	vst v2  }
0x2ff: {  	v59 =	vld [tilespmem:s26+$0x7C0];
	v39 =	vmul.f32 v7, v36;
	[tilespmem:s26+$0x8AB0] =	vst v1  }
0x300: {  	v62 =	vld [tilespmem:s26+$0x7E0];
	v52 =	vbroadcast v55, $0xF;
	v41 =	vmul.f32 v28, v36;
	[tilespmem:s26+$0x8AC0] =	vst v0  }
0x301: {  	v54 =	vld [tilespmem:s26+$0x770];
	v44 =	vmul.f32 v42, v36;
	[tilespmem:s26+$0x8AD0] =	vst v39  }
0x302: {  	v56 =	vld [tilespmem:s26+$0x780];
	v55 =	vmul.f32 v57, v52;
	[tilespmem:s26+$0x8AE0] =	vst v41  }
0x303: {  	v61 =	vld [tilespmem:s26+$0x7A0];
	v57 =	vmul.f32 v60, v52;
	[tilespmem:s26+$0x8AF0] =	vst v44  }
0x304: {  	v58 =	vld [tilespmem:s26+$0x7D0];
	v60 =	vmul.f32 v59, v52;
	[tilespmem:s26+$0x8B90] =	vst v55  }
0x305: {  	v63 =	vld [tilespmem:s26+$0x7F0];
	v62 =	vmul.f32 v62, v52;
	[tilespmem:s26+$0x8BB0] =	vst v57  }
0x306: {  	v0 =	vmul.f32 v54, v40;
	[tilespmem:s26+$0x8BC0] =	vst v60  }
0x307: {  	v54 =	vmul.f32 v56, v52;
	[tilespmem:s26+$0x8BE0] =	vst v62  }
0x308: {  	v56 =	vmul.f32 v61, v52;
	[tilespmem:s26+$0x8B70] =	vst v0  }
0x309: {  	v61 =	vmul.f32 v58, v52;
	[tilespmem:s26+$0x8B80] =	vst v54  }
0x30a: {  	v1 =	vmul.f32 v63, v52;
	[tilespmem:s26+$0x8BA0] =	vst v56  }
0x30b: {  	[tilespmem:s26+$0x8BD0] =	vst v61  }
0x30c: {  	[tilespmem:s26+$0x8BF0] =	vst v1  }
0x30d: {  	[bflag:$0x0] =	sbarrier.arrive $0xFFFF  }
0x30e: {  	[spmem:s2] =	stream.indirect.scatter.add.f32 [tilespmem:s20], [sflag:$0x2], $0x80, s18, s22, $0xb8;
	[tilespmem:$0x14A00] =	vst v63  }
0x30f: {  	_ =	swait.ge [sflag:s17], $0x4000  }
0x310: {  	[sflag:s17] =	ssyncset.done $0x0  }
0x311: {  	[sflag:s17] =	ssyncadd.s32 $0xFFFFC000  }
0x312: {  	[spmem:s2] =	stream.indirect.scatter.add.f32 [tilespmem:s21], [sflag:$0x2], $0x80, s28, s22, $0xb8;
	[tilespmem:$0x14A00] =	vst v63  }
0x313: {  	_ =	swait.ge [sflag:s17], $0x4000  }
0x314: {  	s30 =	sshrl.u32 s14, $0x3;
	s23 =	sadd.s32 $0x1, s23;
	[sflag:s17] =	ssyncset.done $0x0  }
0x315: {  	s29 =	sshll.u32 s0, $0x6;
	p0 =	sne.s32 s23, s16;
	[sflag:s17] =	ssyncadd.s32 $0xFFFFC000  }
.Ltmp2:
0x316: {  	s25 =	sor.u32 $0x1C02, s29;
	[bflag:$0x0] =	sbarrier.arrive $0xFFFF;
	(pc) =	sbr.rel @p0 .LBB2_1-.Ltmp2, $4  }
0x317: {  	[hbm:s15], [sflag:s25] =	dma.local [spmem:s30], $0x800  }
0x318: {  	_ =	swait.ge [sflag:s17], $0x800  }
0x319: {  	[sflag:s17] =	ssyncset.done $0x0  }
0x31a: {  	v41 =	vimm.f32 $0.0e+00;
	[sflag:s17] =	ssyncadd.s32 $0xFFFFF800  }
0x31b: {  	_ =	sfence.sel $0x180000  }
0x31c: {  	[bflag:$0x0] =	sbarrier.arrive $0xFFFF  }
0x31d: {  	_ =	strace $0x90000047  }
0x31e: {  	[bflag:$0x2] =	sbarrier.arrive $0xFFFF  }
0x31f: {  	p0 =	sne.s32 s0, $0x0;
	s0 =	rddreg [dreg:$0x3]  }
0x320: {  	s0 =	sadd.s32 @!p0 $0x100000, s0  }
0x321: {  	[sflag:s0] =	ssyncadd.tile.s32 @!p0 $0x1;
	_ =	shalt  }
.Lfunc_end2:
_tile_overlayer_lowered:
.L_overlay_start_2:
0x322: {  	(tag) =	ssettag $0x2  }
0x323: {  	s0 =	rddreg [dreg:$0x0];
	s2 =	stileid.u32  }
0x324: {  	s1 =	rddreg [dreg:$0x1];
	p0 =	sne.s32 s2, $0x0  }
0x325: {  	s3 =	rddreg [dreg:$0x2];
	[bflag:$0x3] =	sbarrier.arrive $0xFFFF;
	s2 =	simm.s32 @!p0 $0x1C02  }
0x326: {  	[timem:s3], [sflag:s2] =	dma.local @!p0 [hbm:s0], s1  }
0x327: {  	s0 =	simm.s32 @!p0 $0x2  }
0x328: {  	_ =	swait.ge @!p0 [sflag:s0], s1  }
0x329: {  	s1 =	ssub.s32 @!p0 $0x0, s1;
	[sflag:s0] =	ssyncset.done @!p0 $0x0  }
0x32a: {  	[sflag:s0] =	ssyncadd.s32 @!p0 s1  }
0x32b: {  	[bflag:$0x3] =	sbarrier.arrive $0xFFFF  }
0x32c: {  	_ =	shalt  }

</sc_bundles>
